<compile_context>
chip_gen: v7x
topology: tpu7x:2x2x1
jax: 0.10.2.dev20260603
libtpu: 0.0.44.dev20260713+nightly
codegen_flags: <defaults>
</compile_context>

<pallas_src>
import functools

import jax
import jax.numpy as jnp
from jax import lax
from jax.experimental import pallas as pl
from jax.experimental.pallas import tpu as pltpu
from jax.experimental.pallas import tpu_sc as plsc

QR = 1000
BATCH = 16384
HIST = 20
DIM = 64
HDIM = DIM // 2
LANES = 16

NUM_CORES = 2
NUM_SUBCORES = 16
NUM_WORKERS = NUM_CORES * NUM_SUBCORES
NUM_GROUPS = NUM_WORKERS // 2
BAGS_PER_GROUP = BATCH // NUM_GROUPS
IDS_PER_GROUP = BAGS_PER_GROUP * HIST
NB = 128
NCHUNK = BAGS_PER_GROUP // NB
NPAIR = NCHUNK // 2
QUAD = 4
IDS_PER_QUAD = QUAD * HIST


@functools.partial(
    pl.kernel,
    mesh=plsc.VectorSubcoreMesh(core_axis_name="c", subcore_axis_name="s"),
    out_type=jax.ShapeDtypeStruct((BATCH, DIM), jnp.float32),
    compiler_params=pltpu.CompilerParams(use_tc_tiling_on_sc=False),
    scratch_types=[
        pltpu.VMEM((QR * HDIM,), jnp.float32),
        pltpu.VMEM((QR * HDIM,), jnp.float32),
        pltpu.VMEM((IDS_PER_GROUP,), jnp.int32),
        pltpu.VMEM((NB, HDIM), jnp.float32),
        pltpu.VMEM((NB, HDIM), jnp.float32),
        pltpu.SemaphoreType.DMA,
        pltpu.SemaphoreType.DMA,
        pltpu.SemaphoreType.DMA,
    ],
)
def _qr_bag(idx_hbm, wq_hbm, wr_hbm, out_hbm, wq_v, wr_v, idx_v,
            out0, out1, sem_o0, sem_o1, sem_t):
    wid = lax.axis_index("s") * NUM_CORES + lax.axis_index("c")
    half = wid % 2
    group = wid // 2
    base = group * BAGS_PER_GROUP

    def out_slice(chunk):
        return out_hbm.at[
            pl.ds(base + chunk * NB, NB), pl.ds(half * HDIM, HDIM)
        ]

    def compute_chunk(chunk, out_v):
        def quad_body(p, carry2):
            ib = chunk * (NB * HIST) + p * IDS_PER_QUAD
            packv = []
            for t in range(IDS_PER_QUAD // LANES):
                ids = idx_v[pl.ds(ib + t * LANES, LANES)]
                q = (ids.astype(jnp.float32) * jnp.float32(0.001)).astype(
                    jnp.int32)
                r = ids - q * QR
                q = jnp.where(r < 0, q - 1, q)
                r = jnp.where(r < 0, r + QR, r)
                q = jnp.where(r >= QR, q + 1, q)
                r = jnp.where(r >= QR, r - QR, r)
                packv.append((q * (HDIM << 16)) + r * HDIM)
            for s in range(QUAD):
                acc = [jnp.zeros((LANES,), jnp.float32) for _ in range(4)]
                for h in range(HIST):
                    g = s * HIST + h
                    pk = packv[g // LANES][g % LANES]
                    qoff = lax.shift_right_logical(pk, 16)
                    roff = jnp.bitwise_and(pk, 0xFFFF)
                    acc[0] = acc[0] + wq_v[pl.ds(qoff, LANES)]
                    acc[1] = acc[1] + wq_v[pl.ds(qoff + LANES, LANES)]
                    acc[2] = acc[2] + wr_v[pl.ds(roff, LANES)]
                    acc[3] = acc[3] + wr_v[pl.ds(roff + LANES, LANES)]
                b = p * QUAD + s
                out_v[b, pl.ds(0, LANES)] = acc[0] * acc[2]
                out_v[b, pl.ds(LANES, LANES)] = acc[1] * acc[3]
            return carry2

        lax.fori_loop(0, NB // QUAD, quad_body, 0)

    pltpu.async_copy(idx_hbm.at[pl.ds(base * HIST, IDS_PER_GROUP)], idx_v, sem_t)
    pltpu.async_copy(wq_hbm.at[pl.ds(half * (QR * HDIM), QR * HDIM)], wq_v, sem_t)
    pltpu.async_copy(wr_hbm.at[pl.ds(half * (QR * HDIM), QR * HDIM)], wr_v, sem_t)
    pltpu.make_async_copy(idx_hbm.at[pl.ds(0, IDS_PER_GROUP)], idx_v, sem_t).wait()
    pltpu.make_async_copy(wq_hbm.at[pl.ds(0, QR * HDIM)], wq_v, sem_t).wait()
    pltpu.make_async_copy(wr_hbm.at[pl.ds(0, QR * HDIM)], wr_v, sem_t).wait()

    def pair_of_chunks(j, carry):
        ca = 2 * j
        cb = 2 * j + 1

        @pl.when(j > 0)
        def _():
            pltpu.make_async_copy(out0, out_slice(ca), sem_o0).wait()

        compute_chunk(ca, out0)
        pltpu.async_copy(out0, out_slice(ca), sem_o0)

        @pl.when(j > 0)
        def _():
            pltpu.make_async_copy(out1, out_slice(cb), sem_o1).wait()

        compute_chunk(cb, out1)
        pltpu.async_copy(out1, out_slice(cb), sem_o1)
        return carry

    lax.fori_loop(0, NPAIR, pair_of_chunks, 0)

    pltpu.make_async_copy(out0, out_slice(NCHUNK - 2), sem_o0).wait()
    pltpu.make_async_copy(out1, out_slice(NCHUNK - 1), sem_o1).wait()


def kernel(input_, quotient_embed_weight, remainder_embed_weight):
    def halves(w):
        return w.reshape(QR, 2, HDIM).transpose(1, 0, 2).reshape(-1)

    return _qr_bag(
        input_.reshape(-1),
        halves(quotient_embed_weight),
        halves(remainder_embed_weight),
    )

# --- scband reference (transcript-rebuilt; emitter-appended) ---
"""Pipeline reference for scband-qrembedding-bag-13374528159922 (READ-ONLY COPY).

The authoritative reference and input builder live on the scoring server;
editing this copy changes nothing except your own understanding.
"""

import jax, jax.numpy as jnp
import numpy as np

QR_BUCKET_SIZE = 1000
NUM_EMBEDDINGS = 1000000
EMBED_DIM = 64
BATCH = 16384
HIST = 20


def _xavier_normal(key, shape):
    fan_in, fan_out = shape[0], shape[1]
    std = float(np.sqrt(2.0 / (fan_in + fan_out)))
    return jax.random.normal(key, shape, dtype=jnp.float32) * std


def setup_inputs(seed: int = 0) -> dict:
    key = jax.random.key(seed)
    k1, k2, k3 = jax.random.split(key, 3)
    input_ = jax.random.randint(k1, (BATCH, HIST), 0, NUM_EMBEDDINGS, dtype=jnp.int32)
    quotient_embed_weight = _xavier_normal(k2, (QR_BUCKET_SIZE, EMBED_DIM))
    remainder_embed_weight = _xavier_normal(k3, (QR_BUCKET_SIZE, EMBED_DIM))
    return {
        "input_": input_,
        "quotient_embed_weight": quotient_embed_weight,
        "remainder_embed_weight": remainder_embed_weight,
    }


def reference(input_, quotient_embed_weight, remainder_embed_weight):
    # quotient / remainder decomposition of ids
    quotient_ids = input_ // QR_BUCKET_SIZE
    remainder_ids = input_ % QR_BUCKET_SIZE
    # F.embedding_bag with 2D input and mode='sum': sum embeddings over each row (bag)
    quotient_embed = jnp.take(quotient_embed_weight, quotient_ids, axis=0).sum(axis=1)
    remainder_embed = jnp.take(remainder_embed_weight, remainder_ids, axis=0).sum(axis=1)
    output_parallel = quotient_embed * remainder_embed
    return output_parallel

if __name__ == "__main__":
    import jax
    _d = setup_inputs()
    print(jax.jit(kernel)(*tuple(_d.values())))

</pallas_src>

<mosaic_0001>
#map = affine_map<(d0, d1) -> (0)>
#map1 = affine_map<(d0, d1) -> (0, 0)>
module attributes {stable_mosaic.version = 14 : i64} {
  func.func @_qr_bag(%arg0: i32, %arg1: i32, %arg2: memref<327680xi32, #tpu.memory_space<hbm>>, %arg3: memref<64000xf32, #tpu.memory_space<hbm>>, %arg4: memref<64000xf32, #tpu.memory_space<hbm>>, %arg5: memref<16384x64xf32, #tpu.memory_space<hbm>>, %arg6: memref<32000xf32, #tpu.memory_space<vmem>>, %arg7: memref<32000xf32, #tpu.memory_space<vmem>>, %arg8: memref<20480xi32, #tpu.memory_space<vmem>>, %arg9: memref<128x32xf32, #tpu.memory_space<vmem>>, %arg10: memref<128x32xf32, #tpu.memory_space<vmem>>, %arg11: memref<!tpu.dma_semaphore, #tpu.memory_space<semaphore_mem>>, %arg12: memref<!tpu.dma_semaphore, #tpu.memory_space<semaphore_mem>>, %arg13: memref<!tpu.dma_semaphore, #tpu.memory_space<semaphore_mem>>) attributes {dimension_semantics = [#tpu.dimension_semantics<core_parallel>, #tpu.dimension_semantics<subcore_parallel>], iteration_bounds = array<i64: 2, 16>, scalar_prefetch = 0 : i64, scratch_operands = 8 : i64, tpu.core_type = #tpu.core_type<sc_vector_subcore>, window_params = [{transform_indices = #map}, {transform_indices = #map}, {transform_indices = #map}, {transform_indices = #map1}]} {
    %mul3A = arith.constant 2 : i32
    %mul3A_0 = arith.muli %arg1, %mul3A : i32
    %add3A = arith.addi %mul3A_0, %arg0 : i32
    %jit3A = arith.constant 2 : i32
    %eq3A = arith.constant 0 : i32
    %eq3A_1 = arith.cmpi eq, %jit3A, %eq3A : i32
    %jit3A_2 = arith.constant 1 : i32
    %select_n3A = arith.select %eq3A_1, %jit3A_2, %jit3A : i32
    %rem3A = arith.remsi %add3A, %select_n3A : i32
    %ne3A = arith.constant 0 : i32
    %ne3A_3 = arith.cmpi ne, %rem3A, %ne3A : i32
    %lt3A = arith.constant 0 : i32
    %lt3A_4 = arith.cmpi slt, %rem3A, %lt3A : i32
    %lt3A_5 = arith.constant 0 : i32
    %lt3A_6 = arith.cmpi slt, %select_n3A, %lt3A_5 : i32
    %ne3A_7 = arith.xori %lt3A_4, %lt3A_6 : i1
    %and3A = arith.andi %ne3A_7, %ne3A_3 : i1
    %add3A_8 = arith.addi %rem3A, %select_n3A : i32
    %select_n3A_9 = arith.select %and3A, %add3A_8, %rem3A : i32
    %jit3A_10 = arith.constant 2 : i32
    %div3A = arith.divsi %add3A, %jit3A_10 : i32
    %sign3A = arith.constant 0 : i32
    %sign3A_11 = arith.cmpi sgt, %add3A, %sign3A : i32
    %sign3A_12 = arith.extui %sign3A_11 : i1 to i32
    %sign3A_13 = arith.constant 0 : i32
    %sign3A_14 = arith.cmpi slt, %add3A, %sign3A_13 : i32
    %sign3A_15 = arith.extui %sign3A_14 : i1 to i32
    %sign3A_16 = arith.subi %sign3A_12, %sign3A_15 : i32
    %sign3A_17 = arith.constant 0 : i32
    %sign3A_18 = arith.cmpi sgt, %jit3A_10, %sign3A_17 : i32
    %sign3A_19 = arith.extui %sign3A_18 : i1 to i32
    %sign3A_20 = arith.constant 0 : i32
    %sign3A_21 = arith.cmpi slt, %jit3A_10, %sign3A_20 : i32
    %sign3A_22 = arith.extui %sign3A_21 : i1 to i32
    %sign3A_23 = arith.subi %sign3A_19, %sign3A_22 : i32
    %ne3A_24 = arith.cmpi ne, %sign3A_16, %sign3A_23 : i32
    %rem3A_25 = arith.remsi %add3A, %jit3A_10 : i32
    %ne3A_26 = arith.constant 0 : i32
    %ne3A_27 = arith.cmpi ne, %rem3A_25, %ne3A_26 : i32
    %and3A_28 = arith.andi %ne3A_24, %ne3A_27 : i1
    %sub3A = arith.constant 1 : i32
    %sub3A_29 = arith.subi %div3A, %sub3A : i32
    %select_n3A_30 = arith.select %and3A_28, %sub3A_29, %div3A : i32
    %mul3A_31 = arith.constant 1024 : i32
    %mul3A_32 = arith.muli %select_n3A_30, %mul3A_31 : i32
    %mul3A_33 = arith.constant 20 : i32
    %mul3A_34 = arith.muli %mul3A_32, %mul3A_33 : i32
    %dma_start3A = tpu.memref_slice %arg2[%mul3A_34] : memref<327680xi32, #tpu.memory_space<hbm>> -> memref<20480xi32, #tpu.memory_space<hbm>>
    %dma_start3A_35 = tpu.memref_slice %arg2[%mul3A_34] : memref<327680xi32, #tpu.memory_space<hbm>> -> memref<20480xi32, #tpu.memory_space<hbm>>
    tpu.enqueue_dma source(%dma_start3A_35 : memref<20480xi32, #tpu.memory_space<hbm>>) target(%arg8 : memref<20480xi32, #tpu.memory_space<vmem>>) target_semaphore(%arg13 : memref<!tpu.dma_semaphore, #tpu.memory_space<semaphore_mem>>)
    %mul3A_36 = arith.constant 32000 : i32
    %mul3A_37 = arith.muli %select_n3A_9, %mul3A_36 : i32
    %dma_start3A_38 = tpu.memref_slice %arg3[%mul3A_37] : memref<64000xf32, #tpu.memory_space<hbm>> -> memref<32000xf32, #tpu.memory_space<hbm>>
    %dma_start3A_39 = tpu.memref_slice %arg3[%mul3A_37] : memref<64000xf32, #tpu.memory_space<hbm>> -> memref<32000xf32, #tpu.memory_space<hbm>>
    tpu.enqueue_dma source(%dma_start3A_39 : memref<32000xf32, #tpu.memory_space<hbm>>) target(%arg6 : memref<32000xf32, #tpu.memory_space<vmem>>) target_semaphore(%arg13 : memref<!tpu.dma_semaphore, #tpu.memory_space<semaphore_mem>>)
    %mul3A_40 = arith.constant 32000 : i32
    %mul3A_41 = arith.muli %select_n3A_9, %mul3A_40 : i32
    %dma_start3A_42 = tpu.memref_slice %arg4[%mul3A_41] : memref<64000xf32, #tpu.memory_space<hbm>> -> memref<32000xf32, #tpu.memory_space<hbm>>
    %dma_start3A_43 = tpu.memref_slice %arg4[%mul3A_41] : memref<64000xf32, #tpu.memory_space<hbm>> -> memref<32000xf32, #tpu.memory_space<hbm>>
    tpu.enqueue_dma source(%dma_start3A_43 : memref<32000xf32, #tpu.memory_space<hbm>>) target(%arg7 : memref<32000xf32, #tpu.memory_space<vmem>>) target_semaphore(%arg13 : memref<!tpu.dma_semaphore, #tpu.memory_space<semaphore_mem>>)
    %dma_wait3A = arith.constant 0 : i32
    %dma_wait3A_44 = tpu.memref_slice %arg2[%dma_wait3A] : memref<327680xi32, #tpu.memory_space<hbm>> -> memref<20480xi32, #tpu.memory_space<hbm>>
    %dma_wait3A_45 = arith.constant 0 : i32
    %dma_wait3A_46 = tpu.memref_slice %arg2[%dma_wait3A_45] : memref<327680xi32, #tpu.memory_space<hbm>> -> memref<20480xi32, #tpu.memory_space<hbm>>
    tpu.wait_dma2 semaphore(%arg13 : memref<!tpu.dma_semaphore, #tpu.memory_space<semaphore_mem>>) src(%dma_wait3A_46 : memref<20480xi32, #tpu.memory_space<hbm>>) dst(%arg8 : memref<20480xi32, #tpu.memory_space<vmem>>)
    %dma_wait3A_47 = arith.constant 0 : i32
    %dma_wait3A_48 = tpu.memref_slice %arg3[%dma_wait3A_47] : memref<64000xf32, #tpu.memory_space<hbm>> -> memref<32000xf32, #tpu.memory_space<hbm>>
    %dma_wait3A_49 = arith.constant 0 : i32
    %dma_wait3A_50 = tpu.memref_slice %arg3[%dma_wait3A_49] : memref<64000xf32, #tpu.memory_space<hbm>> -> memref<32000xf32, #tpu.memory_space<hbm>>
    tpu.wait_dma2 semaphore(%arg13 : memref<!tpu.dma_semaphore, #tpu.memory_space<semaphore_mem>>) src(%dma_wait3A_50 : memref<32000xf32, #tpu.memory_space<hbm>>) dst(%arg6 : memref<32000xf32, #tpu.memory_space<vmem>>)
    %dma_wait3A_51 = arith.constant 0 : i32
    %dma_wait3A_52 = tpu.memref_slice %arg4[%dma_wait3A_51] : memref<64000xf32, #tpu.memory_space<hbm>> -> memref<32000xf32, #tpu.memory_space<hbm>>
    %dma_wait3A_53 = arith.constant 0 : i32
    %dma_wait3A_54 = tpu.memref_slice %arg4[%dma_wait3A_53] : memref<64000xf32, #tpu.memory_space<hbm>> -> memref<32000xf32, #tpu.memory_space<hbm>>
    tpu.wait_dma2 semaphore(%arg13 : memref<!tpu.dma_semaphore, #tpu.memory_space<semaphore_mem>>) src(%dma_wait3A_54 : memref<32000xf32, #tpu.memory_space<hbm>>) dst(%arg7 : memref<32000xf32, #tpu.memory_space<vmem>>)
    %scan3A = arith.constant 0 : i32
    %scan3A_55 = arith.constant 0 : i32
    %scan3A_56 = arith.constant 4 : i32
    %scan3A_57 = arith.addi %scan3A_55, %scan3A_56 : i32
    %scan3A_58 = arith.constant 1 : i32
    scf.for %scan3A_72 = %scan3A_55 to %scan3A_57 step %scan3A_58  : i32 {
      %mul3A_73 = arith.constant 2 : i32
      %mul3A_74 = arith.muli %mul3A_73, %scan3A_72 : i32
      %mul3A_75 = arith.constant 2 : i32
      %mul3A_76 = arith.muli %mul3A_75, %scan3A_72 : i32
      %add3A_77 = arith.constant 1 : i32
      %add3A_78 = arith.addi %mul3A_76, %add3A_77 : i32
      %gt3A = arith.constant 0 : i32
      %gt3A_79 = arith.cmpi sgt, %scan3A_72, %gt3A : i32
      %convert_element_type3A = arith.extui %gt3A_79 : i1 to i32
      %cond3A = arith.constant 0 : i32
      %cond3A_80 = arith.cmpi ne, %convert_element_type3A, %cond3A : i32
      scf.if %cond3A_80 {
        %mul3A_112 = arith.constant 128 : i32
        %mul3A_113 = arith.muli %mul3A_74, %mul3A_112 : i32
        %add3A_114 = arith.addi %mul3A_32, %mul3A_113 : i32
        %mul3A_115 = arith.constant 32 : i32
        %mul3A_116 = arith.muli %select_n3A_9, %mul3A_115 : i32
        %dma_wait3A_117 = tpu.memref_slice %arg5[%add3A_114, %mul3A_116] : memref<16384x64xf32, #tpu.memory_space<hbm>> -> memref<128x32xf32, #tpu.memory_space<hbm>>
        %dma_wait3A_118 = tpu.memref_slice %arg5[%add3A_114, %mul3A_116] : memref<16384x64xf32, #tpu.memory_space<hbm>> -> memref<128x32xf32, #tpu.memory_space<hbm>>
        tpu.wait_dma2 semaphore(%arg11 : memref<!tpu.dma_semaphore, #tpu.memory_space<semaphore_mem>>) src(%arg9 : memref<128x32xf32, #tpu.memory_space<vmem>>) dst(%dma_wait3A_118 : memref<128x32xf32, #tpu.memory_space<hbm>>)
      } else {
      }
      %scan3A_81 = arith.constant 0 : i32
      %scan3A_82 = arith.constant 0 : i32
      %scan3A_83 = arith.constant 32 : i32
      %scan3A_84 = arith.addi %scan3A_82, %scan3A_83 : i32
      %scan3A_85 = arith.constant 1 : i32
      scf.for %scan3A_112 = %scan3A_82 to %scan3A_84 step %scan3A_85  : i32 {
        %mul3A_113 = arith.constant 2560 : i32
        %mul3A_114 = arith.muli %mul3A_74, %mul3A_113 : i32
        %mul3A_115 = arith.constant 80 : i32
        %mul3A_116 = arith.muli %scan3A_112, %mul3A_115 : i32
        %add3A_117 = arith.addi %mul3A_114, %mul3A_116 : i32
        %add3A_118 = arith.constant 0 : i32
        %add3A_119 = arith.addi %add3A_117, %add3A_118 : i32
        %get3A = arith.index_cast %add3A_119 : i32 to index
        %get3A_120 = tpu.vector_load %arg8[%get3A] {strides = array<i32>} : memref<20480xi32, #tpu.memory_space<vmem>>, vector<16xi32>,
        %get3A_121 = vector.shape_cast %get3A_120 : vector<16xi32> to vector<16xi32>
        %convert_element_type3A_122 = arith.sitofp %get3A_121 : vector<16xi32> to vector<16xf32>
        %mul3A_123 = arith.constant 1.000000e-03 : f32
        %mul3A_124 = vector.broadcast %mul3A_123 : f32 to vector<16xf32>
        %mul3A_125 = arith.mulf %convert_element_type3A_122, %mul3A_124 : vector<16xf32>
        %convert_element_type3A_126 = arith.fptosi %mul3A_125 : vector<16xf32> to vector<16xi32>
        %mul3A_127 = arith.constant 1000 : i32
        %mul3A_128 = vector.broadcast %mul3A_127 : i32 to vector<16xi32>
        %mul3A_129 = arith.muli %convert_element_type3A_126, %mul3A_128 : vector<16xi32>
        %sub3A_130 = arith.subi %get3A_121, %mul3A_129 : vector<16xi32>
        %lt3A_131 = arith.constant 0 : i32
        %lt3A_132 = vector.broadcast %lt3A_131 : i32 to vector<16xi32>
        %lt3A_133 = arith.cmpi slt, %sub3A_130, %lt3A_132 : vector<16xi32>
        %sub3A_134 = arith.constant 1 : i32
        %sub3A_135 = vector.broadcast %sub3A_134 : i32 to vector<16xi32>
        %sub3A_136 = arith.subi %convert_element_type3A_126, %sub3A_135 : vector<16xi32>
        %select_n3A_137 = arith.select %lt3A_133, %sub3A_136, %convert_element_type3A_126 : vector<16xi1>, vector<16xi32>
        %lt3A_138 = arith.constant 0 : i32
        %lt3A_139 = vector.broadcast %lt3A_138 : i32 to vector<16xi32>
        %lt3A_140 = arith.cmpi slt, %sub3A_130, %lt3A_139 : vector<16xi32>
        %add3A_141 = arith.constant 1000 : i32
        %add3A_142 = vector.broadcast %add3A_141 : i32 to vector<16xi32>
        %add3A_143 = arith.addi %sub3A_130, %add3A_142 : vector<16xi32>
        %select_n3A_144 = arith.select %lt3A_140, %add3A_143, %sub3A_130 : vector<16xi1>, vector<16xi32>
        %ge3A = arith.constant 1000 : i32
        %ge3A_145 = vector.broadcast %ge3A : i32 to vector<16xi32>
        %ge3A_146 = arith.cmpi sge, %select_n3A_144, %ge3A_145 : vector<16xi32>
        %add3A_147 = arith.constant 1 : i32
        %add3A_148 = vector.broadcast %add3A_147 : i32 to vector<16xi32>
        %add3A_149 = arith.addi %select_n3A_137, %add3A_148 : vector<16xi32>
        %select_n3A_150 = arith.select %ge3A_146, %add3A_149, %select_n3A_137 : vector<16xi1>, vector<16xi32>
        %ge3A_151 = arith.constant 1000 : i32
        %ge3A_152 = vector.broadcast %ge3A_151 : i32 to vector<16xi32>
        %ge3A_153 = arith.cmpi sge, %select_n3A_144, %ge3A_152 : vector<16xi32>
        %sub3A_154 = arith.constant 1000 : i32
        %sub3A_155 = vector.broadcast %sub3A_154 : i32 to vector<16xi32>
        %sub3A_156 = arith.subi %select_n3A_144, %sub3A_155 : vector<16xi32>
        %select_n3A_157 = arith.select %ge3A_153, %sub3A_156, %select_n3A_144 : vector<16xi1>, vector<16xi32>
        %mul3A_158 = arith.constant 2097152 : i32
        %mul3A_159 = vector.broadcast %mul3A_158 : i32 to vector<16xi32>
        %mul3A_160 = arith.muli %select_n3A_150, %mul3A_159 : vector<16xi32>
        %mul3A_161 = arith.constant 32 : i32
        %mul3A_162 = vector.broadcast %mul3A_161 : i32 to vector<16xi32>
        %mul3A_163 = arith.muli %select_n3A_157, %mul3A_162 : vector<16xi32>
        %add3A_164 = arith.addi %mul3A_160, %mul3A_163 : vector<16xi32>
        %add3A_165 = arith.constant 16 : i32
        %add3A_166 = arith.addi %add3A_117, %add3A_165 : i32
        %get3A_167 = arith.index_cast %add3A_166 : i32 to index
        %get3A_168 = tpu.vector_load %arg8[%get3A_167] {strides = array<i32>} : memref<20480xi32, #tpu.memory_space<vmem>>, vector<16xi32>,
        %get3A_169 = vector.shape_cast %get3A_168 : vector<16xi32> to vector<16xi32>
        %convert_element_type3A_170 = arith.sitofp %get3A_169 : vector<16xi32> to vector<16xf32>
        %mul3A_171 = arith.constant 1.000000e-03 : f32
        %mul3A_172 = vector.broadcast %mul3A_171 : f32 to vector<16xf32>
        %mul3A_173 = arith.mulf %convert_element_type3A_170, %mul3A_172 : vector<16xf32>
        %convert_element_type3A_174 = arith.fptosi %mul3A_173 : vector<16xf32> to vector<16xi32>
        %mul3A_175 = arith.constant 1000 : i32
        %mul3A_176 = vector.broadcast %mul3A_175 : i32 to vector<16xi32>
        %mul3A_177 = arith.muli %convert_element_type3A_174, %mul3A_176 : vector<16xi32>
        %sub3A_178 = arith.subi %get3A_169, %mul3A_177 : vector<16xi32>
        %lt3A_179 = arith.constant 0 : i32
        %lt3A_180 = vector.broadcast %lt3A_179 : i32 to vector<16xi32>
        %lt3A_181 = arith.cmpi slt, %sub3A_178, %lt3A_180 : vector<16xi32>
        %sub3A_182 = arith.constant 1 : i32
        %sub3A_183 = vector.broadcast %sub3A_182 : i32 to vector<16xi32>
        %sub3A_184 = arith.subi %convert_element_type3A_174, %sub3A_183 : vector<16xi32>
        %select_n3A_185 = arith.select %lt3A_181, %sub3A_184, %convert_element_type3A_174 : vector<16xi1>, vector<16xi32>
        %lt3A_186 = arith.constant 0 : i32
        %lt3A_187 = vector.broadcast %lt3A_186 : i32 to vector<16xi32>
        %lt3A_188 = arith.cmpi slt, %sub3A_178, %lt3A_187 : vector<16xi32>
        %add3A_189 = arith.constant 1000 : i32
        %add3A_190 = vector.broadcast %add3A_189 : i32 to vector<16xi32>
        %add3A_191 = arith.addi %sub3A_178, %add3A_190 : vector<16xi32>
        %select_n3A_192 = arith.select %lt3A_188, %add3A_191, %sub3A_178 : vector<16xi1>, vector<16xi32>
        %ge3A_193 = arith.constant 1000 : i32
        %ge3A_194 = vector.broadcast %ge3A_193 : i32 to vector<16xi32>
        %ge3A_195 = arith.cmpi sge, %select_n3A_192, %ge3A_194 : vector<16xi32>
        %add3A_196 = arith.constant 1 : i32
        %add3A_197 = vector.broadcast %add3A_196 : i32 to vector<16xi32>
        %add3A_198 = arith.addi %select_n3A_185, %add3A_197 : vector<16xi32>
        %select_n3A_199 = arith.select %ge3A_195, %add3A_198, %select_n3A_185 : vector<16xi1>, vector<16xi32>
        %ge3A_200 = arith.constant 1000 : i32
        %ge3A_201 = vector.broadcast %ge3A_200 : i32 to vector<16xi32>
        %ge3A_202 = arith.cmpi sge, %select_n3A_192, %ge3A_201 : vector<16xi32>
        %sub3A_203 = arith.constant 1000 : i32
        %sub3A_204 = vector.broadcast %sub3A_203 : i32 to vector<16xi32>
        %sub3A_205 = arith.subi %select_n3A_192, %sub3A_204 : vector<16xi32>
        %select_n3A_206 = arith.select %ge3A_202, %sub3A_205, %select_n3A_192 : vector<16xi1>, vector<16xi32>
        %mul3A_207 = arith.constant 2097152 : i32
        %mul3A_208 = vector.broadcast %mul3A_207 : i32 to vector<16xi32>
        %mul3A_209 = arith.muli %select_n3A_199, %mul3A_208 : vector<16xi32>
        %mul3A_210 = arith.constant 32 : i32
        %mul3A_211 = vector.broadcast %mul3A_210 : i32 to vector<16xi32>
        %mul3A_212 = arith.muli %select_n3A_206, %mul3A_211 : vector<16xi32>
        %add3A_213 = arith.addi %mul3A_209, %mul3A_212 : vector<16xi32>
        %add3A_214 = arith.constant 32 : i32
        %add3A_215 = arith.addi %add3A_117, %add3A_214 : i32
        %get3A_216 = arith.index_cast %add3A_215 : i32 to index
        %get3A_217 = tpu.vector_load %arg8[%get3A_216] {strides = array<i32>} : memref<20480xi32, #tpu.memory_space<vmem>>, vector<16xi32>,
        %get3A_218 = vector.shape_cast %get3A_217 : vector<16xi32> to vector<16xi32>
        %convert_element_type3A_219 = arith.sitofp %get3A_218 : vector<16xi32> to vector<16xf32>
        %mul3A_220 = arith.constant 1.000000e-03 : f32
        %mul3A_221 = vector.broadcast %mul3A_220 : f32 to vector<16xf32>
        %mul3A_222 = arith.mulf %convert_element_type3A_219, %mul3A_221 : vector<16xf32>
        %convert_element_type3A_223 = arith.fptosi %mul3A_222 : vector<16xf32> to vector<16xi32>
        %mul3A_224 = arith.constant 1000 : i32
        %mul3A_225 = vector.broadcast %mul3A_224 : i32 to vector<16xi32>
        %mul3A_226 = arith.muli %convert_element_type3A_223, %mul3A_225 : vector<16xi32>
        %sub3A_227 = arith.subi %get3A_218, %mul3A_226 : vector<16xi32>
        %lt3A_228 = arith.constant 0 : i32
        %lt3A_229 = vector.broadcast %lt3A_228 : i32 to vector<16xi32>
        %lt3A_230 = arith.cmpi slt, %sub3A_227, %lt3A_229 : vector<16xi32>
        %sub3A_231 = arith.constant 1 : i32
        %sub3A_232 = vector.broadcast %sub3A_231 : i32 to vector<16xi32>
        %sub3A_233 = arith.subi %convert_element_type3A_223, %sub3A_232 : vector<16xi32>
        %select_n3A_234 = arith.select %lt3A_230, %sub3A_233, %convert_element_type3A_223 : vector<16xi1>, vector<16xi32>
        %lt3A_235 = arith.constant 0 : i32
        %lt3A_236 = vector.broadcast %lt3A_235 : i32 to vector<16xi32>
        %lt3A_237 = arith.cmpi slt, %sub3A_227, %lt3A_236 : vector<16xi32>
        %add3A_238 = arith.constant 1000 : i32
        %add3A_239 = vector.broadcast %add3A_238 : i32 to vector<16xi32>
        %add3A_240 = arith.addi %sub3A_227, %add3A_239 : vector<16xi32>
        %select_n3A_241 = arith.select %lt3A_237, %add3A_240, %sub3A_227 : vector<16xi1>, vector<16xi32>
        %ge3A_242 = arith.constant 1000 : i32
        %ge3A_243 = vector.broadcast %ge3A_242 : i32 to vector<16xi32>
        %ge3A_244 = arith.cmpi sge, %select_n3A_241, %ge3A_243 : vector<16xi32>
        %add3A_245 = arith.constant 1 : i32
        %add3A_246 = vector.broadcast %add3A_245 : i32 to vector<16xi32>
        %add3A_247 = arith.addi %select_n3A_234, %add3A_246 : vector<16xi32>
        %select_n3A_248 = arith.select %ge3A_244, %add3A_247, %select_n3A_234 : vector<16xi1>, vector<16xi32>
        %ge3A_249 = arith.constant 1000 : i32
        %ge3A_250 = vector.broadcast %ge3A_249 : i32 to vector<16xi32>
        %ge3A_251 = arith.cmpi sge, %select_n3A_241, %ge3A_250 : vector<16xi32>
        %sub3A_252 = arith.constant 1000 : i32
        %sub3A_253 = vector.broadcast %sub3A_252 : i32 to vector<16xi32>
        %sub3A_254 = arith.subi %select_n3A_241, %sub3A_253 : vector<16xi32>
        %select_n3A_255 = arith.select %ge3A_251, %sub3A_254, %select_n3A_241 : vector<16xi1>, vector<16xi32>
        %mul3A_256 = arith.constant 2097152 : i32
        %mul3A_257 = vector.broadcast %mul3A_256 : i32 to vector<16xi32>
        %mul3A_258 = arith.muli %select_n3A_248, %mul3A_257 : vector<16xi32>
        %mul3A_259 = arith.constant 32 : i32
        %mul3A_260 = vector.broadcast %mul3A_259 : i32 to vector<16xi32>
        %mul3A_261 = arith.muli %select_n3A_255, %mul3A_260 : vector<16xi32>
        %add3A_262 = arith.addi %mul3A_258, %mul3A_261 : vector<16xi32>
        %add3A_263 = arith.constant 48 : i32
        %add3A_264 = arith.addi %add3A_117, %add3A_263 : i32
        %get3A_265 = arith.index_cast %add3A_264 : i32 to index
        %get3A_266 = tpu.vector_load %arg8[%get3A_265] {strides = array<i32>} : memref<20480xi32, #tpu.memory_space<vmem>>, vector<16xi32>,
        %get3A_267 = vector.shape_cast %get3A_266 : vector<16xi32> to vector<16xi32>
        %convert_element_type3A_268 = arith.sitofp %get3A_267 : vector<16xi32> to vector<16xf32>
        %mul3A_269 = arith.constant 1.000000e-03 : f32
        %mul3A_270 = vector.broadcast %mul3A_269 : f32 to vector<16xf32>
        %mul3A_271 = arith.mulf %convert_element_type3A_268, %mul3A_270 : vector<16xf32>
        %convert_element_type3A_272 = arith.fptosi %mul3A_271 : vector<16xf32> to vector<16xi32>
        %mul3A_273 = arith.constant 1000 : i32
        %mul3A_274 = vector.broadcast %mul3A_273 : i32 to vector<16xi32>
        %mul3A_275 = arith.muli %convert_element_type3A_272, %mul3A_274 : vector<16xi32>
        %sub3A_276 = arith.subi %get3A_267, %mul3A_275 : vector<16xi32>
        %lt3A_277 = arith.constant 0 : i32
        %lt3A_278 = vector.broadcast %lt3A_277 : i32 to vector<16xi32>
        %lt3A_279 = arith.cmpi slt, %sub3A_276, %lt3A_278 : vector<16xi32>
        %sub3A_280 = arith.constant 1 : i32
        %sub3A_281 = vector.broadcast %sub3A_280 : i32 to vector<16xi32>
        %sub3A_282 = arith.subi %convert_element_type3A_272, %sub3A_281 : vector<16xi32>
        %select_n3A_283 = arith.select %lt3A_279, %sub3A_282, %convert_element_type3A_272 : vector<16xi1>, vector<16xi32>
        %lt3A_284 = arith.constant 0 : i32
        %lt3A_285 = vector.broadcast %lt3A_284 : i32 to vector<16xi32>
        %lt3A_286 = arith.cmpi slt, %sub3A_276, %lt3A_285 : vector<16xi32>
        %add3A_287 = arith.constant 1000 : i32
        %add3A_288 = vector.broadcast %add3A_287 : i32 to vector<16xi32>
        %add3A_289 = arith.addi %sub3A_276, %add3A_288 : vector<16xi32>
        %select_n3A_290 = arith.select %lt3A_286, %add3A_289, %sub3A_276 : vector<16xi1>, vector<16xi32>
        %ge3A_291 = arith.constant 1000 : i32
        %ge3A_292 = vector.broadcast %ge3A_291 : i32 to vector<16xi32>
        %ge3A_293 = arith.cmpi sge, %select_n3A_290, %ge3A_292 : vector<16xi32>
        %add3A_294 = arith.constant 1 : i32
        %add3A_295 = vector.broadcast %add3A_294 : i32 to vector<16xi32>
        %add3A_296 = arith.addi %select_n3A_283, %add3A_295 : vector<16xi32>
        %select_n3A_297 = arith.select %ge3A_293, %add3A_296, %select_n3A_283 : vector<16xi1>, vector<16xi32>
        %ge3A_298 = arith.constant 1000 : i32
        %ge3A_299 = vector.broadcast %ge3A_298 : i32 to vector<16xi32>
        %ge3A_300 = arith.cmpi sge, %select_n3A_290, %ge3A_299 : vector<16xi32>
        %sub3A_301 = arith.constant 1000 : i32
        %sub3A_302 = vector.broadcast %sub3A_301 : i32 to vector<16xi32>
        %sub3A_303 = arith.subi %select_n3A_290, %sub3A_302 : vector<16xi32>
        %select_n3A_304 = arith.select %ge3A_300, %sub3A_303, %select_n3A_290 : vector<16xi1>, vector<16xi32>
        %mul3A_305 = arith.constant 2097152 : i32
        %mul3A_306 = vector.broadcast %mul3A_305 : i32 to vector<16xi32>
        %mul3A_307 = arith.muli %select_n3A_297, %mul3A_306 : vector<16xi32>
        %mul3A_308 = arith.constant 32 : i32
        %mul3A_309 = vector.broadcast %mul3A_308 : i32 to vector<16xi32>
        %mul3A_310 = arith.muli %select_n3A_304, %mul3A_309 : vector<16xi32>
        %add3A_311 = arith.addi %mul3A_307, %mul3A_310 : vector<16xi32>
        %add3A_312 = arith.constant 64 : i32
        %add3A_313 = arith.addi %add3A_117, %add3A_312 : i32
        %get3A_314 = arith.index_cast %add3A_313 : i32 to index
        %get3A_315 = tpu.vector_load %arg8[%get3A_314] {strides = array<i32>} : memref<20480xi32, #tpu.memory_space<vmem>>, vector<16xi32>,
        %get3A_316 = vector.shape_cast %get3A_315 : vector<16xi32> to vector<16xi32>
        %convert_element_type3A_317 = arith.sitofp %get3A_316 : vector<16xi32> to vector<16xf32>
        %mul3A_318 = arith.constant 1.000000e-03 : f32
        %mul3A_319 = vector.broadcast %mul3A_318 : f32 to vector<16xf32>
        %mul3A_320 = arith.mulf %convert_element_type3A_317, %mul3A_319 : vector<16xf32>
        %convert_element_type3A_321 = arith.fptosi %mul3A_320 : vector<16xf32> to vector<16xi32>
        %mul3A_322 = arith.constant 1000 : i32
        %mul3A_323 = vector.broadcast %mul3A_322 : i32 to vector<16xi32>
        %mul3A_324 = arith.muli %convert_element_type3A_321, %mul3A_323 : vector<16xi32>
        %sub3A_325 = arith.subi %get3A_316, %mul3A_324 : vector<16xi32>
        %lt3A_326 = arith.constant 0 : i32
        %lt3A_327 = vector.broadcast %lt3A_326 : i32 to vector<16xi32>
        %lt3A_328 = arith.cmpi slt, %sub3A_325, %lt3A_327 : vector<16xi32>
        %sub3A_329 = arith.constant 1 : i32
        %sub3A_330 = vector.broadcast %sub3A_329 : i32 to vector<16xi32>
        %sub3A_331 = arith.subi %convert_element_type3A_321, %sub3A_330 : vector<16xi32>
        %select_n3A_332 = arith.select %lt3A_328, %sub3A_331, %convert_element_type3A_321 : vector<16xi1>, vector<16xi32>
        %lt3A_333 = arith.constant 0 : i32
        %lt3A_334 = vector.broadcast %lt3A_333 : i32 to vector<16xi32>
        %lt3A_335 = arith.cmpi slt, %sub3A_325, %lt3A_334 : vector<16xi32>
        %add3A_336 = arith.constant 1000 : i32
        %add3A_337 = vector.broadcast %add3A_336 : i32 to vector<16xi32>
        %add3A_338 = arith.addi %sub3A_325, %add3A_337 : vector<16xi32>
        %select_n3A_339 = arith.select %lt3A_335, %add3A_338, %sub3A_325 : vector<16xi1>, vector<16xi32>
        %ge3A_340 = arith.constant 1000 : i32
        %ge3A_341 = vector.broadcast %ge3A_340 : i32 to vector<16xi32>
        %ge3A_342 = arith.cmpi sge, %select_n3A_339, %ge3A_341 : vector<16xi32>
        %add3A_343 = arith.constant 1 : i32
        %add3A_344 = vector.broadcast %add3A_343 : i32 to vector<16xi32>
        %add3A_345 = arith.addi %select_n3A_332, %add3A_344 : vector<16xi32>
        %select_n3A_346 = arith.select %ge3A_342, %add3A_345, %select_n3A_332 : vector<16xi1>, vector<16xi32>
        %ge3A_347 = arith.constant 1000 : i32
        %ge3A_348 = vector.broadcast %ge3A_347 : i32 to vector<16xi32>
        %ge3A_349 = arith.cmpi sge, %select_n3A_339, %ge3A_348 : vector<16xi32>
        %sub3A_350 = arith.constant 1000 : i32
        %sub3A_351 = vector.broadcast %sub3A_350 : i32 to vector<16xi32>
        %sub3A_352 = arith.subi %select_n3A_339, %sub3A_351 : vector<16xi32>
        %select_n3A_353 = arith.select %ge3A_349, %sub3A_352, %select_n3A_339 : vector<16xi1>, vector<16xi32>
        %mul3A_354 = arith.constant 2097152 : i32
        %mul3A_355 = vector.broadcast %mul3A_354 : i32 to vector<16xi32>
        %mul3A_356 = arith.muli %select_n3A_346, %mul3A_355 : vector<16xi32>
        %mul3A_357 = arith.constant 32 : i32
        %mul3A_358 = vector.broadcast %mul3A_357 : i32 to vector<16xi32>
        %mul3A_359 = arith.muli %select_n3A_353, %mul3A_358 : vector<16xi32>
        %add3A_360 = arith.addi %mul3A_356, %mul3A_359 : vector<16xi32>
        %broadcast_in_dim3A = arith.constant 0.000000e+00 : f32
        %broadcast_in_dim3A_361 = vector.broadcast %broadcast_in_dim3A : f32 to vector<16xf32>
        %broadcast_in_dim3A_362 = arith.constant 0.000000e+00 : f32
        %broadcast_in_dim3A_363 = vector.broadcast %broadcast_in_dim3A_362 : f32 to vector<16xf32>
        %broadcast_in_dim3A_364 = arith.constant 0.000000e+00 : f32
        %broadcast_in_dim3A_365 = vector.broadcast %broadcast_in_dim3A_364 : f32 to vector<16xf32>
        %broadcast_in_dim3A_366 = arith.constant 0.000000e+00 : f32
        %broadcast_in_dim3A_367 = vector.broadcast %broadcast_in_dim3A_366 : f32 to vector<16xf32>
        %slice3A = vector.extract_strided_slice %add3A_164 {offsets = [0], sizes = [1], strides = [1]} : vector<16xi32> to vector<1xi32>
        %squeeze3A = vector.extract %slice3A[0] : i32 from vector<1xi32>
        %shift_right_logical3A = arith.constant 16 : i32
        %shift_right_logical3A_368 = arith.shrui %squeeze3A, %shift_right_logical3A : i32
        %and3A_369 = arith.constant 65535 : i32
        %and3A_370 = arith.andi %squeeze3A, %and3A_369 : i32
        %get3A_371 = arith.index_cast %shift_right_logical3A_368 : i32 to index
        %get3A_372 = tpu.vector_load %arg6[%get3A_371] {strides = array<i32>} : memref<32000xf32, #tpu.memory_space<vmem>>, vector<16xf32>,
        %get3A_373 = vector.shape_cast %get3A_372 : vector<16xf32> to vector<16xf32>
        %add3A_374 = arith.addf %broadcast_in_dim3A_361, %get3A_373 : vector<16xf32>
        %add3A_375 = arith.constant 16 : i32
        %add3A_376 = arith.addi %shift_right_logical3A_368, %add3A_375 : i32
        %get3A_377 = arith.index_cast %add3A_376 : i32 to index
        %get3A_378 = tpu.vector_load %arg6[%get3A_377] {strides = array<i32>} : memref<32000xf32, #tpu.memory_space<vmem>>, vector<16xf32>,
        %get3A_379 = vector.shape_cast %get3A_378 : vector<16xf32> to vector<16xf32>
        %add3A_380 = arith.addf %broadcast_in_dim3A_363, %get3A_379 : vector<16xf32>
        %get3A_381 = arith.index_cast %and3A_370 : i32 to index
        %get3A_382 = tpu.vector_load %arg7[%get3A_381] {strides = array<i32>} : memref<32000xf32, #tpu.memory_space<vmem>>, vector<16xf32>,
        %get3A_383 = vector.shape_cast %get3A_382 : vector<16xf32> to vector<16xf32>
        %add3A_384 = arith.addf %broadcast_in_dim3A_365, %get3A_383 : vector<16xf32>
        %add3A_385 = arith.constant 16 : i32
        %add3A_386 = arith.addi %and3A_370, %add3A_385 : i32
        %get3A_387 = arith.index_cast %add3A_386 : i32 to index
        %get3A_388 = tpu.vector_load %arg7[%get3A_387] {strides = array<i32>} : memref<32000xf32, #tpu.memory_space<vmem>>, vector<16xf32>,
        %get3A_389 = vector.shape_cast %get3A_388 : vector<16xf32> to vector<16xf32>
        %add3A_390 = arith.addf %broadcast_in_dim3A_367, %get3A_389 : vector<16xf32>
        %slice3A_391 = vector.extract_strided_slice %add3A_164 {offsets = [1], sizes = [1], strides = [1]} : vector<16xi32> to vector<1xi32>
        %squeeze3A_392 = vector.extract %slice3A_391[0] : i32 from vector<1xi32>
        %shift_right_logical3A_393 = arith.constant 16 : i32
        %shift_right_logical3A_394 = arith.shrui %squeeze3A_392, %shift_right_logical3A_393 : i32
        %and3A_395 = arith.constant 65535 : i32
        %and3A_396 = arith.andi %squeeze3A_392, %and3A_395 : i32
        %get3A_397 = arith.index_cast %shift_right_logical3A_394 : i32 to index
        %get3A_398 = tpu.vector_load %arg6[%get3A_397] {strides = array<i32>} : memref<32000xf32, #tpu.memory_space<vmem>>, vector<16xf32>,
        %get3A_399 = vector.shape_cast %get3A_398 : vector<16xf32> to vector<16xf32>
        %add3A_400 = arith.addf %add3A_374, %get3A_399 : vector<16xf32>
        %add3A_401 = arith.constant 16 : i32
        %add3A_402 = arith.addi %shift_right_logical3A_394, %add3A_401 : i32
        %get3A_403 = arith.index_cast %add3A_402 : i32 to index
        %get3A_404 = tpu.vector_load %arg6[%get3A_403] {strides = array<i32>} : memref<32000xf32, #tpu.memory_space<vmem>>, vector<16xf32>,
        %get3A_405 = vector.shape_cast %get3A_404 : vector<16xf32> to vector<16xf32>
        %add3A_406 = arith.addf %add3A_380, %get3A_405 : vector<16xf32>
        %get3A_407 = arith.index_cast %and3A_396 : i32 to index
        %get3A_408 = tpu.vector_load %arg7[%get3A_407] {strides = array<i32>} : memref<32000xf32, #tpu.memory_space<vmem>>, vector<16xf32>,
        %get3A_409 = vector.shape_cast %get3A_408 : vector<16xf32> to vector<16xf32>
        %add3A_410 = arith.addf %add3A_384, %get3A_409 : vector<16xf32>
        %add3A_411 = arith.constant 16 : i32
        %add3A_412 = arith.addi %and3A_396, %add3A_411 : i32
        %get3A_413 = arith.index_cast %add3A_412 : i32 to index
        %get3A_414 = tpu.vector_load %arg7[%get3A_413] {strides = array<i32>} : memref<32000xf32, #tpu.memory_space<vmem>>, vector<16xf32>,
        %get3A_415 = vector.shape_cast %get3A_414 : vector<16xf32> to vector<16xf32>
        %add3A_416 = arith.addf %add3A_390, %get3A_415 : vector<16xf32>
        %slice3A_417 = vector.extract_strided_slice %add3A_164 {offsets = [2], sizes = [1], strides = [1]} : vector<16xi32> to vector<1xi32>
        %squeeze3A_418 = vector.extract %slice3A_417[0] : i32 from vector<1xi32>
        %shift_right_logical3A_419 = arith.constant 16 : i32
        %shift_right_logical3A_420 = arith.shrui %squeeze3A_418, %shift_right_logical3A_419 : i32
        %and3A_421 = arith.constant 65535 : i32
        %and3A_422 = arith.andi %squeeze3A_418, %and3A_421 : i32
        %get3A_423 = arith.index_cast %shift_right_logical3A_420 : i32 to index
        %get3A_424 = tpu.vector_load %arg6[%get3A_423] {strides = array<i32>} : memref<32000xf32, #tpu.memory_space<vmem>>, vector<16xf32>,
        %get3A_425 = vector.shape_cast %get3A_424 : vector<16xf32> to vector<16xf32>
        %add3A_426 = arith.addf %add3A_400, %get3A_425 : vector<16xf32>
        %add3A_427 = arith.constant 16 : i32
        %add3A_428 = arith.addi %shift_right_logical3A_420, %add3A_427 : i32
        %get3A_429 = arith.index_cast %add3A_428 : i32 to index
        %get3A_430 = tpu.vector_load %arg6[%get3A_429] {strides = array<i32>} : memref<32000xf32, #tpu.memory_space<vmem>>, vector<16xf32>,
        %get3A_431 = vector.shape_cast %get3A_430 : vector<16xf32> to vector<16xf32>
        %add3A_432 = arith.addf %add3A_406, %get3A_431 : vector<16xf32>
        %get3A_433 = arith.index_cast %and3A_422 : i32 to index
        %get3A_434 = tpu.vector_load %arg7[%get3A_433] {strides = array<i32>} : memref<32000xf32, #tpu.memory_space<vmem>>, vector<16xf32>,
        %get3A_435 = vector.shape_cast %get3A_434 : vector<16xf32> to vector<16xf32>
        %add3A_436 = arith.addf %add3A_410, %get3A_435 : vector<16xf32>
        %add3A_437 = arith.constant 16 : i32
        %add3A_438 = arith.addi %and3A_422, %add3A_437 : i32
        %get3A_439 = arith.index_cast %add3A_438 : i32 to index
        %get3A_440 = tpu.vector_load %arg7[%get3A_439] {strides = array<i32>} : memref<32000xf32, #tpu.memory_space<vmem>>, vector<16xf32>,
        %get3A_441 = vector.shape_cast %get3A_440 : vector<16xf32> to vector<16xf32>
        %add3A_442 = arith.addf %add3A_416, %get3A_441 : vector<16xf32>
        %slice3A_443 = vector.extract_strided_slice %add3A_164 {offsets = [3], sizes = [1], strides = [1]} : vector<16xi32> to vector<1xi32>
        %squeeze3A_444 = vector.extract %slice3A_443[0] : i32 from vector<1xi32>
        %shift_right_logical3A_445 = arith.constant 16 : i32
        %shift_right_logical3A_446 = arith.shrui %squeeze3A_444, %shift_right_logical3A_445 : i32
        %and3A_447 = arith.constant 65535 : i32
        %and3A_448 = arith.andi %squeeze3A_444, %and3A_447 : i32
        %get3A_449 = arith.index_cast %shift_right_logical3A_446 : i32 to index
        %get3A_450 = tpu.vector_load %arg6[%get3A_449] {strides = array<i32>} : memref<32000xf32, #tpu.memory_space<vmem>>, vector<16xf32>,
        %get3A_451 = vector.shape_cast %get3A_450 : vector<16xf32> to vector<16xf32>
        %add3A_452 = arith.addf %add3A_426, %get3A_451 : vector<16xf32>
        %add3A_453 = arith.constant 16 : i32
        %add3A_454 = arith.addi %shift_right_logical3A_446, %add3A_453 : i32
        %get3A_455 = arith.index_cast %add3A_454 : i32 to index
        %get3A_456 = tpu.vector_load %arg6[%get3A_455] {strides = array<i32>} : memref<32000xf32, #tpu.memory_space<vmem>>, vector<16xf32>,
        %get3A_457 = vector.shape_cast %get3A_456 : vector<16xf32> to vector<16xf32>
        %add3A_458 = arith.addf %add3A_432, %get3A_457 : vector<16xf32>
        %get3A_459 = arith.index_cast %and3A_448 : i32 to index
        %get3A_460 = tpu.vector_load %arg7[%get3A_459] {strides = array<i32>} : memref<32000xf32, #tpu.memory_space<vmem>>, vector<16xf32>,
        %get3A_461 = vector.shape_cast %get3A_460 : vector<16xf32> to vector<16xf32>
        %add3A_462 = arith.addf %add3A_436, %get3A_461 : vector<16xf32>
        %add3A_463 = arith.constant 16 : i32
        %add3A_464 = arith.addi %and3A_448, %add3A_463 : i32
        %get3A_465 = arith.index_cast %add3A_464 : i32 to index
        %get3A_466 = tpu.vector_load %arg7[%get3A_465] {strides = array<i32>} : memref<32000xf32, #tpu.memory_space<vmem>>, vector<16xf32>,
        %get3A_467 = vector.shape_cast %get3A_466 : vector<16xf32> to vector<16xf32>
        %add3A_468 = arith.addf %add3A_442, %get3A_467 : vector<16xf32>
        %slice3A_469 = vector.extract_strided_slice %add3A_164 {offsets = [4], sizes = [1], strides = [1]} : vector<16xi32> to vector<1xi32>
        %squeeze3A_470 = vector.extract %slice3A_469[0] : i32 from vector<1xi32>
        %shift_right_logical3A_471 = arith.constant 16 : i32
        %shift_right_logical3A_472 = arith.shrui %squeeze3A_470, %shift_right_logical3A_471 : i32
        %and3A_473 = arith.constant 65535 : i32
        %and3A_474 = arith.andi %squeeze3A_470, %and3A_473 : i32
        %get3A_475 = arith.index_cast %shift_right_logical3A_472 : i32 to index
        %get3A_476 = tpu.vector_load %arg6[%get3A_475] {strides = array<i32>} : memref<32000xf32, #tpu.memory_space<vmem>>, vector<16xf32>,
        %get3A_477 = vector.shape_cast %get3A_476 : vector<16xf32> to vector<16xf32>
        %add3A_478 = arith.addf %add3A_452, %get3A_477 : vector<16xf32>
        %add3A_479 = arith.constant 16 : i32
        %add3A_480 = arith.addi %shift_right_logical3A_472, %add3A_479 : i32
        %get3A_481 = arith.index_cast %add3A_480 : i32 to index
        %get3A_482 = tpu.vector_load %arg6[%get3A_481] {strides = array<i32>} : memref<32000xf32, #tpu.memory_space<vmem>>, vector<16xf32>,
        %get3A_483 = vector.shape_cast %get3A_482 : vector<16xf32> to vector<16xf32>
        %add3A_484 = arith.addf %add3A_458, %get3A_483 : vector<16xf32>
        %get3A_485 = arith.index_cast %and3A_474 : i32 to index
        %get3A_486 = tpu.vector_load %arg7[%get3A_485] {strides = array<i32>} : memref<32000xf32, #tpu.memory_space<vmem>>, vector<16xf32>,
        %get3A_487 = vector.shape_cast %get3A_486 : vector<16xf32> to vector<16xf32>
        %add3A_488 = arith.addf %add3A_462, %get3A_487 : vector<16xf32>
        %add3A_489 = arith.constant 16 : i32
        %add3A_490 = arith.addi %and3A_474, %add3A_489 : i32
        %get3A_491 = arith.index_cast %add3A_490 : i32 to index
        %get3A_492 = tpu.vector_load %arg7[%get3A_491] {strides = array<i32>} : memref<32000xf32, #tpu.memory_space<vmem>>, vector<16xf32>,
        %get3A_493 = vector.shape_cast %get3A_492 : vector<16xf32> to vector<16xf32>
        %add3A_494 = arith.addf %add3A_468, %get3A_493 : vector<16xf32>
        %slice3A_495 = vector.extract_strided_slice %add3A_164 {offsets = [5], sizes = [1], strides = [1]} : vector<16xi32> to vector<1xi32>
        %squeeze3A_496 = vector.extract %slice3A_495[0] : i32 from vector<1xi32>
        %shift_right_logical3A_497 = arith.constant 16 : i32
        %shift_right_logical3A_498 = arith.shrui %squeeze3A_496, %shift_right_logical3A_497 : i32
        %and3A_499 = arith.constant 65535 : i32
        %and3A_500 = arith.andi %squeeze3A_496, %and3A_499 : i32
        %get3A_501 = arith.index_cast %shift_right_logical3A_498 : i32 to index
        %get3A_502 = tpu.vector_load %arg6[%get3A_501] {strides = array<i32>} : memref<32000xf32, #tpu.memory_space<vmem>>, vector<16xf32>,
        %get3A_503 = vector.shape_cast %get3A_502 : vector<16xf32> to vector<16xf32>
        %add3A_504 = arith.addf %add3A_478, %get3A_503 : vector<16xf32>
        %add3A_505 = arith.constant 16 : i32
        %add3A_506 = arith.addi %shift_right_logical3A_498, %add3A_505 : i32
        %get3A_507 = arith.index_cast %add3A_506 : i32 to index
        %get3A_508 = tpu.vector_load %arg6[%get3A_507] {strides = array<i32>} : memref<32000xf32, #tpu.memory_space<vmem>>, vector<16xf32>,
        %get3A_509 = vector.shape_cast %get3A_508 : vector<16xf32> to vector<16xf32>
        %add3A_510 = arith.addf %add3A_484, %get3A_509 : vector<16xf32>
        %get3A_511 = arith.index_cast %and3A_500 : i32 to index
        %get3A_512 = tpu.vector_load %arg7[%get3A_511] {strides = array<i32>} : memref<32000xf32, #tpu.memory_space<vmem>>, vector<16xf32>,
        %get3A_513 = vector.shape_cast %get3A_512 : vector<16xf32> to vector<16xf32>
        %add3A_514 = arith.addf %add3A_488, %get3A_513 : vector<16xf32>
        %add3A_515 = arith.constant 16 : i32
        %add3A_516 = arith.addi %and3A_500, %add3A_515 : i32
        %get3A_517 = arith.index_cast %add3A_516 : i32 to index
        %get3A_518 = tpu.vector_load %arg7[%get3A_517] {strides = array<i32>} : memref<32000xf32, #tpu.memory_space<vmem>>, vector<16xf32>,
        %get3A_519 = vector.shape_cast %get3A_518 : vector<16xf32> to vector<16xf32>
        %add3A_520 = arith.addf %add3A_494, %get3A_519 : vector<16xf32>
        %slice3A_521 = vector.extract_strided_slice %add3A_164 {offsets = [6], sizes = [1], strides = [1]} : vector<16xi32> to vector<1xi32>
        %squeeze3A_522 = vector.extract %slice3A_521[0] : i32 from vector<1xi32>
        %shift_right_logical3A_523 = arith.constant 16 : i32
        %shift_right_logical3A_524 = arith.shrui %squeeze3A_522, %shift_right_logical3A_523 : i32
        %and3A_525 = arith.constant 65535 : i32
        %and3A_526 = arith.andi %squeeze3A_522, %and3A_525 : i32
        %get3A_527 = arith.index_cast %shift_right_logical3A_524 : i32 to index
        %get3A_528 = tpu.vector_load %arg6[%get3A_527] {strides = array<i32>} : memref<32000xf32, #tpu.memory_space<vmem>>, vector<16xf32>,
        %get3A_529 = vector.shape_cast %get3A_528 : vector<16xf32> to vector<16xf32>
        %add3A_530 = arith.addf %add3A_504, %get3A_529 : vector<16xf32>
        %add3A_531 = arith.constant 16 : i32
        %add3A_532 = arith.addi %shift_right_logical3A_524, %add3A_531 : i32
        %get3A_533 = arith.index_cast %add3A_532 : i32 to index
        %get3A_534 = tpu.vector_load %arg6[%get3A_533] {strides = array<i32>} : memref<32000xf32, #tpu.memory_space<vmem>>, vector<16xf32>,
        %get3A_535 = vector.shape_cast %get3A_534 : vector<16xf32> to vector<16xf32>
        %add3A_536 = arith.addf %add3A_510, %get3A_535 : vector<16xf32>
        %get3A_537 = arith.index_cast %and3A_526 : i32 to index
        %get3A_538 = tpu.vector_load %arg7[%get3A_537] {strides = array<i32>} : memref<32000xf32, #tpu.memory_space<vmem>>, vector<16xf32>,
        %get3A_539 = vector.shape_cast %get3A_538 : vector<16xf32> to vector<16xf32>
        %add3A_540 = arith.addf %add3A_514, %get3A_539 : vector<16xf32>
        %add3A_541 = arith.constant 16 : i32
        %add3A_542 = arith.addi %and3A_526, %add3A_541 : i32
        %get3A_543 = arith.index_cast %add3A_542 : i32 to index
        %get3A_544 = tpu.vector_load %arg7[%get3A_543] {strides = array<i32>} : memref<32000xf32, #tpu.memory_space<vmem>>, vector<16xf32>,
        %get3A_545 = vector.shape_cast %get3A_544 : vector<16xf32> to vector<16xf32>
        %add3A_546 = arith.addf %add3A_520, %get3A_545 : vector<16xf32>
        %slice3A_547 = vector.extract_strided_slice %add3A_164 {offsets = [7], sizes = [1], strides = [1]} : vector<16xi32> to vector<1xi32>
        %squeeze3A_548 = vector.extract %slice3A_547[0] : i32 from vector<1xi32>
        %shift_right_logical3A_549 = arith.constant 16 : i32
        %shift_right_logical3A_550 = arith.shrui %squeeze3A_548, %shift_right_logical3A_549 : i32
        %and3A_551 = arith.constant 65535 : i32
        %and3A_552 = arith.andi %squeeze3A_548, %and3A_551 : i32
        %get3A_553 = arith.index_cast %shift_right_logical3A_550 : i32 to index
        %get3A_554 = tpu.vector_load %arg6[%get3A_553] {strides = array<i32>} : memref<32000xf32, #tpu.memory_space<vmem>>, vector<16xf32>,
        %get3A_555 = vector.shape_cast %get3A_554 : vector<16xf32> to vector<16xf32>
        %add3A_556 = arith.addf %add3A_530, %get3A_555 : vector<16xf32>
        %add3A_557 = arith.constant 16 : i32
        %add3A_558 = arith.addi %shift_right_logical3A_550, %add3A_557 : i32
        %get3A_559 = arith.index_cast %add3A_558 : i32 to index
        %get3A_560 = tpu.vector_load %arg6[%get3A_559] {strides = array<i32>} : memref<32000xf32, #tpu.memory_space<vmem>>, vector<16xf32>,
        %get3A_561 = vector.shape_cast %get3A_560 : vector<16xf32> to vector<16xf32>
        %add3A_562 = arith.addf %add3A_536, %get3A_561 : vector<16xf32>
        %get3A_563 = arith.index_cast %and3A_552 : i32 to index
        %get3A_564 = tpu.vector_load %arg7[%get3A_563] {strides = array<i32>} : memref<32000xf32, #tpu.memory_space<vmem>>, vector<16xf32>,
        %get3A_565 = vector.shape_cast %get3A_564 : vector<16xf32> to vector<16xf32>
        %add3A_566 = arith.addf %add3A_540, %get3A_565 : vector<16xf32>
        %add3A_567 = arith.constant 16 : i32
        %add3A_568 = arith.addi %and3A_552, %add3A_567 : i32
        %get3A_569 = arith.index_cast %add3A_568 : i32 to index
        %get3A_570 = tpu.vector_load %arg7[%get3A_569] {strides = array<i32>} : memref<32000xf32, #tpu.memory_space<vmem>>, vector<16xf32>,
        %get3A_571 = vector.shape_cast %get3A_570 : vector<16xf32> to vector<16xf32>
        %add3A_572 = arith.addf %add3A_546, %get3A_571 : vector<16xf32>
        %slice3A_573 = vector.extract_strided_slice %add3A_164 {offsets = [8], sizes = [1], strides = [1]} : vector<16xi32> to vector<1xi32>
        %squeeze3A_574 = vector.extract %slice3A_573[0] : i32 from vector<1xi32>
        %shift_right_logical3A_575 = arith.constant 16 : i32
        %shift_right_logical3A_576 = arith.shrui %squeeze3A_574, %shift_right_logical3A_575 : i32
        %and3A_577 = arith.constant 65535 : i32
        %and3A_578 = arith.andi %squeeze3A_574, %and3A_577 : i32
        %get3A_579 = arith.index_cast %shift_right_logical3A_576 : i32 to index
        %get3A_580 = tpu.vector_load %arg6[%get3A_579] {strides = array<i32>} : memref<32000xf32, #tpu.memory_space<vmem>>, vector<16xf32>,
        %get3A_581 = vector.shape_cast %get3A_580 : vector<16xf32> to vector<16xf32>
        %add3A_582 = arith.addf %add3A_556, %get3A_581 : vector<16xf32>
        %add3A_583 = arith.constant 16 : i32
        %add3A_584 = arith.addi %shift_right_logical3A_576, %add3A_583 : i32
        %get3A_585 = arith.index_cast %add3A_584 : i32 to index
        %get3A_586 = tpu.vector_load %arg6[%get3A_585] {strides = array<i32>} : memref<32000xf32, #tpu.memory_space<vmem>>, vector<16xf32>,
        %get3A_587 = vector.shape_cast %get3A_586 : vector<16xf32> to vector<16xf32>
        %add3A_588 = arith.addf %add3A_562, %get3A_587 : vector<16xf32>
        %get3A_589 = arith.index_cast %and3A_578 : i32 to index
        %get3A_590 = tpu.vector_load %arg7[%get3A_589] {strides = array<i32>} : memref<32000xf32, #tpu.memory_space<vmem>>, vector<16xf32>,
        %get3A_591 = vector.shape_cast %get3A_590 : vector<16xf32> to vector<16xf32>
        %add3A_592 = arith.addf %add3A_566, %get3A_591 : vector<16xf32>
        %add3A_593 = arith.constant 16 : i32
        %add3A_594 = arith.addi %and3A_578, %add3A_593 : i32
        %get3A_595 = arith.index_cast %add3A_594 : i32 to index
        %get3A_596 = tpu.vector_load %arg7[%get3A_595] {strides = array<i32>} : memref<32000xf32, #tpu.memory_space<vmem>>, vector<16xf32>,
        %get3A_597 = vector.shape_cast %get3A_596 : vector<16xf32> to vector<16xf32>
        %add3A_598 = arith.addf %add3A_572, %get3A_597 : vector<16xf32>
        %slice3A_599 = vector.extract_strided_slice %add3A_164 {offsets = [9], sizes = [1], strides = [1]} : vector<16xi32> to vector<1xi32>
        %squeeze3A_600 = vector.extract %slice3A_599[0] : i32 from vector<1xi32>
        %shift_right_logical3A_601 = arith.constant 16 : i32
        %shift_right_logical3A_602 = arith.shrui %squeeze3A_600, %shift_right_logical3A_601 : i32
        %and3A_603 = arith.constant 65535 : i32
        %and3A_604 = arith.andi %squeeze3A_600, %and3A_603 : i32
        %get3A_605 = arith.index_cast %shift_right_logical3A_602 : i32 to index
        %get3A_606 = tpu.vector_load %arg6[%get3A_605] {strides = array<i32>} : memref<32000xf32, #tpu.memory_space<vmem>>, vector<16xf32>,
        %get3A_607 = vector.shape_cast %get3A_606 : vector<16xf32> to vector<16xf32>
        %add3A_608 = arith.addf %add3A_582, %get3A_607 : vector<16xf32>
        %add3A_609 = arith.constant 16 : i32
        %add3A_610 = arith.addi %shift_right_logical3A_602, %add3A_609 : i32
        %get3A_611 = arith.index_cast %add3A_610 : i32 to index
        %get3A_612 = tpu.vector_load %arg6[%get3A_611] {strides = array<i32>} : memref<32000xf32, #tpu.memory_space<vmem>>, vector<16xf32>,
        %get3A_613 = vector.shape_cast %get3A_612 : vector<16xf32> to vector<16xf32>
        %add3A_614 = arith.addf %add3A_588, %get3A_613 : vector<16xf32>
        %get3A_615 = arith.index_cast %and3A_604 : i32 to index
        %get3A_616 = tpu.vector_load %arg7[%get3A_615] {strides = array<i32>} : memref<32000xf32, #tpu.memory_space<vmem>>, vector<16xf32>,
        %get3A_617 = vector.shape_cast %get3A_616 : vector<16xf32> to vector<16xf32>
        %add3A_618 = arith.addf %add3A_592, %get3A_617 : vector<16xf32>
        %add3A_619 = arith.constant 16 : i32
        %add3A_620 = arith.addi %and3A_604, %add3A_619 : i32
        %get3A_621 = arith.index_cast %add3A_620 : i32 to index
        %get3A_622 = tpu.vector_load %arg7[%get3A_621] {strides = array<i32>} : memref<32000xf32, #tpu.memory_space<vmem>>, vector<16xf32>,
        %get3A_623 = vector.shape_cast %get3A_622 : vector<16xf32> to vector<16xf32>
        %add3A_624 = arith.addf %add3A_598, %get3A_623 : vector<16xf32>
        %slice3A_625 = vector.extract_strided_slice %add3A_164 {offsets = [10], sizes = [1], strides = [1]} : vector<16xi32> to vector<1xi32>
        %squeeze3A_626 = vector.extract %slice3A_625[0] : i32 from vector<1xi32>
        %shift_right_logical3A_627 = arith.constant 16 : i32
        %shift_right_logical3A_628 = arith.shrui %squeeze3A_626, %shift_right_logical3A_627 : i32
        %and3A_629 = arith.constant 65535 : i32
        %and3A_630 = arith.andi %squeeze3A_626, %and3A_629 : i32
        %get3A_631 = arith.index_cast %shift_right_logical3A_628 : i32 to index
        %get3A_632 = tpu.vector_load %arg6[%get3A_631] {strides = array<i32>} : memref<32000xf32, #tpu.memory_space<vmem>>, vector<16xf32>,
        %get3A_633 = vector.shape_cast %get3A_632 : vector<16xf32> to vector<16xf32>
        %add3A_634 = arith.addf %add3A_608, %get3A_633 : vector<16xf32>
        %add3A_635 = arith.constant 16 : i32
        %add3A_636 = arith.addi %shift_right_logical3A_628, %add3A_635 : i32
        %get3A_637 = arith.index_cast %add3A_636 : i32 to index
        %get3A_638 = tpu.vector_load %arg6[%get3A_637] {strides = array<i32>} : memref<32000xf32, #tpu.memory_space<vmem>>, vector<16xf32>,
        %get3A_639 = vector.shape_cast %get3A_638 : vector<16xf32> to vector<16xf32>
        %add3A_640 = arith.addf %add3A_614, %get3A_639 : vector<16xf32>
        %get3A_641 = arith.index_cast %and3A_630 : i32 to index
        %get3A_642 = tpu.vector_load %arg7[%get3A_641] {strides = array<i32>} : memref<32000xf32, #tpu.memory_space<vmem>>, vector<16xf32>,
        %get3A_643 = vector.shape_cast %get3A_642 : vector<16xf32> to vector<16xf32>
        %add3A_644 = arith.addf %add3A_618, %get3A_643 : vector<16xf32>
        %add3A_645 = arith.constant 16 : i32
        %add3A_646 = arith.addi %and3A_630, %add3A_645 : i32
        %get3A_647 = arith.index_cast %add3A_646 : i32 to index
        %get3A_648 = tpu.vector_load %arg7[%get3A_647] {strides = array<i32>} : memref<32000xf32, #tpu.memory_space<vmem>>, vector<16xf32>,
        %get3A_649 = vector.shape_cast %get3A_648 : vector<16xf32> to vector<16xf32>
        %add3A_650 = arith.addf %add3A_624, %get3A_649 : vector<16xf32>
        %slice3A_651 = vector.extract_strided_slice %add3A_164 {offsets = [11], sizes = [1], strides = [1]} : vector<16xi32> to vector<1xi32>
        %squeeze3A_652 = vector.extract %slice3A_651[0] : i32 from vector<1xi32>
        %shift_right_logical3A_653 = arith.constant 16 : i32
        %shift_right_logical3A_654 = arith.shrui %squeeze3A_652, %shift_right_logical3A_653 : i32
        %and3A_655 = arith.constant 65535 : i32
        %and3A_656 = arith.andi %squeeze3A_652, %and3A_655 : i32
        %get3A_657 = arith.index_cast %shift_right_logical3A_654 : i32 to index
        %get3A_658 = tpu.vector_load %arg6[%get3A_657] {strides = array<i32>} : memref<32000xf32, #tpu.memory_space<vmem>>, vector<16xf32>,
        %get3A_659 = vector.shape_cast %get3A_658 : vector<16xf32> to vector<16xf32>
        %add3A_660 = arith.addf %add3A_634, %get3A_659 : vector<16xf32>
        %add3A_661 = arith.constant 16 : i32
        %add3A_662 = arith.addi %shift_right_logical3A_654, %add3A_661 : i32
        %get3A_663 = arith.index_cast %add3A_662 : i32 to index
        %get3A_664 = tpu.vector_load %arg6[%get3A_663] {strides = array<i32>} : memref<32000xf32, #tpu.memory_space<vmem>>, vector<16xf32>,
        %get3A_665 = vector.shape_cast %get3A_664 : vector<16xf32> to vector<16xf32>
        %add3A_666 = arith.addf %add3A_640, %get3A_665 : vector<16xf32>
        %get3A_667 = arith.index_cast %and3A_656 : i32 to index
        %get3A_668 = tpu.vector_load %arg7[%get3A_667] {strides = array<i32>} : memref<32000xf32, #tpu.memory_space<vmem>>, vector<16xf32>,
        %get3A_669 = vector.shape_cast %get3A_668 : vector<16xf32> to vector<16xf32>
        %add3A_670 = arith.addf %add3A_644, %get3A_669 : vector<16xf32>
        %add3A_671 = arith.constant 16 : i32
        %add3A_672 = arith.addi %and3A_656, %add3A_671 : i32
        %get3A_673 = arith.index_cast %add3A_672 : i32 to index
        %get3A_674 = tpu.vector_load %arg7[%get3A_673] {strides = array<i32>} : memref<32000xf32, #tpu.memory_space<vmem>>, vector<16xf32>,
        %get3A_675 = vector.shape_cast %get3A_674 : vector<16xf32> to vector<16xf32>
        %add3A_676 = arith.addf %add3A_650, %get3A_675 : vector<16xf32>
        %slice3A_677 = vector.extract_strided_slice %add3A_164 {offsets = [12], sizes = [1], strides = [1]} : vector<16xi32> to vector<1xi32>
        %squeeze3A_678 = vector.extract %slice3A_677[0] : i32 from vector<1xi32>
        %shift_right_logical3A_679 = arith.constant 16 : i32
        %shift_right_logical3A_680 = arith.shrui %squeeze3A_678, %shift_right_logical3A_679 : i32
        %and3A_681 = arith.constant 65535 : i32
        %and3A_682 = arith.andi %squeeze3A_678, %and3A_681 : i32
        %get3A_683 = arith.index_cast %shift_right_logical3A_680 : i32 to index
        %get3A_684 = tpu.vector_load %arg6[%get3A_683] {strides = array<i32>} : memref<32000xf32, #tpu.memory_space<vmem>>, vector<16xf32>,
        %get3A_685 = vector.shape_cast %get3A_684 : vector<16xf32> to vector<16xf32>
        %add3A_686 = arith.addf %add3A_660, %get3A_685 : vector<16xf32>
        %add3A_687 = arith.constant 16 : i32
        %add3A_688 = arith.addi %shift_right_logical3A_680, %add3A_687 : i32
        %get3A_689 = arith.index_cast %add3A_688 : i32 to index
        %get3A_690 = tpu.vector_load %arg6[%get3A_689] {strides = array<i32>} : memref<32000xf32, #tpu.memory_space<vmem>>, vector<16xf32>,
        %get3A_691 = vector.shape_cast %get3A_690 : vector<16xf32> to vector<16xf32>
        %add3A_692 = arith.addf %add3A_666, %get3A_691 : vector<16xf32>
        %get3A_693 = arith.index_cast %and3A_682 : i32 to index
        %get3A_694 = tpu.vector_load %arg7[%get3A_693] {strides = array<i32>} : memref<32000xf32, #tpu.memory_space<vmem>>, vector<16xf32>,
        %get3A_695 = vector.shape_cast %get3A_694 : vector<16xf32> to vector<16xf32>
        %add3A_696 = arith.addf %add3A_670, %get3A_695 : vector<16xf32>
        %add3A_697 = arith.constant 16 : i32
        %add3A_698 = arith.addi %and3A_682, %add3A_697 : i32
        %get3A_699 = arith.index_cast %add3A_698 : i32 to index
        %get3A_700 = tpu.vector_load %arg7[%get3A_699] {strides = array<i32>} : memref<32000xf32, #tpu.memory_space<vmem>>, vector<16xf32>,
        %get3A_701 = vector.shape_cast %get3A_700 : vector<16xf32> to vector<16xf32>
        %add3A_702 = arith.addf %add3A_676, %get3A_701 : vector<16xf32>
        %slice3A_703 = vector.extract_strided_slice %add3A_164 {offsets = [13], sizes = [1], strides = [1]} : vector<16xi32> to vector<1xi32>
        %squeeze3A_704 = vector.extract %slice3A_703[0] : i32 from vector<1xi32>
        %shift_right_logical3A_705 = arith.constant 16 : i32
        %shift_right_logical3A_706 = arith.shrui %squeeze3A_704, %shift_right_logical3A_705 : i32
        %and3A_707 = arith.constant 65535 : i32
        %and3A_708 = arith.andi %squeeze3A_704, %and3A_707 : i32
        %get3A_709 = arith.index_cast %shift_right_logical3A_706 : i32 to index
        %get3A_710 = tpu.vector_load %arg6[%get3A_709] {strides = array<i32>} : memref<32000xf32, #tpu.memory_space<vmem>>, vector<16xf32>,
        %get3A_711 = vector.shape_cast %get3A_710 : vector<16xf32> to vector<16xf32>
        %add3A_712 = arith.addf %add3A_686, %get3A_711 : vector<16xf32>
        %add3A_713 = arith.constant 16 : i32
        %add3A_714 = arith.addi %shift_right_logical3A_706, %add3A_713 : i32
        %get3A_715 = arith.index_cast %add3A_714 : i32 to index
        %get3A_716 = tpu.vector_load %arg6[%get3A_715] {strides = array<i32>} : memref<32000xf32, #tpu.memory_space<vmem>>, vector<16xf32>,
        %get3A_717 = vector.shape_cast %get3A_716 : vector<16xf32> to vector<16xf32>
        %add3A_718 = arith.addf %add3A_692, %get3A_717 : vector<16xf32>
        %get3A_719 = arith.index_cast %and3A_708 : i32 to index
        %get3A_720 = tpu.vector_load %arg7[%get3A_719] {strides = array<i32>} : memref<32000xf32, #tpu.memory_space<vmem>>, vector<16xf32>,
        %get3A_721 = vector.shape_cast %get3A_720 : vector<16xf32> to vector<16xf32>
        %add3A_722 = arith.addf %add3A_696, %get3A_721 : vector<16xf32>
        %add3A_723 = arith.constant 16 : i32
        %add3A_724 = arith.addi %and3A_708, %add3A_723 : i32
        %get3A_725 = arith.index_cast %add3A_724 : i32 to index
        %get3A_726 = tpu.vector_load %arg7[%get3A_725] {strides = array<i32>} : memref<32000xf32, #tpu.memory_space<vmem>>, vector<16xf32>,
        %get3A_727 = vector.shape_cast %get3A_726 : vector<16xf32> to vector<16xf32>
        %add3A_728 = arith.addf %add3A_702, %get3A_727 : vector<16xf32>
        %slice3A_729 = vector.extract_strided_slice %add3A_164 {offsets = [14], sizes = [1], strides = [1]} : vector<16xi32> to vector<1xi32>
        %squeeze3A_730 = vector.extract %slice3A_729[0] : i32 from vector<1xi32>
        %shift_right_logical3A_731 = arith.constant 16 : i32
        %shift_right_logical3A_732 = arith.shrui %squeeze3A_730, %shift_right_logical3A_731 : i32
        %and3A_733 = arith.constant 65535 : i32
        %and3A_734 = arith.andi %squeeze3A_730, %and3A_733 : i32
        %get3A_735 = arith.index_cast %shift_right_logical3A_732 : i32 to index
        %get3A_736 = tpu.vector_load %arg6[%get3A_735] {strides = array<i32>} : memref<32000xf32, #tpu.memory_space<vmem>>, vector<16xf32>,
        %get3A_737 = vector.shape_cast %get3A_736 : vector<16xf32> to vector<16xf32>
        %add3A_738 = arith.addf %add3A_712, %get3A_737 : vector<16xf32>
        %add3A_739 = arith.constant 16 : i32
        %add3A_740 = arith.addi %shift_right_logical3A_732, %add3A_739 : i32
        %get3A_741 = arith.index_cast %add3A_740 : i32 to index
        %get3A_742 = tpu.vector_load %arg6[%get3A_741] {strides = array<i32>} : memref<32000xf32, #tpu.memory_space<vmem>>, vector<16xf32>,
        %get3A_743 = vector.shape_cast %get3A_742 : vector<16xf32> to vector<16xf32>
        %add3A_744 = arith.addf %add3A_718, %get3A_743 : vector<16xf32>
        %get3A_745 = arith.index_cast %and3A_734 : i32 to index
        %get3A_746 = tpu.vector_load %arg7[%get3A_745] {strides = array<i32>} : memref<32000xf32, #tpu.memory_space<vmem>>, vector<16xf32>,
        %get3A_747 = vector.shape_cast %get3A_746 : vector<16xf32> to vector<16xf32>
        %add3A_748 = arith.addf %add3A_722, %get3A_747 : vector<16xf32>
        %add3A_749 = arith.constant 16 : i32
        %add3A_750 = arith.addi %and3A_734, %add3A_749 : i32
        %get3A_751 = arith.index_cast %add3A_750 : i32 to index
        %get3A_752 = tpu.vector_load %arg7[%get3A_751] {strides = array<i32>} : memref<32000xf32, #tpu.memory_space<vmem>>, vector<16xf32>,
        %get3A_753 = vector.shape_cast %get3A_752 : vector<16xf32> to vector<16xf32>
        %add3A_754 = arith.addf %add3A_728, %get3A_753 : vector<16xf32>
        %slice3A_755 = vector.extract_strided_slice %add3A_164 {offsets = [15], sizes = [1], strides = [1]} : vector<16xi32> to vector<1xi32>
        %squeeze3A_756 = vector.extract %slice3A_755[0] : i32 from vector<1xi32>
        %shift_right_logical3A_757 = arith.constant 16 : i32
        %shift_right_logical3A_758 = arith.shrui %squeeze3A_756, %shift_right_logical3A_757 : i32
        %and3A_759 = arith.constant 65535 : i32
        %and3A_760 = arith.andi %squeeze3A_756, %and3A_759 : i32
        %get3A_761 = arith.index_cast %shift_right_logical3A_758 : i32 to index
        %get3A_762 = tpu.vector_load %arg6[%get3A_761] {strides = array<i32>} : memref<32000xf32, #tpu.memory_space<vmem>>, vector<16xf32>,
        %get3A_763 = vector.shape_cast %get3A_762 : vector<16xf32> to vector<16xf32>
        %add3A_764 = arith.addf %add3A_738, %get3A_763 : vector<16xf32>
        %add3A_765 = arith.constant 16 : i32
        %add3A_766 = arith.addi %shift_right_logical3A_758, %add3A_765 : i32
        %get3A_767 = arith.index_cast %add3A_766 : i32 to index
        %get3A_768 = tpu.vector_load %arg6[%get3A_767] {strides = array<i32>} : memref<32000xf32, #tpu.memory_space<vmem>>, vector<16xf32>,
        %get3A_769 = vector.shape_cast %get3A_768 : vector<16xf32> to vector<16xf32>
        %add3A_770 = arith.addf %add3A_744, %get3A_769 : vector<16xf32>
        %get3A_771 = arith.index_cast %and3A_760 : i32 to index
        %get3A_772 = tpu.vector_load %arg7[%get3A_771] {strides = array<i32>} : memref<32000xf32, #tpu.memory_space<vmem>>, vector<16xf32>,
        %get3A_773 = vector.shape_cast %get3A_772 : vector<16xf32> to vector<16xf32>
        %add3A_774 = arith.addf %add3A_748, %get3A_773 : vector<16xf32>
        %add3A_775 = arith.constant 16 : i32
        %add3A_776 = arith.addi %and3A_760, %add3A_775 : i32
        %get3A_777 = arith.index_cast %add3A_776 : i32 to index
        %get3A_778 = tpu.vector_load %arg7[%get3A_777] {strides = array<i32>} : memref<32000xf32, #tpu.memory_space<vmem>>, vector<16xf32>,
        %get3A_779 = vector.shape_cast %get3A_778 : vector<16xf32> to vector<16xf32>
        %add3A_780 = arith.addf %add3A_754, %get3A_779 : vector<16xf32>
        %slice3A_781 = vector.extract_strided_slice %add3A_213 {offsets = [0], sizes = [1], strides = [1]} : vector<16xi32> to vector<1xi32>
        %squeeze3A_782 = vector.extract %slice3A_781[0] : i32 from vector<1xi32>
        %shift_right_logical3A_783 = arith.constant 16 : i32
        %shift_right_logical3A_784 = arith.shrui %squeeze3A_782, %shift_right_logical3A_783 : i32
        %and3A_785 = arith.constant 65535 : i32
        %and3A_786 = arith.andi %squeeze3A_782, %and3A_785 : i32
        %get3A_787 = arith.index_cast %shift_right_logical3A_784 : i32 to index
        %get3A_788 = tpu.vector_load %arg6[%get3A_787] {strides = array<i32>} : memref<32000xf32, #tpu.memory_space<vmem>>, vector<16xf32>,
        %get3A_789 = vector.shape_cast %get3A_788 : vector<16xf32> to vector<16xf32>
        %add3A_790 = arith.addf %add3A_764, %get3A_789 : vector<16xf32>
        %add3A_791 = arith.constant 16 : i32
        %add3A_792 = arith.addi %shift_right_logical3A_784, %add3A_791 : i32
        %get3A_793 = arith.index_cast %add3A_792 : i32 to index
        %get3A_794 = tpu.vector_load %arg6[%get3A_793] {strides = array<i32>} : memref<32000xf32, #tpu.memory_space<vmem>>, vector<16xf32>,
        %get3A_795 = vector.shape_cast %get3A_794 : vector<16xf32> to vector<16xf32>
        %add3A_796 = arith.addf %add3A_770, %get3A_795 : vector<16xf32>
        %get3A_797 = arith.index_cast %and3A_786 : i32 to index
        %get3A_798 = tpu.vector_load %arg7[%get3A_797] {strides = array<i32>} : memref<32000xf32, #tpu.memory_space<vmem>>, vector<16xf32>,
        %get3A_799 = vector.shape_cast %get3A_798 : vector<16xf32> to vector<16xf32>
        %add3A_800 = arith.addf %add3A_774, %get3A_799 : vector<16xf32>
        %add3A_801 = arith.constant 16 : i32
        %add3A_802 = arith.addi %and3A_786, %add3A_801 : i32
        %get3A_803 = arith.index_cast %add3A_802 : i32 to index
        %get3A_804 = tpu.vector_load %arg7[%get3A_803] {strides = array<i32>} : memref<32000xf32, #tpu.memory_space<vmem>>, vector<16xf32>,
        %get3A_805 = vector.shape_cast %get3A_804 : vector<16xf32> to vector<16xf32>
        %add3A_806 = arith.addf %add3A_780, %get3A_805 : vector<16xf32>
        %slice3A_807 = vector.extract_strided_slice %add3A_213 {offsets = [1], sizes = [1], strides = [1]} : vector<16xi32> to vector<1xi32>
        %squeeze3A_808 = vector.extract %slice3A_807[0] : i32 from vector<1xi32>
        %shift_right_logical3A_809 = arith.constant 16 : i32
        %shift_right_logical3A_810 = arith.shrui %squeeze3A_808, %shift_right_logical3A_809 : i32
        %and3A_811 = arith.constant 65535 : i32
        %and3A_812 = arith.andi %squeeze3A_808, %and3A_811 : i32
        %get3A_813 = arith.index_cast %shift_right_logical3A_810 : i32 to index
        %get3A_814 = tpu.vector_load %arg6[%get3A_813] {strides = array<i32>} : memref<32000xf32, #tpu.memory_space<vmem>>, vector<16xf32>,
        %get3A_815 = vector.shape_cast %get3A_814 : vector<16xf32> to vector<16xf32>
        %add3A_816 = arith.addf %add3A_790, %get3A_815 : vector<16xf32>
        %add3A_817 = arith.constant 16 : i32
        %add3A_818 = arith.addi %shift_right_logical3A_810, %add3A_817 : i32
        %get3A_819 = arith.index_cast %add3A_818 : i32 to index
        %get3A_820 = tpu.vector_load %arg6[%get3A_819] {strides = array<i32>} : memref<32000xf32, #tpu.memory_space<vmem>>, vector<16xf32>,
        %get3A_821 = vector.shape_cast %get3A_820 : vector<16xf32> to vector<16xf32>
        %add3A_822 = arith.addf %add3A_796, %get3A_821 : vector<16xf32>
        %get3A_823 = arith.index_cast %and3A_812 : i32 to index
        %get3A_824 = tpu.vector_load %arg7[%get3A_823] {strides = array<i32>} : memref<32000xf32, #tpu.memory_space<vmem>>, vector<16xf32>,
        %get3A_825 = vector.shape_cast %get3A_824 : vector<16xf32> to vector<16xf32>
        %add3A_826 = arith.addf %add3A_800, %get3A_825 : vector<16xf32>
        %add3A_827 = arith.constant 16 : i32
        %add3A_828 = arith.addi %and3A_812, %add3A_827 : i32
        %get3A_829 = arith.index_cast %add3A_828 : i32 to index
        %get3A_830 = tpu.vector_load %arg7[%get3A_829] {strides = array<i32>} : memref<32000xf32, #tpu.memory_space<vmem>>, vector<16xf32>,
        %get3A_831 = vector.shape_cast %get3A_830 : vector<16xf32> to vector<16xf32>
        %add3A_832 = arith.addf %add3A_806, %get3A_831 : vector<16xf32>
        %slice3A_833 = vector.extract_strided_slice %add3A_213 {offsets = [2], sizes = [1], strides = [1]} : vector<16xi32> to vector<1xi32>
        %squeeze3A_834 = vector.extract %slice3A_833[0] : i32 from vector<1xi32>
        %shift_right_logical3A_835 = arith.constant 16 : i32
        %shift_right_logical3A_836 = arith.shrui %squeeze3A_834, %shift_right_logical3A_835 : i32
        %and3A_837 = arith.constant 65535 : i32
        %and3A_838 = arith.andi %squeeze3A_834, %and3A_837 : i32
        %get3A_839 = arith.index_cast %shift_right_logical3A_836 : i32 to index
        %get3A_840 = tpu.vector_load %arg6[%get3A_839] {strides = array<i32>} : memref<32000xf32, #tpu.memory_space<vmem>>, vector<16xf32>,
        %get3A_841 = vector.shape_cast %get3A_840 : vector<16xf32> to vector<16xf32>
        %add3A_842 = arith.addf %add3A_816, %get3A_841 : vector<16xf32>
        %add3A_843 = arith.constant 16 : i32
        %add3A_844 = arith.addi %shift_right_logical3A_836, %add3A_843 : i32
        %get3A_845 = arith.index_cast %add3A_844 : i32 to index
        %get3A_846 = tpu.vector_load %arg6[%get3A_845] {strides = array<i32>} : memref<32000xf32, #tpu.memory_space<vmem>>, vector<16xf32>,
        %get3A_847 = vector.shape_cast %get3A_846 : vector<16xf32> to vector<16xf32>
        %add3A_848 = arith.addf %add3A_822, %get3A_847 : vector<16xf32>
        %get3A_849 = arith.index_cast %and3A_838 : i32 to index
        %get3A_850 = tpu.vector_load %arg7[%get3A_849] {strides = array<i32>} : memref<32000xf32, #tpu.memory_space<vmem>>, vector<16xf32>,
        %get3A_851 = vector.shape_cast %get3A_850 : vector<16xf32> to vector<16xf32>
        %add3A_852 = arith.addf %add3A_826, %get3A_851 : vector<16xf32>
        %add3A_853 = arith.constant 16 : i32
        %add3A_854 = arith.addi %and3A_838, %add3A_853 : i32
        %get3A_855 = arith.index_cast %add3A_854 : i32 to index
        %get3A_856 = tpu.vector_load %arg7[%get3A_855] {strides = array<i32>} : memref<32000xf32, #tpu.memory_space<vmem>>, vector<16xf32>,
        %get3A_857 = vector.shape_cast %get3A_856 : vector<16xf32> to vector<16xf32>
        %add3A_858 = arith.addf %add3A_832, %get3A_857 : vector<16xf32>
        %slice3A_859 = vector.extract_strided_slice %add3A_213 {offsets = [3], sizes = [1], strides = [1]} : vector<16xi32> to vector<1xi32>
        %squeeze3A_860 = vector.extract %slice3A_859[0] : i32 from vector<1xi32>
        %shift_right_logical3A_861 = arith.constant 16 : i32
        %shift_right_logical3A_862 = arith.shrui %squeeze3A_860, %shift_right_logical3A_861 : i32
        %and3A_863 = arith.constant 65535 : i32
        %and3A_864 = arith.andi %squeeze3A_860, %and3A_863 : i32
        %get3A_865 = arith.index_cast %shift_right_logical3A_862 : i32 to index
        %get3A_866 = tpu.vector_load %arg6[%get3A_865] {strides = array<i32>} : memref<32000xf32, #tpu.memory_space<vmem>>, vector<16xf32>,
        %get3A_867 = vector.shape_cast %get3A_866 : vector<16xf32> to vector<16xf32>
        %add3A_868 = arith.addf %add3A_842, %get3A_867 : vector<16xf32>
        %add3A_869 = arith.constant 16 : i32
        %add3A_870 = arith.addi %shift_right_logical3A_862, %add3A_869 : i32
        %get3A_871 = arith.index_cast %add3A_870 : i32 to index
        %get3A_872 = tpu.vector_load %arg6[%get3A_871] {strides = array<i32>} : memref<32000xf32, #tpu.memory_space<vmem>>, vector<16xf32>,
        %get3A_873 = vector.shape_cast %get3A_872 : vector<16xf32> to vector<16xf32>
        %add3A_874 = arith.addf %add3A_848, %get3A_873 : vector<16xf32>
        %get3A_875 = arith.index_cast %and3A_864 : i32 to index
        %get3A_876 = tpu.vector_load %arg7[%get3A_875] {strides = array<i32>} : memref<32000xf32, #tpu.memory_space<vmem>>, vector<16xf32>,
        %get3A_877 = vector.shape_cast %get3A_876 : vector<16xf32> to vector<16xf32>
        %add3A_878 = arith.addf %add3A_852, %get3A_877 : vector<16xf32>
        %add3A_879 = arith.constant 16 : i32
        %add3A_880 = arith.addi %and3A_864, %add3A_879 : i32
        %get3A_881 = arith.index_cast %add3A_880 : i32 to index
        %get3A_882 = tpu.vector_load %arg7[%get3A_881] {strides = array<i32>} : memref<32000xf32, #tpu.memory_space<vmem>>, vector<16xf32>,
        %get3A_883 = vector.shape_cast %get3A_882 : vector<16xf32> to vector<16xf32>
        %add3A_884 = arith.addf %add3A_858, %get3A_883 : vector<16xf32>
        %mul3A_885 = arith.constant 4 : i32
        %mul3A_886 = arith.muli %scan3A_112, %mul3A_885 : i32
        %add3A_887 = arith.constant 0 : i32
        %add3A_888 = arith.addi %mul3A_886, %add3A_887 : i32
        %mul3A_889 = arith.mulf %add3A_868, %add3A_878 : vector<16xf32>
        %swap3A = arith.index_cast %add3A_888 : i32 to index
        %swap3A_890 = arith.constant 0 : index
        %swap3A_891 = tpu.vector_load %arg9[%swap3A, %swap3A_890] {strides = array<i32>} : memref<128x32xf32, #tpu.memory_space<vmem>>, vector<1x16xf32>,
        %swap3A_892 = vector.shape_cast %swap3A_891 : vector<1x16xf32> to vector<16xf32>
        %swap3A_893 = vector.shape_cast %mul3A_889 : vector<16xf32> to vector<1x16xf32>
        tpu.vector_store %arg9[%swap3A, %swap3A_890], %swap3A_893 {strides = array<i32>} : memref<128x32xf32, #tpu.memory_space<vmem>>, vector<1x16xf32>,
        %mul3A_894 = arith.mulf %add3A_874, %add3A_884 : vector<16xf32>
        %swap3A_895 = arith.index_cast %add3A_888 : i32 to index
        %swap3A_896 = arith.constant 16 : index
        %swap3A_897 = tpu.vector_load %arg9[%swap3A_895, %swap3A_896] {strides = array<i32>} : memref<128x32xf32, #tpu.memory_space<vmem>>, vector<1x16xf32>,
        %swap3A_898 = vector.shape_cast %swap3A_897 : vector<1x16xf32> to vector<16xf32>
        %swap3A_899 = vector.shape_cast %mul3A_894 : vector<16xf32> to vector<1x16xf32>
        tpu.vector_store %arg9[%swap3A_895, %swap3A_896], %swap3A_899 {strides = array<i32>} : memref<128x32xf32, #tpu.memory_space<vmem>>, vector<1x16xf32>,
        %broadcast_in_dim3A_900 = arith.constant 0.000000e+00 : f32
        %broadcast_in_dim3A_901 = vector.broadcast %broadcast_in_dim3A_900 : f32 to vector<16xf32>
        %broadcast_in_dim3A_902 = arith.constant 0.000000e+00 : f32
        %broadcast_in_dim3A_903 = vector.broadcast %broadcast_in_dim3A_902 : f32 to vector<16xf32>
        %broadcast_in_dim3A_904 = arith.constant 0.000000e+00 : f32
        %broadcast_in_dim3A_905 = vector.broadcast %broadcast_in_dim3A_904 : f32 to vector<16xf32>
        %broadcast_in_dim3A_906 = arith.constant 0.000000e+00 : f32
        %broadcast_in_dim3A_907 = vector.broadcast %broadcast_in_dim3A_906 : f32 to vector<16xf32>
        %slice3A_908 = vector.extract_strided_slice %add3A_213 {offsets = [4], sizes = [1], strides = [1]} : vector<16xi32> to vector<1xi32>
        %squeeze3A_909 = vector.extract %slice3A_908[0] : i32 from vector<1xi32>
        %shift_right_logical3A_910 = arith.constant 16 : i32
        %shift_right_logical3A_911 = arith.shrui %squeeze3A_909, %shift_right_logical3A_910 : i32
        %and3A_912 = arith.constant 65535 : i32
        %and3A_913 = arith.andi %squeeze3A_909, %and3A_912 : i32
        %get3A_914 = arith.index_cast %shift_right_logical3A_911 : i32 to index
        %get3A_915 = tpu.vector_load %arg6[%get3A_914] {strides = array<i32>} : memref<32000xf32, #tpu.memory_space<vmem>>, vector<16xf32>,
        %get3A_916 = vector.shape_cast %get3A_915 : vector<16xf32> to vector<16xf32>
        %add3A_917 = arith.addf %broadcast_in_dim3A_901, %get3A_916 : vector<16xf32>
        %add3A_918 = arith.constant 16 : i32
        %add3A_919 = arith.addi %shift_right_logical3A_911, %add3A_918 : i32
        %get3A_920 = arith.index_cast %add3A_919 : i32 to index
        %get3A_921 = tpu.vector_load %arg6[%get3A_920] {strides = array<i32>} : memref<32000xf32, #tpu.memory_space<vmem>>, vector<16xf32>,
        %get3A_922 = vector.shape_cast %get3A_921 : vector<16xf32> to vector<16xf32>
        %add3A_923 = arith.addf %broadcast_in_dim3A_903, %get3A_922 : vector<16xf32>
        %get3A_924 = arith.index_cast %and3A_913 : i32 to index
        %get3A_925 = tpu.vector_load %arg7[%get3A_924] {strides = array<i32>} : memref<32000xf32, #tpu.memory_space<vmem>>, vector<16xf32>,
        %get3A_926 = vector.shape_cast %get3A_925 : vector<16xf32> to vector<16xf32>
        %add3A_927 = arith.addf %broadcast_in_dim3A_905, %get3A_926 : vector<16xf32>
        %add3A_928 = arith.constant 16 : i32
        %add3A_929 = arith.addi %and3A_913, %add3A_928 : i32
        %get3A_930 = arith.index_cast %add3A_929 : i32 to index
        %get3A_931 = tpu.vector_load %arg7[%get3A_930] {strides = array<i32>} : memref<32000xf32, #tpu.memory_space<vmem>>, vector<16xf32>,
        %get3A_932 = vector.shape_cast %get3A_931 : vector<16xf32> to vector<16xf32>
        %add3A_933 = arith.addf %broadcast_in_dim3A_907, %get3A_932 : vector<16xf32>
        %slice3A_934 = vector.extract_strided_slice %add3A_213 {offsets = [5], sizes = [1], strides = [1]} : vector<16xi32> to vector<1xi32>
        %squeeze3A_935 = vector.extract %slice3A_934[0] : i32 from vector<1xi32>
        %shift_right_logical3A_936 = arith.constant 16 : i32
        %shift_right_logical3A_937 = arith.shrui %squeeze3A_935, %shift_right_logical3A_936 : i32
        %and3A_938 = arith.constant 65535 : i32
        %and3A_939 = arith.andi %squeeze3A_935, %and3A_938 : i32
        %get3A_940 = arith.index_cast %shift_right_logical3A_937 : i32 to index
        %get3A_941 = tpu.vector_load %arg6[%get3A_940] {strides = array<i32>} : memref<32000xf32, #tpu.memory_space<vmem>>, vector<16xf32>,
        %get3A_942 = vector.shape_cast %get3A_941 : vector<16xf32> to vector<16xf32>
        %add3A_943 = arith.addf %add3A_917, %get3A_942 : vector<16xf32>
        %add3A_944 = arith.constant 16 : i32
        %add3A_945 = arith.addi %shift_right_logical3A_937, %add3A_944 : i32
        %get3A_946 = arith.index_cast %add3A_945 : i32 to index
        %get3A_947 = tpu.vector_load %arg6[%get3A_946] {strides = array<i32>} : memref<32000xf32, #tpu.memory_space<vmem>>, vector<16xf32>,
        %get3A_948 = vector.shape_cast %get3A_947 : vector<16xf32> to vector<16xf32>
        %add3A_949 = arith.addf %add3A_923, %get3A_948 : vector<16xf32>
        %get3A_950 = arith.index_cast %and3A_939 : i32 to index
        %get3A_951 = tpu.vector_load %arg7[%get3A_950] {strides = array<i32>} : memref<32000xf32, #tpu.memory_space<vmem>>, vector<16xf32>,
        %get3A_952 = vector.shape_cast %get3A_951 : vector<16xf32> to vector<16xf32>
        %add3A_953 = arith.addf %add3A_927, %get3A_952 : vector<16xf32>
        %add3A_954 = arith.constant 16 : i32
        %add3A_955 = arith.addi %and3A_939, %add3A_954 : i32
        %get3A_956 = arith.index_cast %add3A_955 : i32 to index
        %get3A_957 = tpu.vector_load %arg7[%get3A_956] {strides = array<i32>} : memref<32000xf32, #tpu.memory_space<vmem>>, vector<16xf32>,
        %get3A_958 = vector.shape_cast %get3A_957 : vector<16xf32> to vector<16xf32>
        %add3A_959 = arith.addf %add3A_933, %get3A_958 : vector<16xf32>
        %slice3A_960 = vector.extract_strided_slice %add3A_213 {offsets = [6], sizes = [1], strides = [1]} : vector<16xi32> to vector<1xi32>
        %squeeze3A_961 = vector.extract %slice3A_960[0] : i32 from vector<1xi32>
        %shift_right_logical3A_962 = arith.constant 16 : i32
        %shift_right_logical3A_963 = arith.shrui %squeeze3A_961, %shift_right_logical3A_962 : i32
        %and3A_964 = arith.constant 65535 : i32
        %and3A_965 = arith.andi %squeeze3A_961, %and3A_964 : i32
        %get3A_966 = arith.index_cast %shift_right_logical3A_963 : i32 to index
        %get3A_967 = tpu.vector_load %arg6[%get3A_966] {strides = array<i32>} : memref<32000xf32, #tpu.memory_space<vmem>>, vector<16xf32>,
        %get3A_968 = vector.shape_cast %get3A_967 : vector<16xf32> to vector<16xf32>
        %add3A_969 = arith.addf %add3A_943, %get3A_968 : vector<16xf32>
        %add3A_970 = arith.constant 16 : i32
        %add3A_971 = arith.addi %shift_right_logical3A_963, %add3A_970 : i32
        %get3A_972 = arith.index_cast %add3A_971 : i32 to index
        %get3A_973 = tpu.vector_load %arg6[%get3A_972] {strides = array<i32>} : memref<32000xf32, #tpu.memory_space<vmem>>, vector<16xf32>,
        %get3A_974 = vector.shape_cast %get3A_973 : vector<16xf32> to vector<16xf32>
        %add3A_975 = arith.addf %add3A_949, %get3A_974 : vector<16xf32>
        %get3A_976 = arith.index_cast %and3A_965 : i32 to index
        %get3A_977 = tpu.vector_load %arg7[%get3A_976] {strides = array<i32>} : memref<32000xf32, #tpu.memory_space<vmem>>, vector<16xf32>,
        %get3A_978 = vector.shape_cast %get3A_977 : vector<16xf32> to vector<16xf32>
        %add3A_979 = arith.addf %add3A_953, %get3A_978 : vector<16xf32>
        %add3A_980 = arith.constant 16 : i32
        %add3A_981 = arith.addi %and3A_965, %add3A_980 : i32
        %get3A_982 = arith.index_cast %add3A_981 : i32 to index
        %get3A_983 = tpu.vector_load %arg7[%get3A_982] {strides = array<i32>} : memref<32000xf32, #tpu.memory_space<vmem>>, vector<16xf32>,
        %get3A_984 = vector.shape_cast %get3A_983 : vector<16xf32> to vector<16xf32>
        %add3A_985 = arith.addf %add3A_959, %get3A_984 : vector<16xf32>
        %slice3A_986 = vector.extract_strided_slice %add3A_213 {offsets = [7], sizes = [1], strides = [1]} : vector<16xi32> to vector<1xi32>
        %squeeze3A_987 = vector.extract %slice3A_986[0] : i32 from vector<1xi32>
        %shift_right_logical3A_988 = arith.constant 16 : i32
        %shift_right_logical3A_989 = arith.shrui %squeeze3A_987, %shift_right_logical3A_988 : i32
        %and3A_990 = arith.constant 65535 : i32
        %and3A_991 = arith.andi %squeeze3A_987, %and3A_990 : i32
        %get3A_992 = arith.index_cast %shift_right_logical3A_989 : i32 to index
        %get3A_993 = tpu.vector_load %arg6[%get3A_992] {strides = array<i32>} : memref<32000xf32, #tpu.memory_space<vmem>>, vector<16xf32>,
        %get3A_994 = vector.shape_cast %get3A_993 : vector<16xf32> to vector<16xf32>
        %add3A_995 = arith.addf %add3A_969, %get3A_994 : vector<16xf32>
        %add3A_996 = arith.constant 16 : i32
        %add3A_997 = arith.addi %shift_right_logical3A_989, %add3A_996 : i32
        %get3A_998 = arith.index_cast %add3A_997 : i32 to index
        %get3A_999 = tpu.vector_load %arg6[%get3A_998] {strides = array<i32>} : memref<32000xf32, #tpu.memory_space<vmem>>, vector<16xf32>,
        %get3A_1000 = vector.shape_cast %get3A_999 : vector<16xf32> to vector<16xf32>
        %add3A_1001 = arith.addf %add3A_975, %get3A_1000 : vector<16xf32>
        %get3A_1002 = arith.index_cast %and3A_991 : i32 to index
        %get3A_1003 = tpu.vector_load %arg7[%get3A_1002] {strides = array<i32>} : memref<32000xf32, #tpu.memory_space<vmem>>, vector<16xf32>,
        %get3A_1004 = vector.shape_cast %get3A_1003 : vector<16xf32> to vector<16xf32>
        %add3A_1005 = arith.addf %add3A_979, %get3A_1004 : vector<16xf32>
        %add3A_1006 = arith.constant 16 : i32
        %add3A_1007 = arith.addi %and3A_991, %add3A_1006 : i32
        %get3A_1008 = arith.index_cast %add3A_1007 : i32 to index
        %get3A_1009 = tpu.vector_load %arg7[%get3A_1008] {strides = array<i32>} : memref<32000xf32, #tpu.memory_space<vmem>>, vector<16xf32>,
        %get3A_1010 = vector.shape_cast %get3A_1009 : vector<16xf32> to vector<16xf32>
        %add3A_1011 = arith.addf %add3A_985, %get3A_1010 : vector<16xf32>
        %slice3A_1012 = vector.extract_strided_slice %add3A_213 {offsets = [8], sizes = [1], strides = [1]} : vector<16xi32> to vector<1xi32>
        %squeeze3A_1013 = vector.extract %slice3A_1012[0] : i32 from vector<1xi32>
        %shift_right_logical3A_1014 = arith.constant 16 : i32
        %shift_right_logical3A_1015 = arith.shrui %squeeze3A_1013, %shift_right_logical3A_1014 : i32
        %and3A_1016 = arith.constant 65535 : i32
        %and3A_1017 = arith.andi %squeeze3A_1013, %and3A_1016 : i32
        %get3A_1018 = arith.index_cast %shift_right_logical3A_1015 : i32 to index
        %get3A_1019 = tpu.vector_load %arg6[%get3A_1018] {strides = array<i32>} : memref<32000xf32, #tpu.memory_space<vmem>>, vector<16xf32>,
        %get3A_1020 = vector.shape_cast %get3A_1019 : vector<16xf32> to vector<16xf32>
        %add3A_1021 = arith.addf %add3A_995, %get3A_1020 : vector<16xf32>
        %add3A_1022 = arith.constant 16 : i32
        %add3A_1023 = arith.addi %shift_right_logical3A_1015, %add3A_1022 : i32
        %get3A_1024 = arith.index_cast %add3A_1023 : i32 to index
        %get3A_1025 = tpu.vector_load %arg6[%get3A_1024] {strides = array<i32>} : memref<32000xf32, #tpu.memory_space<vmem>>, vector<16xf32>,
        %get3A_1026 = vector.shape_cast %get3A_1025 : vector<16xf32> to vector<16xf32>
        %add3A_1027 = arith.addf %add3A_1001, %get3A_1026 : vector<16xf32>
        %get3A_1028 = arith.index_cast %and3A_1017 : i32 to index
        %get3A_1029 = tpu.vector_load %arg7[%get3A_1028] {strides = array<i32>} : memref<32000xf32, #tpu.memory_space<vmem>>, vector<16xf32>,
        %get3A_1030 = vector.shape_cast %get3A_1029 : vector<16xf32> to vector<16xf32>
        %add3A_1031 = arith.addf %add3A_1005, %get3A_1030 : vector<16xf32>
        %add3A_1032 = arith.constant 16 : i32
        %add3A_1033 = arith.addi %and3A_1017, %add3A_1032 : i32
        %get3A_1034 = arith.index_cast %add3A_1033 : i32 to index
        %get3A_1035 = tpu.vector_load %arg7[%get3A_1034] {strides = array<i32>} : memref<32000xf32, #tpu.memory_space<vmem>>, vector<16xf32>,
        %get3A_1036 = vector.shape_cast %get3A_1035 : vector<16xf32> to vector<16xf32>
        %add3A_1037 = arith.addf %add3A_1011, %get3A_1036 : vector<16xf32>
        %slice3A_1038 = vector.extract_strided_slice %add3A_213 {offsets = [9], sizes = [1], strides = [1]} : vector<16xi32> to vector<1xi32>
        %squeeze3A_1039 = vector.extract %slice3A_1038[0] : i32 from vector<1xi32>
        %shift_right_logical3A_1040 = arith.constant 16 : i32
        %shift_right_logical3A_1041 = arith.shrui %squeeze3A_1039, %shift_right_logical3A_1040 : i32
        %and3A_1042 = arith.constant 65535 : i32
        %and3A_1043 = arith.andi %squeeze3A_1039, %and3A_1042 : i32
        %get3A_1044 = arith.index_cast %shift_right_logical3A_1041 : i32 to index
        %get3A_1045 = tpu.vector_load %arg6[%get3A_1044] {strides = array<i32>} : memref<32000xf32, #tpu.memory_space<vmem>>, vector<16xf32>,
        %get3A_1046 = vector.shape_cast %get3A_1045 : vector<16xf32> to vector<16xf32>
        %add3A_1047 = arith.addf %add3A_1021, %get3A_1046 : vector<16xf32>
        %add3A_1048 = arith.constant 16 : i32
        %add3A_1049 = arith.addi %shift_right_logical3A_1041, %add3A_1048 : i32
        %get3A_1050 = arith.index_cast %add3A_1049 : i32 to index
        %get3A_1051 = tpu.vector_load %arg6[%get3A_1050] {strides = array<i32>} : memref<32000xf32, #tpu.memory_space<vmem>>, vector<16xf32>,
        %get3A_1052 = vector.shape_cast %get3A_1051 : vector<16xf32> to vector<16xf32>
        %add3A_1053 = arith.addf %add3A_1027, %get3A_1052 : vector<16xf32>
        %get3A_1054 = arith.index_cast %and3A_1043 : i32 to index
        %get3A_1055 = tpu.vector_load %arg7[%get3A_1054] {strides = array<i32>} : memref<32000xf32, #tpu.memory_space<vmem>>, vector<16xf32>,
        %get3A_1056 = vector.shape_cast %get3A_1055 : vector<16xf32> to vector<16xf32>
        %add3A_1057 = arith.addf %add3A_1031, %get3A_1056 : vector<16xf32>
        %add3A_1058 = arith.constant 16 : i32
        %add3A_1059 = arith.addi %and3A_1043, %add3A_1058 : i32
        %get3A_1060 = arith.index_cast %add3A_1059 : i32 to index
        %get3A_1061 = tpu.vector_load %arg7[%get3A_1060] {strides = array<i32>} : memref<32000xf32, #tpu.memory_space<vmem>>, vector<16xf32>,
        %get3A_1062 = vector.shape_cast %get3A_1061 : vector<16xf32> to vector<16xf32>
        %add3A_1063 = arith.addf %add3A_1037, %get3A_1062 : vector<16xf32>
        %slice3A_1064 = vector.extract_strided_slice %add3A_213 {offsets = [10], sizes = [1], strides = [1]} : vector<16xi32> to vector<1xi32>
        %squeeze3A_1065 = vector.extract %slice3A_1064[0] : i32 from vector<1xi32>
        %shift_right_logical3A_1066 = arith.constant 16 : i32
        %shift_right_logical3A_1067 = arith.shrui %squeeze3A_1065, %shift_right_logical3A_1066 : i32
        %and3A_1068 = arith.constant 65535 : i32
        %and3A_1069 = arith.andi %squeeze3A_1065, %and3A_1068 : i32
        %get3A_1070 = arith.index_cast %shift_right_logical3A_1067 : i32 to index
        %get3A_1071 = tpu.vector_load %arg6[%get3A_1070] {strides = array<i32>} : memref<32000xf32, #tpu.memory_space<vmem>>, vector<16xf32>,
        %get3A_1072 = vector.shape_cast %get3A_1071 : vector<16xf32> to vector<16xf32>
        %add3A_1073 = arith.addf %add3A_1047, %get3A_1072 : vector<16xf32>
        %add3A_1074 = arith.constant 16 : i32
        %add3A_1075 = arith.addi %shift_right_logical3A_1067, %add3A_1074 : i32
        %get3A_1076 = arith.index_cast %add3A_1075 : i32 to index
        %get3A_1077 = tpu.vector_load %arg6[%get3A_1076] {strides = array<i32>} : memref<32000xf32, #tpu.memory_space<vmem>>, vector<16xf32>,
        %get3A_1078 = vector.shape_cast %get3A_1077 : vector<16xf32> to vector<16xf32>
        %add3A_1079 = arith.addf %add3A_1053, %get3A_1078 : vector<16xf32>
        %get3A_1080 = arith.index_cast %and3A_1069 : i32 to index
        %get3A_1081 = tpu.vector_load %arg7[%get3A_1080] {strides = array<i32>} : memref<32000xf32, #tpu.memory_space<vmem>>, vector<16xf32>,
        %get3A_1082 = vector.shape_cast %get3A_1081 : vector<16xf32> to vector<16xf32>
        %add3A_1083 = arith.addf %add3A_1057, %get3A_1082 : vector<16xf32>
        %add3A_1084 = arith.constant 16 : i32
        %add3A_1085 = arith.addi %and3A_1069, %add3A_1084 : i32
        %get3A_1086 = arith.index_cast %add3A_1085 : i32 to index
        %get3A_1087 = tpu.vector_load %arg7[%get3A_1086] {strides = array<i32>} : memref<32000xf32, #tpu.memory_space<vmem>>, vector<16xf32>,
        %get3A_1088 = vector.shape_cast %get3A_1087 : vector<16xf32> to vector<16xf32>
        %add3A_1089 = arith.addf %add3A_1063, %get3A_1088 : vector<16xf32>
        %slice3A_1090 = vector.extract_strided_slice %add3A_213 {offsets = [11], sizes = [1], strides = [1]} : vector<16xi32> to vector<1xi32>
        %squeeze3A_1091 = vector.extract %slice3A_1090[0] : i32 from vector<1xi32>
        %shift_right_logical3A_1092 = arith.constant 16 : i32
        %shift_right_logical3A_1093 = arith.shrui %squeeze3A_1091, %shift_right_logical3A_1092 : i32
        %and3A_1094 = arith.constant 65535 : i32
        %and3A_1095 = arith.andi %squeeze3A_1091, %and3A_1094 : i32
        %get3A_1096 = arith.index_cast %shift_right_logical3A_1093 : i32 to index
        %get3A_1097 = tpu.vector_load %arg6[%get3A_1096] {strides = array<i32>} : memref<32000xf32, #tpu.memory_space<vmem>>, vector<16xf32>,
        %get3A_1098 = vector.shape_cast %get3A_1097 : vector<16xf32> to vector<16xf32>
        %add3A_1099 = arith.addf %add3A_1073, %get3A_1098 : vector<16xf32>
        %add3A_1100 = arith.constant 16 : i32
        %add3A_1101 = arith.addi %shift_right_logical3A_1093, %add3A_1100 : i32
        %get3A_1102 = arith.index_cast %add3A_1101 : i32 to index
        %get3A_1103 = tpu.vector_load %arg6[%get3A_1102] {strides = array<i32>} : memref<32000xf32, #tpu.memory_space<vmem>>, vector<16xf32>,
        %get3A_1104 = vector.shape_cast %get3A_1103 : vector<16xf32> to vector<16xf32>
        %add3A_1105 = arith.addf %add3A_1079, %get3A_1104 : vector<16xf32>
        %get3A_1106 = arith.index_cast %and3A_1095 : i32 to index
        %get3A_1107 = tpu.vector_load %arg7[%get3A_1106] {strides = array<i32>} : memref<32000xf32, #tpu.memory_space<vmem>>, vector<16xf32>,
        %get3A_1108 = vector.shape_cast %get3A_1107 : vector<16xf32> to vector<16xf32>
        %add3A_1109 = arith.addf %add3A_1083, %get3A_1108 : vector<16xf32>
        %add3A_1110 = arith.constant 16 : i32
        %add3A_1111 = arith.addi %and3A_1095, %add3A_1110 : i32
        %get3A_1112 = arith.index_cast %add3A_1111 : i32 to index
        %get3A_1113 = tpu.vector_load %arg7[%get3A_1112] {strides = array<i32>} : memref<32000xf32, #tpu.memory_space<vmem>>, vector<16xf32>,
        %get3A_1114 = vector.shape_cast %get3A_1113 : vector<16xf32> to vector<16xf32>
        %add3A_1115 = arith.addf %add3A_1089, %get3A_1114 : vector<16xf32>
        %slice3A_1116 = vector.extract_strided_slice %add3A_213 {offsets = [12], sizes = [1], strides = [1]} : vector<16xi32> to vector<1xi32>
        %squeeze3A_1117 = vector.extract %slice3A_1116[0] : i32 from vector<1xi32>
        %shift_right_logical3A_1118 = arith.constant 16 : i32
        %shift_right_logical3A_1119 = arith.shrui %squeeze3A_1117, %shift_right_logical3A_1118 : i32
        %and3A_1120 = arith.constant 65535 : i32
        %and3A_1121 = arith.andi %squeeze3A_1117, %and3A_1120 : i32
        %get3A_1122 = arith.index_cast %shift_right_logical3A_1119 : i32 to index
        %get3A_1123 = tpu.vector_load %arg6[%get3A_1122] {strides = array<i32>} : memref<32000xf32, #tpu.memory_space<vmem>>, vector<16xf32>,
        %get3A_1124 = vector.shape_cast %get3A_1123 : vector<16xf32> to vector<16xf32>
        %add3A_1125 = arith.addf %add3A_1099, %get3A_1124 : vector<16xf32>
        %add3A_1126 = arith.constant 16 : i32
        %add3A_1127 = arith.addi %shift_right_logical3A_1119, %add3A_1126 : i32
        %get3A_1128 = arith.index_cast %add3A_1127 : i32 to index
        %get3A_1129 = tpu.vector_load %arg6[%get3A_1128] {strides = array<i32>} : memref<32000xf32, #tpu.memory_space<vmem>>, vector<16xf32>,
        %get3A_1130 = vector.shape_cast %get3A_1129 : vector<16xf32> to vector<16xf32>
        %add3A_1131 = arith.addf %add3A_1105, %get3A_1130 : vector<16xf32>
        %get3A_1132 = arith.index_cast %and3A_1121 : i32 to index
        %get3A_1133 = tpu.vector_load %arg7[%get3A_1132] {strides = array<i32>} : memref<32000xf32, #tpu.memory_space<vmem>>, vector<16xf32>,
        %get3A_1134 = vector.shape_cast %get3A_1133 : vector<16xf32> to vector<16xf32>
        %add3A_1135 = arith.addf %add3A_1109, %get3A_1134 : vector<16xf32>
        %add3A_1136 = arith.constant 16 : i32
        %add3A_1137 = arith.addi %and3A_1121, %add3A_1136 : i32
        %get3A_1138 = arith.index_cast %add3A_1137 : i32 to index
        %get3A_1139 = tpu.vector_load %arg7[%get3A_1138] {strides = array<i32>} : memref<32000xf32, #tpu.memory_space<vmem>>, vector<16xf32>,
        %get3A_1140 = vector.shape_cast %get3A_1139 : vector<16xf32> to vector<16xf32>
        %add3A_1141 = arith.addf %add3A_1115, %get3A_1140 : vector<16xf32>
        %slice3A_1142 = vector.extract_strided_slice %add3A_213 {offsets = [13], sizes = [1], strides = [1]} : vector<16xi32> to vector<1xi32>
        %squeeze3A_1143 = vector.extract %slice3A_1142[0] : i32 from vector<1xi32>
        %shift_right_logical3A_1144 = arith.constant 16 : i32
        %shift_right_logical3A_1145 = arith.shrui %squeeze3A_1143, %shift_right_logical3A_1144 : i32
        %and3A_1146 = arith.constant 65535 : i32
        %and3A_1147 = arith.andi %squeeze3A_1143, %and3A_1146 : i32
        %get3A_1148 = arith.index_cast %shift_right_logical3A_1145 : i32 to index
        %get3A_1149 = tpu.vector_load %arg6[%get3A_1148] {strides = array<i32>} : memref<32000xf32, #tpu.memory_space<vmem>>, vector<16xf32>,
        %get3A_1150 = vector.shape_cast %get3A_1149 : vector<16xf32> to vector<16xf32>
        %add3A_1151 = arith.addf %add3A_1125, %get3A_1150 : vector<16xf32>
        %add3A_1152 = arith.constant 16 : i32
        %add3A_1153 = arith.addi %shift_right_logical3A_1145, %add3A_1152 : i32
        %get3A_1154 = arith.index_cast %add3A_1153 : i32 to index
        %get3A_1155 = tpu.vector_load %arg6[%get3A_1154] {strides = array<i32>} : memref<32000xf32, #tpu.memory_space<vmem>>, vector<16xf32>,
        %get3A_1156 = vector.shape_cast %get3A_1155 : vector<16xf32> to vector<16xf32>
        %add3A_1157 = arith.addf %add3A_1131, %get3A_1156 : vector<16xf32>
        %get3A_1158 = arith.index_cast %and3A_1147 : i32 to index
        %get3A_1159 = tpu.vector_load %arg7[%get3A_1158] {strides = array<i32>} : memref<32000xf32, #tpu.memory_space<vmem>>, vector<16xf32>,
        %get3A_1160 = vector.shape_cast %get3A_1159 : vector<16xf32> to vector<16xf32>
        %add3A_1161 = arith.addf %add3A_1135, %get3A_1160 : vector<16xf32>
        %add3A_1162 = arith.constant 16 : i32
        %add3A_1163 = arith.addi %and3A_1147, %add3A_1162 : i32
        %get3A_1164 = arith.index_cast %add3A_1163 : i32 to index
        %get3A_1165 = tpu.vector_load %arg7[%get3A_1164] {strides = array<i32>} : memref<32000xf32, #tpu.memory_space<vmem>>, vector<16xf32>,
        %get3A_1166 = vector.shape_cast %get3A_1165 : vector<16xf32> to vector<16xf32>
        %add3A_1167 = arith.addf %add3A_1141, %get3A_1166 : vector<16xf32>
        %slice3A_1168 = vector.extract_strided_slice %add3A_213 {offsets = [14], sizes = [1], strides = [1]} : vector<16xi32> to vector<1xi32>
        %squeeze3A_1169 = vector.extract %slice3A_1168[0] : i32 from vector<1xi32>
        %shift_right_logical3A_1170 = arith.constant 16 : i32
        %shift_right_logical3A_1171 = arith.shrui %squeeze3A_1169, %shift_right_logical3A_1170 : i32
        %and3A_1172 = arith.constant 65535 : i32
        %and3A_1173 = arith.andi %squeeze3A_1169, %and3A_1172 : i32
        %get3A_1174 = arith.index_cast %shift_right_logical3A_1171 : i32 to index
        %get3A_1175 = tpu.vector_load %arg6[%get3A_1174] {strides = array<i32>} : memref<32000xf32, #tpu.memory_space<vmem>>, vector<16xf32>,
        %get3A_1176 = vector.shape_cast %get3A_1175 : vector<16xf32> to vector<16xf32>
        %add3A_1177 = arith.addf %add3A_1151, %get3A_1176 : vector<16xf32>
        %add3A_1178 = arith.constant 16 : i32
        %add3A_1179 = arith.addi %shift_right_logical3A_1171, %add3A_1178 : i32
        %get3A_1180 = arith.index_cast %add3A_1179 : i32 to index
        %get3A_1181 = tpu.vector_load %arg6[%get3A_1180] {strides = array<i32>} : memref<32000xf32, #tpu.memory_space<vmem>>, vector<16xf32>,
        %get3A_1182 = vector.shape_cast %get3A_1181 : vector<16xf32> to vector<16xf32>
        %add3A_1183 = arith.addf %add3A_1157, %get3A_1182 : vector<16xf32>
        %get3A_1184 = arith.index_cast %and3A_1173 : i32 to index
        %get3A_1185 = tpu.vector_load %arg7[%get3A_1184] {strides = array<i32>} : memref<32000xf32, #tpu.memory_space<vmem>>, vector<16xf32>,
        %get3A_1186 = vector.shape_cast %get3A_1185 : vector<16xf32> to vector<16xf32>
        %add3A_1187 = arith.addf %add3A_1161, %get3A_1186 : vector<16xf32>
        %add3A_1188 = arith.constant 16 : i32
        %add3A_1189 = arith.addi %and3A_1173, %add3A_1188 : i32
        %get3A_1190 = arith.index_cast %add3A_1189 : i32 to index
        %get3A_1191 = tpu.vector_load %arg7[%get3A_1190] {strides = array<i32>} : memref<32000xf32, #tpu.memory_space<vmem>>, vector<16xf32>,
        %get3A_1192 = vector.shape_cast %get3A_1191 : vector<16xf32> to vector<16xf32>
        %add3A_1193 = arith.addf %add3A_1167, %get3A_1192 : vector<16xf32>
        %slice3A_1194 = vector.extract_strided_slice %add3A_213 {offsets = [15], sizes = [1], strides = [1]} : vector<16xi32> to vector<1xi32>
        %squeeze3A_1195 = vector.extract %slice3A_1194[0] : i32 from vector<1xi32>
        %shift_right_logical3A_1196 = arith.constant 16 : i32
        %shift_right_logical3A_1197 = arith.shrui %squeeze3A_1195, %shift_right_logical3A_1196 : i32
        %and3A_1198 = arith.constant 65535 : i32
        %and3A_1199 = arith.andi %squeeze3A_1195, %and3A_1198 : i32
        %get3A_1200 = arith.index_cast %shift_right_logical3A_1197 : i32 to index
        %get3A_1201 = tpu.vector_load %arg6[%get3A_1200] {strides = array<i32>} : memref<32000xf32, #tpu.memory_space<vmem>>, vector<16xf32>,
        %get3A_1202 = vector.shape_cast %get3A_1201 : vector<16xf32> to vector<16xf32>
        %add3A_1203 = arith.addf %add3A_1177, %get3A_1202 : vector<16xf32>
        %add3A_1204 = arith.constant 16 : i32
        %add3A_1205 = arith.addi %shift_right_logical3A_1197, %add3A_1204 : i32
        %get3A_1206 = arith.index_cast %add3A_1205 : i32 to index
        %get3A_1207 = tpu.vector_load %arg6[%get3A_1206] {strides = array<i32>} : memref<32000xf32, #tpu.memory_space<vmem>>, vector<16xf32>,
        %get3A_1208 = vector.shape_cast %get3A_1207 : vector<16xf32> to vector<16xf32>
        %add3A_1209 = arith.addf %add3A_1183, %get3A_1208 : vector<16xf32>
        %get3A_1210 = arith.index_cast %and3A_1199 : i32 to index
        %get3A_1211 = tpu.vector_load %arg7[%get3A_1210] {strides = array<i32>} : memref<32000xf32, #tpu.memory_space<vmem>>, vector<16xf32>,
        %get3A_1212 = vector.shape_cast %get3A_1211 : vector<16xf32> to vector<16xf32>
        %add3A_1213 = arith.addf %add3A_1187, %get3A_1212 : vector<16xf32>
        %add3A_1214 = arith.constant 16 : i32
        %add3A_1215 = arith.addi %and3A_1199, %add3A_1214 : i32
        %get3A_1216 = arith.index_cast %add3A_1215 : i32 to index
        %get3A_1217 = tpu.vector_load %arg7[%get3A_1216] {strides = array<i32>} : memref<32000xf32, #tpu.memory_space<vmem>>, vector<16xf32>,
        %get3A_1218 = vector.shape_cast %get3A_1217 : vector<16xf32> to vector<16xf32>
        %add3A_1219 = arith.addf %add3A_1193, %get3A_1218 : vector<16xf32>
        %slice3A_1220 = vector.extract_strided_slice %add3A_262 {offsets = [0], sizes = [1], strides = [1]} : vector<16xi32> to vector<1xi32>
        %squeeze3A_1221 = vector.extract %slice3A_1220[0] : i32 from vector<1xi32>
        %shift_right_logical3A_1222 = arith.constant 16 : i32
        %shift_right_logical3A_1223 = arith.shrui %squeeze3A_1221, %shift_right_logical3A_1222 : i32
        %and3A_1224 = arith.constant 65535 : i32
        %and3A_1225 = arith.andi %squeeze3A_1221, %and3A_1224 : i32
        %get3A_1226 = arith.index_cast %shift_right_logical3A_1223 : i32 to index
        %get3A_1227 = tpu.vector_load %arg6[%get3A_1226] {strides = array<i32>} : memref<32000xf32, #tpu.memory_space<vmem>>, vector<16xf32>,
        %get3A_1228 = vector.shape_cast %get3A_1227 : vector<16xf32> to vector<16xf32>
        %add3A_1229 = arith.addf %add3A_1203, %get3A_1228 : vector<16xf32>
        %add3A_1230 = arith.constant 16 : i32
        %add3A_1231 = arith.addi %shift_right_logical3A_1223, %add3A_1230 : i32
        %get3A_1232 = arith.index_cast %add3A_1231 : i32 to index
        %get3A_1233 = tpu.vector_load %arg6[%get3A_1232] {strides = array<i32>} : memref<32000xf32, #tpu.memory_space<vmem>>, vector<16xf32>,
        %get3A_1234 = vector.shape_cast %get3A_1233 : vector<16xf32> to vector<16xf32>
        %add3A_1235 = arith.addf %add3A_1209, %get3A_1234 : vector<16xf32>
        %get3A_1236 = arith.index_cast %and3A_1225 : i32 to index
        %get3A_1237 = tpu.vector_load %arg7[%get3A_1236] {strides = array<i32>} : memref<32000xf32, #tpu.memory_space<vmem>>, vector<16xf32>,
        %get3A_1238 = vector.shape_cast %get3A_1237 : vector<16xf32> to vector<16xf32>
        %add3A_1239 = arith.addf %add3A_1213, %get3A_1238 : vector<16xf32>
        %add3A_1240 = arith.constant 16 : i32
        %add3A_1241 = arith.addi %and3A_1225, %add3A_1240 : i32
        %get3A_1242 = arith.index_cast %add3A_1241 : i32 to index
        %get3A_1243 = tpu.vector_load %arg7[%get3A_1242] {strides = array<i32>} : memref<32000xf32, #tpu.memory_space<vmem>>, vector<16xf32>,
        %get3A_1244 = vector.shape_cast %get3A_1243 : vector<16xf32> to vector<16xf32>
        %add3A_1245 = arith.addf %add3A_1219, %get3A_1244 : vector<16xf32>
        %slice3A_1246 = vector.extract_strided_slice %add3A_262 {offsets = [1], sizes = [1], strides = [1]} : vector<16xi32> to vector<1xi32>
        %squeeze3A_1247 = vector.extract %slice3A_1246[0] : i32 from vector<1xi32>
        %shift_right_logical3A_1248 = arith.constant 16 : i32
        %shift_right_logical3A_1249 = arith.shrui %squeeze3A_1247, %shift_right_logical3A_1248 : i32
        %and3A_1250 = arith.constant 65535 : i32
        %and3A_1251 = arith.andi %squeeze3A_1247, %and3A_1250 : i32
        %get3A_1252 = arith.index_cast %shift_right_logical3A_1249 : i32 to index
        %get3A_1253 = tpu.vector_load %arg6[%get3A_1252] {strides = array<i32>} : memref<32000xf32, #tpu.memory_space<vmem>>, vector<16xf32>,
        %get3A_1254 = vector.shape_cast %get3A_1253 : vector<16xf32> to vector<16xf32>
        %add3A_1255 = arith.addf %add3A_1229, %get3A_1254 : vector<16xf32>
        %add3A_1256 = arith.constant 16 : i32
        %add3A_1257 = arith.addi %shift_right_logical3A_1249, %add3A_1256 : i32
        %get3A_1258 = arith.index_cast %add3A_1257 : i32 to index
        %get3A_1259 = tpu.vector_load %arg6[%get3A_1258] {strides = array<i32>} : memref<32000xf32, #tpu.memory_space<vmem>>, vector<16xf32>,
        %get3A_1260 = vector.shape_cast %get3A_1259 : vector<16xf32> to vector<16xf32>
        %add3A_1261 = arith.addf %add3A_1235, %get3A_1260 : vector<16xf32>
        %get3A_1262 = arith.index_cast %and3A_1251 : i32 to index
        %get3A_1263 = tpu.vector_load %arg7[%get3A_1262] {strides = array<i32>} : memref<32000xf32, #tpu.memory_space<vmem>>, vector<16xf32>,
        %get3A_1264 = vector.shape_cast %get3A_1263 : vector<16xf32> to vector<16xf32>
        %add3A_1265 = arith.addf %add3A_1239, %get3A_1264 : vector<16xf32>
        %add3A_1266 = arith.constant 16 : i32
        %add3A_1267 = arith.addi %and3A_1251, %add3A_1266 : i32
        %get3A_1268 = arith.index_cast %add3A_1267 : i32 to index
        %get3A_1269 = tpu.vector_load %arg7[%get3A_1268] {strides = array<i32>} : memref<32000xf32, #tpu.memory_space<vmem>>, vector<16xf32>,
        %get3A_1270 = vector.shape_cast %get3A_1269 : vector<16xf32> to vector<16xf32>
        %add3A_1271 = arith.addf %add3A_1245, %get3A_1270 : vector<16xf32>
        %slice3A_1272 = vector.extract_strided_slice %add3A_262 {offsets = [2], sizes = [1], strides = [1]} : vector<16xi32> to vector<1xi32>
        %squeeze3A_1273 = vector.extract %slice3A_1272[0] : i32 from vector<1xi32>
        %shift_right_logical3A_1274 = arith.constant 16 : i32
        %shift_right_logical3A_1275 = arith.shrui %squeeze3A_1273, %shift_right_logical3A_1274 : i32
        %and3A_1276 = arith.constant 65535 : i32
        %and3A_1277 = arith.andi %squeeze3A_1273, %and3A_1276 : i32
        %get3A_1278 = arith.index_cast %shift_right_logical3A_1275 : i32 to index
        %get3A_1279 = tpu.vector_load %arg6[%get3A_1278] {strides = array<i32>} : memref<32000xf32, #tpu.memory_space<vmem>>, vector<16xf32>,
        %get3A_1280 = vector.shape_cast %get3A_1279 : vector<16xf32> to vector<16xf32>
        %add3A_1281 = arith.addf %add3A_1255, %get3A_1280 : vector<16xf32>
        %add3A_1282 = arith.constant 16 : i32
        %add3A_1283 = arith.addi %shift_right_logical3A_1275, %add3A_1282 : i32
        %get3A_1284 = arith.index_cast %add3A_1283 : i32 to index
        %get3A_1285 = tpu.vector_load %arg6[%get3A_1284] {strides = array<i32>} : memref<32000xf32, #tpu.memory_space<vmem>>, vector<16xf32>,
        %get3A_1286 = vector.shape_cast %get3A_1285 : vector<16xf32> to vector<16xf32>
        %add3A_1287 = arith.addf %add3A_1261, %get3A_1286 : vector<16xf32>
        %get3A_1288 = arith.index_cast %and3A_1277 : i32 to index
        %get3A_1289 = tpu.vector_load %arg7[%get3A_1288] {strides = array<i32>} : memref<32000xf32, #tpu.memory_space<vmem>>, vector<16xf32>,
        %get3A_1290 = vector.shape_cast %get3A_1289 : vector<16xf32> to vector<16xf32>
        %add3A_1291 = arith.addf %add3A_1265, %get3A_1290 : vector<16xf32>
        %add3A_1292 = arith.constant 16 : i32
        %add3A_1293 = arith.addi %and3A_1277, %add3A_1292 : i32
        %get3A_1294 = arith.index_cast %add3A_1293 : i32 to index
        %get3A_1295 = tpu.vector_load %arg7[%get3A_1294] {strides = array<i32>} : memref<32000xf32, #tpu.memory_space<vmem>>, vector<16xf32>,
        %get3A_1296 = vector.shape_cast %get3A_1295 : vector<16xf32> to vector<16xf32>
        %add3A_1297 = arith.addf %add3A_1271, %get3A_1296 : vector<16xf32>
        %slice3A_1298 = vector.extract_strided_slice %add3A_262 {offsets = [3], sizes = [1], strides = [1]} : vector<16xi32> to vector<1xi32>
        %squeeze3A_1299 = vector.extract %slice3A_1298[0] : i32 from vector<1xi32>
        %shift_right_logical3A_1300 = arith.constant 16 : i32
        %shift_right_logical3A_1301 = arith.shrui %squeeze3A_1299, %shift_right_logical3A_1300 : i32
        %and3A_1302 = arith.constant 65535 : i32
        %and3A_1303 = arith.andi %squeeze3A_1299, %and3A_1302 : i32
        %get3A_1304 = arith.index_cast %shift_right_logical3A_1301 : i32 to index
        %get3A_1305 = tpu.vector_load %arg6[%get3A_1304] {strides = array<i32>} : memref<32000xf32, #tpu.memory_space<vmem>>, vector<16xf32>,
        %get3A_1306 = vector.shape_cast %get3A_1305 : vector<16xf32> to vector<16xf32>
        %add3A_1307 = arith.addf %add3A_1281, %get3A_1306 : vector<16xf32>
        %add3A_1308 = arith.constant 16 : i32
        %add3A_1309 = arith.addi %shift_right_logical3A_1301, %add3A_1308 : i32
        %get3A_1310 = arith.index_cast %add3A_1309 : i32 to index
        %get3A_1311 = tpu.vector_load %arg6[%get3A_1310] {strides = array<i32>} : memref<32000xf32, #tpu.memory_space<vmem>>, vector<16xf32>,
        %get3A_1312 = vector.shape_cast %get3A_1311 : vector<16xf32> to vector<16xf32>
        %add3A_1313 = arith.addf %add3A_1287, %get3A_1312 : vector<16xf32>
        %get3A_1314 = arith.index_cast %and3A_1303 : i32 to index
        %get3A_1315 = tpu.vector_load %arg7[%get3A_1314] {strides = array<i32>} : memref<32000xf32, #tpu.memory_space<vmem>>, vector<16xf32>,
        %get3A_1316 = vector.shape_cast %get3A_1315 : vector<16xf32> to vector<16xf32>
        %add3A_1317 = arith.addf %add3A_1291, %get3A_1316 : vector<16xf32>
        %add3A_1318 = arith.constant 16 : i32
        %add3A_1319 = arith.addi %and3A_1303, %add3A_1318 : i32
        %get3A_1320 = arith.index_cast %add3A_1319 : i32 to index
        %get3A_1321 = tpu.vector_load %arg7[%get3A_1320] {strides = array<i32>} : memref<32000xf32, #tpu.memory_space<vmem>>, vector<16xf32>,
        %get3A_1322 = vector.shape_cast %get3A_1321 : vector<16xf32> to vector<16xf32>
        %add3A_1323 = arith.addf %add3A_1297, %get3A_1322 : vector<16xf32>
        %slice3A_1324 = vector.extract_strided_slice %add3A_262 {offsets = [4], sizes = [1], strides = [1]} : vector<16xi32> to vector<1xi32>
        %squeeze3A_1325 = vector.extract %slice3A_1324[0] : i32 from vector<1xi32>
        %shift_right_logical3A_1326 = arith.constant 16 : i32
        %shift_right_logical3A_1327 = arith.shrui %squeeze3A_1325, %shift_right_logical3A_1326 : i32
        %and3A_1328 = arith.constant 65535 : i32
        %and3A_1329 = arith.andi %squeeze3A_1325, %and3A_1328 : i32
        %get3A_1330 = arith.index_cast %shift_right_logical3A_1327 : i32 to index
        %get3A_1331 = tpu.vector_load %arg6[%get3A_1330] {strides = array<i32>} : memref<32000xf32, #tpu.memory_space<vmem>>, vector<16xf32>,
        %get3A_1332 = vector.shape_cast %get3A_1331 : vector<16xf32> to vector<16xf32>
        %add3A_1333 = arith.addf %add3A_1307, %get3A_1332 : vector<16xf32>
        %add3A_1334 = arith.constant 16 : i32
        %add3A_1335 = arith.addi %shift_right_logical3A_1327, %add3A_1334 : i32
        %get3A_1336 = arith.index_cast %add3A_1335 : i32 to index
        %get3A_1337 = tpu.vector_load %arg6[%get3A_1336] {strides = array<i32>} : memref<32000xf32, #tpu.memory_space<vmem>>, vector<16xf32>,
        %get3A_1338 = vector.shape_cast %get3A_1337 : vector<16xf32> to vector<16xf32>
        %add3A_1339 = arith.addf %add3A_1313, %get3A_1338 : vector<16xf32>
        %get3A_1340 = arith.index_cast %and3A_1329 : i32 to index
        %get3A_1341 = tpu.vector_load %arg7[%get3A_1340] {strides = array<i32>} : memref<32000xf32, #tpu.memory_space<vmem>>, vector<16xf32>,
        %get3A_1342 = vector.shape_cast %get3A_1341 : vector<16xf32> to vector<16xf32>
        %add3A_1343 = arith.addf %add3A_1317, %get3A_1342 : vector<16xf32>
        %add3A_1344 = arith.constant 16 : i32
        %add3A_1345 = arith.addi %and3A_1329, %add3A_1344 : i32
        %get3A_1346 = arith.index_cast %add3A_1345 : i32 to index
        %get3A_1347 = tpu.vector_load %arg7[%get3A_1346] {strides = array<i32>} : memref<32000xf32, #tpu.memory_space<vmem>>, vector<16xf32>,
        %get3A_1348 = vector.shape_cast %get3A_1347 : vector<16xf32> to vector<16xf32>
        %add3A_1349 = arith.addf %add3A_1323, %get3A_1348 : vector<16xf32>
        %slice3A_1350 = vector.extract_strided_slice %add3A_262 {offsets = [5], sizes = [1], strides = [1]} : vector<16xi32> to vector<1xi32>
        %squeeze3A_1351 = vector.extract %slice3A_1350[0] : i32 from vector<1xi32>
        %shift_right_logical3A_1352 = arith.constant 16 : i32
        %shift_right_logical3A_1353 = arith.shrui %squeeze3A_1351, %shift_right_logical3A_1352 : i32
        %and3A_1354 = arith.constant 65535 : i32
        %and3A_1355 = arith.andi %squeeze3A_1351, %and3A_1354 : i32
        %get3A_1356 = arith.index_cast %shift_right_logical3A_1353 : i32 to index
        %get3A_1357 = tpu.vector_load %arg6[%get3A_1356] {strides = array<i32>} : memref<32000xf32, #tpu.memory_space<vmem>>, vector<16xf32>,
        %get3A_1358 = vector.shape_cast %get3A_1357 : vector<16xf32> to vector<16xf32>
        %add3A_1359 = arith.addf %add3A_1333, %get3A_1358 : vector<16xf32>
        %add3A_1360 = arith.constant 16 : i32
        %add3A_1361 = arith.addi %shift_right_logical3A_1353, %add3A_1360 : i32
        %get3A_1362 = arith.index_cast %add3A_1361 : i32 to index
        %get3A_1363 = tpu.vector_load %arg6[%get3A_1362] {strides = array<i32>} : memref<32000xf32, #tpu.memory_space<vmem>>, vector<16xf32>,
        %get3A_1364 = vector.shape_cast %get3A_1363 : vector<16xf32> to vector<16xf32>
        %add3A_1365 = arith.addf %add3A_1339, %get3A_1364 : vector<16xf32>
        %get3A_1366 = arith.index_cast %and3A_1355 : i32 to index
        %get3A_1367 = tpu.vector_load %arg7[%get3A_1366] {strides = array<i32>} : memref<32000xf32, #tpu.memory_space<vmem>>, vector<16xf32>,
        %get3A_1368 = vector.shape_cast %get3A_1367 : vector<16xf32> to vector<16xf32>
        %add3A_1369 = arith.addf %add3A_1343, %get3A_1368 : vector<16xf32>
        %add3A_1370 = arith.constant 16 : i32
        %add3A_1371 = arith.addi %and3A_1355, %add3A_1370 : i32
        %get3A_1372 = arith.index_cast %add3A_1371 : i32 to index
        %get3A_1373 = tpu.vector_load %arg7[%get3A_1372] {strides = array<i32>} : memref<32000xf32, #tpu.memory_space<vmem>>, vector<16xf32>,
        %get3A_1374 = vector.shape_cast %get3A_1373 : vector<16xf32> to vector<16xf32>
        %add3A_1375 = arith.addf %add3A_1349, %get3A_1374 : vector<16xf32>
        %slice3A_1376 = vector.extract_strided_slice %add3A_262 {offsets = [6], sizes = [1], strides = [1]} : vector<16xi32> to vector<1xi32>
        %squeeze3A_1377 = vector.extract %slice3A_1376[0] : i32 from vector<1xi32>
        %shift_right_logical3A_1378 = arith.constant 16 : i32
        %shift_right_logical3A_1379 = arith.shrui %squeeze3A_1377, %shift_right_logical3A_1378 : i32
        %and3A_1380 = arith.constant 65535 : i32
        %and3A_1381 = arith.andi %squeeze3A_1377, %and3A_1380 : i32
        %get3A_1382 = arith.index_cast %shift_right_logical3A_1379 : i32 to index
        %get3A_1383 = tpu.vector_load %arg6[%get3A_1382] {strides = array<i32>} : memref<32000xf32, #tpu.memory_space<vmem>>, vector<16xf32>,
        %get3A_1384 = vector.shape_cast %get3A_1383 : vector<16xf32> to vector<16xf32>
        %add3A_1385 = arith.addf %add3A_1359, %get3A_1384 : vector<16xf32>
        %add3A_1386 = arith.constant 16 : i32
        %add3A_1387 = arith.addi %shift_right_logical3A_1379, %add3A_1386 : i32
        %get3A_1388 = arith.index_cast %add3A_1387 : i32 to index
        %get3A_1389 = tpu.vector_load %arg6[%get3A_1388] {strides = array<i32>} : memref<32000xf32, #tpu.memory_space<vmem>>, vector<16xf32>,
        %get3A_1390 = vector.shape_cast %get3A_1389 : vector<16xf32> to vector<16xf32>
        %add3A_1391 = arith.addf %add3A_1365, %get3A_1390 : vector<16xf32>
        %get3A_1392 = arith.index_cast %and3A_1381 : i32 to index
        %get3A_1393 = tpu.vector_load %arg7[%get3A_1392] {strides = array<i32>} : memref<32000xf32, #tpu.memory_space<vmem>>, vector<16xf32>,
        %get3A_1394 = vector.shape_cast %get3A_1393 : vector<16xf32> to vector<16xf32>
        %add3A_1395 = arith.addf %add3A_1369, %get3A_1394 : vector<16xf32>
        %add3A_1396 = arith.constant 16 : i32
        %add3A_1397 = arith.addi %and3A_1381, %add3A_1396 : i32
        %get3A_1398 = arith.index_cast %add3A_1397 : i32 to index
        %get3A_1399 = tpu.vector_load %arg7[%get3A_1398] {strides = array<i32>} : memref<32000xf32, #tpu.memory_space<vmem>>, vector<16xf32>,
        %get3A_1400 = vector.shape_cast %get3A_1399 : vector<16xf32> to vector<16xf32>
        %add3A_1401 = arith.addf %add3A_1375, %get3A_1400 : vector<16xf32>
        %slice3A_1402 = vector.extract_strided_slice %add3A_262 {offsets = [7], sizes = [1], strides = [1]} : vector<16xi32> to vector<1xi32>
        %squeeze3A_1403 = vector.extract %slice3A_1402[0] : i32 from vector<1xi32>
        %shift_right_logical3A_1404 = arith.constant 16 : i32
        %shift_right_logical3A_1405 = arith.shrui %squeeze3A_1403, %shift_right_logical3A_1404 : i32
        %and3A_1406 = arith.constant 65535 : i32
        %and3A_1407 = arith.andi %squeeze3A_1403, %and3A_1406 : i32
        %get3A_1408 = arith.index_cast %shift_right_logical3A_1405 : i32 to index
        %get3A_1409 = tpu.vector_load %arg6[%get3A_1408] {strides = array<i32>} : memref<32000xf32, #tpu.memory_space<vmem>>, vector<16xf32>,
        %get3A_1410 = vector.shape_cast %get3A_1409 : vector<16xf32> to vector<16xf32>
        %add3A_1411 = arith.addf %add3A_1385, %get3A_1410 : vector<16xf32>
        %add3A_1412 = arith.constant 16 : i32
        %add3A_1413 = arith.addi %shift_right_logical3A_1405, %add3A_1412 : i32
        %get3A_1414 = arith.index_cast %add3A_1413 : i32 to index
        %get3A_1415 = tpu.vector_load %arg6[%get3A_1414] {strides = array<i32>} : memref<32000xf32, #tpu.memory_space<vmem>>, vector<16xf32>,
        %get3A_1416 = vector.shape_cast %get3A_1415 : vector<16xf32> to vector<16xf32>
        %add3A_1417 = arith.addf %add3A_1391, %get3A_1416 : vector<16xf32>
        %get3A_1418 = arith.index_cast %and3A_1407 : i32 to index
        %get3A_1419 = tpu.vector_load %arg7[%get3A_1418] {strides = array<i32>} : memref<32000xf32, #tpu.memory_space<vmem>>, vector<16xf32>,
        %get3A_1420 = vector.shape_cast %get3A_1419 : vector<16xf32> to vector<16xf32>
        %add3A_1421 = arith.addf %add3A_1395, %get3A_1420 : vector<16xf32>
        %add3A_1422 = arith.constant 16 : i32
        %add3A_1423 = arith.addi %and3A_1407, %add3A_1422 : i32
        %get3A_1424 = arith.index_cast %add3A_1423 : i32 to index
        %get3A_1425 = tpu.vector_load %arg7[%get3A_1424] {strides = array<i32>} : memref<32000xf32, #tpu.memory_space<vmem>>, vector<16xf32>,
        %get3A_1426 = vector.shape_cast %get3A_1425 : vector<16xf32> to vector<16xf32>
        %add3A_1427 = arith.addf %add3A_1401, %get3A_1426 : vector<16xf32>
        %mul3A_1428 = arith.constant 4 : i32
        %mul3A_1429 = arith.muli %scan3A_112, %mul3A_1428 : i32
        %add3A_1430 = arith.constant 1 : i32
        %add3A_1431 = arith.addi %mul3A_1429, %add3A_1430 : i32
        %mul3A_1432 = arith.mulf %add3A_1411, %add3A_1421 : vector<16xf32>
        %swap3A_1433 = arith.index_cast %add3A_1431 : i32 to index
        %swap3A_1434 = arith.constant 0 : index
        %swap3A_1435 = tpu.vector_load %arg9[%swap3A_1433, %swap3A_1434] {strides = array<i32>} : memref<128x32xf32, #tpu.memory_space<vmem>>, vector<1x16xf32>,
        %swap3A_1436 = vector.shape_cast %swap3A_1435 : vector<1x16xf32> to vector<16xf32>
        %swap3A_1437 = vector.shape_cast %mul3A_1432 : vector<16xf32> to vector<1x16xf32>
        tpu.vector_store %arg9[%swap3A_1433, %swap3A_1434], %swap3A_1437 {strides = array<i32>} : memref<128x32xf32, #tpu.memory_space<vmem>>, vector<1x16xf32>,
        %mul3A_1438 = arith.mulf %add3A_1417, %add3A_1427 : vector<16xf32>
        %swap3A_1439 = arith.index_cast %add3A_1431 : i32 to index
        %swap3A_1440 = arith.constant 16 : index
        %swap3A_1441 = tpu.vector_load %arg9[%swap3A_1439, %swap3A_1440] {strides = array<i32>} : memref<128x32xf32, #tpu.memory_space<vmem>>, vector<1x16xf32>,
        %swap3A_1442 = vector.shape_cast %swap3A_1441 : vector<1x16xf32> to vector<16xf32>
        %swap3A_1443 = vector.shape_cast %mul3A_1438 : vector<16xf32> to vector<1x16xf32>
        tpu.vector_store %arg9[%swap3A_1439, %swap3A_1440], %swap3A_1443 {strides = array<i32>} : memref<128x32xf32, #tpu.memory_space<vmem>>, vector<1x16xf32>,
        %broadcast_in_dim3A_1444 = arith.constant 0.000000e+00 : f32
        %broadcast_in_dim3A_1445 = vector.broadcast %broadcast_in_dim3A_1444 : f32 to vector<16xf32>
        %broadcast_in_dim3A_1446 = arith.constant 0.000000e+00 : f32
        %broadcast_in_dim3A_1447 = vector.broadcast %broadcast_in_dim3A_1446 : f32 to vector<16xf32>
        %broadcast_in_dim3A_1448 = arith.constant 0.000000e+00 : f32
        %broadcast_in_dim3A_1449 = vector.broadcast %broadcast_in_dim3A_1448 : f32 to vector<16xf32>
        %broadcast_in_dim3A_1450 = arith.constant 0.000000e+00 : f32
        %broadcast_in_dim3A_1451 = vector.broadcast %broadcast_in_dim3A_1450 : f32 to vector<16xf32>
        %slice3A_1452 = vector.extract_strided_slice %add3A_262 {offsets = [8], sizes = [1], strides = [1]} : vector<16xi32> to vector<1xi32>
        %squeeze3A_1453 = vector.extract %slice3A_1452[0] : i32 from vector<1xi32>
        %shift_right_logical3A_1454 = arith.constant 16 : i32
        %shift_right_logical3A_1455 = arith.shrui %squeeze3A_1453, %shift_right_logical3A_1454 : i32
        %and3A_1456 = arith.constant 65535 : i32
        %and3A_1457 = arith.andi %squeeze3A_1453, %and3A_1456 : i32
        %get3A_1458 = arith.index_cast %shift_right_logical3A_1455 : i32 to index
        %get3A_1459 = tpu.vector_load %arg6[%get3A_1458] {strides = array<i32>} : memref<32000xf32, #tpu.memory_space<vmem>>, vector<16xf32>,
        %get3A_1460 = vector.shape_cast %get3A_1459 : vector<16xf32> to vector<16xf32>
        %add3A_1461 = arith.addf %broadcast_in_dim3A_1445, %get3A_1460 : vector<16xf32>
        %add3A_1462 = arith.constant 16 : i32
        %add3A_1463 = arith.addi %shift_right_logical3A_1455, %add3A_1462 : i32
        %get3A_1464 = arith.index_cast %add3A_1463 : i32 to index
        %get3A_1465 = tpu.vector_load %arg6[%get3A_1464] {strides = array<i32>} : memref<32000xf32, #tpu.memory_space<vmem>>, vector<16xf32>,
        %get3A_1466 = vector.shape_cast %get3A_1465 : vector<16xf32> to vector<16xf32>
        %add3A_1467 = arith.addf %broadcast_in_dim3A_1447, %get3A_1466 : vector<16xf32>
        %get3A_1468 = arith.index_cast %and3A_1457 : i32 to index
        %get3A_1469 = tpu.vector_load %arg7[%get3A_1468] {strides = array<i32>} : memref<32000xf32, #tpu.memory_space<vmem>>, vector<16xf32>,
        %get3A_1470 = vector.shape_cast %get3A_1469 : vector<16xf32> to vector<16xf32>
        %add3A_1471 = arith.addf %broadcast_in_dim3A_1449, %get3A_1470 : vector<16xf32>
        %add3A_1472 = arith.constant 16 : i32
        %add3A_1473 = arith.addi %and3A_1457, %add3A_1472 : i32
        %get3A_1474 = arith.index_cast %add3A_1473 : i32 to index
        %get3A_1475 = tpu.vector_load %arg7[%get3A_1474] {strides = array<i32>} : memref<32000xf32, #tpu.memory_space<vmem>>, vector<16xf32>,
        %get3A_1476 = vector.shape_cast %get3A_1475 : vector<16xf32> to vector<16xf32>
        %add3A_1477 = arith.addf %broadcast_in_dim3A_1451, %get3A_1476 : vector<16xf32>
        %slice3A_1478 = vector.extract_strided_slice %add3A_262 {offsets = [9], sizes = [1], strides = [1]} : vector<16xi32> to vector<1xi32>
        %squeeze3A_1479 = vector.extract %slice3A_1478[0] : i32 from vector<1xi32>
        %shift_right_logical3A_1480 = arith.constant 16 : i32
        %shift_right_logical3A_1481 = arith.shrui %squeeze3A_1479, %shift_right_logical3A_1480 : i32
        %and3A_1482 = arith.constant 65535 : i32
        %and3A_1483 = arith.andi %squeeze3A_1479, %and3A_1482 : i32
        %get3A_1484 = arith.index_cast %shift_right_logical3A_1481 : i32 to index
        %get3A_1485 = tpu.vector_load %arg6[%get3A_1484] {strides = array<i32>} : memref<32000xf32, #tpu.memory_space<vmem>>, vector<16xf32>,
        %get3A_1486 = vector.shape_cast %get3A_1485 : vector<16xf32> to vector<16xf32>
        %add3A_1487 = arith.addf %add3A_1461, %get3A_1486 : vector<16xf32>
        %add3A_1488 = arith.constant 16 : i32
        %add3A_1489 = arith.addi %shift_right_logical3A_1481, %add3A_1488 : i32
        %get3A_1490 = arith.index_cast %add3A_1489 : i32 to index
        %get3A_1491 = tpu.vector_load %arg6[%get3A_1490] {strides = array<i32>} : memref<32000xf32, #tpu.memory_space<vmem>>, vector<16xf32>,
        %get3A_1492 = vector.shape_cast %get3A_1491 : vector<16xf32> to vector<16xf32>
        %add3A_1493 = arith.addf %add3A_1467, %get3A_1492 : vector<16xf32>
        %get3A_1494 = arith.index_cast %and3A_1483 : i32 to index
        %get3A_1495 = tpu.vector_load %arg7[%get3A_1494] {strides = array<i32>} : memref<32000xf32, #tpu.memory_space<vmem>>, vector<16xf32>,
        %get3A_1496 = vector.shape_cast %get3A_1495 : vector<16xf32> to vector<16xf32>
        %add3A_1497 = arith.addf %add3A_1471, %get3A_1496 : vector<16xf32>
        %add3A_1498 = arith.constant 16 : i32
        %add3A_1499 = arith.addi %and3A_1483, %add3A_1498 : i32
        %get3A_1500 = arith.index_cast %add3A_1499 : i32 to index
        %get3A_1501 = tpu.vector_load %arg7[%get3A_1500] {strides = array<i32>} : memref<32000xf32, #tpu.memory_space<vmem>>, vector<16xf32>,
        %get3A_1502 = vector.shape_cast %get3A_1501 : vector<16xf32> to vector<16xf32>
        %add3A_1503 = arith.addf %add3A_1477, %get3A_1502 : vector<16xf32>
        %slice3A_1504 = vector.extract_strided_slice %add3A_262 {offsets = [10], sizes = [1], strides = [1]} : vector<16xi32> to vector<1xi32>
        %squeeze3A_1505 = vector.extract %slice3A_1504[0] : i32 from vector<1xi32>
        %shift_right_logical3A_1506 = arith.constant 16 : i32
        %shift_right_logical3A_1507 = arith.shrui %squeeze3A_1505, %shift_right_logical3A_1506 : i32
        %and3A_1508 = arith.constant 65535 : i32
        %and3A_1509 = arith.andi %squeeze3A_1505, %and3A_1508 : i32
        %get3A_1510 = arith.index_cast %shift_right_logical3A_1507 : i32 to index
        %get3A_1511 = tpu.vector_load %arg6[%get3A_1510] {strides = array<i32>} : memref<32000xf32, #tpu.memory_space<vmem>>, vector<16xf32>,
        %get3A_1512 = vector.shape_cast %get3A_1511 : vector<16xf32> to vector<16xf32>
        %add3A_1513 = arith.addf %add3A_1487, %get3A_1512 : vector<16xf32>
        %add3A_1514 = arith.constant 16 : i32
        %add3A_1515 = arith.addi %shift_right_logical3A_1507, %add3A_1514 : i32
        %get3A_1516 = arith.index_cast %add3A_1515 : i32 to index
        %get3A_1517 = tpu.vector_load %arg6[%get3A_1516] {strides = array<i32>} : memref<32000xf32, #tpu.memory_space<vmem>>, vector<16xf32>,
        %get3A_1518 = vector.shape_cast %get3A_1517 : vector<16xf32> to vector<16xf32>
        %add3A_1519 = arith.addf %add3A_1493, %get3A_1518 : vector<16xf32>
        %get3A_1520 = arith.index_cast %and3A_1509 : i32 to index
        %get3A_1521 = tpu.vector_load %arg7[%get3A_1520] {strides = array<i32>} : memref<32000xf32, #tpu.memory_space<vmem>>, vector<16xf32>,
        %get3A_1522 = vector.shape_cast %get3A_1521 : vector<16xf32> to vector<16xf32>
        %add3A_1523 = arith.addf %add3A_1497, %get3A_1522 : vector<16xf32>
        %add3A_1524 = arith.constant 16 : i32
        %add3A_1525 = arith.addi %and3A_1509, %add3A_1524 : i32
        %get3A_1526 = arith.index_cast %add3A_1525 : i32 to index
        %get3A_1527 = tpu.vector_load %arg7[%get3A_1526] {strides = array<i32>} : memref<32000xf32, #tpu.memory_space<vmem>>, vector<16xf32>,
        %get3A_1528 = vector.shape_cast %get3A_1527 : vector<16xf32> to vector<16xf32>
        %add3A_1529 = arith.addf %add3A_1503, %get3A_1528 : vector<16xf32>
        %slice3A_1530 = vector.extract_strided_slice %add3A_262 {offsets = [11], sizes = [1], strides = [1]} : vector<16xi32> to vector<1xi32>
        %squeeze3A_1531 = vector.extract %slice3A_1530[0] : i32 from vector<1xi32>
        %shift_right_logical3A_1532 = arith.constant 16 : i32
        %shift_right_logical3A_1533 = arith.shrui %squeeze3A_1531, %shift_right_logical3A_1532 : i32
        %and3A_1534 = arith.constant 65535 : i32
        %and3A_1535 = arith.andi %squeeze3A_1531, %and3A_1534 : i32
        %get3A_1536 = arith.index_cast %shift_right_logical3A_1533 : i32 to index
        %get3A_1537 = tpu.vector_load %arg6[%get3A_1536] {strides = array<i32>} : memref<32000xf32, #tpu.memory_space<vmem>>, vector<16xf32>,
        %get3A_1538 = vector.shape_cast %get3A_1537 : vector<16xf32> to vector<16xf32>
        %add3A_1539 = arith.addf %add3A_1513, %get3A_1538 : vector<16xf32>
        %add3A_1540 = arith.constant 16 : i32
        %add3A_1541 = arith.addi %shift_right_logical3A_1533, %add3A_1540 : i32
        %get3A_1542 = arith.index_cast %add3A_1541 : i32 to index
        %get3A_1543 = tpu.vector_load %arg6[%get3A_1542] {strides = array<i32>} : memref<32000xf32, #tpu.memory_space<vmem>>, vector<16xf32>,
        %get3A_1544 = vector.shape_cast %get3A_1543 : vector<16xf32> to vector<16xf32>
        %add3A_1545 = arith.addf %add3A_1519, %get3A_1544 : vector<16xf32>
        %get3A_1546 = arith.index_cast %and3A_1535 : i32 to index
        %get3A_1547 = tpu.vector_load %arg7[%get3A_1546] {strides = array<i32>} : memref<32000xf32, #tpu.memory_space<vmem>>, vector<16xf32>,
        %get3A_1548 = vector.shape_cast %get3A_1547 : vector<16xf32> to vector<16xf32>
        %add3A_1549 = arith.addf %add3A_1523, %get3A_1548 : vector<16xf32>
        %add3A_1550 = arith.constant 16 : i32
        %add3A_1551 = arith.addi %and3A_1535, %add3A_1550 : i32
        %get3A_1552 = arith.index_cast %add3A_1551 : i32 to index
        %get3A_1553 = tpu.vector_load %arg7[%get3A_1552] {strides = array<i32>} : memref<32000xf32, #tpu.memory_space<vmem>>, vector<16xf32>,
        %get3A_1554 = vector.shape_cast %get3A_1553 : vector<16xf32> to vector<16xf32>
        %add3A_1555 = arith.addf %add3A_1529, %get3A_1554 : vector<16xf32>
        %slice3A_1556 = vector.extract_strided_slice %add3A_262 {offsets = [12], sizes = [1], strides = [1]} : vector<16xi32> to vector<1xi32>
        %squeeze3A_1557 = vector.extract %slice3A_1556[0] : i32 from vector<1xi32>
        %shift_right_logical3A_1558 = arith.constant 16 : i32
        %shift_right_logical3A_1559 = arith.shrui %squeeze3A_1557, %shift_right_logical3A_1558 : i32
        %and3A_1560 = arith.constant 65535 : i32
        %and3A_1561 = arith.andi %squeeze3A_1557, %and3A_1560 : i32
        %get3A_1562 = arith.index_cast %shift_right_logical3A_1559 : i32 to index
        %get3A_1563 = tpu.vector_load %arg6[%get3A_1562] {strides = array<i32>} : memref<32000xf32, #tpu.memory_space<vmem>>, vector<16xf32>,
        %get3A_1564 = vector.shape_cast %get3A_1563 : vector<16xf32> to vector<16xf32>
        %add3A_1565 = arith.addf %add3A_1539, %get3A_1564 : vector<16xf32>
        %add3A_1566 = arith.constant 16 : i32
        %add3A_1567 = arith.addi %shift_right_logical3A_1559, %add3A_1566 : i32
        %get3A_1568 = arith.index_cast %add3A_1567 : i32 to index
        %get3A_1569 = tpu.vector_load %arg6[%get3A_1568] {strides = array<i32>} : memref<32000xf32, #tpu.memory_space<vmem>>, vector<16xf32>,
        %get3A_1570 = vector.shape_cast %get3A_1569 : vector<16xf32> to vector<16xf32>
        %add3A_1571 = arith.addf %add3A_1545, %get3A_1570 : vector<16xf32>
        %get3A_1572 = arith.index_cast %and3A_1561 : i32 to index
        %get3A_1573 = tpu.vector_load %arg7[%get3A_1572] {strides = array<i32>} : memref<32000xf32, #tpu.memory_space<vmem>>, vector<16xf32>,
        %get3A_1574 = vector.shape_cast %get3A_1573 : vector<16xf32> to vector<16xf32>
        %add3A_1575 = arith.addf %add3A_1549, %get3A_1574 : vector<16xf32>
        %add3A_1576 = arith.constant 16 : i32
        %add3A_1577 = arith.addi %and3A_1561, %add3A_1576 : i32
        %get3A_1578 = arith.index_cast %add3A_1577 : i32 to index
        %get3A_1579 = tpu.vector_load %arg7[%get3A_1578] {strides = array<i32>} : memref<32000xf32, #tpu.memory_space<vmem>>, vector<16xf32>,
        %get3A_1580 = vector.shape_cast %get3A_1579 : vector<16xf32> to vector<16xf32>
        %add3A_1581 = arith.addf %add3A_1555, %get3A_1580 : vector<16xf32>
        %slice3A_1582 = vector.extract_strided_slice %add3A_262 {offsets = [13], sizes = [1], strides = [1]} : vector<16xi32> to vector<1xi32>
        %squeeze3A_1583 = vector.extract %slice3A_1582[0] : i32 from vector<1xi32>
        %shift_right_logical3A_1584 = arith.constant 16 : i32
        %shift_right_logical3A_1585 = arith.shrui %squeeze3A_1583, %shift_right_logical3A_1584 : i32
        %and3A_1586 = arith.constant 65535 : i32
        %and3A_1587 = arith.andi %squeeze3A_1583, %and3A_1586 : i32
        %get3A_1588 = arith.index_cast %shift_right_logical3A_1585 : i32 to index
        %get3A_1589 = tpu.vector_load %arg6[%get3A_1588] {strides = array<i32>} : memref<32000xf32, #tpu.memory_space<vmem>>, vector<16xf32>,
        %get3A_1590 = vector.shape_cast %get3A_1589 : vector<16xf32> to vector<16xf32>
        %add3A_1591 = arith.addf %add3A_1565, %get3A_1590 : vector<16xf32>
        %add3A_1592 = arith.constant 16 : i32
        %add3A_1593 = arith.addi %shift_right_logical3A_1585, %add3A_1592 : i32
        %get3A_1594 = arith.index_cast %add3A_1593 : i32 to index
        %get3A_1595 = tpu.vector_load %arg6[%get3A_1594] {strides = array<i32>} : memref<32000xf32, #tpu.memory_space<vmem>>, vector<16xf32>,
        %get3A_1596 = vector.shape_cast %get3A_1595 : vector<16xf32> to vector<16xf32>
        %add3A_1597 = arith.addf %add3A_1571, %get3A_1596 : vector<16xf32>
        %get3A_1598 = arith.index_cast %and3A_1587 : i32 to index
        %get3A_1599 = tpu.vector_load %arg7[%get3A_1598] {strides = array<i32>} : memref<32000xf32, #tpu.memory_space<vmem>>, vector<16xf32>,
        %get3A_1600 = vector.shape_cast %get3A_1599 : vector<16xf32> to vector<16xf32>
        %add3A_1601 = arith.addf %add3A_1575, %get3A_1600 : vector<16xf32>
        %add3A_1602 = arith.constant 16 : i32
        %add3A_1603 = arith.addi %and3A_1587, %add3A_1602 : i32
        %get3A_1604 = arith.index_cast %add3A_1603 : i32 to index
        %get3A_1605 = tpu.vector_load %arg7[%get3A_1604] {strides = array<i32>} : memref<32000xf32, #tpu.memory_space<vmem>>, vector<16xf32>,
        %get3A_1606 = vector.shape_cast %get3A_1605 : vector<16xf32> to vector<16xf32>
        %add3A_1607 = arith.addf %add3A_1581, %get3A_1606 : vector<16xf32>
        %slice3A_1608 = vector.extract_strided_slice %add3A_262 {offsets = [14], sizes = [1], strides = [1]} : vector<16xi32> to vector<1xi32>
        %squeeze3A_1609 = vector.extract %slice3A_1608[0] : i32 from vector<1xi32>
        %shift_right_logical3A_1610 = arith.constant 16 : i32
        %shift_right_logical3A_1611 = arith.shrui %squeeze3A_1609, %shift_right_logical3A_1610 : i32
        %and3A_1612 = arith.constant 65535 : i32
        %and3A_1613 = arith.andi %squeeze3A_1609, %and3A_1612 : i32
        %get3A_1614 = arith.index_cast %shift_right_logical3A_1611 : i32 to index
        %get3A_1615 = tpu.vector_load %arg6[%get3A_1614] {strides = array<i32>} : memref<32000xf32, #tpu.memory_space<vmem>>, vector<16xf32>,
        %get3A_1616 = vector.shape_cast %get3A_1615 : vector<16xf32> to vector<16xf32>
        %add3A_1617 = arith.addf %add3A_1591, %get3A_1616 : vector<16xf32>
        %add3A_1618 = arith.constant 16 : i32
        %add3A_1619 = arith.addi %shift_right_logical3A_1611, %add3A_1618 : i32
        %get3A_1620 = arith.index_cast %add3A_1619 : i32 to index
        %get3A_1621 = tpu.vector_load %arg6[%get3A_1620] {strides = array<i32>} : memref<32000xf32, #tpu.memory_space<vmem>>, vector<16xf32>,
        %get3A_1622 = vector.shape_cast %get3A_1621 : vector<16xf32> to vector<16xf32>
        %add3A_1623 = arith.addf %add3A_1597, %get3A_1622 : vector<16xf32>
        %get3A_1624 = arith.index_cast %and3A_1613 : i32 to index
        %get3A_1625 = tpu.vector_load %arg7[%get3A_1624] {strides = array<i32>} : memref<32000xf32, #tpu.memory_space<vmem>>, vector<16xf32>,
        %get3A_1626 = vector.shape_cast %get3A_1625 : vector<16xf32> to vector<16xf32>
        %add3A_1627 = arith.addf %add3A_1601, %get3A_1626 : vector<16xf32>
        %add3A_1628 = arith.constant 16 : i32
        %add3A_1629 = arith.addi %and3A_1613, %add3A_1628 : i32
        %get3A_1630 = arith.index_cast %add3A_1629 : i32 to index
        %get3A_1631 = tpu.vector_load %arg7[%get3A_1630] {strides = array<i32>} : memref<32000xf32, #tpu.memory_space<vmem>>, vector<16xf32>,
        %get3A_1632 = vector.shape_cast %get3A_1631 : vector<16xf32> to vector<16xf32>
        %add3A_1633 = arith.addf %add3A_1607, %get3A_1632 : vector<16xf32>
        %slice3A_1634 = vector.extract_strided_slice %add3A_262 {offsets = [15], sizes = [1], strides = [1]} : vector<16xi32> to vector<1xi32>
        %squeeze3A_1635 = vector.extract %slice3A_1634[0] : i32 from vector<1xi32>
        %shift_right_logical3A_1636 = arith.constant 16 : i32
        %shift_right_logical3A_1637 = arith.shrui %squeeze3A_1635, %shift_right_logical3A_1636 : i32
        %and3A_1638 = arith.constant 65535 : i32
        %and3A_1639 = arith.andi %squeeze3A_1635, %and3A_1638 : i32
        %get3A_1640 = arith.index_cast %shift_right_logical3A_1637 : i32 to index
        %get3A_1641 = tpu.vector_load %arg6[%get3A_1640] {strides = array<i32>} : memref<32000xf32, #tpu.memory_space<vmem>>, vector<16xf32>,
        %get3A_1642 = vector.shape_cast %get3A_1641 : vector<16xf32> to vector<16xf32>
        %add3A_1643 = arith.addf %add3A_1617, %get3A_1642 : vector<16xf32>
        %add3A_1644 = arith.constant 16 : i32
        %add3A_1645 = arith.addi %shift_right_logical3A_1637, %add3A_1644 : i32
        %get3A_1646 = arith.index_cast %add3A_1645 : i32 to index
        %get3A_1647 = tpu.vector_load %arg6[%get3A_1646] {strides = array<i32>} : memref<32000xf32, #tpu.memory_space<vmem>>, vector<16xf32>,
        %get3A_1648 = vector.shape_cast %get3A_1647 : vector<16xf32> to vector<16xf32>
        %add3A_1649 = arith.addf %add3A_1623, %get3A_1648 : vector<16xf32>
        %get3A_1650 = arith.index_cast %and3A_1639 : i32 to index
        %get3A_1651 = tpu.vector_load %arg7[%get3A_1650] {strides = array<i32>} : memref<32000xf32, #tpu.memory_space<vmem>>, vector<16xf32>,
        %get3A_1652 = vector.shape_cast %get3A_1651 : vector<16xf32> to vector<16xf32>
        %add3A_1653 = arith.addf %add3A_1627, %get3A_1652 : vector<16xf32>
        %add3A_1654 = arith.constant 16 : i32
        %add3A_1655 = arith.addi %and3A_1639, %add3A_1654 : i32
        %get3A_1656 = arith.index_cast %add3A_1655 : i32 to index
        %get3A_1657 = tpu.vector_load %arg7[%get3A_1656] {strides = array<i32>} : memref<32000xf32, #tpu.memory_space<vmem>>, vector<16xf32>,
        %get3A_1658 = vector.shape_cast %get3A_1657 : vector<16xf32> to vector<16xf32>
        %add3A_1659 = arith.addf %add3A_1633, %get3A_1658 : vector<16xf32>
        %slice3A_1660 = vector.extract_strided_slice %add3A_311 {offsets = [0], sizes = [1], strides = [1]} : vector<16xi32> to vector<1xi32>
        %squeeze3A_1661 = vector.extract %slice3A_1660[0] : i32 from vector<1xi32>
        %shift_right_logical3A_1662 = arith.constant 16 : i32
        %shift_right_logical3A_1663 = arith.shrui %squeeze3A_1661, %shift_right_logical3A_1662 : i32
        %and3A_1664 = arith.constant 65535 : i32
        %and3A_1665 = arith.andi %squeeze3A_1661, %and3A_1664 : i32
        %get3A_1666 = arith.index_cast %shift_right_logical3A_1663 : i32 to index
        %get3A_1667 = tpu.vector_load %arg6[%get3A_1666] {strides = array<i32>} : memref<32000xf32, #tpu.memory_space<vmem>>, vector<16xf32>,
        %get3A_1668 = vector.shape_cast %get3A_1667 : vector<16xf32> to vector<16xf32>
        %add3A_1669 = arith.addf %add3A_1643, %get3A_1668 : vector<16xf32>
        %add3A_1670 = arith.constant 16 : i32
        %add3A_1671 = arith.addi %shift_right_logical3A_1663, %add3A_1670 : i32
        %get3A_1672 = arith.index_cast %add3A_1671 : i32 to index
        %get3A_1673 = tpu.vector_load %arg6[%get3A_1672] {strides = array<i32>} : memref<32000xf32, #tpu.memory_space<vmem>>, vector<16xf32>,
        %get3A_1674 = vector.shape_cast %get3A_1673 : vector<16xf32> to vector<16xf32>
        %add3A_1675 = arith.addf %add3A_1649, %get3A_1674 : vector<16xf32>
        %get3A_1676 = arith.index_cast %and3A_1665 : i32 to index
        %get3A_1677 = tpu.vector_load %arg7[%get3A_1676] {strides = array<i32>} : memref<32000xf32, #tpu.memory_space<vmem>>, vector<16xf32>,
        %get3A_1678 = vector.shape_cast %get3A_1677 : vector<16xf32> to vector<16xf32>
        %add3A_1679 = arith.addf %add3A_1653, %get3A_1678 : vector<16xf32>
        %add3A_1680 = arith.constant 16 : i32
        %add3A_1681 = arith.addi %and3A_1665, %add3A_1680 : i32
        %get3A_1682 = arith.index_cast %add3A_1681 : i32 to index
        %get3A_1683 = tpu.vector_load %arg7[%get3A_1682] {strides = array<i32>} : memref<32000xf32, #tpu.memory_space<vmem>>, vector<16xf32>,
        %get3A_1684 = vector.shape_cast %get3A_1683 : vector<16xf32> to vector<16xf32>
        %add3A_1685 = arith.addf %add3A_1659, %get3A_1684 : vector<16xf32>
        %slice3A_1686 = vector.extract_strided_slice %add3A_311 {offsets = [1], sizes = [1], strides = [1]} : vector<16xi32> to vector<1xi32>
        %squeeze3A_1687 = vector.extract %slice3A_1686[0] : i32 from vector<1xi32>
        %shift_right_logical3A_1688 = arith.constant 16 : i32
        %shift_right_logical3A_1689 = arith.shrui %squeeze3A_1687, %shift_right_logical3A_1688 : i32
        %and3A_1690 = arith.constant 65535 : i32
        %and3A_1691 = arith.andi %squeeze3A_1687, %and3A_1690 : i32
        %get3A_1692 = arith.index_cast %shift_right_logical3A_1689 : i32 to index
        %get3A_1693 = tpu.vector_load %arg6[%get3A_1692] {strides = array<i32>} : memref<32000xf32, #tpu.memory_space<vmem>>, vector<16xf32>,
        %get3A_1694 = vector.shape_cast %get3A_1693 : vector<16xf32> to vector<16xf32>
        %add3A_1695 = arith.addf %add3A_1669, %get3A_1694 : vector<16xf32>
        %add3A_1696 = arith.constant 16 : i32
        %add3A_1697 = arith.addi %shift_right_logical3A_1689, %add3A_1696 : i32
        %get3A_1698 = arith.index_cast %add3A_1697 : i32 to index
        %get3A_1699 = tpu.vector_load %arg6[%get3A_1698] {strides = array<i32>} : memref<32000xf32, #tpu.memory_space<vmem>>, vector<16xf32>,
        %get3A_1700 = vector.shape_cast %get3A_1699 : vector<16xf32> to vector<16xf32>
        %add3A_1701 = arith.addf %add3A_1675, %get3A_1700 : vector<16xf32>
        %get3A_1702 = arith.index_cast %and3A_1691 : i32 to index
        %get3A_1703 = tpu.vector_load %arg7[%get3A_1702] {strides = array<i32>} : memref<32000xf32, #tpu.memory_space<vmem>>, vector<16xf32>,
        %get3A_1704 = vector.shape_cast %get3A_1703 : vector<16xf32> to vector<16xf32>
        %add3A_1705 = arith.addf %add3A_1679, %get3A_1704 : vector<16xf32>
        %add3A_1706 = arith.constant 16 : i32
        %add3A_1707 = arith.addi %and3A_1691, %add3A_1706 : i32
        %get3A_1708 = arith.index_cast %add3A_1707 : i32 to index
        %get3A_1709 = tpu.vector_load %arg7[%get3A_1708] {strides = array<i32>} : memref<32000xf32, #tpu.memory_space<vmem>>, vector<16xf32>,
        %get3A_1710 = vector.shape_cast %get3A_1709 : vector<16xf32> to vector<16xf32>
        %add3A_1711 = arith.addf %add3A_1685, %get3A_1710 : vector<16xf32>
        %slice3A_1712 = vector.extract_strided_slice %add3A_311 {offsets = [2], sizes = [1], strides = [1]} : vector<16xi32> to vector<1xi32>
        %squeeze3A_1713 = vector.extract %slice3A_1712[0] : i32 from vector<1xi32>
        %shift_right_logical3A_1714 = arith.constant 16 : i32
        %shift_right_logical3A_1715 = arith.shrui %squeeze3A_1713, %shift_right_logical3A_1714 : i32
        %and3A_1716 = arith.constant 65535 : i32
        %and3A_1717 = arith.andi %squeeze3A_1713, %and3A_1716 : i32
        %get3A_1718 = arith.index_cast %shift_right_logical3A_1715 : i32 to index
        %get3A_1719 = tpu.vector_load %arg6[%get3A_1718] {strides = array<i32>} : memref<32000xf32, #tpu.memory_space<vmem>>, vector<16xf32>,
        %get3A_1720 = vector.shape_cast %get3A_1719 : vector<16xf32> to vector<16xf32>
        %add3A_1721 = arith.addf %add3A_1695, %get3A_1720 : vector<16xf32>
        %add3A_1722 = arith.constant 16 : i32
        %add3A_1723 = arith.addi %shift_right_logical3A_1715, %add3A_1722 : i32
        %get3A_1724 = arith.index_cast %add3A_1723 : i32 to index
        %get3A_1725 = tpu.vector_load %arg6[%get3A_1724] {strides = array<i32>} : memref<32000xf32, #tpu.memory_space<vmem>>, vector<16xf32>,
        %get3A_1726 = vector.shape_cast %get3A_1725 : vector<16xf32> to vector<16xf32>
        %add3A_1727 = arith.addf %add3A_1701, %get3A_1726 : vector<16xf32>
        %get3A_1728 = arith.index_cast %and3A_1717 : i32 to index
        %get3A_1729 = tpu.vector_load %arg7[%get3A_1728] {strides = array<i32>} : memref<32000xf32, #tpu.memory_space<vmem>>, vector<16xf32>,
        %get3A_1730 = vector.shape_cast %get3A_1729 : vector<16xf32> to vector<16xf32>
        %add3A_1731 = arith.addf %add3A_1705, %get3A_1730 : vector<16xf32>
        %add3A_1732 = arith.constant 16 : i32
        %add3A_1733 = arith.addi %and3A_1717, %add3A_1732 : i32
        %get3A_1734 = arith.index_cast %add3A_1733 : i32 to index
        %get3A_1735 = tpu.vector_load %arg7[%get3A_1734] {strides = array<i32>} : memref<32000xf32, #tpu.memory_space<vmem>>, vector<16xf32>,
        %get3A_1736 = vector.shape_cast %get3A_1735 : vector<16xf32> to vector<16xf32>
        %add3A_1737 = arith.addf %add3A_1711, %get3A_1736 : vector<16xf32>
        %slice3A_1738 = vector.extract_strided_slice %add3A_311 {offsets = [3], sizes = [1], strides = [1]} : vector<16xi32> to vector<1xi32>
        %squeeze3A_1739 = vector.extract %slice3A_1738[0] : i32 from vector<1xi32>
        %shift_right_logical3A_1740 = arith.constant 16 : i32
        %shift_right_logical3A_1741 = arith.shrui %squeeze3A_1739, %shift_right_logical3A_1740 : i32
        %and3A_1742 = arith.constant 65535 : i32
        %and3A_1743 = arith.andi %squeeze3A_1739, %and3A_1742 : i32
        %get3A_1744 = arith.index_cast %shift_right_logical3A_1741 : i32 to index
        %get3A_1745 = tpu.vector_load %arg6[%get3A_1744] {strides = array<i32>} : memref<32000xf32, #tpu.memory_space<vmem>>, vector<16xf32>,
        %get3A_1746 = vector.shape_cast %get3A_1745 : vector<16xf32> to vector<16xf32>
        %add3A_1747 = arith.addf %add3A_1721, %get3A_1746 : vector<16xf32>
        %add3A_1748 = arith.constant 16 : i32
        %add3A_1749 = arith.addi %shift_right_logical3A_1741, %add3A_1748 : i32
        %get3A_1750 = arith.index_cast %add3A_1749 : i32 to index
        %get3A_1751 = tpu.vector_load %arg6[%get3A_1750] {strides = array<i32>} : memref<32000xf32, #tpu.memory_space<vmem>>, vector<16xf32>,
        %get3A_1752 = vector.shape_cast %get3A_1751 : vector<16xf32> to vector<16xf32>
        %add3A_1753 = arith.addf %add3A_1727, %get3A_1752 : vector<16xf32>
        %get3A_1754 = arith.index_cast %and3A_1743 : i32 to index
        %get3A_1755 = tpu.vector_load %arg7[%get3A_1754] {strides = array<i32>} : memref<32000xf32, #tpu.memory_space<vmem>>, vector<16xf32>,
        %get3A_1756 = vector.shape_cast %get3A_1755 : vector<16xf32> to vector<16xf32>
        %add3A_1757 = arith.addf %add3A_1731, %get3A_1756 : vector<16xf32>
        %add3A_1758 = arith.constant 16 : i32
        %add3A_1759 = arith.addi %and3A_1743, %add3A_1758 : i32
        %get3A_1760 = arith.index_cast %add3A_1759 : i32 to index
        %get3A_1761 = tpu.vector_load %arg7[%get3A_1760] {strides = array<i32>} : memref<32000xf32, #tpu.memory_space<vmem>>, vector<16xf32>,
        %get3A_1762 = vector.shape_cast %get3A_1761 : vector<16xf32> to vector<16xf32>
        %add3A_1763 = arith.addf %add3A_1737, %get3A_1762 : vector<16xf32>
        %slice3A_1764 = vector.extract_strided_slice %add3A_311 {offsets = [4], sizes = [1], strides = [1]} : vector<16xi32> to vector<1xi32>
        %squeeze3A_1765 = vector.extract %slice3A_1764[0] : i32 from vector<1xi32>
        %shift_right_logical3A_1766 = arith.constant 16 : i32
        %shift_right_logical3A_1767 = arith.shrui %squeeze3A_1765, %shift_right_logical3A_1766 : i32
        %and3A_1768 = arith.constant 65535 : i32
        %and3A_1769 = arith.andi %squeeze3A_1765, %and3A_1768 : i32
        %get3A_1770 = arith.index_cast %shift_right_logical3A_1767 : i32 to index
        %get3A_1771 = tpu.vector_load %arg6[%get3A_1770] {strides = array<i32>} : memref<32000xf32, #tpu.memory_space<vmem>>, vector<16xf32>,
        %get3A_1772 = vector.shape_cast %get3A_1771 : vector<16xf32> to vector<16xf32>
        %add3A_1773 = arith.addf %add3A_1747, %get3A_1772 : vector<16xf32>
        %add3A_1774 = arith.constant 16 : i32
        %add3A_1775 = arith.addi %shift_right_logical3A_1767, %add3A_1774 : i32
        %get3A_1776 = arith.index_cast %add3A_1775 : i32 to index
        %get3A_1777 = tpu.vector_load %arg6[%get3A_1776] {strides = array<i32>} : memref<32000xf32, #tpu.memory_space<vmem>>, vector<16xf32>,
        %get3A_1778 = vector.shape_cast %get3A_1777 : vector<16xf32> to vector<16xf32>
        %add3A_1779 = arith.addf %add3A_1753, %get3A_1778 : vector<16xf32>
        %get3A_1780 = arith.index_cast %and3A_1769 : i32 to index
        %get3A_1781 = tpu.vector_load %arg7[%get3A_1780] {strides = array<i32>} : memref<32000xf32, #tpu.memory_space<vmem>>, vector<16xf32>,
        %get3A_1782 = vector.shape_cast %get3A_1781 : vector<16xf32> to vector<16xf32>
        %add3A_1783 = arith.addf %add3A_1757, %get3A_1782 : vector<16xf32>
        %add3A_1784 = arith.constant 16 : i32
        %add3A_1785 = arith.addi %and3A_1769, %add3A_1784 : i32
        %get3A_1786 = arith.index_cast %add3A_1785 : i32 to index
        %get3A_1787 = tpu.vector_load %arg7[%get3A_1786] {strides = array<i32>} : memref<32000xf32, #tpu.memory_space<vmem>>, vector<16xf32>,
        %get3A_1788 = vector.shape_cast %get3A_1787 : vector<16xf32> to vector<16xf32>
        %add3A_1789 = arith.addf %add3A_1763, %get3A_1788 : vector<16xf32>
        %slice3A_1790 = vector.extract_strided_slice %add3A_311 {offsets = [5], sizes = [1], strides = [1]} : vector<16xi32> to vector<1xi32>
        %squeeze3A_1791 = vector.extract %slice3A_1790[0] : i32 from vector<1xi32>
        %shift_right_logical3A_1792 = arith.constant 16 : i32
        %shift_right_logical3A_1793 = arith.shrui %squeeze3A_1791, %shift_right_logical3A_1792 : i32
        %and3A_1794 = arith.constant 65535 : i32
        %and3A_1795 = arith.andi %squeeze3A_1791, %and3A_1794 : i32
        %get3A_1796 = arith.index_cast %shift_right_logical3A_1793 : i32 to index
        %get3A_1797 = tpu.vector_load %arg6[%get3A_1796] {strides = array<i32>} : memref<32000xf32, #tpu.memory_space<vmem>>, vector<16xf32>,
        %get3A_1798 = vector.shape_cast %get3A_1797 : vector<16xf32> to vector<16xf32>
        %add3A_1799 = arith.addf %add3A_1773, %get3A_1798 : vector<16xf32>
        %add3A_1800 = arith.constant 16 : i32
        %add3A_1801 = arith.addi %shift_right_logical3A_1793, %add3A_1800 : i32
        %get3A_1802 = arith.index_cast %add3A_1801 : i32 to index
        %get3A_1803 = tpu.vector_load %arg6[%get3A_1802] {strides = array<i32>} : memref<32000xf32, #tpu.memory_space<vmem>>, vector<16xf32>,
        %get3A_1804 = vector.shape_cast %get3A_1803 : vector<16xf32> to vector<16xf32>
        %add3A_1805 = arith.addf %add3A_1779, %get3A_1804 : vector<16xf32>
        %get3A_1806 = arith.index_cast %and3A_1795 : i32 to index
        %get3A_1807 = tpu.vector_load %arg7[%get3A_1806] {strides = array<i32>} : memref<32000xf32, #tpu.memory_space<vmem>>, vector<16xf32>,
        %get3A_1808 = vector.shape_cast %get3A_1807 : vector<16xf32> to vector<16xf32>
        %add3A_1809 = arith.addf %add3A_1783, %get3A_1808 : vector<16xf32>
        %add3A_1810 = arith.constant 16 : i32
        %add3A_1811 = arith.addi %and3A_1795, %add3A_1810 : i32
        %get3A_1812 = arith.index_cast %add3A_1811 : i32 to index
        %get3A_1813 = tpu.vector_load %arg7[%get3A_1812] {strides = array<i32>} : memref<32000xf32, #tpu.memory_space<vmem>>, vector<16xf32>,
        %get3A_1814 = vector.shape_cast %get3A_1813 : vector<16xf32> to vector<16xf32>
        %add3A_1815 = arith.addf %add3A_1789, %get3A_1814 : vector<16xf32>
        %slice3A_1816 = vector.extract_strided_slice %add3A_311 {offsets = [6], sizes = [1], strides = [1]} : vector<16xi32> to vector<1xi32>
        %squeeze3A_1817 = vector.extract %slice3A_1816[0] : i32 from vector<1xi32>
        %shift_right_logical3A_1818 = arith.constant 16 : i32
        %shift_right_logical3A_1819 = arith.shrui %squeeze3A_1817, %shift_right_logical3A_1818 : i32
        %and3A_1820 = arith.constant 65535 : i32
        %and3A_1821 = arith.andi %squeeze3A_1817, %and3A_1820 : i32
        %get3A_1822 = arith.index_cast %shift_right_logical3A_1819 : i32 to index
        %get3A_1823 = tpu.vector_load %arg6[%get3A_1822] {strides = array<i32>} : memref<32000xf32, #tpu.memory_space<vmem>>, vector<16xf32>,
        %get3A_1824 = vector.shape_cast %get3A_1823 : vector<16xf32> to vector<16xf32>
        %add3A_1825 = arith.addf %add3A_1799, %get3A_1824 : vector<16xf32>
        %add3A_1826 = arith.constant 16 : i32
        %add3A_1827 = arith.addi %shift_right_logical3A_1819, %add3A_1826 : i32
        %get3A_1828 = arith.index_cast %add3A_1827 : i32 to index
        %get3A_1829 = tpu.vector_load %arg6[%get3A_1828] {strides = array<i32>} : memref<32000xf32, #tpu.memory_space<vmem>>, vector<16xf32>,
        %get3A_1830 = vector.shape_cast %get3A_1829 : vector<16xf32> to vector<16xf32>
        %add3A_1831 = arith.addf %add3A_1805, %get3A_1830 : vector<16xf32>
        %get3A_1832 = arith.index_cast %and3A_1821 : i32 to index
        %get3A_1833 = tpu.vector_load %arg7[%get3A_1832] {strides = array<i32>} : memref<32000xf32, #tpu.memory_space<vmem>>, vector<16xf32>,
        %get3A_1834 = vector.shape_cast %get3A_1833 : vector<16xf32> to vector<16xf32>
        %add3A_1835 = arith.addf %add3A_1809, %get3A_1834 : vector<16xf32>
        %add3A_1836 = arith.constant 16 : i32
        %add3A_1837 = arith.addi %and3A_1821, %add3A_1836 : i32
        %get3A_1838 = arith.index_cast %add3A_1837 : i32 to index
        %get3A_1839 = tpu.vector_load %arg7[%get3A_1838] {strides = array<i32>} : memref<32000xf32, #tpu.memory_space<vmem>>, vector<16xf32>,
        %get3A_1840 = vector.shape_cast %get3A_1839 : vector<16xf32> to vector<16xf32>
        %add3A_1841 = arith.addf %add3A_1815, %get3A_1840 : vector<16xf32>
        %slice3A_1842 = vector.extract_strided_slice %add3A_311 {offsets = [7], sizes = [1], strides = [1]} : vector<16xi32> to vector<1xi32>
        %squeeze3A_1843 = vector.extract %slice3A_1842[0] : i32 from vector<1xi32>
        %shift_right_logical3A_1844 = arith.constant 16 : i32
        %shift_right_logical3A_1845 = arith.shrui %squeeze3A_1843, %shift_right_logical3A_1844 : i32
        %and3A_1846 = arith.constant 65535 : i32
        %and3A_1847 = arith.andi %squeeze3A_1843, %and3A_1846 : i32
        %get3A_1848 = arith.index_cast %shift_right_logical3A_1845 : i32 to index
        %get3A_1849 = tpu.vector_load %arg6[%get3A_1848] {strides = array<i32>} : memref<32000xf32, #tpu.memory_space<vmem>>, vector<16xf32>,
        %get3A_1850 = vector.shape_cast %get3A_1849 : vector<16xf32> to vector<16xf32>
        %add3A_1851 = arith.addf %add3A_1825, %get3A_1850 : vector<16xf32>
        %add3A_1852 = arith.constant 16 : i32
        %add3A_1853 = arith.addi %shift_right_logical3A_1845, %add3A_1852 : i32
        %get3A_1854 = arith.index_cast %add3A_1853 : i32 to index
        %get3A_1855 = tpu.vector_load %arg6[%get3A_1854] {strides = array<i32>} : memref<32000xf32, #tpu.memory_space<vmem>>, vector<16xf32>,
        %get3A_1856 = vector.shape_cast %get3A_1855 : vector<16xf32> to vector<16xf32>
        %add3A_1857 = arith.addf %add3A_1831, %get3A_1856 : vector<16xf32>
        %get3A_1858 = arith.index_cast %and3A_1847 : i32 to index
        %get3A_1859 = tpu.vector_load %arg7[%get3A_1858] {strides = array<i32>} : memref<32000xf32, #tpu.memory_space<vmem>>, vector<16xf32>,
        %get3A_1860 = vector.shape_cast %get3A_1859 : vector<16xf32> to vector<16xf32>
        %add3A_1861 = arith.addf %add3A_1835, %get3A_1860 : vector<16xf32>
        %add3A_1862 = arith.constant 16 : i32
        %add3A_1863 = arith.addi %and3A_1847, %add3A_1862 : i32
        %get3A_1864 = arith.index_cast %add3A_1863 : i32 to index
        %get3A_1865 = tpu.vector_load %arg7[%get3A_1864] {strides = array<i32>} : memref<32000xf32, #tpu.memory_space<vmem>>, vector<16xf32>,
        %get3A_1866 = vector.shape_cast %get3A_1865 : vector<16xf32> to vector<16xf32>
        %add3A_1867 = arith.addf %add3A_1841, %get3A_1866 : vector<16xf32>
        %slice3A_1868 = vector.extract_strided_slice %add3A_311 {offsets = [8], sizes = [1], strides = [1]} : vector<16xi32> to vector<1xi32>
        %squeeze3A_1869 = vector.extract %slice3A_1868[0] : i32 from vector<1xi32>
        %shift_right_logical3A_1870 = arith.constant 16 : i32
        %shift_right_logical3A_1871 = arith.shrui %squeeze3A_1869, %shift_right_logical3A_1870 : i32
        %and3A_1872 = arith.constant 65535 : i32
        %and3A_1873 = arith.andi %squeeze3A_1869, %and3A_1872 : i32
        %get3A_1874 = arith.index_cast %shift_right_logical3A_1871 : i32 to index
        %get3A_1875 = tpu.vector_load %arg6[%get3A_1874] {strides = array<i32>} : memref<32000xf32, #tpu.memory_space<vmem>>, vector<16xf32>,
        %get3A_1876 = vector.shape_cast %get3A_1875 : vector<16xf32> to vector<16xf32>
        %add3A_1877 = arith.addf %add3A_1851, %get3A_1876 : vector<16xf32>
        %add3A_1878 = arith.constant 16 : i32
        %add3A_1879 = arith.addi %shift_right_logical3A_1871, %add3A_1878 : i32
        %get3A_1880 = arith.index_cast %add3A_1879 : i32 to index
        %get3A_1881 = tpu.vector_load %arg6[%get3A_1880] {strides = array<i32>} : memref<32000xf32, #tpu.memory_space<vmem>>, vector<16xf32>,
        %get3A_1882 = vector.shape_cast %get3A_1881 : vector<16xf32> to vector<16xf32>
        %add3A_1883 = arith.addf %add3A_1857, %get3A_1882 : vector<16xf32>
        %get3A_1884 = arith.index_cast %and3A_1873 : i32 to index
        %get3A_1885 = tpu.vector_load %arg7[%get3A_1884] {strides = array<i32>} : memref<32000xf32, #tpu.memory_space<vmem>>, vector<16xf32>,
        %get3A_1886 = vector.shape_cast %get3A_1885 : vector<16xf32> to vector<16xf32>
        %add3A_1887 = arith.addf %add3A_1861, %get3A_1886 : vector<16xf32>
        %add3A_1888 = arith.constant 16 : i32
        %add3A_1889 = arith.addi %and3A_1873, %add3A_1888 : i32
        %get3A_1890 = arith.index_cast %add3A_1889 : i32 to index
        %get3A_1891 = tpu.vector_load %arg7[%get3A_1890] {strides = array<i32>} : memref<32000xf32, #tpu.memory_space<vmem>>, vector<16xf32>,
        %get3A_1892 = vector.shape_cast %get3A_1891 : vector<16xf32> to vector<16xf32>
        %add3A_1893 = arith.addf %add3A_1867, %get3A_1892 : vector<16xf32>
        %slice3A_1894 = vector.extract_strided_slice %add3A_311 {offsets = [9], sizes = [1], strides = [1]} : vector<16xi32> to vector<1xi32>
        %squeeze3A_1895 = vector.extract %slice3A_1894[0] : i32 from vector<1xi32>
        %shift_right_logical3A_1896 = arith.constant 16 : i32
        %shift_right_logical3A_1897 = arith.shrui %squeeze3A_1895, %shift_right_logical3A_1896 : i32
        %and3A_1898 = arith.constant 65535 : i32
        %and3A_1899 = arith.andi %squeeze3A_1895, %and3A_1898 : i32
        %get3A_1900 = arith.index_cast %shift_right_logical3A_1897 : i32 to index
        %get3A_1901 = tpu.vector_load %arg6[%get3A_1900] {strides = array<i32>} : memref<32000xf32, #tpu.memory_space<vmem>>, vector<16xf32>,
        %get3A_1902 = vector.shape_cast %get3A_1901 : vector<16xf32> to vector<16xf32>
        %add3A_1903 = arith.addf %add3A_1877, %get3A_1902 : vector<16xf32>
        %add3A_1904 = arith.constant 16 : i32
        %add3A_1905 = arith.addi %shift_right_logical3A_1897, %add3A_1904 : i32
        %get3A_1906 = arith.index_cast %add3A_1905 : i32 to index
        %get3A_1907 = tpu.vector_load %arg6[%get3A_1906] {strides = array<i32>} : memref<32000xf32, #tpu.memory_space<vmem>>, vector<16xf32>,
        %get3A_1908 = vector.shape_cast %get3A_1907 : vector<16xf32> to vector<16xf32>
        %add3A_1909 = arith.addf %add3A_1883, %get3A_1908 : vector<16xf32>
        %get3A_1910 = arith.index_cast %and3A_1899 : i32 to index
        %get3A_1911 = tpu.vector_load %arg7[%get3A_1910] {strides = array<i32>} : memref<32000xf32, #tpu.memory_space<vmem>>, vector<16xf32>,
        %get3A_1912 = vector.shape_cast %get3A_1911 : vector<16xf32> to vector<16xf32>
        %add3A_1913 = arith.addf %add3A_1887, %get3A_1912 : vector<16xf32>
        %add3A_1914 = arith.constant 16 : i32
        %add3A_1915 = arith.addi %and3A_1899, %add3A_1914 : i32
        %get3A_1916 = arith.index_cast %add3A_1915 : i32 to index
        %get3A_1917 = tpu.vector_load %arg7[%get3A_1916] {strides = array<i32>} : memref<32000xf32, #tpu.memory_space<vmem>>, vector<16xf32>,
        %get3A_1918 = vector.shape_cast %get3A_1917 : vector<16xf32> to vector<16xf32>
        %add3A_1919 = arith.addf %add3A_1893, %get3A_1918 : vector<16xf32>
        %slice3A_1920 = vector.extract_strided_slice %add3A_311 {offsets = [10], sizes = [1], strides = [1]} : vector<16xi32> to vector<1xi32>
        %squeeze3A_1921 = vector.extract %slice3A_1920[0] : i32 from vector<1xi32>
        %shift_right_logical3A_1922 = arith.constant 16 : i32
        %shift_right_logical3A_1923 = arith.shrui %squeeze3A_1921, %shift_right_logical3A_1922 : i32
        %and3A_1924 = arith.constant 65535 : i32
        %and3A_1925 = arith.andi %squeeze3A_1921, %and3A_1924 : i32
        %get3A_1926 = arith.index_cast %shift_right_logical3A_1923 : i32 to index
        %get3A_1927 = tpu.vector_load %arg6[%get3A_1926] {strides = array<i32>} : memref<32000xf32, #tpu.memory_space<vmem>>, vector<16xf32>,
        %get3A_1928 = vector.shape_cast %get3A_1927 : vector<16xf32> to vector<16xf32>
        %add3A_1929 = arith.addf %add3A_1903, %get3A_1928 : vector<16xf32>
        %add3A_1930 = arith.constant 16 : i32
        %add3A_1931 = arith.addi %shift_right_logical3A_1923, %add3A_1930 : i32
        %get3A_1932 = arith.index_cast %add3A_1931 : i32 to index
        %get3A_1933 = tpu.vector_load %arg6[%get3A_1932] {strides = array<i32>} : memref<32000xf32, #tpu.memory_space<vmem>>, vector<16xf32>,
        %get3A_1934 = vector.shape_cast %get3A_1933 : vector<16xf32> to vector<16xf32>
        %add3A_1935 = arith.addf %add3A_1909, %get3A_1934 : vector<16xf32>
        %get3A_1936 = arith.index_cast %and3A_1925 : i32 to index
        %get3A_1937 = tpu.vector_load %arg7[%get3A_1936] {strides = array<i32>} : memref<32000xf32, #tpu.memory_space<vmem>>, vector<16xf32>,
        %get3A_1938 = vector.shape_cast %get3A_1937 : vector<16xf32> to vector<16xf32>
        %add3A_1939 = arith.addf %add3A_1913, %get3A_1938 : vector<16xf32>
        %add3A_1940 = arith.constant 16 : i32
        %add3A_1941 = arith.addi %and3A_1925, %add3A_1940 : i32
        %get3A_1942 = arith.index_cast %add3A_1941 : i32 to index
        %get3A_1943 = tpu.vector_load %arg7[%get3A_1942] {strides = array<i32>} : memref<32000xf32, #tpu.memory_space<vmem>>, vector<16xf32>,
        %get3A_1944 = vector.shape_cast %get3A_1943 : vector<16xf32> to vector<16xf32>
        %add3A_1945 = arith.addf %add3A_1919, %get3A_1944 : vector<16xf32>
        %slice3A_1946 = vector.extract_strided_slice %add3A_311 {offsets = [11], sizes = [1], strides = [1]} : vector<16xi32> to vector<1xi32>
        %squeeze3A_1947 = vector.extract %slice3A_1946[0] : i32 from vector<1xi32>
        %shift_right_logical3A_1948 = arith.constant 16 : i32
        %shift_right_logical3A_1949 = arith.shrui %squeeze3A_1947, %shift_right_logical3A_1948 : i32
        %and3A_1950 = arith.constant 65535 : i32
        %and3A_1951 = arith.andi %squeeze3A_1947, %and3A_1950 : i32
        %get3A_1952 = arith.index_cast %shift_right_logical3A_1949 : i32 to index
        %get3A_1953 = tpu.vector_load %arg6[%get3A_1952] {strides = array<i32>} : memref<32000xf32, #tpu.memory_space<vmem>>, vector<16xf32>,
        %get3A_1954 = vector.shape_cast %get3A_1953 : vector<16xf32> to vector<16xf32>
        %add3A_1955 = arith.addf %add3A_1929, %get3A_1954 : vector<16xf32>
        %add3A_1956 = arith.constant 16 : i32
        %add3A_1957 = arith.addi %shift_right_logical3A_1949, %add3A_1956 : i32
        %get3A_1958 = arith.index_cast %add3A_1957 : i32 to index
        %get3A_1959 = tpu.vector_load %arg6[%get3A_1958] {strides = array<i32>} : memref<32000xf32, #tpu.memory_space<vmem>>, vector<16xf32>,
        %get3A_1960 = vector.shape_cast %get3A_1959 : vector<16xf32> to vector<16xf32>
        %add3A_1961 = arith.addf %add3A_1935, %get3A_1960 : vector<16xf32>
        %get3A_1962 = arith.index_cast %and3A_1951 : i32 to index
        %get3A_1963 = tpu.vector_load %arg7[%get3A_1962] {strides = array<i32>} : memref<32000xf32, #tpu.memory_space<vmem>>, vector<16xf32>,
        %get3A_1964 = vector.shape_cast %get3A_1963 : vector<16xf32> to vector<16xf32>
        %add3A_1965 = arith.addf %add3A_1939, %get3A_1964 : vector<16xf32>
        %add3A_1966 = arith.constant 16 : i32
        %add3A_1967 = arith.addi %and3A_1951, %add3A_1966 : i32
        %get3A_1968 = arith.index_cast %add3A_1967 : i32 to index
        %get3A_1969 = tpu.vector_load %arg7[%get3A_1968] {strides = array<i32>} : memref<32000xf32, #tpu.memory_space<vmem>>, vector<16xf32>,
        %get3A_1970 = vector.shape_cast %get3A_1969 : vector<16xf32> to vector<16xf32>
        %add3A_1971 = arith.addf %add3A_1945, %get3A_1970 : vector<16xf32>
        %mul3A_1972 = arith.constant 4 : i32
        %mul3A_1973 = arith.muli %scan3A_112, %mul3A_1972 : i32
        %add3A_1974 = arith.constant 2 : i32
        %add3A_1975 = arith.addi %mul3A_1973, %add3A_1974 : i32
        %mul3A_1976 = arith.mulf %add3A_1955, %add3A_1965 : vector<16xf32>
        %swap3A_1977 = arith.index_cast %add3A_1975 : i32 to index
        %swap3A_1978 = arith.constant 0 : index
        %swap3A_1979 = tpu.vector_load %arg9[%swap3A_1977, %swap3A_1978] {strides = array<i32>} : memref<128x32xf32, #tpu.memory_space<vmem>>, vector<1x16xf32>,
        %swap3A_1980 = vector.shape_cast %swap3A_1979 : vector<1x16xf32> to vector<16xf32>
        %swap3A_1981 = vector.shape_cast %mul3A_1976 : vector<16xf32> to vector<1x16xf32>
        tpu.vector_store %arg9[%swap3A_1977, %swap3A_1978], %swap3A_1981 {strides = array<i32>} : memref<128x32xf32, #tpu.memory_space<vmem>>, vector<1x16xf32>,
        %mul3A_1982 = arith.mulf %add3A_1961, %add3A_1971 : vector<16xf32>
        %swap3A_1983 = arith.index_cast %add3A_1975 : i32 to index
        %swap3A_1984 = arith.constant 16 : index
        %swap3A_1985 = tpu.vector_load %arg9[%swap3A_1983, %swap3A_1984] {strides = array<i32>} : memref<128x32xf32, #tpu.memory_space<vmem>>, vector<1x16xf32>,
        %swap3A_1986 = vector.shape_cast %swap3A_1985 : vector<1x16xf32> to vector<16xf32>
        %swap3A_1987 = vector.shape_cast %mul3A_1982 : vector<16xf32> to vector<1x16xf32>
        tpu.vector_store %arg9[%swap3A_1983, %swap3A_1984], %swap3A_1987 {strides = array<i32>} : memref<128x32xf32, #tpu.memory_space<vmem>>, vector<1x16xf32>,
        %broadcast_in_dim3A_1988 = arith.constant 0.000000e+00 : f32
        %broadcast_in_dim3A_1989 = vector.broadcast %broadcast_in_dim3A_1988 : f32 to vector<16xf32>
        %broadcast_in_dim3A_1990 = arith.constant 0.000000e+00 : f32
        %broadcast_in_dim3A_1991 = vector.broadcast %broadcast_in_dim3A_1990 : f32 to vector<16xf32>
        %broadcast_in_dim3A_1992 = arith.constant 0.000000e+00 : f32
        %broadcast_in_dim3A_1993 = vector.broadcast %broadcast_in_dim3A_1992 : f32 to vector<16xf32>
        %broadcast_in_dim3A_1994 = arith.constant 0.000000e+00 : f32
        %broadcast_in_dim3A_1995 = vector.broadcast %broadcast_in_dim3A_1994 : f32 to vector<16xf32>
        %slice3A_1996 = vector.extract_strided_slice %add3A_311 {offsets = [12], sizes = [1], strides = [1]} : vector<16xi32> to vector<1xi32>
        %squeeze3A_1997 = vector.extract %slice3A_1996[0] : i32 from vector<1xi32>
        %shift_right_logical3A_1998 = arith.constant 16 : i32
        %shift_right_logical3A_1999 = arith.shrui %squeeze3A_1997, %shift_right_logical3A_1998 : i32
        %and3A_2000 = arith.constant 65535 : i32
        %and3A_2001 = arith.andi %squeeze3A_1997, %and3A_2000 : i32
        %get3A_2002 = arith.index_cast %shift_right_logical3A_1999 : i32 to index
        %get3A_2003 = tpu.vector_load %arg6[%get3A_2002] {strides = array<i32>} : memref<32000xf32, #tpu.memory_space<vmem>>, vector<16xf32>,
        %get3A_2004 = vector.shape_cast %get3A_2003 : vector<16xf32> to vector<16xf32>
        %add3A_2005 = arith.addf %broadcast_in_dim3A_1989, %get3A_2004 : vector<16xf32>
        %add3A_2006 = arith.constant 16 : i32
        %add3A_2007 = arith.addi %shift_right_logical3A_1999, %add3A_2006 : i32
        %get3A_2008 = arith.index_cast %add3A_2007 : i32 to index
        %get3A_2009 = tpu.vector_load %arg6[%get3A_2008] {strides = array<i32>} : memref<32000xf32, #tpu.memory_space<vmem>>, vector<16xf32>,
        %get3A_2010 = vector.shape_cast %get3A_2009 : vector<16xf32> to vector<16xf32>
        %add3A_2011 = arith.addf %broadcast_in_dim3A_1991, %get3A_2010 : vector<16xf32>
        %get3A_2012 = arith.index_cast %and3A_2001 : i32 to index
        %get3A_2013 = tpu.vector_load %arg7[%get3A_2012] {strides = array<i32>} : memref<32000xf32, #tpu.memory_space<vmem>>, vector<16xf32>,
        %get3A_2014 = vector.shape_cast %get3A_2013 : vector<16xf32> to vector<16xf32>
        %add3A_2015 = arith.addf %broadcast_in_dim3A_1993, %get3A_2014 : vector<16xf32>
        %add3A_2016 = arith.constant 16 : i32
        %add3A_2017 = arith.addi %and3A_2001, %add3A_2016 : i32
        %get3A_2018 = arith.index_cast %add3A_2017 : i32 to index
        %get3A_2019 = tpu.vector_load %arg7[%get3A_2018] {strides = array<i32>} : memref<32000xf32, #tpu.memory_space<vmem>>, vector<16xf32>,
        %get3A_2020 = vector.shape_cast %get3A_2019 : vector<16xf32> to vector<16xf32>
        %add3A_2021 = arith.addf %broadcast_in_dim3A_1995, %get3A_2020 : vector<16xf32>
        %slice3A_2022 = vector.extract_strided_slice %add3A_311 {offsets = [13], sizes = [1], strides = [1]} : vector<16xi32> to vector<1xi32>
        %squeeze3A_2023 = vector.extract %slice3A_2022[0] : i32 from vector<1xi32>
        %shift_right_logical3A_2024 = arith.constant 16 : i32
        %shift_right_logical3A_2025 = arith.shrui %squeeze3A_2023, %shift_right_logical3A_2024 : i32
        %and3A_2026 = arith.constant 65535 : i32
        %and3A_2027 = arith.andi %squeeze3A_2023, %and3A_2026 : i32
        %get3A_2028 = arith.index_cast %shift_right_logical3A_2025 : i32 to index
        %get3A_2029 = tpu.vector_load %arg6[%get3A_2028] {strides = array<i32>} : memref<32000xf32, #tpu.memory_space<vmem>>, vector<16xf32>,
        %get3A_2030 = vector.shape_cast %get3A_2029 : vector<16xf32> to vector<16xf32>
        %add3A_2031 = arith.addf %add3A_2005, %get3A_2030 : vector<16xf32>
        %add3A_2032 = arith.constant 16 : i32
        %add3A_2033 = arith.addi %shift_right_logical3A_2025, %add3A_2032 : i32
        %get3A_2034 = arith.index_cast %add3A_2033 : i32 to index
        %get3A_2035 = tpu.vector_load %arg6[%get3A_2034] {strides = array<i32>} : memref<32000xf32, #tpu.memory_space<vmem>>, vector<16xf32>,
        %get3A_2036 = vector.shape_cast %get3A_2035 : vector<16xf32> to vector<16xf32>
        %add3A_2037 = arith.addf %add3A_2011, %get3A_2036 : vector<16xf32>
        %get3A_2038 = arith.index_cast %and3A_2027 : i32 to index
        %get3A_2039 = tpu.vector_load %arg7[%get3A_2038] {strides = array<i32>} : memref<32000xf32, #tpu.memory_space<vmem>>, vector<16xf32>,
        %get3A_2040 = vector.shape_cast %get3A_2039 : vector<16xf32> to vector<16xf32>
        %add3A_2041 = arith.addf %add3A_2015, %get3A_2040 : vector<16xf32>
        %add3A_2042 = arith.constant 16 : i32
        %add3A_2043 = arith.addi %and3A_2027, %add3A_2042 : i32
        %get3A_2044 = arith.index_cast %add3A_2043 : i32 to index
        %get3A_2045 = tpu.vector_load %arg7[%get3A_2044] {strides = array<i32>} : memref<32000xf32, #tpu.memory_space<vmem>>, vector<16xf32>,
        %get3A_2046 = vector.shape_cast %get3A_2045 : vector<16xf32> to vector<16xf32>
        %add3A_2047 = arith.addf %add3A_2021, %get3A_2046 : vector<16xf32>
        %slice3A_2048 = vector.extract_strided_slice %add3A_311 {offsets = [14], sizes = [1], strides = [1]} : vector<16xi32> to vector<1xi32>
        %squeeze3A_2049 = vector.extract %slice3A_2048[0] : i32 from vector<1xi32>
        %shift_right_logical3A_2050 = arith.constant 16 : i32
        %shift_right_logical3A_2051 = arith.shrui %squeeze3A_2049, %shift_right_logical3A_2050 : i32
        %and3A_2052 = arith.constant 65535 : i32
        %and3A_2053 = arith.andi %squeeze3A_2049, %and3A_2052 : i32
        %get3A_2054 = arith.index_cast %shift_right_logical3A_2051 : i32 to index
        %get3A_2055 = tpu.vector_load %arg6[%get3A_2054] {strides = array<i32>} : memref<32000xf32, #tpu.memory_space<vmem>>, vector<16xf32>,
        %get3A_2056 = vector.shape_cast %get3A_2055 : vector<16xf32> to vector<16xf32>
        %add3A_2057 = arith.addf %add3A_2031, %get3A_2056 : vector<16xf32>
        %add3A_2058 = arith.constant 16 : i32
        %add3A_2059 = arith.addi %shift_right_logical3A_2051, %add3A_2058 : i32
        %get3A_2060 = arith.index_cast %add3A_2059 : i32 to index
        %get3A_2061 = tpu.vector_load %arg6[%get3A_2060] {strides = array<i32>} : memref<32000xf32, #tpu.memory_space<vmem>>, vector<16xf32>,
        %get3A_2062 = vector.shape_cast %get3A_2061 : vector<16xf32> to vector<16xf32>
        %add3A_2063 = arith.addf %add3A_2037, %get3A_2062 : vector<16xf32>
        %get3A_2064 = arith.index_cast %and3A_2053 : i32 to index
        %get3A_2065 = tpu.vector_load %arg7[%get3A_2064] {strides = array<i32>} : memref<32000xf32, #tpu.memory_space<vmem>>, vector<16xf32>,
        %get3A_2066 = vector.shape_cast %get3A_2065 : vector<16xf32> to vector<16xf32>
        %add3A_2067 = arith.addf %add3A_2041, %get3A_2066 : vector<16xf32>
        %add3A_2068 = arith.constant 16 : i32
        %add3A_2069 = arith.addi %and3A_2053, %add3A_2068 : i32
        %get3A_2070 = arith.index_cast %add3A_2069 : i32 to index
        %get3A_2071 = tpu.vector_load %arg7[%get3A_2070] {strides = array<i32>} : memref<32000xf32, #tpu.memory_space<vmem>>, vector<16xf32>,
        %get3A_2072 = vector.shape_cast %get3A_2071 : vector<16xf32> to vector<16xf32>
        %add3A_2073 = arith.addf %add3A_2047, %get3A_2072 : vector<16xf32>
        %slice3A_2074 = vector.extract_strided_slice %add3A_311 {offsets = [15], sizes = [1], strides = [1]} : vector<16xi32> to vector<1xi32>
        %squeeze3A_2075 = vector.extract %slice3A_2074[0] : i32 from vector<1xi32>
        %shift_right_logical3A_2076 = arith.constant 16 : i32
        %shift_right_logical3A_2077 = arith.shrui %squeeze3A_2075, %shift_right_logical3A_2076 : i32
        %and3A_2078 = arith.constant 65535 : i32
        %and3A_2079 = arith.andi %squeeze3A_2075, %and3A_2078 : i32
        %get3A_2080 = arith.index_cast %shift_right_logical3A_2077 : i32 to index
        %get3A_2081 = tpu.vector_load %arg6[%get3A_2080] {strides = array<i32>} : memref<32000xf32, #tpu.memory_space<vmem>>, vector<16xf32>,
        %get3A_2082 = vector.shape_cast %get3A_2081 : vector<16xf32> to vector<16xf32>
        %add3A_2083 = arith.addf %add3A_2057, %get3A_2082 : vector<16xf32>
        %add3A_2084 = arith.constant 16 : i32
        %add3A_2085 = arith.addi %shift_right_logical3A_2077, %add3A_2084 : i32
        %get3A_2086 = arith.index_cast %add3A_2085 : i32 to index
        %get3A_2087 = tpu.vector_load %arg6[%get3A_2086] {strides = array<i32>} : memref<32000xf32, #tpu.memory_space<vmem>>, vector<16xf32>,
        %get3A_2088 = vector.shape_cast %get3A_2087 : vector<16xf32> to vector<16xf32>
        %add3A_2089 = arith.addf %add3A_2063, %get3A_2088 : vector<16xf32>
        %get3A_2090 = arith.index_cast %and3A_2079 : i32 to index
        %get3A_2091 = tpu.vector_load %arg7[%get3A_2090] {strides = array<i32>} : memref<32000xf32, #tpu.memory_space<vmem>>, vector<16xf32>,
        %get3A_2092 = vector.shape_cast %get3A_2091 : vector<16xf32> to vector<16xf32>
        %add3A_2093 = arith.addf %add3A_2067, %get3A_2092 : vector<16xf32>
        %add3A_2094 = arith.constant 16 : i32
        %add3A_2095 = arith.addi %and3A_2079, %add3A_2094 : i32
        %get3A_2096 = arith.index_cast %add3A_2095 : i32 to index
        %get3A_2097 = tpu.vector_load %arg7[%get3A_2096] {strides = array<i32>} : memref<32000xf32, #tpu.memory_space<vmem>>, vector<16xf32>,
        %get3A_2098 = vector.shape_cast %get3A_2097 : vector<16xf32> to vector<16xf32>
        %add3A_2099 = arith.addf %add3A_2073, %get3A_2098 : vector<16xf32>
        %slice3A_2100 = vector.extract_strided_slice %add3A_360 {offsets = [0], sizes = [1], strides = [1]} : vector<16xi32> to vector<1xi32>
        %squeeze3A_2101 = vector.extract %slice3A_2100[0] : i32 from vector<1xi32>
        %shift_right_logical3A_2102 = arith.constant 16 : i32
        %shift_right_logical3A_2103 = arith.shrui %squeeze3A_2101, %shift_right_logical3A_2102 : i32
        %and3A_2104 = arith.constant 65535 : i32
        %and3A_2105 = arith.andi %squeeze3A_2101, %and3A_2104 : i32
        %get3A_2106 = arith.index_cast %shift_right_logical3A_2103 : i32 to index
        %get3A_2107 = tpu.vector_load %arg6[%get3A_2106] {strides = array<i32>} : memref<32000xf32, #tpu.memory_space<vmem>>, vector<16xf32>,
        %get3A_2108 = vector.shape_cast %get3A_2107 : vector<16xf32> to vector<16xf32>
        %add3A_2109 = arith.addf %add3A_2083, %get3A_2108 : vector<16xf32>
        %add3A_2110 = arith.constant 16 : i32
        %add3A_2111 = arith.addi %shift_right_logical3A_2103, %add3A_2110 : i32
        %get3A_2112 = arith.index_cast %add3A_2111 : i32 to index
        %get3A_2113 = tpu.vector_load %arg6[%get3A_2112] {strides = array<i32>} : memref<32000xf32, #tpu.memory_space<vmem>>, vector<16xf32>,
        %get3A_2114 = vector.shape_cast %get3A_2113 : vector<16xf32> to vector<16xf32>
        %add3A_2115 = arith.addf %add3A_2089, %get3A_2114 : vector<16xf32>
        %get3A_2116 = arith.index_cast %and3A_2105 : i32 to index
        %get3A_2117 = tpu.vector_load %arg7[%get3A_2116] {strides = array<i32>} : memref<32000xf32, #tpu.memory_space<vmem>>, vector<16xf32>,
        %get3A_2118 = vector.shape_cast %get3A_2117 : vector<16xf32> to vector<16xf32>
        %add3A_2119 = arith.addf %add3A_2093, %get3A_2118 : vector<16xf32>
        %add3A_2120 = arith.constant 16 : i32
        %add3A_2121 = arith.addi %and3A_2105, %add3A_2120 : i32
        %get3A_2122 = arith.index_cast %add3A_2121 : i32 to index
        %get3A_2123 = tpu.vector_load %arg7[%get3A_2122] {strides = array<i32>} : memref<32000xf32, #tpu.memory_space<vmem>>, vector<16xf32>,
        %get3A_2124 = vector.shape_cast %get3A_2123 : vector<16xf32> to vector<16xf32>
        %add3A_2125 = arith.addf %add3A_2099, %get3A_2124 : vector<16xf32>
        %slice3A_2126 = vector.extract_strided_slice %add3A_360 {offsets = [1], sizes = [1], strides = [1]} : vector<16xi32> to vector<1xi32>
        %squeeze3A_2127 = vector.extract %slice3A_2126[0] : i32 from vector<1xi32>
        %shift_right_logical3A_2128 = arith.constant 16 : i32
        %shift_right_logical3A_2129 = arith.shrui %squeeze3A_2127, %shift_right_logical3A_2128 : i32
        %and3A_2130 = arith.constant 65535 : i32
        %and3A_2131 = arith.andi %squeeze3A_2127, %and3A_2130 : i32
        %get3A_2132 = arith.index_cast %shift_right_logical3A_2129 : i32 to index
        %get3A_2133 = tpu.vector_load %arg6[%get3A_2132] {strides = array<i32>} : memref<32000xf32, #tpu.memory_space<vmem>>, vector<16xf32>,
        %get3A_2134 = vector.shape_cast %get3A_2133 : vector<16xf32> to vector<16xf32>
        %add3A_2135 = arith.addf %add3A_2109, %get3A_2134 : vector<16xf32>
        %add3A_2136 = arith.constant 16 : i32
        %add3A_2137 = arith.addi %shift_right_logical3A_2129, %add3A_2136 : i32
        %get3A_2138 = arith.index_cast %add3A_2137 : i32 to index
        %get3A_2139 = tpu.vector_load %arg6[%get3A_2138] {strides = array<i32>} : memref<32000xf32, #tpu.memory_space<vmem>>, vector<16xf32>,
        %get3A_2140 = vector.shape_cast %get3A_2139 : vector<16xf32> to vector<16xf32>
        %add3A_2141 = arith.addf %add3A_2115, %get3A_2140 : vector<16xf32>
        %get3A_2142 = arith.index_cast %and3A_2131 : i32 to index
        %get3A_2143 = tpu.vector_load %arg7[%get3A_2142] {strides = array<i32>} : memref<32000xf32, #tpu.memory_space<vmem>>, vector<16xf32>,
        %get3A_2144 = vector.shape_cast %get3A_2143 : vector<16xf32> to vector<16xf32>
        %add3A_2145 = arith.addf %add3A_2119, %get3A_2144 : vector<16xf32>
        %add3A_2146 = arith.constant 16 : i32
        %add3A_2147 = arith.addi %and3A_2131, %add3A_2146 : i32
        %get3A_2148 = arith.index_cast %add3A_2147 : i32 to index
        %get3A_2149 = tpu.vector_load %arg7[%get3A_2148] {strides = array<i32>} : memref<32000xf32, #tpu.memory_space<vmem>>, vector<16xf32>,
        %get3A_2150 = vector.shape_cast %get3A_2149 : vector<16xf32> to vector<16xf32>
        %add3A_2151 = arith.addf %add3A_2125, %get3A_2150 : vector<16xf32>
        %slice3A_2152 = vector.extract_strided_slice %add3A_360 {offsets = [2], sizes = [1], strides = [1]} : vector<16xi32> to vector<1xi32>
        %squeeze3A_2153 = vector.extract %slice3A_2152[0] : i32 from vector<1xi32>
        %shift_right_logical3A_2154 = arith.constant 16 : i32
        %shift_right_logical3A_2155 = arith.shrui %squeeze3A_2153, %shift_right_logical3A_2154 : i32
        %and3A_2156 = arith.constant 65535 : i32
        %and3A_2157 = arith.andi %squeeze3A_2153, %and3A_2156 : i32
        %get3A_2158 = arith.index_cast %shift_right_logical3A_2155 : i32 to index
        %get3A_2159 = tpu.vector_load %arg6[%get3A_2158] {strides = array<i32>} : memref<32000xf32, #tpu.memory_space<vmem>>, vector<16xf32>,
        %get3A_2160 = vector.shape_cast %get3A_2159 : vector<16xf32> to vector<16xf32>
        %add3A_2161 = arith.addf %add3A_2135, %get3A_2160 : vector<16xf32>
        %add3A_2162 = arith.constant 16 : i32
        %add3A_2163 = arith.addi %shift_right_logical3A_2155, %add3A_2162 : i32
        %get3A_2164 = arith.index_cast %add3A_2163 : i32 to index
        %get3A_2165 = tpu.vector_load %arg6[%get3A_2164] {strides = array<i32>} : memref<32000xf32, #tpu.memory_space<vmem>>, vector<16xf32>,
        %get3A_2166 = vector.shape_cast %get3A_2165 : vector<16xf32> to vector<16xf32>
        %add3A_2167 = arith.addf %add3A_2141, %get3A_2166 : vector<16xf32>
        %get3A_2168 = arith.index_cast %and3A_2157 : i32 to index
        %get3A_2169 = tpu.vector_load %arg7[%get3A_2168] {strides = array<i32>} : memref<32000xf32, #tpu.memory_space<vmem>>, vector<16xf32>,
        %get3A_2170 = vector.shape_cast %get3A_2169 : vector<16xf32> to vector<16xf32>
        %add3A_2171 = arith.addf %add3A_2145, %get3A_2170 : vector<16xf32>
        %add3A_2172 = arith.constant 16 : i32
        %add3A_2173 = arith.addi %and3A_2157, %add3A_2172 : i32
        %get3A_2174 = arith.index_cast %add3A_2173 : i32 to index
        %get3A_2175 = tpu.vector_load %arg7[%get3A_2174] {strides = array<i32>} : memref<32000xf32, #tpu.memory_space<vmem>>, vector<16xf32>,
        %get3A_2176 = vector.shape_cast %get3A_2175 : vector<16xf32> to vector<16xf32>
        %add3A_2177 = arith.addf %add3A_2151, %get3A_2176 : vector<16xf32>
        %slice3A_2178 = vector.extract_strided_slice %add3A_360 {offsets = [3], sizes = [1], strides = [1]} : vector<16xi32> to vector<1xi32>
        %squeeze3A_2179 = vector.extract %slice3A_2178[0] : i32 from vector<1xi32>
        %shift_right_logical3A_2180 = arith.constant 16 : i32
        %shift_right_logical3A_2181 = arith.shrui %squeeze3A_2179, %shift_right_logical3A_2180 : i32
        %and3A_2182 = arith.constant 65535 : i32
        %and3A_2183 = arith.andi %squeeze3A_2179, %and3A_2182 : i32
        %get3A_2184 = arith.index_cast %shift_right_logical3A_2181 : i32 to index
        %get3A_2185 = tpu.vector_load %arg6[%get3A_2184] {strides = array<i32>} : memref<32000xf32, #tpu.memory_space<vmem>>, vector<16xf32>,
        %get3A_2186 = vector.shape_cast %get3A_2185 : vector<16xf32> to vector<16xf32>
        %add3A_2187 = arith.addf %add3A_2161, %get3A_2186 : vector<16xf32>
        %add3A_2188 = arith.constant 16 : i32
        %add3A_2189 = arith.addi %shift_right_logical3A_2181, %add3A_2188 : i32
        %get3A_2190 = arith.index_cast %add3A_2189 : i32 to index
        %get3A_2191 = tpu.vector_load %arg6[%get3A_2190] {strides = array<i32>} : memref<32000xf32, #tpu.memory_space<vmem>>, vector<16xf32>,
        %get3A_2192 = vector.shape_cast %get3A_2191 : vector<16xf32> to vector<16xf32>
        %add3A_2193 = arith.addf %add3A_2167, %get3A_2192 : vector<16xf32>
        %get3A_2194 = arith.index_cast %and3A_2183 : i32 to index
        %get3A_2195 = tpu.vector_load %arg7[%get3A_2194] {strides = array<i32>} : memref<32000xf32, #tpu.memory_space<vmem>>, vector<16xf32>,
        %get3A_2196 = vector.shape_cast %get3A_2195 : vector<16xf32> to vector<16xf32>
        %add3A_2197 = arith.addf %add3A_2171, %get3A_2196 : vector<16xf32>
        %add3A_2198 = arith.constant 16 : i32
        %add3A_2199 = arith.addi %and3A_2183, %add3A_2198 : i32
        %get3A_2200 = arith.index_cast %add3A_2199 : i32 to index
        %get3A_2201 = tpu.vector_load %arg7[%get3A_2200] {strides = array<i32>} : memref<32000xf32, #tpu.memory_space<vmem>>, vector<16xf32>,
        %get3A_2202 = vector.shape_cast %get3A_2201 : vector<16xf32> to vector<16xf32>
        %add3A_2203 = arith.addf %add3A_2177, %get3A_2202 : vector<16xf32>
        %slice3A_2204 = vector.extract_strided_slice %add3A_360 {offsets = [4], sizes = [1], strides = [1]} : vector<16xi32> to vector<1xi32>
        %squeeze3A_2205 = vector.extract %slice3A_2204[0] : i32 from vector<1xi32>
        %shift_right_logical3A_2206 = arith.constant 16 : i32
        %shift_right_logical3A_2207 = arith.shrui %squeeze3A_2205, %shift_right_logical3A_2206 : i32
        %and3A_2208 = arith.constant 65535 : i32
        %and3A_2209 = arith.andi %squeeze3A_2205, %and3A_2208 : i32
        %get3A_2210 = arith.index_cast %shift_right_logical3A_2207 : i32 to index
        %get3A_2211 = tpu.vector_load %arg6[%get3A_2210] {strides = array<i32>} : memref<32000xf32, #tpu.memory_space<vmem>>, vector<16xf32>,
        %get3A_2212 = vector.shape_cast %get3A_2211 : vector<16xf32> to vector<16xf32>
        %add3A_2213 = arith.addf %add3A_2187, %get3A_2212 : vector<16xf32>
        %add3A_2214 = arith.constant 16 : i32
        %add3A_2215 = arith.addi %shift_right_logical3A_2207, %add3A_2214 : i32
        %get3A_2216 = arith.index_cast %add3A_2215 : i32 to index
        %get3A_2217 = tpu.vector_load %arg6[%get3A_2216] {strides = array<i32>} : memref<32000xf32, #tpu.memory_space<vmem>>, vector<16xf32>,
        %get3A_2218 = vector.shape_cast %get3A_2217 : vector<16xf32> to vector<16xf32>
        %add3A_2219 = arith.addf %add3A_2193, %get3A_2218 : vector<16xf32>
        %get3A_2220 = arith.index_cast %and3A_2209 : i32 to index
        %get3A_2221 = tpu.vector_load %arg7[%get3A_2220] {strides = array<i32>} : memref<32000xf32, #tpu.memory_space<vmem>>, vector<16xf32>,
        %get3A_2222 = vector.shape_cast %get3A_2221 : vector<16xf32> to vector<16xf32>
        %add3A_2223 = arith.addf %add3A_2197, %get3A_2222 : vector<16xf32>
        %add3A_2224 = arith.constant 16 : i32
        %add3A_2225 = arith.addi %and3A_2209, %add3A_2224 : i32
        %get3A_2226 = arith.index_cast %add3A_2225 : i32 to index
        %get3A_2227 = tpu.vector_load %arg7[%get3A_2226] {strides = array<i32>} : memref<32000xf32, #tpu.memory_space<vmem>>, vector<16xf32>,
        %get3A_2228 = vector.shape_cast %get3A_2227 : vector<16xf32> to vector<16xf32>
        %add3A_2229 = arith.addf %add3A_2203, %get3A_2228 : vector<16xf32>
        %slice3A_2230 = vector.extract_strided_slice %add3A_360 {offsets = [5], sizes = [1], strides = [1]} : vector<16xi32> to vector<1xi32>
        %squeeze3A_2231 = vector.extract %slice3A_2230[0] : i32 from vector<1xi32>
        %shift_right_logical3A_2232 = arith.constant 16 : i32
        %shift_right_logical3A_2233 = arith.shrui %squeeze3A_2231, %shift_right_logical3A_2232 : i32
        %and3A_2234 = arith.constant 65535 : i32
        %and3A_2235 = arith.andi %squeeze3A_2231, %and3A_2234 : i32
        %get3A_2236 = arith.index_cast %shift_right_logical3A_2233 : i32 to index
        %get3A_2237 = tpu.vector_load %arg6[%get3A_2236] {strides = array<i32>} : memref<32000xf32, #tpu.memory_space<vmem>>, vector<16xf32>,
        %get3A_2238 = vector.shape_cast %get3A_2237 : vector<16xf32> to vector<16xf32>
        %add3A_2239 = arith.addf %add3A_2213, %get3A_2238 : vector<16xf32>
        %add3A_2240 = arith.constant 16 : i32
        %add3A_2241 = arith.addi %shift_right_logical3A_2233, %add3A_2240 : i32
        %get3A_2242 = arith.index_cast %add3A_2241 : i32 to index
        %get3A_2243 = tpu.vector_load %arg6[%get3A_2242] {strides = array<i32>} : memref<32000xf32, #tpu.memory_space<vmem>>, vector<16xf32>,
        %get3A_2244 = vector.shape_cast %get3A_2243 : vector<16xf32> to vector<16xf32>
        %add3A_2245 = arith.addf %add3A_2219, %get3A_2244 : vector<16xf32>
        %get3A_2246 = arith.index_cast %and3A_2235 : i32 to index
        %get3A_2247 = tpu.vector_load %arg7[%get3A_2246] {strides = array<i32>} : memref<32000xf32, #tpu.memory_space<vmem>>, vector<16xf32>,
        %get3A_2248 = vector.shape_cast %get3A_2247 : vector<16xf32> to vector<16xf32>
        %add3A_2249 = arith.addf %add3A_2223, %get3A_2248 : vector<16xf32>
        %add3A_2250 = arith.constant 16 : i32
        %add3A_2251 = arith.addi %and3A_2235, %add3A_2250 : i32
        %get3A_2252 = arith.index_cast %add3A_2251 : i32 to index
        %get3A_2253 = tpu.vector_load %arg7[%get3A_2252] {strides = array<i32>} : memref<32000xf32, #tpu.memory_space<vmem>>, vector<16xf32>,
        %get3A_2254 = vector.shape_cast %get3A_2253 : vector<16xf32> to vector<16xf32>
        %add3A_2255 = arith.addf %add3A_2229, %get3A_2254 : vector<16xf32>
        %slice3A_2256 = vector.extract_strided_slice %add3A_360 {offsets = [6], sizes = [1], strides = [1]} : vector<16xi32> to vector<1xi32>
        %squeeze3A_2257 = vector.extract %slice3A_2256[0] : i32 from vector<1xi32>
        %shift_right_logical3A_2258 = arith.constant 16 : i32
        %shift_right_logical3A_2259 = arith.shrui %squeeze3A_2257, %shift_right_logical3A_2258 : i32
        %and3A_2260 = arith.constant 65535 : i32
        %and3A_2261 = arith.andi %squeeze3A_2257, %and3A_2260 : i32
        %get3A_2262 = arith.index_cast %shift_right_logical3A_2259 : i32 to index
        %get3A_2263 = tpu.vector_load %arg6[%get3A_2262] {strides = array<i32>} : memref<32000xf32, #tpu.memory_space<vmem>>, vector<16xf32>,
        %get3A_2264 = vector.shape_cast %get3A_2263 : vector<16xf32> to vector<16xf32>
        %add3A_2265 = arith.addf %add3A_2239, %get3A_2264 : vector<16xf32>
        %add3A_2266 = arith.constant 16 : i32
        %add3A_2267 = arith.addi %shift_right_logical3A_2259, %add3A_2266 : i32
        %get3A_2268 = arith.index_cast %add3A_2267 : i32 to index
        %get3A_2269 = tpu.vector_load %arg6[%get3A_2268] {strides = array<i32>} : memref<32000xf32, #tpu.memory_space<vmem>>, vector<16xf32>,
        %get3A_2270 = vector.shape_cast %get3A_2269 : vector<16xf32> to vector<16xf32>
        %add3A_2271 = arith.addf %add3A_2245, %get3A_2270 : vector<16xf32>
        %get3A_2272 = arith.index_cast %and3A_2261 : i32 to index
        %get3A_2273 = tpu.vector_load %arg7[%get3A_2272] {strides = array<i32>} : memref<32000xf32, #tpu.memory_space<vmem>>, vector<16xf32>,
        %get3A_2274 = vector.shape_cast %get3A_2273 : vector<16xf32> to vector<16xf32>
        %add3A_2275 = arith.addf %add3A_2249, %get3A_2274 : vector<16xf32>
        %add3A_2276 = arith.constant 16 : i32
        %add3A_2277 = arith.addi %and3A_2261, %add3A_2276 : i32
        %get3A_2278 = arith.index_cast %add3A_2277 : i32 to index
        %get3A_2279 = tpu.vector_load %arg7[%get3A_2278] {strides = array<i32>} : memref<32000xf32, #tpu.memory_space<vmem>>, vector<16xf32>,
        %get3A_2280 = vector.shape_cast %get3A_2279 : vector<16xf32> to vector<16xf32>
        %add3A_2281 = arith.addf %add3A_2255, %get3A_2280 : vector<16xf32>
        %slice3A_2282 = vector.extract_strided_slice %add3A_360 {offsets = [7], sizes = [1], strides = [1]} : vector<16xi32> to vector<1xi32>
        %squeeze3A_2283 = vector.extract %slice3A_2282[0] : i32 from vector<1xi32>
        %shift_right_logical3A_2284 = arith.constant 16 : i32
        %shift_right_logical3A_2285 = arith.shrui %squeeze3A_2283, %shift_right_logical3A_2284 : i32
        %and3A_2286 = arith.constant 65535 : i32
        %and3A_2287 = arith.andi %squeeze3A_2283, %and3A_2286 : i32
        %get3A_2288 = arith.index_cast %shift_right_logical3A_2285 : i32 to index
        %get3A_2289 = tpu.vector_load %arg6[%get3A_2288] {strides = array<i32>} : memref<32000xf32, #tpu.memory_space<vmem>>, vector<16xf32>,
        %get3A_2290 = vector.shape_cast %get3A_2289 : vector<16xf32> to vector<16xf32>
        %add3A_2291 = arith.addf %add3A_2265, %get3A_2290 : vector<16xf32>
        %add3A_2292 = arith.constant 16 : i32
        %add3A_2293 = arith.addi %shift_right_logical3A_2285, %add3A_2292 : i32
        %get3A_2294 = arith.index_cast %add3A_2293 : i32 to index
        %get3A_2295 = tpu.vector_load %arg6[%get3A_2294] {strides = array<i32>} : memref<32000xf32, #tpu.memory_space<vmem>>, vector<16xf32>,
        %get3A_2296 = vector.shape_cast %get3A_2295 : vector<16xf32> to vector<16xf32>
        %add3A_2297 = arith.addf %add3A_2271, %get3A_2296 : vector<16xf32>
        %get3A_2298 = arith.index_cast %and3A_2287 : i32 to index
        %get3A_2299 = tpu.vector_load %arg7[%get3A_2298] {strides = array<i32>} : memref<32000xf32, #tpu.memory_space<vmem>>, vector<16xf32>,
        %get3A_2300 = vector.shape_cast %get3A_2299 : vector<16xf32> to vector<16xf32>
        %add3A_2301 = arith.addf %add3A_2275, %get3A_2300 : vector<16xf32>
        %add3A_2302 = arith.constant 16 : i32
        %add3A_2303 = arith.addi %and3A_2287, %add3A_2302 : i32
        %get3A_2304 = arith.index_cast %add3A_2303 : i32 to index
        %get3A_2305 = tpu.vector_load %arg7[%get3A_2304] {strides = array<i32>} : memref<32000xf32, #tpu.memory_space<vmem>>, vector<16xf32>,
        %get3A_2306 = vector.shape_cast %get3A_2305 : vector<16xf32> to vector<16xf32>
        %add3A_2307 = arith.addf %add3A_2281, %get3A_2306 : vector<16xf32>
        %slice3A_2308 = vector.extract_strided_slice %add3A_360 {offsets = [8], sizes = [1], strides = [1]} : vector<16xi32> to vector<1xi32>
        %squeeze3A_2309 = vector.extract %slice3A_2308[0] : i32 from vector<1xi32>
        %shift_right_logical3A_2310 = arith.constant 16 : i32
        %shift_right_logical3A_2311 = arith.shrui %squeeze3A_2309, %shift_right_logical3A_2310 : i32
        %and3A_2312 = arith.constant 65535 : i32
        %and3A_2313 = arith.andi %squeeze3A_2309, %and3A_2312 : i32
        %get3A_2314 = arith.index_cast %shift_right_logical3A_2311 : i32 to index
        %get3A_2315 = tpu.vector_load %arg6[%get3A_2314] {strides = array<i32>} : memref<32000xf32, #tpu.memory_space<vmem>>, vector<16xf32>,
        %get3A_2316 = vector.shape_cast %get3A_2315 : vector<16xf32> to vector<16xf32>
        %add3A_2317 = arith.addf %add3A_2291, %get3A_2316 : vector<16xf32>
        %add3A_2318 = arith.constant 16 : i32
        %add3A_2319 = arith.addi %shift_right_logical3A_2311, %add3A_2318 : i32
        %get3A_2320 = arith.index_cast %add3A_2319 : i32 to index
        %get3A_2321 = tpu.vector_load %arg6[%get3A_2320] {strides = array<i32>} : memref<32000xf32, #tpu.memory_space<vmem>>, vector<16xf32>,
        %get3A_2322 = vector.shape_cast %get3A_2321 : vector<16xf32> to vector<16xf32>
        %add3A_2323 = arith.addf %add3A_2297, %get3A_2322 : vector<16xf32>
        %get3A_2324 = arith.index_cast %and3A_2313 : i32 to index
        %get3A_2325 = tpu.vector_load %arg7[%get3A_2324] {strides = array<i32>} : memref<32000xf32, #tpu.memory_space<vmem>>, vector<16xf32>,
        %get3A_2326 = vector.shape_cast %get3A_2325 : vector<16xf32> to vector<16xf32>
        %add3A_2327 = arith.addf %add3A_2301, %get3A_2326 : vector<16xf32>
        %add3A_2328 = arith.constant 16 : i32
        %add3A_2329 = arith.addi %and3A_2313, %add3A_2328 : i32
        %get3A_2330 = arith.index_cast %add3A_2329 : i32 to index
        %get3A_2331 = tpu.vector_load %arg7[%get3A_2330] {strides = array<i32>} : memref<32000xf32, #tpu.memory_space<vmem>>, vector<16xf32>,
        %get3A_2332 = vector.shape_cast %get3A_2331 : vector<16xf32> to vector<16xf32>
        %add3A_2333 = arith.addf %add3A_2307, %get3A_2332 : vector<16xf32>
        %slice3A_2334 = vector.extract_strided_slice %add3A_360 {offsets = [9], sizes = [1], strides = [1]} : vector<16xi32> to vector<1xi32>
        %squeeze3A_2335 = vector.extract %slice3A_2334[0] : i32 from vector<1xi32>
        %shift_right_logical3A_2336 = arith.constant 16 : i32
        %shift_right_logical3A_2337 = arith.shrui %squeeze3A_2335, %shift_right_logical3A_2336 : i32
        %and3A_2338 = arith.constant 65535 : i32
        %and3A_2339 = arith.andi %squeeze3A_2335, %and3A_2338 : i32
        %get3A_2340 = arith.index_cast %shift_right_logical3A_2337 : i32 to index
        %get3A_2341 = tpu.vector_load %arg6[%get3A_2340] {strides = array<i32>} : memref<32000xf32, #tpu.memory_space<vmem>>, vector<16xf32>,
        %get3A_2342 = vector.shape_cast %get3A_2341 : vector<16xf32> to vector<16xf32>
        %add3A_2343 = arith.addf %add3A_2317, %get3A_2342 : vector<16xf32>
        %add3A_2344 = arith.constant 16 : i32
        %add3A_2345 = arith.addi %shift_right_logical3A_2337, %add3A_2344 : i32
        %get3A_2346 = arith.index_cast %add3A_2345 : i32 to index
        %get3A_2347 = tpu.vector_load %arg6[%get3A_2346] {strides = array<i32>} : memref<32000xf32, #tpu.memory_space<vmem>>, vector<16xf32>,
        %get3A_2348 = vector.shape_cast %get3A_2347 : vector<16xf32> to vector<16xf32>
        %add3A_2349 = arith.addf %add3A_2323, %get3A_2348 : vector<16xf32>
        %get3A_2350 = arith.index_cast %and3A_2339 : i32 to index
        %get3A_2351 = tpu.vector_load %arg7[%get3A_2350] {strides = array<i32>} : memref<32000xf32, #tpu.memory_space<vmem>>, vector<16xf32>,
        %get3A_2352 = vector.shape_cast %get3A_2351 : vector<16xf32> to vector<16xf32>
        %add3A_2353 = arith.addf %add3A_2327, %get3A_2352 : vector<16xf32>
        %add3A_2354 = arith.constant 16 : i32
        %add3A_2355 = arith.addi %and3A_2339, %add3A_2354 : i32
        %get3A_2356 = arith.index_cast %add3A_2355 : i32 to index
        %get3A_2357 = tpu.vector_load %arg7[%get3A_2356] {strides = array<i32>} : memref<32000xf32, #tpu.memory_space<vmem>>, vector<16xf32>,
        %get3A_2358 = vector.shape_cast %get3A_2357 : vector<16xf32> to vector<16xf32>
        %add3A_2359 = arith.addf %add3A_2333, %get3A_2358 : vector<16xf32>
        %slice3A_2360 = vector.extract_strided_slice %add3A_360 {offsets = [10], sizes = [1], strides = [1]} : vector<16xi32> to vector<1xi32>
        %squeeze3A_2361 = vector.extract %slice3A_2360[0] : i32 from vector<1xi32>
        %shift_right_logical3A_2362 = arith.constant 16 : i32
        %shift_right_logical3A_2363 = arith.shrui %squeeze3A_2361, %shift_right_logical3A_2362 : i32
        %and3A_2364 = arith.constant 65535 : i32
        %and3A_2365 = arith.andi %squeeze3A_2361, %and3A_2364 : i32
        %get3A_2366 = arith.index_cast %shift_right_logical3A_2363 : i32 to index
        %get3A_2367 = tpu.vector_load %arg6[%get3A_2366] {strides = array<i32>} : memref<32000xf32, #tpu.memory_space<vmem>>, vector<16xf32>,
        %get3A_2368 = vector.shape_cast %get3A_2367 : vector<16xf32> to vector<16xf32>
        %add3A_2369 = arith.addf %add3A_2343, %get3A_2368 : vector<16xf32>
        %add3A_2370 = arith.constant 16 : i32
        %add3A_2371 = arith.addi %shift_right_logical3A_2363, %add3A_2370 : i32
        %get3A_2372 = arith.index_cast %add3A_2371 : i32 to index
        %get3A_2373 = tpu.vector_load %arg6[%get3A_2372] {strides = array<i32>} : memref<32000xf32, #tpu.memory_space<vmem>>, vector<16xf32>,
        %get3A_2374 = vector.shape_cast %get3A_2373 : vector<16xf32> to vector<16xf32>
        %add3A_2375 = arith.addf %add3A_2349, %get3A_2374 : vector<16xf32>
        %get3A_2376 = arith.index_cast %and3A_2365 : i32 to index
        %get3A_2377 = tpu.vector_load %arg7[%get3A_2376] {strides = array<i32>} : memref<32000xf32, #tpu.memory_space<vmem>>, vector<16xf32>,
        %get3A_2378 = vector.shape_cast %get3A_2377 : vector<16xf32> to vector<16xf32>
        %add3A_2379 = arith.addf %add3A_2353, %get3A_2378 : vector<16xf32>
        %add3A_2380 = arith.constant 16 : i32
        %add3A_2381 = arith.addi %and3A_2365, %add3A_2380 : i32
        %get3A_2382 = arith.index_cast %add3A_2381 : i32 to index
        %get3A_2383 = tpu.vector_load %arg7[%get3A_2382] {strides = array<i32>} : memref<32000xf32, #tpu.memory_space<vmem>>, vector<16xf32>,
        %get3A_2384 = vector.shape_cast %get3A_2383 : vector<16xf32> to vector<16xf32>
        %add3A_2385 = arith.addf %add3A_2359, %get3A_2384 : vector<16xf32>
        %slice3A_2386 = vector.extract_strided_slice %add3A_360 {offsets = [11], sizes = [1], strides = [1]} : vector<16xi32> to vector<1xi32>
        %squeeze3A_2387 = vector.extract %slice3A_2386[0] : i32 from vector<1xi32>
        %shift_right_logical3A_2388 = arith.constant 16 : i32
        %shift_right_logical3A_2389 = arith.shrui %squeeze3A_2387, %shift_right_logical3A_2388 : i32
        %and3A_2390 = arith.constant 65535 : i32
        %and3A_2391 = arith.andi %squeeze3A_2387, %and3A_2390 : i32
        %get3A_2392 = arith.index_cast %shift_right_logical3A_2389 : i32 to index
        %get3A_2393 = tpu.vector_load %arg6[%get3A_2392] {strides = array<i32>} : memref<32000xf32, #tpu.memory_space<vmem>>, vector<16xf32>,
        %get3A_2394 = vector.shape_cast %get3A_2393 : vector<16xf32> to vector<16xf32>
        %add3A_2395 = arith.addf %add3A_2369, %get3A_2394 : vector<16xf32>
        %add3A_2396 = arith.constant 16 : i32
        %add3A_2397 = arith.addi %shift_right_logical3A_2389, %add3A_2396 : i32
        %get3A_2398 = arith.index_cast %add3A_2397 : i32 to index
        %get3A_2399 = tpu.vector_load %arg6[%get3A_2398] {strides = array<i32>} : memref<32000xf32, #tpu.memory_space<vmem>>, vector<16xf32>,
        %get3A_2400 = vector.shape_cast %get3A_2399 : vector<16xf32> to vector<16xf32>
        %add3A_2401 = arith.addf %add3A_2375, %get3A_2400 : vector<16xf32>
        %get3A_2402 = arith.index_cast %and3A_2391 : i32 to index
        %get3A_2403 = tpu.vector_load %arg7[%get3A_2402] {strides = array<i32>} : memref<32000xf32, #tpu.memory_space<vmem>>, vector<16xf32>,
        %get3A_2404 = vector.shape_cast %get3A_2403 : vector<16xf32> to vector<16xf32>
        %add3A_2405 = arith.addf %add3A_2379, %get3A_2404 : vector<16xf32>
        %add3A_2406 = arith.constant 16 : i32
        %add3A_2407 = arith.addi %and3A_2391, %add3A_2406 : i32
        %get3A_2408 = arith.index_cast %add3A_2407 : i32 to index
        %get3A_2409 = tpu.vector_load %arg7[%get3A_2408] {strides = array<i32>} : memref<32000xf32, #tpu.memory_space<vmem>>, vector<16xf32>,
        %get3A_2410 = vector.shape_cast %get3A_2409 : vector<16xf32> to vector<16xf32>
        %add3A_2411 = arith.addf %add3A_2385, %get3A_2410 : vector<16xf32>
        %slice3A_2412 = vector.extract_strided_slice %add3A_360 {offsets = [12], sizes = [1], strides = [1]} : vector<16xi32> to vector<1xi32>
        %squeeze3A_2413 = vector.extract %slice3A_2412[0] : i32 from vector<1xi32>
        %shift_right_logical3A_2414 = arith.constant 16 : i32
        %shift_right_logical3A_2415 = arith.shrui %squeeze3A_2413, %shift_right_logical3A_2414 : i32
        %and3A_2416 = arith.constant 65535 : i32
        %and3A_2417 = arith.andi %squeeze3A_2413, %and3A_2416 : i32
        %get3A_2418 = arith.index_cast %shift_right_logical3A_2415 : i32 to index
        %get3A_2419 = tpu.vector_load %arg6[%get3A_2418] {strides = array<i32>} : memref<32000xf32, #tpu.memory_space<vmem>>, vector<16xf32>,
        %get3A_2420 = vector.shape_cast %get3A_2419 : vector<16xf32> to vector<16xf32>
        %add3A_2421 = arith.addf %add3A_2395, %get3A_2420 : vector<16xf32>
        %add3A_2422 = arith.constant 16 : i32
        %add3A_2423 = arith.addi %shift_right_logical3A_2415, %add3A_2422 : i32
        %get3A_2424 = arith.index_cast %add3A_2423 : i32 to index
        %get3A_2425 = tpu.vector_load %arg6[%get3A_2424] {strides = array<i32>} : memref<32000xf32, #tpu.memory_space<vmem>>, vector<16xf32>,
        %get3A_2426 = vector.shape_cast %get3A_2425 : vector<16xf32> to vector<16xf32>
        %add3A_2427 = arith.addf %add3A_2401, %get3A_2426 : vector<16xf32>
        %get3A_2428 = arith.index_cast %and3A_2417 : i32 to index
        %get3A_2429 = tpu.vector_load %arg7[%get3A_2428] {strides = array<i32>} : memref<32000xf32, #tpu.memory_space<vmem>>, vector<16xf32>,
        %get3A_2430 = vector.shape_cast %get3A_2429 : vector<16xf32> to vector<16xf32>
        %add3A_2431 = arith.addf %add3A_2405, %get3A_2430 : vector<16xf32>
        %add3A_2432 = arith.constant 16 : i32
        %add3A_2433 = arith.addi %and3A_2417, %add3A_2432 : i32
        %get3A_2434 = arith.index_cast %add3A_2433 : i32 to index
        %get3A_2435 = tpu.vector_load %arg7[%get3A_2434] {strides = array<i32>} : memref<32000xf32, #tpu.memory_space<vmem>>, vector<16xf32>,
        %get3A_2436 = vector.shape_cast %get3A_2435 : vector<16xf32> to vector<16xf32>
        %add3A_2437 = arith.addf %add3A_2411, %get3A_2436 : vector<16xf32>
        %slice3A_2438 = vector.extract_strided_slice %add3A_360 {offsets = [13], sizes = [1], strides = [1]} : vector<16xi32> to vector<1xi32>
        %squeeze3A_2439 = vector.extract %slice3A_2438[0] : i32 from vector<1xi32>
        %shift_right_logical3A_2440 = arith.constant 16 : i32
        %shift_right_logical3A_2441 = arith.shrui %squeeze3A_2439, %shift_right_logical3A_2440 : i32
        %and3A_2442 = arith.constant 65535 : i32
        %and3A_2443 = arith.andi %squeeze3A_2439, %and3A_2442 : i32
        %get3A_2444 = arith.index_cast %shift_right_logical3A_2441 : i32 to index
        %get3A_2445 = tpu.vector_load %arg6[%get3A_2444] {strides = array<i32>} : memref<32000xf32, #tpu.memory_space<vmem>>, vector<16xf32>,
        %get3A_2446 = vector.shape_cast %get3A_2445 : vector<16xf32> to vector<16xf32>
        %add3A_2447 = arith.addf %add3A_2421, %get3A_2446 : vector<16xf32>
        %add3A_2448 = arith.constant 16 : i32
        %add3A_2449 = arith.addi %shift_right_logical3A_2441, %add3A_2448 : i32
        %get3A_2450 = arith.index_cast %add3A_2449 : i32 to index
        %get3A_2451 = tpu.vector_load %arg6[%get3A_2450] {strides = array<i32>} : memref<32000xf32, #tpu.memory_space<vmem>>, vector<16xf32>,
        %get3A_2452 = vector.shape_cast %get3A_2451 : vector<16xf32> to vector<16xf32>
        %add3A_2453 = arith.addf %add3A_2427, %get3A_2452 : vector<16xf32>
        %get3A_2454 = arith.index_cast %and3A_2443 : i32 to index
        %get3A_2455 = tpu.vector_load %arg7[%get3A_2454] {strides = array<i32>} : memref<32000xf32, #tpu.memory_space<vmem>>, vector<16xf32>,
        %get3A_2456 = vector.shape_cast %get3A_2455 : vector<16xf32> to vector<16xf32>
        %add3A_2457 = arith.addf %add3A_2431, %get3A_2456 : vector<16xf32>
        %add3A_2458 = arith.constant 16 : i32
        %add3A_2459 = arith.addi %and3A_2443, %add3A_2458 : i32
        %get3A_2460 = arith.index_cast %add3A_2459 : i32 to index
        %get3A_2461 = tpu.vector_load %arg7[%get3A_2460] {strides = array<i32>} : memref<32000xf32, #tpu.memory_space<vmem>>, vector<16xf32>,
        %get3A_2462 = vector.shape_cast %get3A_2461 : vector<16xf32> to vector<16xf32>
        %add3A_2463 = arith.addf %add3A_2437, %get3A_2462 : vector<16xf32>
        %slice3A_2464 = vector.extract_strided_slice %add3A_360 {offsets = [14], sizes = [1], strides = [1]} : vector<16xi32> to vector<1xi32>
        %squeeze3A_2465 = vector.extract %slice3A_2464[0] : i32 from vector<1xi32>
        %shift_right_logical3A_2466 = arith.constant 16 : i32
        %shift_right_logical3A_2467 = arith.shrui %squeeze3A_2465, %shift_right_logical3A_2466 : i32
        %and3A_2468 = arith.constant 65535 : i32
        %and3A_2469 = arith.andi %squeeze3A_2465, %and3A_2468 : i32
        %get3A_2470 = arith.index_cast %shift_right_logical3A_2467 : i32 to index
        %get3A_2471 = tpu.vector_load %arg6[%get3A_2470] {strides = array<i32>} : memref<32000xf32, #tpu.memory_space<vmem>>, vector<16xf32>,
        %get3A_2472 = vector.shape_cast %get3A_2471 : vector<16xf32> to vector<16xf32>
        %add3A_2473 = arith.addf %add3A_2447, %get3A_2472 : vector<16xf32>
        %add3A_2474 = arith.constant 16 : i32
        %add3A_2475 = arith.addi %shift_right_logical3A_2467, %add3A_2474 : i32
        %get3A_2476 = arith.index_cast %add3A_2475 : i32 to index
        %get3A_2477 = tpu.vector_load %arg6[%get3A_2476] {strides = array<i32>} : memref<32000xf32, #tpu.memory_space<vmem>>, vector<16xf32>,
        %get3A_2478 = vector.shape_cast %get3A_2477 : vector<16xf32> to vector<16xf32>
        %add3A_2479 = arith.addf %add3A_2453, %get3A_2478 : vector<16xf32>
        %get3A_2480 = arith.index_cast %and3A_2469 : i32 to index
        %get3A_2481 = tpu.vector_load %arg7[%get3A_2480] {strides = array<i32>} : memref<32000xf32, #tpu.memory_space<vmem>>, vector<16xf32>,
        %get3A_2482 = vector.shape_cast %get3A_2481 : vector<16xf32> to vector<16xf32>
        %add3A_2483 = arith.addf %add3A_2457, %get3A_2482 : vector<16xf32>
        %add3A_2484 = arith.constant 16 : i32
        %add3A_2485 = arith.addi %and3A_2469, %add3A_2484 : i32
        %get3A_2486 = arith.index_cast %add3A_2485 : i32 to index
        %get3A_2487 = tpu.vector_load %arg7[%get3A_2486] {strides = array<i32>} : memref<32000xf32, #tpu.memory_space<vmem>>, vector<16xf32>,
        %get3A_2488 = vector.shape_cast %get3A_2487 : vector<16xf32> to vector<16xf32>
        %add3A_2489 = arith.addf %add3A_2463, %get3A_2488 : vector<16xf32>
        %slice3A_2490 = vector.extract_strided_slice %add3A_360 {offsets = [15], sizes = [1], strides = [1]} : vector<16xi32> to vector<1xi32>
        %squeeze3A_2491 = vector.extract %slice3A_2490[0] : i32 from vector<1xi32>
        %shift_right_logical3A_2492 = arith.constant 16 : i32
        %shift_right_logical3A_2493 = arith.shrui %squeeze3A_2491, %shift_right_logical3A_2492 : i32
        %and3A_2494 = arith.constant 65535 : i32
        %and3A_2495 = arith.andi %squeeze3A_2491, %and3A_2494 : i32
        %get3A_2496 = arith.index_cast %shift_right_logical3A_2493 : i32 to index
        %get3A_2497 = tpu.vector_load %arg6[%get3A_2496] {strides = array<i32>} : memref<32000xf32, #tpu.memory_space<vmem>>, vector<16xf32>,
        %get3A_2498 = vector.shape_cast %get3A_2497 : vector<16xf32> to vector<16xf32>
        %add3A_2499 = arith.addf %add3A_2473, %get3A_2498 : vector<16xf32>
        %add3A_2500 = arith.constant 16 : i32
        %add3A_2501 = arith.addi %shift_right_logical3A_2493, %add3A_2500 : i32
        %get3A_2502 = arith.index_cast %add3A_2501 : i32 to index
        %get3A_2503 = tpu.vector_load %arg6[%get3A_2502] {strides = array<i32>} : memref<32000xf32, #tpu.memory_space<vmem>>, vector<16xf32>,
        %get3A_2504 = vector.shape_cast %get3A_2503 : vector<16xf32> to vector<16xf32>
        %add3A_2505 = arith.addf %add3A_2479, %get3A_2504 : vector<16xf32>
        %get3A_2506 = arith.index_cast %and3A_2495 : i32 to index
        %get3A_2507 = tpu.vector_load %arg7[%get3A_2506] {strides = array<i32>} : memref<32000xf32, #tpu.memory_space<vmem>>, vector<16xf32>,
        %get3A_2508 = vector.shape_cast %get3A_2507 : vector<16xf32> to vector<16xf32>
        %add3A_2509 = arith.addf %add3A_2483, %get3A_2508 : vector<16xf32>
        %add3A_2510 = arith.constant 16 : i32
        %add3A_2511 = arith.addi %and3A_2495, %add3A_2510 : i32
        %get3A_2512 = arith.index_cast %add3A_2511 : i32 to index
        %get3A_2513 = tpu.vector_load %arg7[%get3A_2512] {strides = array<i32>} : memref<32000xf32, #tpu.memory_space<vmem>>, vector<16xf32>,
        %get3A_2514 = vector.shape_cast %get3A_2513 : vector<16xf32> to vector<16xf32>
        %add3A_2515 = arith.addf %add3A_2489, %get3A_2514 : vector<16xf32>
        %mul3A_2516 = arith.constant 4 : i32
        %mul3A_2517 = arith.muli %scan3A_112, %mul3A_2516 : i32
        %add3A_2518 = arith.constant 3 : i32
        %add3A_2519 = arith.addi %mul3A_2517, %add3A_2518 : i32
        %mul3A_2520 = arith.mulf %add3A_2499, %add3A_2509 : vector<16xf32>
        %swap3A_2521 = arith.index_cast %add3A_2519 : i32 to index
        %swap3A_2522 = arith.constant 0 : index
        %swap3A_2523 = tpu.vector_load %arg9[%swap3A_2521, %swap3A_2522] {strides = array<i32>} : memref<128x32xf32, #tpu.memory_space<vmem>>, vector<1x16xf32>,
        %swap3A_2524 = vector.shape_cast %swap3A_2523 : vector<1x16xf32> to vector<16xf32>
        %swap3A_2525 = vector.shape_cast %mul3A_2520 : vector<16xf32> to vector<1x16xf32>
        tpu.vector_store %arg9[%swap3A_2521, %swap3A_2522], %swap3A_2525 {strides = array<i32>} : memref<128x32xf32, #tpu.memory_space<vmem>>, vector<1x16xf32>,
        %mul3A_2526 = arith.mulf %add3A_2505, %add3A_2515 : vector<16xf32>
        %swap3A_2527 = arith.index_cast %add3A_2519 : i32 to index
        %swap3A_2528 = arith.constant 16 : index
        %swap3A_2529 = tpu.vector_load %arg9[%swap3A_2527, %swap3A_2528] {strides = array<i32>} : memref<128x32xf32, #tpu.memory_space<vmem>>, vector<1x16xf32>,
        %swap3A_2530 = vector.shape_cast %swap3A_2529 : vector<1x16xf32> to vector<16xf32>
        %swap3A_2531 = vector.shape_cast %mul3A_2526 : vector<16xf32> to vector<1x16xf32>
        tpu.vector_store %arg9[%swap3A_2527, %swap3A_2528], %swap3A_2531 {strides = array<i32>} : memref<128x32xf32, #tpu.memory_space<vmem>>, vector<1x16xf32>,
      }
      %scan3A_86 = arith.constant 32 : i32
      %mul3A_87 = arith.constant 128 : i32
      %mul3A_88 = arith.muli %mul3A_74, %mul3A_87 : i32
      %add3A_89 = arith.addi %mul3A_32, %mul3A_88 : i32
      %mul3A_90 = arith.constant 32 : i32
      %mul3A_91 = arith.muli %select_n3A_9, %mul3A_90 : i32
      %dma_start3A_92 = tpu.memref_slice %arg5[%add3A_89, %mul3A_91] : memref<16384x64xf32, #tpu.memory_space<hbm>> -> memref<128x32xf32, #tpu.memory_space<hbm>>
      %dma_start3A_93 = tpu.memref_slice %arg5[%add3A_89, %mul3A_91] : memref<16384x64xf32, #tpu.memory_space<hbm>> -> memref<128x32xf32, #tpu.memory_space<hbm>>
      tpu.enqueue_dma source(%arg9 : memref<128x32xf32, #tpu.memory_space<vmem>>) target(%dma_start3A_93 : memref<128x32xf32, #tpu.memory_space<hbm>>) target_semaphore(%arg11 : memref<!tpu.dma_semaphore, #tpu.memory_space<semaphore_mem>>)
      %gt3A_94 = arith.constant 0 : i32
      %gt3A_95 = arith.cmpi sgt, %scan3A_72, %gt3A_94 : i32
      %convert_element_type3A_96 = arith.extui %gt3A_95 : i1 to i32
      %cond3A_97 = arith.constant 0 : i32
      %cond3A_98 = arith.cmpi ne, %convert_element_type3A_96, %cond3A_97 : i32
      scf.if %cond3A_98 {
        %mul3A_112 = arith.constant 128 : i32
        %mul3A_113 = arith.muli %add3A_78, %mul3A_112 : i32
        %add3A_114 = arith.addi %mul3A_32, %mul3A_113 : i32
        %mul3A_115 = arith.constant 32 : i32
        %mul3A_116 = arith.muli %select_n3A_9, %mul3A_115 : i32
        %dma_wait3A_117 = tpu.memref_slice %arg5[%add3A_114, %mul3A_116] : memref<16384x64xf32, #tpu.memory_space<hbm>> -> memref<128x32xf32, #tpu.memory_space<hbm>>
        %dma_wait3A_118 = tpu.memref_slice %arg5[%add3A_114, %mul3A_116] : memref<16384x64xf32, #tpu.memory_space<hbm>> -> memref<128x32xf32, #tpu.memory_space<hbm>>
        tpu.wait_dma2 semaphore(%arg12 : memref<!tpu.dma_semaphore, #tpu.memory_space<semaphore_mem>>) src(%arg10 : memref<128x32xf32, #tpu.memory_space<vmem>>) dst(%dma_wait3A_118 : memref<128x32xf32, #tpu.memory_space<hbm>>)
      } else {
      }
      %scan3A_99 = arith.constant 0 : i32
      %scan3A_100 = arith.constant 0 : i32
      %scan3A_101 = arith.constant 32 : i32
      %scan3A_102 = arith.addi %scan3A_100, %scan3A_101 : i32
      %scan3A_103 = arith.constant 1 : i32
      scf.for %scan3A_112 = %scan3A_100 to %scan3A_102 step %scan3A_103  : i32 {
        %mul3A_113 = arith.constant 2560 : i32
        %mul3A_114 = arith.muli %add3A_78, %mul3A_113 : i32
        %mul3A_115 = arith.constant 80 : i32
        %mul3A_116 = arith.muli %scan3A_112, %mul3A_115 : i32
        %add3A_117 = arith.addi %mul3A_114, %mul3A_116 : i32
        %add3A_118 = arith.constant 0 : i32
        %add3A_119 = arith.addi %add3A_117, %add3A_118 : i32
        %get3A = arith.index_cast %add3A_119 : i32 to index
        %get3A_120 = tpu.vector_load %arg8[%get3A] {strides = array<i32>} : memref<20480xi32, #tpu.memory_space<vmem>>, vector<16xi32>,
        %get3A_121 = vector.shape_cast %get3A_120 : vector<16xi32> to vector<16xi32>
        %convert_element_type3A_122 = arith.sitofp %get3A_121 : vector<16xi32> to vector<16xf32>
        %mul3A_123 = arith.constant 1.000000e-03 : f32
        %mul3A_124 = vector.broadcast %mul3A_123 : f32 to vector<16xf32>
        %mul3A_125 = arith.mulf %convert_element_type3A_122, %mul3A_124 : vector<16xf32>
        %convert_element_type3A_126 = arith.fptosi %mul3A_125 : vector<16xf32> to vector<16xi32>
        %mul3A_127 = arith.constant 1000 : i32
        %mul3A_128 = vector.broadcast %mul3A_127 : i32 to vector<16xi32>
        %mul3A_129 = arith.muli %convert_element_type3A_126, %mul3A_128 : vector<16xi32>
        %sub3A_130 = arith.subi %get3A_121, %mul3A_129 : vector<16xi32>
        %lt3A_131 = arith.constant 0 : i32
        %lt3A_132 = vector.broadcast %lt3A_131 : i32 to vector<16xi32>
        %lt3A_133 = arith.cmpi slt, %sub3A_130, %lt3A_132 : vector<16xi32>
        %sub3A_134 = arith.constant 1 : i32
        %sub3A_135 = vector.broadcast %sub3A_134 : i32 to vector<16xi32>
        %sub3A_136 = arith.subi %convert_element_type3A_126, %sub3A_135 : vector<16xi32>
        %select_n3A_137 = arith.select %lt3A_133, %sub3A_136, %convert_element_type3A_126 : vector<16xi1>, vector<16xi32>
        %lt3A_138 = arith.constant 0 : i32
        %lt3A_139 = vector.broadcast %lt3A_138 : i32 to vector<16xi32>
        %lt3A_140 = arith.cmpi slt, %sub3A_130, %lt3A_139 : vector<16xi32>
        %add3A_141 = arith.constant 1000 : i32
        %add3A_142 = vector.broadcast %add3A_141 : i32 to vector<16xi32>
        %add3A_143 = arith.addi %sub3A_130, %add3A_142 : vector<16xi32>
        %select_n3A_144 = arith.select %lt3A_140, %add3A_143, %sub3A_130 : vector<16xi1>, vector<16xi32>
        %ge3A = arith.constant 1000 : i32
        %ge3A_145 = vector.broadcast %ge3A : i32 to vector<16xi32>
        %ge3A_146 = arith.cmpi sge, %select_n3A_144, %ge3A_145 : vector<16xi32>
        %add3A_147 = arith.constant 1 : i32
        %add3A_148 = vector.broadcast %add3A_147 : i32 to vector<16xi32>
        %add3A_149 = arith.addi %select_n3A_137, %add3A_148 : vector<16xi32>
        %select_n3A_150 = arith.select %ge3A_146, %add3A_149, %select_n3A_137 : vector<16xi1>, vector<16xi32>
        %ge3A_151 = arith.constant 1000 : i32
        %ge3A_152 = vector.broadcast %ge3A_151 : i32 to vector<16xi32>
        %ge3A_153 = arith.cmpi sge, %select_n3A_144, %ge3A_152 : vector<16xi32>
        %sub3A_154 = arith.constant 1000 : i32
        %sub3A_155 = vector.broadcast %sub3A_154 : i32 to vector<16xi32>
        %sub3A_156 = arith.subi %select_n3A_144, %sub3A_155 : vector<16xi32>
        %select_n3A_157 = arith.select %ge3A_153, %sub3A_156, %select_n3A_144 : vector<16xi1>, vector<16xi32>
        %mul3A_158 = arith.constant 2097152 : i32
        %mul3A_159 = vector.broadcast %mul3A_158 : i32 to vector<16xi32>
        %mul3A_160 = arith.muli %select_n3A_150, %mul3A_159 : vector<16xi32>
        %mul3A_161 = arith.constant 32 : i32
        %mul3A_162 = vector.broadcast %mul3A_161 : i32 to vector<16xi32>
        %mul3A_163 = arith.muli %select_n3A_157, %mul3A_162 : vector<16xi32>
        %add3A_164 = arith.addi %mul3A_160, %mul3A_163 : vector<16xi32>
        %add3A_165 = arith.constant 16 : i32
        %add3A_166 = arith.addi %add3A_117, %add3A_165 : i32
        %get3A_167 = arith.index_cast %add3A_166 : i32 to index
        %get3A_168 = tpu.vector_load %arg8[%get3A_167] {strides = array<i32>} : memref<20480xi32, #tpu.memory_space<vmem>>, vector<16xi32>,
        %get3A_169 = vector.shape_cast %get3A_168 : vector<16xi32> to vector<16xi32>
        %convert_element_type3A_170 = arith.sitofp %get3A_169 : vector<16xi32> to vector<16xf32>
        %mul3A_171 = arith.constant 1.000000e-03 : f32
        %mul3A_172 = vector.broadcast %mul3A_171 : f32 to vector<16xf32>
        %mul3A_173 = arith.mulf %convert_element_type3A_170, %mul3A_172 : vector<16xf32>
        %convert_element_type3A_174 = arith.fptosi %mul3A_173 : vector<16xf32> to vector<16xi32>
        %mul3A_175 = arith.constant 1000 : i32
        %mul3A_176 = vector.broadcast %mul3A_175 : i32 to vector<16xi32>
        %mul3A_177 = arith.muli %convert_element_type3A_174, %mul3A_176 : vector<16xi32>
        %sub3A_178 = arith.subi %get3A_169, %mul3A_177 : vector<16xi32>
        %lt3A_179 = arith.constant 0 : i32
        %lt3A_180 = vector.broadcast %lt3A_179 : i32 to vector<16xi32>
        %lt3A_181 = arith.cmpi slt, %sub3A_178, %lt3A_180 : vector<16xi32>
        %sub3A_182 = arith.constant 1 : i32
        %sub3A_183 = vector.broadcast %sub3A_182 : i32 to vector<16xi32>
        %sub3A_184 = arith.subi %convert_element_type3A_174, %sub3A_183 : vector<16xi32>
        %select_n3A_185 = arith.select %lt3A_181, %sub3A_184, %convert_element_type3A_174 : vector<16xi1>, vector<16xi32>
        %lt3A_186 = arith.constant 0 : i32
        %lt3A_187 = vector.broadcast %lt3A_186 : i32 to vector<16xi32>
        %lt3A_188 = arith.cmpi slt, %sub3A_178, %lt3A_187 : vector<16xi32>
        %add3A_189 = arith.constant 1000 : i32
        %add3A_190 = vector.broadcast %add3A_189 : i32 to vector<16xi32>
        %add3A_191 = arith.addi %sub3A_178, %add3A_190 : vector<16xi32>
        %select_n3A_192 = arith.select %lt3A_188, %add3A_191, %sub3A_178 : vector<16xi1>, vector<16xi32>
        %ge3A_193 = arith.constant 1000 : i32
        %ge3A_194 = vector.broadcast %ge3A_193 : i32 to vector<16xi32>
        %ge3A_195 = arith.cmpi sge, %select_n3A_192, %ge3A_194 : vector<16xi32>
        %add3A_196 = arith.constant 1 : i32
        %add3A_197 = vector.broadcast %add3A_196 : i32 to vector<16xi32>
        %add3A_198 = arith.addi %select_n3A_185, %add3A_197 : vector<16xi32>
        %select_n3A_199 = arith.select %ge3A_195, %add3A_198, %select_n3A_185 : vector<16xi1>, vector<16xi32>
        %ge3A_200 = arith.constant 1000 : i32
        %ge3A_201 = vector.broadcast %ge3A_200 : i32 to vector<16xi32>
        %ge3A_202 = arith.cmpi sge, %select_n3A_192, %ge3A_201 : vector<16xi32>
        %sub3A_203 = arith.constant 1000 : i32
        %sub3A_204 = vector.broadcast %sub3A_203 : i32 to vector<16xi32>
        %sub3A_205 = arith.subi %select_n3A_192, %sub3A_204 : vector<16xi32>
        %select_n3A_206 = arith.select %ge3A_202, %sub3A_205, %select_n3A_192 : vector<16xi1>, vector<16xi32>
        %mul3A_207 = arith.constant 2097152 : i32
        %mul3A_208 = vector.broadcast %mul3A_207 : i32 to vector<16xi32>
        %mul3A_209 = arith.muli %select_n3A_199, %mul3A_208 : vector<16xi32>
        %mul3A_210 = arith.constant 32 : i32
        %mul3A_211 = vector.broadcast %mul3A_210 : i32 to vector<16xi32>
        %mul3A_212 = arith.muli %select_n3A_206, %mul3A_211 : vector<16xi32>
        %add3A_213 = arith.addi %mul3A_209, %mul3A_212 : vector<16xi32>
        %add3A_214 = arith.constant 32 : i32
        %add3A_215 = arith.addi %add3A_117, %add3A_214 : i32
        %get3A_216 = arith.index_cast %add3A_215 : i32 to index
        %get3A_217 = tpu.vector_load %arg8[%get3A_216] {strides = array<i32>} : memref<20480xi32, #tpu.memory_space<vmem>>, vector<16xi32>,
        %get3A_218 = vector.shape_cast %get3A_217 : vector<16xi32> to vector<16xi32>
        %convert_element_type3A_219 = arith.sitofp %get3A_218 : vector<16xi32> to vector<16xf32>
        %mul3A_220 = arith.constant 1.000000e-03 : f32
        %mul3A_221 = vector.broadcast %mul3A_220 : f32 to vector<16xf32>
        %mul3A_222 = arith.mulf %convert_element_type3A_219, %mul3A_221 : vector<16xf32>
        %convert_element_type3A_223 = arith.fptosi %mul3A_222 : vector<16xf32> to vector<16xi32>
        %mul3A_224 = arith.constant 1000 : i32
        %mul3A_225 = vector.broadcast %mul3A_224 : i32 to vector<16xi32>
        %mul3A_226 = arith.muli %convert_element_type3A_223, %mul3A_225 : vector<16xi32>
        %sub3A_227 = arith.subi %get3A_218, %mul3A_226 : vector<16xi32>
        %lt3A_228 = arith.constant 0 : i32
        %lt3A_229 = vector.broadcast %lt3A_228 : i32 to vector<16xi32>
        %lt3A_230 = arith.cmpi slt, %sub3A_227, %lt3A_229 : vector<16xi32>
        %sub3A_231 = arith.constant 1 : i32
        %sub3A_232 = vector.broadcast %sub3A_231 : i32 to vector<16xi32>
        %sub3A_233 = arith.subi %convert_element_type3A_223, %sub3A_232 : vector<16xi32>
        %select_n3A_234 = arith.select %lt3A_230, %sub3A_233, %convert_element_type3A_223 : vector<16xi1>, vector<16xi32>
        %lt3A_235 = arith.constant 0 : i32
        %lt3A_236 = vector.broadcast %lt3A_235 : i32 to vector<16xi32>
        %lt3A_237 = arith.cmpi slt, %sub3A_227, %lt3A_236 : vector<16xi32>
        %add3A_238 = arith.constant 1000 : i32
        %add3A_239 = vector.broadcast %add3A_238 : i32 to vector<16xi32>
        %add3A_240 = arith.addi %sub3A_227, %add3A_239 : vector<16xi32>
        %select_n3A_241 = arith.select %lt3A_237, %add3A_240, %sub3A_227 : vector<16xi1>, vector<16xi32>
        %ge3A_242 = arith.constant 1000 : i32
        %ge3A_243 = vector.broadcast %ge3A_242 : i32 to vector<16xi32>
        %ge3A_244 = arith.cmpi sge, %select_n3A_241, %ge3A_243 : vector<16xi32>
        %add3A_245 = arith.constant 1 : i32
        %add3A_246 = vector.broadcast %add3A_245 : i32 to vector<16xi32>
        %add3A_247 = arith.addi %select_n3A_234, %add3A_246 : vector<16xi32>
        %select_n3A_248 = arith.select %ge3A_244, %add3A_247, %select_n3A_234 : vector<16xi1>, vector<16xi32>
        %ge3A_249 = arith.constant 1000 : i32
        %ge3A_250 = vector.broadcast %ge3A_249 : i32 to vector<16xi32>
        %ge3A_251 = arith.cmpi sge, %select_n3A_241, %ge3A_250 : vector<16xi32>
        %sub3A_252 = arith.constant 1000 : i32
        %sub3A_253 = vector.broadcast %sub3A_252 : i32 to vector<16xi32>
        %sub3A_254 = arith.subi %select_n3A_241, %sub3A_253 : vector<16xi32>
        %select_n3A_255 = arith.select %ge3A_251, %sub3A_254, %select_n3A_241 : vector<16xi1>, vector<16xi32>
        %mul3A_256 = arith.constant 2097152 : i32
        %mul3A_257 = vector.broadcast %mul3A_256 : i32 to vector<16xi32>
        %mul3A_258 = arith.muli %select_n3A_248, %mul3A_257 : vector<16xi32>
        %mul3A_259 = arith.constant 32 : i32
        %mul3A_260 = vector.broadcast %mul3A_259 : i32 to vector<16xi32>
        %mul3A_261 = arith.muli %select_n3A_255, %mul3A_260 : vector<16xi32>
        %add3A_262 = arith.addi %mul3A_258, %mul3A_261 : vector<16xi32>
        %add3A_263 = arith.constant 48 : i32
        %add3A_264 = arith.addi %add3A_117, %add3A_263 : i32
        %get3A_265 = arith.index_cast %add3A_264 : i32 to index
        %get3A_266 = tpu.vector_load %arg8[%get3A_265] {strides = array<i32>} : memref<20480xi32, #tpu.memory_space<vmem>>, vector<16xi32>,
        %get3A_267 = vector.shape_cast %get3A_266 : vector<16xi32> to vector<16xi32>
        %convert_element_type3A_268 = arith.sitofp %get3A_267 : vector<16xi32> to vector<16xf32>
        %mul3A_269 = arith.constant 1.000000e-03 : f32
        %mul3A_270 = vector.broadcast %mul3A_269 : f32 to vector<16xf32>
        %mul3A_271 = arith.mulf %convert_element_type3A_268, %mul3A_270 : vector<16xf32>
        %convert_element_type3A_272 = arith.fptosi %mul3A_271 : vector<16xf32> to vector<16xi32>
        %mul3A_273 = arith.constant 1000 : i32
        %mul3A_274 = vector.broadcast %mul3A_273 : i32 to vector<16xi32>
        %mul3A_275 = arith.muli %convert_element_type3A_272, %mul3A_274 : vector<16xi32>
        %sub3A_276 = arith.subi %get3A_267, %mul3A_275 : vector<16xi32>
        %lt3A_277 = arith.constant 0 : i32
        %lt3A_278 = vector.broadcast %lt3A_277 : i32 to vector<16xi32>
        %lt3A_279 = arith.cmpi slt, %sub3A_276, %lt3A_278 : vector<16xi32>
        %sub3A_280 = arith.constant 1 : i32
        %sub3A_281 = vector.broadcast %sub3A_280 : i32 to vector<16xi32>
        %sub3A_282 = arith.subi %convert_element_type3A_272, %sub3A_281 : vector<16xi32>
        %select_n3A_283 = arith.select %lt3A_279, %sub3A_282, %convert_element_type3A_272 : vector<16xi1>, vector<16xi32>
        %lt3A_284 = arith.constant 0 : i32
        %lt3A_285 = vector.broadcast %lt3A_284 : i32 to vector<16xi32>
        %lt3A_286 = arith.cmpi slt, %sub3A_276, %lt3A_285 : vector<16xi32>
        %add3A_287 = arith.constant 1000 : i32
        %add3A_288 = vector.broadcast %add3A_287 : i32 to vector<16xi32>
        %add3A_289 = arith.addi %sub3A_276, %add3A_288 : vector<16xi32>
        %select_n3A_290 = arith.select %lt3A_286, %add3A_289, %sub3A_276 : vector<16xi1>, vector<16xi32>
        %ge3A_291 = arith.constant 1000 : i32
        %ge3A_292 = vector.broadcast %ge3A_291 : i32 to vector<16xi32>
        %ge3A_293 = arith.cmpi sge, %select_n3A_290, %ge3A_292 : vector<16xi32>
        %add3A_294 = arith.constant 1 : i32
        %add3A_295 = vector.broadcast %add3A_294 : i32 to vector<16xi32>
        %add3A_296 = arith.addi %select_n3A_283, %add3A_295 : vector<16xi32>
        %select_n3A_297 = arith.select %ge3A_293, %add3A_296, %select_n3A_283 : vector<16xi1>, vector<16xi32>
        %ge3A_298 = arith.constant 1000 : i32
        %ge3A_299 = vector.broadcast %ge3A_298 : i32 to vector<16xi32>
        %ge3A_300 = arith.cmpi sge, %select_n3A_290, %ge3A_299 : vector<16xi32>
        %sub3A_301 = arith.constant 1000 : i32
        %sub3A_302 = vector.broadcast %sub3A_301 : i32 to vector<16xi32>
        %sub3A_303 = arith.subi %select_n3A_290, %sub3A_302 : vector<16xi32>
        %select_n3A_304 = arith.select %ge3A_300, %sub3A_303, %select_n3A_290 : vector<16xi1>, vector<16xi32>
        %mul3A_305 = arith.constant 2097152 : i32
        %mul3A_306 = vector.broadcast %mul3A_305 : i32 to vector<16xi32>
        %mul3A_307 = arith.muli %select_n3A_297, %mul3A_306 : vector<16xi32>
        %mul3A_308 = arith.constant 32 : i32
        %mul3A_309 = vector.broadcast %mul3A_308 : i32 to vector<16xi32>
        %mul3A_310 = arith.muli %select_n3A_304, %mul3A_309 : vector<16xi32>
        %add3A_311 = arith.addi %mul3A_307, %mul3A_310 : vector<16xi32>
        %add3A_312 = arith.constant 64 : i32
        %add3A_313 = arith.addi %add3A_117, %add3A_312 : i32
        %get3A_314 = arith.index_cast %add3A_313 : i32 to index
        %get3A_315 = tpu.vector_load %arg8[%get3A_314] {strides = array<i32>} : memref<20480xi32, #tpu.memory_space<vmem>>, vector<16xi32>,
        %get3A_316 = vector.shape_cast %get3A_315 : vector<16xi32> to vector<16xi32>
        %convert_element_type3A_317 = arith.sitofp %get3A_316 : vector<16xi32> to vector<16xf32>
        %mul3A_318 = arith.constant 1.000000e-03 : f32
        %mul3A_319 = vector.broadcast %mul3A_318 : f32 to vector<16xf32>
        %mul3A_320 = arith.mulf %convert_element_type3A_317, %mul3A_319 : vector<16xf32>
        %convert_element_type3A_321 = arith.fptosi %mul3A_320 : vector<16xf32> to vector<16xi32>
        %mul3A_322 = arith.constant 1000 : i32
        %mul3A_323 = vector.broadcast %mul3A_322 : i32 to vector<16xi32>
        %mul3A_324 = arith.muli %convert_element_type3A_321, %mul3A_323 : vector<16xi32>
        %sub3A_325 = arith.subi %get3A_316, %mul3A_324 : vector<16xi32>
        %lt3A_326 = arith.constant 0 : i32
        %lt3A_327 = vector.broadcast %lt3A_326 : i32 to vector<16xi32>
        %lt3A_328 = arith.cmpi slt, %sub3A_325, %lt3A_327 : vector<16xi32>
        %sub3A_329 = arith.constant 1 : i32
        %sub3A_330 = vector.broadcast %sub3A_329 : i32 to vector<16xi32>
        %sub3A_331 = arith.subi %convert_element_type3A_321, %sub3A_330 : vector<16xi32>
        %select_n3A_332 = arith.select %lt3A_328, %sub3A_331, %convert_element_type3A_321 : vector<16xi1>, vector<16xi32>
        %lt3A_333 = arith.constant 0 : i32
        %lt3A_334 = vector.broadcast %lt3A_333 : i32 to vector<16xi32>
        %lt3A_335 = arith.cmpi slt, %sub3A_325, %lt3A_334 : vector<16xi32>
        %add3A_336 = arith.constant 1000 : i32
        %add3A_337 = vector.broadcast %add3A_336 : i32 to vector<16xi32>
        %add3A_338 = arith.addi %sub3A_325, %add3A_337 : vector<16xi32>
        %select_n3A_339 = arith.select %lt3A_335, %add3A_338, %sub3A_325 : vector<16xi1>, vector<16xi32>
        %ge3A_340 = arith.constant 1000 : i32
        %ge3A_341 = vector.broadcast %ge3A_340 : i32 to vector<16xi32>
        %ge3A_342 = arith.cmpi sge, %select_n3A_339, %ge3A_341 : vector<16xi32>
        %add3A_343 = arith.constant 1 : i32
        %add3A_344 = vector.broadcast %add3A_343 : i32 to vector<16xi32>
        %add3A_345 = arith.addi %select_n3A_332, %add3A_344 : vector<16xi32>
        %select_n3A_346 = arith.select %ge3A_342, %add3A_345, %select_n3A_332 : vector<16xi1>, vector<16xi32>
        %ge3A_347 = arith.constant 1000 : i32
        %ge3A_348 = vector.broadcast %ge3A_347 : i32 to vector<16xi32>
        %ge3A_349 = arith.cmpi sge, %select_n3A_339, %ge3A_348 : vector<16xi32>
        %sub3A_350 = arith.constant 1000 : i32
        %sub3A_351 = vector.broadcast %sub3A_350 : i32 to vector<16xi32>
        %sub3A_352 = arith.subi %select_n3A_339, %sub3A_351 : vector<16xi32>
        %select_n3A_353 = arith.select %ge3A_349, %sub3A_352, %select_n3A_339 : vector<16xi1>, vector<16xi32>
        %mul3A_354 = arith.constant 2097152 : i32
        %mul3A_355 = vector.broadcast %mul3A_354 : i32 to vector<16xi32>
        %mul3A_356 = arith.muli %select_n3A_346, %mul3A_355 : vector<16xi32>
        %mul3A_357 = arith.constant 32 : i32
        %mul3A_358 = vector.broadcast %mul3A_357 : i32 to vector<16xi32>
        %mul3A_359 = arith.muli %select_n3A_353, %mul3A_358 : vector<16xi32>
        %add3A_360 = arith.addi %mul3A_356, %mul3A_359 : vector<16xi32>
        %broadcast_in_dim3A = arith.constant 0.000000e+00 : f32
        %broadcast_in_dim3A_361 = vector.broadcast %broadcast_in_dim3A : f32 to vector<16xf32>
        %broadcast_in_dim3A_362 = arith.constant 0.000000e+00 : f32
        %broadcast_in_dim3A_363 = vector.broadcast %broadcast_in_dim3A_362 : f32 to vector<16xf32>
        %broadcast_in_dim3A_364 = arith.constant 0.000000e+00 : f32
        %broadcast_in_dim3A_365 = vector.broadcast %broadcast_in_dim3A_364 : f32 to vector<16xf32>
        %broadcast_in_dim3A_366 = arith.constant 0.000000e+00 : f32
        %broadcast_in_dim3A_367 = vector.broadcast %broadcast_in_dim3A_366 : f32 to vector<16xf32>
        %slice3A = vector.extract_strided_slice %add3A_164 {offsets = [0], sizes = [1], strides = [1]} : vector<16xi32> to vector<1xi32>
        %squeeze3A = vector.extract %slice3A[0] : i32 from vector<1xi32>
        %shift_right_logical3A = arith.constant 16 : i32
        %shift_right_logical3A_368 = arith.shrui %squeeze3A, %shift_right_logical3A : i32
        %and3A_369 = arith.constant 65535 : i32
        %and3A_370 = arith.andi %squeeze3A, %and3A_369 : i32
        %get3A_371 = arith.index_cast %shift_right_logical3A_368 : i32 to index
        %get3A_372 = tpu.vector_load %arg6[%get3A_371] {strides = array<i32>} : memref<32000xf32, #tpu.memory_space<vmem>>, vector<16xf32>,
        %get3A_373 = vector.shape_cast %get3A_372 : vector<16xf32> to vector<16xf32>
        %add3A_374 = arith.addf %broadcast_in_dim3A_361, %get3A_373 : vector<16xf32>
        %add3A_375 = arith.constant 16 : i32
        %add3A_376 = arith.addi %shift_right_logical3A_368, %add3A_375 : i32
        %get3A_377 = arith.index_cast %add3A_376 : i32 to index
        %get3A_378 = tpu.vector_load %arg6[%get3A_377] {strides = array<i32>} : memref<32000xf32, #tpu.memory_space<vmem>>, vector<16xf32>,
        %get3A_379 = vector.shape_cast %get3A_378 : vector<16xf32> to vector<16xf32>
        %add3A_380 = arith.addf %broadcast_in_dim3A_363, %get3A_379 : vector<16xf32>
        %get3A_381 = arith.index_cast %and3A_370 : i32 to index
        %get3A_382 = tpu.vector_load %arg7[%get3A_381] {strides = array<i32>} : memref<32000xf32, #tpu.memory_space<vmem>>, vector<16xf32>,
        %get3A_383 = vector.shape_cast %get3A_382 : vector<16xf32> to vector<16xf32>
        %add3A_384 = arith.addf %broadcast_in_dim3A_365, %get3A_383 : vector<16xf32>
        %add3A_385 = arith.constant 16 : i32
        %add3A_386 = arith.addi %and3A_370, %add3A_385 : i32
        %get3A_387 = arith.index_cast %add3A_386 : i32 to index
        %get3A_388 = tpu.vector_load %arg7[%get3A_387] {strides = array<i32>} : memref<32000xf32, #tpu.memory_space<vmem>>, vector<16xf32>,
        %get3A_389 = vector.shape_cast %get3A_388 : vector<16xf32> to vector<16xf32>
        %add3A_390 = arith.addf %broadcast_in_dim3A_367, %get3A_389 : vector<16xf32>
        %slice3A_391 = vector.extract_strided_slice %add3A_164 {offsets = [1], sizes = [1], strides = [1]} : vector<16xi32> to vector<1xi32>
        %squeeze3A_392 = vector.extract %slice3A_391[0] : i32 from vector<1xi32>
        %shift_right_logical3A_393 = arith.constant 16 : i32
        %shift_right_logical3A_394 = arith.shrui %squeeze3A_392, %shift_right_logical3A_393 : i32
        %and3A_395 = arith.constant 65535 : i32
        %and3A_396 = arith.andi %squeeze3A_392, %and3A_395 : i32
        %get3A_397 = arith.index_cast %shift_right_logical3A_394 : i32 to index
        %get3A_398 = tpu.vector_load %arg6[%get3A_397] {strides = array<i32>} : memref<32000xf32, #tpu.memory_space<vmem>>, vector<16xf32>,
        %get3A_399 = vector.shape_cast %get3A_398 : vector<16xf32> to vector<16xf32>
        %add3A_400 = arith.addf %add3A_374, %get3A_399 : vector<16xf32>
        %add3A_401 = arith.constant 16 : i32
        %add3A_402 = arith.addi %shift_right_logical3A_394, %add3A_401 : i32
        %get3A_403 = arith.index_cast %add3A_402 : i32 to index
        %get3A_404 = tpu.vector_load %arg6[%get3A_403] {strides = array<i32>} : memref<32000xf32, #tpu.memory_space<vmem>>, vector<16xf32>,
        %get3A_405 = vector.shape_cast %get3A_404 : vector<16xf32> to vector<16xf32>
        %add3A_406 = arith.addf %add3A_380, %get3A_405 : vector<16xf32>
        %get3A_407 = arith.index_cast %and3A_396 : i32 to index
        %get3A_408 = tpu.vector_load %arg7[%get3A_407] {strides = array<i32>} : memref<32000xf32, #tpu.memory_space<vmem>>, vector<16xf32>,
        %get3A_409 = vector.shape_cast %get3A_408 : vector<16xf32> to vector<16xf32>
        %add3A_410 = arith.addf %add3A_384, %get3A_409 : vector<16xf32>
        %add3A_411 = arith.constant 16 : i32
        %add3A_412 = arith.addi %and3A_396, %add3A_411 : i32
        %get3A_413 = arith.index_cast %add3A_412 : i32 to index
        %get3A_414 = tpu.vector_load %arg7[%get3A_413] {strides = array<i32>} : memref<32000xf32, #tpu.memory_space<vmem>>, vector<16xf32>,
        %get3A_415 = vector.shape_cast %get3A_414 : vector<16xf32> to vector<16xf32>
        %add3A_416 = arith.addf %add3A_390, %get3A_415 : vector<16xf32>
        %slice3A_417 = vector.extract_strided_slice %add3A_164 {offsets = [2], sizes = [1], strides = [1]} : vector<16xi32> to vector<1xi32>
        %squeeze3A_418 = vector.extract %slice3A_417[0] : i32 from vector<1xi32>
        %shift_right_logical3A_419 = arith.constant 16 : i32
        %shift_right_logical3A_420 = arith.shrui %squeeze3A_418, %shift_right_logical3A_419 : i32
        %and3A_421 = arith.constant 65535 : i32
        %and3A_422 = arith.andi %squeeze3A_418, %and3A_421 : i32
        %get3A_423 = arith.index_cast %shift_right_logical3A_420 : i32 to index
        %get3A_424 = tpu.vector_load %arg6[%get3A_423] {strides = array<i32>} : memref<32000xf32, #tpu.memory_space<vmem>>, vector<16xf32>,
        %get3A_425 = vector.shape_cast %get3A_424 : vector<16xf32> to vector<16xf32>
        %add3A_426 = arith.addf %add3A_400, %get3A_425 : vector<16xf32>
        %add3A_427 = arith.constant 16 : i32
        %add3A_428 = arith.addi %shift_right_logical3A_420, %add3A_427 : i32
        %get3A_429 = arith.index_cast %add3A_428 : i32 to index
        %get3A_430 = tpu.vector_load %arg6[%get3A_429] {strides = array<i32>} : memref<32000xf32, #tpu.memory_space<vmem>>, vector<16xf32>,
        %get3A_431 = vector.shape_cast %get3A_430 : vector<16xf32> to vector<16xf32>
        %add3A_432 = arith.addf %add3A_406, %get3A_431 : vector<16xf32>
        %get3A_433 = arith.index_cast %and3A_422 : i32 to index
        %get3A_434 = tpu.vector_load %arg7[%get3A_433] {strides = array<i32>} : memref<32000xf32, #tpu.memory_space<vmem>>, vector<16xf32>,
        %get3A_435 = vector.shape_cast %get3A_434 : vector<16xf32> to vector<16xf32>
        %add3A_436 = arith.addf %add3A_410, %get3A_435 : vector<16xf32>
        %add3A_437 = arith.constant 16 : i32
        %add3A_438 = arith.addi %and3A_422, %add3A_437 : i32
        %get3A_439 = arith.index_cast %add3A_438 : i32 to index
        %get3A_440 = tpu.vector_load %arg7[%get3A_439] {strides = array<i32>} : memref<32000xf32, #tpu.memory_space<vmem>>, vector<16xf32>,
        %get3A_441 = vector.shape_cast %get3A_440 : vector<16xf32> to vector<16xf32>
        %add3A_442 = arith.addf %add3A_416, %get3A_441 : vector<16xf32>
        %slice3A_443 = vector.extract_strided_slice %add3A_164 {offsets = [3], sizes = [1], strides = [1]} : vector<16xi32> to vector<1xi32>
        %squeeze3A_444 = vector.extract %slice3A_443[0] : i32 from vector<1xi32>
        %shift_right_logical3A_445 = arith.constant 16 : i32
        %shift_right_logical3A_446 = arith.shrui %squeeze3A_444, %shift_right_logical3A_445 : i32
        %and3A_447 = arith.constant 65535 : i32
        %and3A_448 = arith.andi %squeeze3A_444, %and3A_447 : i32
        %get3A_449 = arith.index_cast %shift_right_logical3A_446 : i32 to index
        %get3A_450 = tpu.vector_load %arg6[%get3A_449] {strides = array<i32>} : memref<32000xf32, #tpu.memory_space<vmem>>, vector<16xf32>,
        %get3A_451 = vector.shape_cast %get3A_450 : vector<16xf32> to vector<16xf32>
        %add3A_452 = arith.addf %add3A_426, %get3A_451 : vector<16xf32>
        %add3A_453 = arith.constant 16 : i32
        %add3A_454 = arith.addi %shift_right_logical3A_446, %add3A_453 : i32
        %get3A_455 = arith.index_cast %add3A_454 : i32 to index
        %get3A_456 = tpu.vector_load %arg6[%get3A_455] {strides = array<i32>} : memref<32000xf32, #tpu.memory_space<vmem>>, vector<16xf32>,
        %get3A_457 = vector.shape_cast %get3A_456 : vector<16xf32> to vector<16xf32>
        %add3A_458 = arith.addf %add3A_432, %get3A_457 : vector<16xf32>
        %get3A_459 = arith.index_cast %and3A_448 : i32 to index
        %get3A_460 = tpu.vector_load %arg7[%get3A_459] {strides = array<i32>} : memref<32000xf32, #tpu.memory_space<vmem>>, vector<16xf32>,
        %get3A_461 = vector.shape_cast %get3A_460 : vector<16xf32> to vector<16xf32>
        %add3A_462 = arith.addf %add3A_436, %get3A_461 : vector<16xf32>
        %add3A_463 = arith.constant 16 : i32
        %add3A_464 = arith.addi %and3A_448, %add3A_463 : i32
        %get3A_465 = arith.index_cast %add3A_464 : i32 to index
        %get3A_466 = tpu.vector_load %arg7[%get3A_465] {strides = array<i32>} : memref<32000xf32, #tpu.memory_space<vmem>>, vector<16xf32>,
        %get3A_467 = vector.shape_cast %get3A_466 : vector<16xf32> to vector<16xf32>
        %add3A_468 = arith.addf %add3A_442, %get3A_467 : vector<16xf32>
        %slice3A_469 = vector.extract_strided_slice %add3A_164 {offsets = [4], sizes = [1], strides = [1]} : vector<16xi32> to vector<1xi32>
        %squeeze3A_470 = vector.extract %slice3A_469[0] : i32 from vector<1xi32>
        %shift_right_logical3A_471 = arith.constant 16 : i32
        %shift_right_logical3A_472 = arith.shrui %squeeze3A_470, %shift_right_logical3A_471 : i32
        %and3A_473 = arith.constant 65535 : i32
        %and3A_474 = arith.andi %squeeze3A_470, %and3A_473 : i32
        %get3A_475 = arith.index_cast %shift_right_logical3A_472 : i32 to index
        %get3A_476 = tpu.vector_load %arg6[%get3A_475] {strides = array<i32>} : memref<32000xf32, #tpu.memory_space<vmem>>, vector<16xf32>,
        %get3A_477 = vector.shape_cast %get3A_476 : vector<16xf32> to vector<16xf32>
        %add3A_478 = arith.addf %add3A_452, %get3A_477 : vector<16xf32>
        %add3A_479 = arith.constant 16 : i32
        %add3A_480 = arith.addi %shift_right_logical3A_472, %add3A_479 : i32
        %get3A_481 = arith.index_cast %add3A_480 : i32 to index
        %get3A_482 = tpu.vector_load %arg6[%get3A_481] {strides = array<i32>} : memref<32000xf32, #tpu.memory_space<vmem>>, vector<16xf32>,
        %get3A_483 = vector.shape_cast %get3A_482 : vector<16xf32> to vector<16xf32>
        %add3A_484 = arith.addf %add3A_458, %get3A_483 : vector<16xf32>
        %get3A_485 = arith.index_cast %and3A_474 : i32 to index
        %get3A_486 = tpu.vector_load %arg7[%get3A_485] {strides = array<i32>} : memref<32000xf32, #tpu.memory_space<vmem>>, vector<16xf32>,
        %get3A_487 = vector.shape_cast %get3A_486 : vector<16xf32> to vector<16xf32>
        %add3A_488 = arith.addf %add3A_462, %get3A_487 : vector<16xf32>
        %add3A_489 = arith.constant 16 : i32
        %add3A_490 = arith.addi %and3A_474, %add3A_489 : i32
        %get3A_491 = arith.index_cast %add3A_490 : i32 to index
        %get3A_492 = tpu.vector_load %arg7[%get3A_491] {strides = array<i32>} : memref<32000xf32, #tpu.memory_space<vmem>>, vector<16xf32>,
        %get3A_493 = vector.shape_cast %get3A_492 : vector<16xf32> to vector<16xf32>
        %add3A_494 = arith.addf %add3A_468, %get3A_493 : vector<16xf32>
        %slice3A_495 = vector.extract_strided_slice %add3A_164 {offsets = [5], sizes = [1], strides = [1]} : vector<16xi32> to vector<1xi32>
        %squeeze3A_496 = vector.extract %slice3A_495[0] : i32 from vector<1xi32>
        %shift_right_logical3A_497 = arith.constant 16 : i32
        %shift_right_logical3A_498 = arith.shrui %squeeze3A_496, %shift_right_logical3A_497 : i32
        %and3A_499 = arith.constant 65535 : i32
        %and3A_500 = arith.andi %squeeze3A_496, %and3A_499 : i32
        %get3A_501 = arith.index_cast %shift_right_logical3A_498 : i32 to index
        %get3A_502 = tpu.vector_load %arg6[%get3A_501] {strides = array<i32>} : memref<32000xf32, #tpu.memory_space<vmem>>, vector<16xf32>,
        %get3A_503 = vector.shape_cast %get3A_502 : vector<16xf32> to vector<16xf32>
        %add3A_504 = arith.addf %add3A_478, %get3A_503 : vector<16xf32>
        %add3A_505 = arith.constant 16 : i32
        %add3A_506 = arith.addi %shift_right_logical3A_498, %add3A_505 : i32
        %get3A_507 = arith.index_cast %add3A_506 : i32 to index
        %get3A_508 = tpu.vector_load %arg6[%get3A_507] {strides = array<i32>} : memref<32000xf32, #tpu.memory_space<vmem>>, vector<16xf32>,
        %get3A_509 = vector.shape_cast %get3A_508 : vector<16xf32> to vector<16xf32>
        %add3A_510 = arith.addf %add3A_484, %get3A_509 : vector<16xf32>
        %get3A_511 = arith.index_cast %and3A_500 : i32 to index
        %get3A_512 = tpu.vector_load %arg7[%get3A_511] {strides = array<i32>} : memref<32000xf32, #tpu.memory_space<vmem>>, vector<16xf32>,
        %get3A_513 = vector.shape_cast %get3A_512 : vector<16xf32> to vector<16xf32>
        %add3A_514 = arith.addf %add3A_488, %get3A_513 : vector<16xf32>
        %add3A_515 = arith.constant 16 : i32
        %add3A_516 = arith.addi %and3A_500, %add3A_515 : i32
        %get3A_517 = arith.index_cast %add3A_516 : i32 to index
        %get3A_518 = tpu.vector_load %arg7[%get3A_517] {strides = array<i32>} : memref<32000xf32, #tpu.memory_space<vmem>>, vector<16xf32>,
        %get3A_519 = vector.shape_cast %get3A_518 : vector<16xf32> to vector<16xf32>
        %add3A_520 = arith.addf %add3A_494, %get3A_519 : vector<16xf32>
        %slice3A_521 = vector.extract_strided_slice %add3A_164 {offsets = [6], sizes = [1], strides = [1]} : vector<16xi32> to vector<1xi32>
        %squeeze3A_522 = vector.extract %slice3A_521[0] : i32 from vector<1xi32>
        %shift_right_logical3A_523 = arith.constant 16 : i32
        %shift_right_logical3A_524 = arith.shrui %squeeze3A_522, %shift_right_logical3A_523 : i32
        %and3A_525 = arith.constant 65535 : i32
        %and3A_526 = arith.andi %squeeze3A_522, %and3A_525 : i32
        %get3A_527 = arith.index_cast %shift_right_logical3A_524 : i32 to index
        %get3A_528 = tpu.vector_load %arg6[%get3A_527] {strides = array<i32>} : memref<32000xf32, #tpu.memory_space<vmem>>, vector<16xf32>,
        %get3A_529 = vector.shape_cast %get3A_528 : vector<16xf32> to vector<16xf32>
        %add3A_530 = arith.addf %add3A_504, %get3A_529 : vector<16xf32>
        %add3A_531 = arith.constant 16 : i32
        %add3A_532 = arith.addi %shift_right_logical3A_524, %add3A_531 : i32
        %get3A_533 = arith.index_cast %add3A_532 : i32 to index
        %get3A_534 = tpu.vector_load %arg6[%get3A_533] {strides = array<i32>} : memref<32000xf32, #tpu.memory_space<vmem>>, vector<16xf32>,
        %get3A_535 = vector.shape_cast %get3A_534 : vector<16xf32> to vector<16xf32>
        %add3A_536 = arith.addf %add3A_510, %get3A_535 : vector<16xf32>
        %get3A_537 = arith.index_cast %and3A_526 : i32 to index
        %get3A_538 = tpu.vector_load %arg7[%get3A_537] {strides = array<i32>} : memref<32000xf32, #tpu.memory_space<vmem>>, vector<16xf32>,
        %get3A_539 = vector.shape_cast %get3A_538 : vector<16xf32> to vector<16xf32>
        %add3A_540 = arith.addf %add3A_514, %get3A_539 : vector<16xf32>
        %add3A_541 = arith.constant 16 : i32
        %add3A_542 = arith.addi %and3A_526, %add3A_541 : i32
        %get3A_543 = arith.index_cast %add3A_542 : i32 to index
        %get3A_544 = tpu.vector_load %arg7[%get3A_543] {strides = array<i32>} : memref<32000xf32, #tpu.memory_space<vmem>>, vector<16xf32>,
        %get3A_545 = vector.shape_cast %get3A_544 : vector<16xf32> to vector<16xf32>
        %add3A_546 = arith.addf %add3A_520, %get3A_545 : vector<16xf32>
        %slice3A_547 = vector.extract_strided_slice %add3A_164 {offsets = [7], sizes = [1], strides = [1]} : vector<16xi32> to vector<1xi32>
        %squeeze3A_548 = vector.extract %slice3A_547[0] : i32 from vector<1xi32>
        %shift_right_logical3A_549 = arith.constant 16 : i32
        %shift_right_logical3A_550 = arith.shrui %squeeze3A_548, %shift_right_logical3A_549 : i32
        %and3A_551 = arith.constant 65535 : i32
        %and3A_552 = arith.andi %squeeze3A_548, %and3A_551 : i32
        %get3A_553 = arith.index_cast %shift_right_logical3A_550 : i32 to index
        %get3A_554 = tpu.vector_load %arg6[%get3A_553] {strides = array<i32>} : memref<32000xf32, #tpu.memory_space<vmem>>, vector<16xf32>,
        %get3A_555 = vector.shape_cast %get3A_554 : vector<16xf32> to vector<16xf32>
        %add3A_556 = arith.addf %add3A_530, %get3A_555 : vector<16xf32>
        %add3A_557 = arith.constant 16 : i32
        %add3A_558 = arith.addi %shift_right_logical3A_550, %add3A_557 : i32
        %get3A_559 = arith.index_cast %add3A_558 : i32 to index
        %get3A_560 = tpu.vector_load %arg6[%get3A_559] {strides = array<i32>} : memref<32000xf32, #tpu.memory_space<vmem>>, vector<16xf32>,
        %get3A_561 = vector.shape_cast %get3A_560 : vector<16xf32> to vector<16xf32>
        %add3A_562 = arith.addf %add3A_536, %get3A_561 : vector<16xf32>
        %get3A_563 = arith.index_cast %and3A_552 : i32 to index
        %get3A_564 = tpu.vector_load %arg7[%get3A_563] {strides = array<i32>} : memref<32000xf32, #tpu.memory_space<vmem>>, vector<16xf32>,
        %get3A_565 = vector.shape_cast %get3A_564 : vector<16xf32> to vector<16xf32>
        %add3A_566 = arith.addf %add3A_540, %get3A_565 : vector<16xf32>
        %add3A_567 = arith.constant 16 : i32
        %add3A_568 = arith.addi %and3A_552, %add3A_567 : i32
        %get3A_569 = arith.index_cast %add3A_568 : i32 to index
        %get3A_570 = tpu.vector_load %arg7[%get3A_569] {strides = array<i32>} : memref<32000xf32, #tpu.memory_space<vmem>>, vector<16xf32>,
        %get3A_571 = vector.shape_cast %get3A_570 : vector<16xf32> to vector<16xf32>
        %add3A_572 = arith.addf %add3A_546, %get3A_571 : vector<16xf32>
        %slice3A_573 = vector.extract_strided_slice %add3A_164 {offsets = [8], sizes = [1], strides = [1]} : vector<16xi32> to vector<1xi32>
        %squeeze3A_574 = vector.extract %slice3A_573[0] : i32 from vector<1xi32>
        %shift_right_logical3A_575 = arith.constant 16 : i32
        %shift_right_logical3A_576 = arith.shrui %squeeze3A_574, %shift_right_logical3A_575 : i32
        %and3A_577 = arith.constant 65535 : i32
        %and3A_578 = arith.andi %squeeze3A_574, %and3A_577 : i32
        %get3A_579 = arith.index_cast %shift_right_logical3A_576 : i32 to index
        %get3A_580 = tpu.vector_load %arg6[%get3A_579] {strides = array<i32>} : memref<32000xf32, #tpu.memory_space<vmem>>, vector<16xf32>,
        %get3A_581 = vector.shape_cast %get3A_580 : vector<16xf32> to vector<16xf32>
        %add3A_582 = arith.addf %add3A_556, %get3A_581 : vector<16xf32>
        %add3A_583 = arith.constant 16 : i32
        %add3A_584 = arith.addi %shift_right_logical3A_576, %add3A_583 : i32
        %get3A_585 = arith.index_cast %add3A_584 : i32 to index
        %get3A_586 = tpu.vector_load %arg6[%get3A_585] {strides = array<i32>} : memref<32000xf32, #tpu.memory_space<vmem>>, vector<16xf32>,
        %get3A_587 = vector.shape_cast %get3A_586 : vector<16xf32> to vector<16xf32>
        %add3A_588 = arith.addf %add3A_562, %get3A_587 : vector<16xf32>
        %get3A_589 = arith.index_cast %and3A_578 : i32 to index
        %get3A_590 = tpu.vector_load %arg7[%get3A_589] {strides = array<i32>} : memref<32000xf32, #tpu.memory_space<vmem>>, vector<16xf32>,
        %get3A_591 = vector.shape_cast %get3A_590 : vector<16xf32> to vector<16xf32>
        %add3A_592 = arith.addf %add3A_566, %get3A_591 : vector<16xf32>
        %add3A_593 = arith.constant 16 : i32
        %add3A_594 = arith.addi %and3A_578, %add3A_593 : i32
        %get3A_595 = arith.index_cast %add3A_594 : i32 to index
        %get3A_596 = tpu.vector_load %arg7[%get3A_595] {strides = array<i32>} : memref<32000xf32, #tpu.memory_space<vmem>>, vector<16xf32>,
        %get3A_597 = vector.shape_cast %get3A_596 : vector<16xf32> to vector<16xf32>
        %add3A_598 = arith.addf %add3A_572, %get3A_597 : vector<16xf32>
        %slice3A_599 = vector.extract_strided_slice %add3A_164 {offsets = [9], sizes = [1], strides = [1]} : vector<16xi32> to vector<1xi32>
        %squeeze3A_600 = vector.extract %slice3A_599[0] : i32 from vector<1xi32>
        %shift_right_logical3A_601 = arith.constant 16 : i32
        %shift_right_logical3A_602 = arith.shrui %squeeze3A_600, %shift_right_logical3A_601 : i32
        %and3A_603 = arith.constant 65535 : i32
        %and3A_604 = arith.andi %squeeze3A_600, %and3A_603 : i32
        %get3A_605 = arith.index_cast %shift_right_logical3A_602 : i32 to index
        %get3A_606 = tpu.vector_load %arg6[%get3A_605] {strides = array<i32>} : memref<32000xf32, #tpu.memory_space<vmem>>, vector<16xf32>,
        %get3A_607 = vector.shape_cast %get3A_606 : vector<16xf32> to vector<16xf32>
        %add3A_608 = arith.addf %add3A_582, %get3A_607 : vector<16xf32>
        %add3A_609 = arith.constant 16 : i32
        %add3A_610 = arith.addi %shift_right_logical3A_602, %add3A_609 : i32
        %get3A_611 = arith.index_cast %add3A_610 : i32 to index
        %get3A_612 = tpu.vector_load %arg6[%get3A_611] {strides = array<i32>} : memref<32000xf32, #tpu.memory_space<vmem>>, vector<16xf32>,
        %get3A_613 = vector.shape_cast %get3A_612 : vector<16xf32> to vector<16xf32>
        %add3A_614 = arith.addf %add3A_588, %get3A_613 : vector<16xf32>
        %get3A_615 = arith.index_cast %and3A_604 : i32 to index
        %get3A_616 = tpu.vector_load %arg7[%get3A_615] {strides = array<i32>} : memref<32000xf32, #tpu.memory_space<vmem>>, vector<16xf32>,
        %get3A_617 = vector.shape_cast %get3A_616 : vector<16xf32> to vector<16xf32>
        %add3A_618 = arith.addf %add3A_592, %get3A_617 : vector<16xf32>
        %add3A_619 = arith.constant 16 : i32
        %add3A_620 = arith.addi %and3A_604, %add3A_619 : i32
        %get3A_621 = arith.index_cast %add3A_620 : i32 to index
        %get3A_622 = tpu.vector_load %arg7[%get3A_621] {strides = array<i32>} : memref<32000xf32, #tpu.memory_space<vmem>>, vector<16xf32>,
        %get3A_623 = vector.shape_cast %get3A_622 : vector<16xf32> to vector<16xf32>
        %add3A_624 = arith.addf %add3A_598, %get3A_623 : vector<16xf32>
        %slice3A_625 = vector.extract_strided_slice %add3A_164 {offsets = [10], sizes = [1], strides = [1]} : vector<16xi32> to vector<1xi32>
        %squeeze3A_626 = vector.extract %slice3A_625[0] : i32 from vector<1xi32>
        %shift_right_logical3A_627 = arith.constant 16 : i32
        %shift_right_logical3A_628 = arith.shrui %squeeze3A_626, %shift_right_logical3A_627 : i32
        %and3A_629 = arith.constant 65535 : i32
        %and3A_630 = arith.andi %squeeze3A_626, %and3A_629 : i32
        %get3A_631 = arith.index_cast %shift_right_logical3A_628 : i32 to index
        %get3A_632 = tpu.vector_load %arg6[%get3A_631] {strides = array<i32>} : memref<32000xf32, #tpu.memory_space<vmem>>, vector<16xf32>,
        %get3A_633 = vector.shape_cast %get3A_632 : vector<16xf32> to vector<16xf32>
        %add3A_634 = arith.addf %add3A_608, %get3A_633 : vector<16xf32>
        %add3A_635 = arith.constant 16 : i32
        %add3A_636 = arith.addi %shift_right_logical3A_628, %add3A_635 : i32
        %get3A_637 = arith.index_cast %add3A_636 : i32 to index
        %get3A_638 = tpu.vector_load %arg6[%get3A_637] {strides = array<i32>} : memref<32000xf32, #tpu.memory_space<vmem>>, vector<16xf32>,
        %get3A_639 = vector.shape_cast %get3A_638 : vector<16xf32> to vector<16xf32>
        %add3A_640 = arith.addf %add3A_614, %get3A_639 : vector<16xf32>
        %get3A_641 = arith.index_cast %and3A_630 : i32 to index
        %get3A_642 = tpu.vector_load %arg7[%get3A_641] {strides = array<i32>} : memref<32000xf32, #tpu.memory_space<vmem>>, vector<16xf32>,
        %get3A_643 = vector.shape_cast %get3A_642 : vector<16xf32> to vector<16xf32>
        %add3A_644 = arith.addf %add3A_618, %get3A_643 : vector<16xf32>
        %add3A_645 = arith.constant 16 : i32
        %add3A_646 = arith.addi %and3A_630, %add3A_645 : i32
        %get3A_647 = arith.index_cast %add3A_646 : i32 to index
        %get3A_648 = tpu.vector_load %arg7[%get3A_647] {strides = array<i32>} : memref<32000xf32, #tpu.memory_space<vmem>>, vector<16xf32>,
        %get3A_649 = vector.shape_cast %get3A_648 : vector<16xf32> to vector<16xf32>
        %add3A_650 = arith.addf %add3A_624, %get3A_649 : vector<16xf32>
        %slice3A_651 = vector.extract_strided_slice %add3A_164 {offsets = [11], sizes = [1], strides = [1]} : vector<16xi32> to vector<1xi32>
        %squeeze3A_652 = vector.extract %slice3A_651[0] : i32 from vector<1xi32>
        %shift_right_logical3A_653 = arith.constant 16 : i32
        %shift_right_logical3A_654 = arith.shrui %squeeze3A_652, %shift_right_logical3A_653 : i32
        %and3A_655 = arith.constant 65535 : i32
        %and3A_656 = arith.andi %squeeze3A_652, %and3A_655 : i32
        %get3A_657 = arith.index_cast %shift_right_logical3A_654 : i32 to index
        %get3A_658 = tpu.vector_load %arg6[%get3A_657] {strides = array<i32>} : memref<32000xf32, #tpu.memory_space<vmem>>, vector<16xf32>,
        %get3A_659 = vector.shape_cast %get3A_658 : vector<16xf32> to vector<16xf32>
        %add3A_660 = arith.addf %add3A_634, %get3A_659 : vector<16xf32>
        %add3A_661 = arith.constant 16 : i32
        %add3A_662 = arith.addi %shift_right_logical3A_654, %add3A_661 : i32
        %get3A_663 = arith.index_cast %add3A_662 : i32 to index
        %get3A_664 = tpu.vector_load %arg6[%get3A_663] {strides = array<i32>} : memref<32000xf32, #tpu.memory_space<vmem>>, vector<16xf32>,
        %get3A_665 = vector.shape_cast %get3A_664 : vector<16xf32> to vector<16xf32>
        %add3A_666 = arith.addf %add3A_640, %get3A_665 : vector<16xf32>
        %get3A_667 = arith.index_cast %and3A_656 : i32 to index
        %get3A_668 = tpu.vector_load %arg7[%get3A_667] {strides = array<i32>} : memref<32000xf32, #tpu.memory_space<vmem>>, vector<16xf32>,
        %get3A_669 = vector.shape_cast %get3A_668 : vector<16xf32> to vector<16xf32>
        %add3A_670 = arith.addf %add3A_644, %get3A_669 : vector<16xf32>
        %add3A_671 = arith.constant 16 : i32
        %add3A_672 = arith.addi %and3A_656, %add3A_671 : i32
        %get3A_673 = arith.index_cast %add3A_672 : i32 to index
        %get3A_674 = tpu.vector_load %arg7[%get3A_673] {strides = array<i32>} : memref<32000xf32, #tpu.memory_space<vmem>>, vector<16xf32>,
        %get3A_675 = vector.shape_cast %get3A_674 : vector<16xf32> to vector<16xf32>
        %add3A_676 = arith.addf %add3A_650, %get3A_675 : vector<16xf32>
        %slice3A_677 = vector.extract_strided_slice %add3A_164 {offsets = [12], sizes = [1], strides = [1]} : vector<16xi32> to vector<1xi32>
        %squeeze3A_678 = vector.extract %slice3A_677[0] : i32 from vector<1xi32>
        %shift_right_logical3A_679 = arith.constant 16 : i32
        %shift_right_logical3A_680 = arith.shrui %squeeze3A_678, %shift_right_logical3A_679 : i32
        %and3A_681 = arith.constant 65535 : i32
        %and3A_682 = arith.andi %squeeze3A_678, %and3A_681 : i32
        %get3A_683 = arith.index_cast %shift_right_logical3A_680 : i32 to index
        %get3A_684 = tpu.vector_load %arg6[%get3A_683] {strides = array<i32>} : memref<32000xf32, #tpu.memory_space<vmem>>, vector<16xf32>,
        %get3A_685 = vector.shape_cast %get3A_684 : vector<16xf32> to vector<16xf32>
        %add3A_686 = arith.addf %add3A_660, %get3A_685 : vector<16xf32>
        %add3A_687 = arith.constant 16 : i32
        %add3A_688 = arith.addi %shift_right_logical3A_680, %add3A_687 : i32
        %get3A_689 = arith.index_cast %add3A_688 : i32 to index
        %get3A_690 = tpu.vector_load %arg6[%get3A_689] {strides = array<i32>} : memref<32000xf32, #tpu.memory_space<vmem>>, vector<16xf32>,
        %get3A_691 = vector.shape_cast %get3A_690 : vector<16xf32> to vector<16xf32>
        %add3A_692 = arith.addf %add3A_666, %get3A_691 : vector<16xf32>
        %get3A_693 = arith.index_cast %and3A_682 : i32 to index
        %get3A_694 = tpu.vector_load %arg7[%get3A_693] {strides = array<i32>} : memref<32000xf32, #tpu.memory_space<vmem>>, vector<16xf32>,
        %get3A_695 = vector.shape_cast %get3A_694 : vector<16xf32> to vector<16xf32>
        %add3A_696 = arith.addf %add3A_670, %get3A_695 : vector<16xf32>
        %add3A_697 = arith.constant 16 : i32
        %add3A_698 = arith.addi %and3A_682, %add3A_697 : i32
        %get3A_699 = arith.index_cast %add3A_698 : i32 to index
        %get3A_700 = tpu.vector_load %arg7[%get3A_699] {strides = array<i32>} : memref<32000xf32, #tpu.memory_space<vmem>>, vector<16xf32>,
        %get3A_701 = vector.shape_cast %get3A_700 : vector<16xf32> to vector<16xf32>
        %add3A_702 = arith.addf %add3A_676, %get3A_701 : vector<16xf32>
        %slice3A_703 = vector.extract_strided_slice %add3A_164 {offsets = [13], sizes = [1], strides = [1]} : vector<16xi32> to vector<1xi32>
        %squeeze3A_704 = vector.extract %slice3A_703[0] : i32 from vector<1xi32>
        %shift_right_logical3A_705 = arith.constant 16 : i32
        %shift_right_logical3A_706 = arith.shrui %squeeze3A_704, %shift_right_logical3A_705 : i32
        %and3A_707 = arith.constant 65535 : i32
        %and3A_708 = arith.andi %squeeze3A_704, %and3A_707 : i32
        %get3A_709 = arith.index_cast %shift_right_logical3A_706 : i32 to index
        %get3A_710 = tpu.vector_load %arg6[%get3A_709] {strides = array<i32>} : memref<32000xf32, #tpu.memory_space<vmem>>, vector<16xf32>,
        %get3A_711 = vector.shape_cast %get3A_710 : vector<16xf32> to vector<16xf32>
        %add3A_712 = arith.addf %add3A_686, %get3A_711 : vector<16xf32>
        %add3A_713 = arith.constant 16 : i32
        %add3A_714 = arith.addi %shift_right_logical3A_706, %add3A_713 : i32
        %get3A_715 = arith.index_cast %add3A_714 : i32 to index
        %get3A_716 = tpu.vector_load %arg6[%get3A_715] {strides = array<i32>} : memref<32000xf32, #tpu.memory_space<vmem>>, vector<16xf32>,
        %get3A_717 = vector.shape_cast %get3A_716 : vector<16xf32> to vector<16xf32>
        %add3A_718 = arith.addf %add3A_692, %get3A_717 : vector<16xf32>
        %get3A_719 = arith.index_cast %and3A_708 : i32 to index
        %get3A_720 = tpu.vector_load %arg7[%get3A_719] {strides = array<i32>} : memref<32000xf32, #tpu.memory_space<vmem>>, vector<16xf32>,
        %get3A_721 = vector.shape_cast %get3A_720 : vector<16xf32> to vector<16xf32>
        %add3A_722 = arith.addf %add3A_696, %get3A_721 : vector<16xf32>
        %add3A_723 = arith.constant 16 : i32
        %add3A_724 = arith.addi %and3A_708, %add3A_723 : i32
        %get3A_725 = arith.index_cast %add3A_724 : i32 to index
        %get3A_726 = tpu.vector_load %arg7[%get3A_725] {strides = array<i32>} : memref<32000xf32, #tpu.memory_space<vmem>>, vector<16xf32>,
        %get3A_727 = vector.shape_cast %get3A_726 : vector<16xf32> to vector<16xf32>
        %add3A_728 = arith.addf %add3A_702, %get3A_727 : vector<16xf32>
        %slice3A_729 = vector.extract_strided_slice %add3A_164 {offsets = [14], sizes = [1], strides = [1]} : vector<16xi32> to vector<1xi32>
        %squeeze3A_730 = vector.extract %slice3A_729[0] : i32 from vector<1xi32>
        %shift_right_logical3A_731 = arith.constant 16 : i32
        %shift_right_logical3A_732 = arith.shrui %squeeze3A_730, %shift_right_logical3A_731 : i32
        %and3A_733 = arith.constant 65535 : i32
        %and3A_734 = arith.andi %squeeze3A_730, %and3A_733 : i32
        %get3A_735 = arith.index_cast %shift_right_logical3A_732 : i32 to index
        %get3A_736 = tpu.vector_load %arg6[%get3A_735] {strides = array<i32>} : memref<32000xf32, #tpu.memory_space<vmem>>, vector<16xf32>,
        %get3A_737 = vector.shape_cast %get3A_736 : vector<16xf32> to vector<16xf32>
        %add3A_738 = arith.addf %add3A_712, %get3A_737 : vector<16xf32>
        %add3A_739 = arith.constant 16 : i32
        %add3A_740 = arith.addi %shift_right_logical3A_732, %add3A_739 : i32
        %get3A_741 = arith.index_cast %add3A_740 : i32 to index
        %get3A_742 = tpu.vector_load %arg6[%get3A_741] {strides = array<i32>} : memref<32000xf32, #tpu.memory_space<vmem>>, vector<16xf32>,
        %get3A_743 = vector.shape_cast %get3A_742 : vector<16xf32> to vector<16xf32>
        %add3A_744 = arith.addf %add3A_718, %get3A_743 : vector<16xf32>
        %get3A_745 = arith.index_cast %and3A_734 : i32 to index
        %get3A_746 = tpu.vector_load %arg7[%get3A_745] {strides = array<i32>} : memref<32000xf32, #tpu.memory_space<vmem>>, vector<16xf32>,
        %get3A_747 = vector.shape_cast %get3A_746 : vector<16xf32> to vector<16xf32>
        %add3A_748 = arith.addf %add3A_722, %get3A_747 : vector<16xf32>
        %add3A_749 = arith.constant 16 : i32
        %add3A_750 = arith.addi %and3A_734, %add3A_749 : i32
        %get3A_751 = arith.index_cast %add3A_750 : i32 to index
        %get3A_752 = tpu.vector_load %arg7[%get3A_751] {strides = array<i32>} : memref<32000xf32, #tpu.memory_space<vmem>>, vector<16xf32>,
        %get3A_753 = vector.shape_cast %get3A_752 : vector<16xf32> to vector<16xf32>
        %add3A_754 = arith.addf %add3A_728, %get3A_753 : vector<16xf32>
        %slice3A_755 = vector.extract_strided_slice %add3A_164 {offsets = [15], sizes = [1], strides = [1]} : vector<16xi32> to vector<1xi32>
        %squeeze3A_756 = vector.extract %slice3A_755[0] : i32 from vector<1xi32>
        %shift_right_logical3A_757 = arith.constant 16 : i32
        %shift_right_logical3A_758 = arith.shrui %squeeze3A_756, %shift_right_logical3A_757 : i32
        %and3A_759 = arith.constant 65535 : i32
        %and3A_760 = arith.andi %squeeze3A_756, %and3A_759 : i32
        %get3A_761 = arith.index_cast %shift_right_logical3A_758 : i32 to index
        %get3A_762 = tpu.vector_load %arg6[%get3A_761] {strides = array<i32>} : memref<32000xf32, #tpu.memory_space<vmem>>, vector<16xf32>,
        %get3A_763 = vector.shape_cast %get3A_762 : vector<16xf32> to vector<16xf32>
        %add3A_764 = arith.addf %add3A_738, %get3A_763 : vector<16xf32>
        %add3A_765 = arith.constant 16 : i32
        %add3A_766 = arith.addi %shift_right_logical3A_758, %add3A_765 : i32
        %get3A_767 = arith.index_cast %add3A_766 : i32 to index
        %get3A_768 = tpu.vector_load %arg6[%get3A_767] {strides = array<i32>} : memref<32000xf32, #tpu.memory_space<vmem>>, vector<16xf32>,
        %get3A_769 = vector.shape_cast %get3A_768 : vector<16xf32> to vector<16xf32>
        %add3A_770 = arith.addf %add3A_744, %get3A_769 : vector<16xf32>
        %get3A_771 = arith.index_cast %and3A_760 : i32 to index
        %get3A_772 = tpu.vector_load %arg7[%get3A_771] {strides = array<i32>} : memref<32000xf32, #tpu.memory_space<vmem>>, vector<16xf32>,
        %get3A_773 = vector.shape_cast %get3A_772 : vector<16xf32> to vector<16xf32>
        %add3A_774 = arith.addf %add3A_748, %get3A_773 : vector<16xf32>
        %add3A_775 = arith.constant 16 : i32
        %add3A_776 = arith.addi %and3A_760, %add3A_775 : i32
        %get3A_777 = arith.index_cast %add3A_776 : i32 to index
        %get3A_778 = tpu.vector_load %arg7[%get3A_777] {strides = array<i32>} : memref<32000xf32, #tpu.memory_space<vmem>>, vector<16xf32>,
        %get3A_779 = vector.shape_cast %get3A_778 : vector<16xf32> to vector<16xf32>
        %add3A_780 = arith.addf %add3A_754, %get3A_779 : vector<16xf32>
        %slice3A_781 = vector.extract_strided_slice %add3A_213 {offsets = [0], sizes = [1], strides = [1]} : vector<16xi32> to vector<1xi32>
        %squeeze3A_782 = vector.extract %slice3A_781[0] : i32 from vector<1xi32>
        %shift_right_logical3A_783 = arith.constant 16 : i32
        %shift_right_logical3A_784 = arith.shrui %squeeze3A_782, %shift_right_logical3A_783 : i32
        %and3A_785 = arith.constant 65535 : i32
        %and3A_786 = arith.andi %squeeze3A_782, %and3A_785 : i32
        %get3A_787 = arith.index_cast %shift_right_logical3A_784 : i32 to index
        %get3A_788 = tpu.vector_load %arg6[%get3A_787] {strides = array<i32>} : memref<32000xf32, #tpu.memory_space<vmem>>, vector<16xf32>,
        %get3A_789 = vector.shape_cast %get3A_788 : vector<16xf32> to vector<16xf32>
        %add3A_790 = arith.addf %add3A_764, %get3A_789 : vector<16xf32>
        %add3A_791 = arith.constant 16 : i32
        %add3A_792 = arith.addi %shift_right_logical3A_784, %add3A_791 : i32
        %get3A_793 = arith.index_cast %add3A_792 : i32 to index
        %get3A_794 = tpu.vector_load %arg6[%get3A_793] {strides = array<i32>} : memref<32000xf32, #tpu.memory_space<vmem>>, vector<16xf32>,
        %get3A_795 = vector.shape_cast %get3A_794 : vector<16xf32> to vector<16xf32>
        %add3A_796 = arith.addf %add3A_770, %get3A_795 : vector<16xf32>
        %get3A_797 = arith.index_cast %and3A_786 : i32 to index
        %get3A_798 = tpu.vector_load %arg7[%get3A_797] {strides = array<i32>} : memref<32000xf32, #tpu.memory_space<vmem>>, vector<16xf32>,
        %get3A_799 = vector.shape_cast %get3A_798 : vector<16xf32> to vector<16xf32>
        %add3A_800 = arith.addf %add3A_774, %get3A_799 : vector<16xf32>
        %add3A_801 = arith.constant 16 : i32
        %add3A_802 = arith.addi %and3A_786, %add3A_801 : i32
        %get3A_803 = arith.index_cast %add3A_802 : i32 to index
        %get3A_804 = tpu.vector_load %arg7[%get3A_803] {strides = array<i32>} : memref<32000xf32, #tpu.memory_space<vmem>>, vector<16xf32>,
        %get3A_805 = vector.shape_cast %get3A_804 : vector<16xf32> to vector<16xf32>
        %add3A_806 = arith.addf %add3A_780, %get3A_805 : vector<16xf32>
        %slice3A_807 = vector.extract_strided_slice %add3A_213 {offsets = [1], sizes = [1], strides = [1]} : vector<16xi32> to vector<1xi32>
        %squeeze3A_808 = vector.extract %slice3A_807[0] : i32 from vector<1xi32>
        %shift_right_logical3A_809 = arith.constant 16 : i32
        %shift_right_logical3A_810 = arith.shrui %squeeze3A_808, %shift_right_logical3A_809 : i32
        %and3A_811 = arith.constant 65535 : i32
        %and3A_812 = arith.andi %squeeze3A_808, %and3A_811 : i32
        %get3A_813 = arith.index_cast %shift_right_logical3A_810 : i32 to index
        %get3A_814 = tpu.vector_load %arg6[%get3A_813] {strides = array<i32>} : memref<32000xf32, #tpu.memory_space<vmem>>, vector<16xf32>,
        %get3A_815 = vector.shape_cast %get3A_814 : vector<16xf32> to vector<16xf32>
        %add3A_816 = arith.addf %add3A_790, %get3A_815 : vector<16xf32>
        %add3A_817 = arith.constant 16 : i32
        %add3A_818 = arith.addi %shift_right_logical3A_810, %add3A_817 : i32
        %get3A_819 = arith.index_cast %add3A_818 : i32 to index
        %get3A_820 = tpu.vector_load %arg6[%get3A_819] {strides = array<i32>} : memref<32000xf32, #tpu.memory_space<vmem>>, vector<16xf32>,
        %get3A_821 = vector.shape_cast %get3A_820 : vector<16xf32> to vector<16xf32>
        %add3A_822 = arith.addf %add3A_796, %get3A_821 : vector<16xf32>
        %get3A_823 = arith.index_cast %and3A_812 : i32 to index
        %get3A_824 = tpu.vector_load %arg7[%get3A_823] {strides = array<i32>} : memref<32000xf32, #tpu.memory_space<vmem>>, vector<16xf32>,
        %get3A_825 = vector.shape_cast %get3A_824 : vector<16xf32> to vector<16xf32>
        %add3A_826 = arith.addf %add3A_800, %get3A_825 : vector<16xf32>
        %add3A_827 = arith.constant 16 : i32
        %add3A_828 = arith.addi %and3A_812, %add3A_827 : i32
        %get3A_829 = arith.index_cast %add3A_828 : i32 to index
        %get3A_830 = tpu.vector_load %arg7[%get3A_829] {strides = array<i32>} : memref<32000xf32, #tpu.memory_space<vmem>>, vector<16xf32>,
        %get3A_831 = vector.shape_cast %get3A_830 : vector<16xf32> to vector<16xf32>
        %add3A_832 = arith.addf %add3A_806, %get3A_831 : vector<16xf32>
        %slice3A_833 = vector.extract_strided_slice %add3A_213 {offsets = [2], sizes = [1], strides = [1]} : vector<16xi32> to vector<1xi32>
        %squeeze3A_834 = vector.extract %slice3A_833[0] : i32 from vector<1xi32>
        %shift_right_logical3A_835 = arith.constant 16 : i32
        %shift_right_logical3A_836 = arith.shrui %squeeze3A_834, %shift_right_logical3A_835 : i32
        %and3A_837 = arith.constant 65535 : i32
        %and3A_838 = arith.andi %squeeze3A_834, %and3A_837 : i32
        %get3A_839 = arith.index_cast %shift_right_logical3A_836 : i32 to index
        %get3A_840 = tpu.vector_load %arg6[%get3A_839] {strides = array<i32>} : memref<32000xf32, #tpu.memory_space<vmem>>, vector<16xf32>,
        %get3A_841 = vector.shape_cast %get3A_840 : vector<16xf32> to vector<16xf32>
        %add3A_842 = arith.addf %add3A_816, %get3A_841 : vector<16xf32>
        %add3A_843 = arith.constant 16 : i32
        %add3A_844 = arith.addi %shift_right_logical3A_836, %add3A_843 : i32
        %get3A_845 = arith.index_cast %add3A_844 : i32 to index
        %get3A_846 = tpu.vector_load %arg6[%get3A_845] {strides = array<i32>} : memref<32000xf32, #tpu.memory_space<vmem>>, vector<16xf32>,
        %get3A_847 = vector.shape_cast %get3A_846 : vector<16xf32> to vector<16xf32>
        %add3A_848 = arith.addf %add3A_822, %get3A_847 : vector<16xf32>
        %get3A_849 = arith.index_cast %and3A_838 : i32 to index
        %get3A_850 = tpu.vector_load %arg7[%get3A_849] {strides = array<i32>} : memref<32000xf32, #tpu.memory_space<vmem>>, vector<16xf32>,
        %get3A_851 = vector.shape_cast %get3A_850 : vector<16xf32> to vector<16xf32>
        %add3A_852 = arith.addf %add3A_826, %get3A_851 : vector<16xf32>
        %add3A_853 = arith.constant 16 : i32
        %add3A_854 = arith.addi %and3A_838, %add3A_853 : i32
        %get3A_855 = arith.index_cast %add3A_854 : i32 to index
        %get3A_856 = tpu.vector_load %arg7[%get3A_855] {strides = array<i32>} : memref<32000xf32, #tpu.memory_space<vmem>>, vector<16xf32>,
        %get3A_857 = vector.shape_cast %get3A_856 : vector<16xf32> to vector<16xf32>
        %add3A_858 = arith.addf %add3A_832, %get3A_857 : vector<16xf32>
        %slice3A_859 = vector.extract_strided_slice %add3A_213 {offsets = [3], sizes = [1], strides = [1]} : vector<16xi32> to vector<1xi32>
        %squeeze3A_860 = vector.extract %slice3A_859[0] : i32 from vector<1xi32>
        %shift_right_logical3A_861 = arith.constant 16 : i32
        %shift_right_logical3A_862 = arith.shrui %squeeze3A_860, %shift_right_logical3A_861 : i32
        %and3A_863 = arith.constant 65535 : i32
        %and3A_864 = arith.andi %squeeze3A_860, %and3A_863 : i32
        %get3A_865 = arith.index_cast %shift_right_logical3A_862 : i32 to index
        %get3A_866 = tpu.vector_load %arg6[%get3A_865] {strides = array<i32>} : memref<32000xf32, #tpu.memory_space<vmem>>, vector<16xf32>,
        %get3A_867 = vector.shape_cast %get3A_866 : vector<16xf32> to vector<16xf32>
        %add3A_868 = arith.addf %add3A_842, %get3A_867 : vector<16xf32>
        %add3A_869 = arith.constant 16 : i32
        %add3A_870 = arith.addi %shift_right_logical3A_862, %add3A_869 : i32
        %get3A_871 = arith.index_cast %add3A_870 : i32 to index
        %get3A_872 = tpu.vector_load %arg6[%get3A_871] {strides = array<i32>} : memref<32000xf32, #tpu.memory_space<vmem>>, vector<16xf32>,
        %get3A_873 = vector.shape_cast %get3A_872 : vector<16xf32> to vector<16xf32>
        %add3A_874 = arith.addf %add3A_848, %get3A_873 : vector<16xf32>
        %get3A_875 = arith.index_cast %and3A_864 : i32 to index
        %get3A_876 = tpu.vector_load %arg7[%get3A_875] {strides = array<i32>} : memref<32000xf32, #tpu.memory_space<vmem>>, vector<16xf32>,
        %get3A_877 = vector.shape_cast %get3A_876 : vector<16xf32> to vector<16xf32>
        %add3A_878 = arith.addf %add3A_852, %get3A_877 : vector<16xf32>
        %add3A_879 = arith.constant 16 : i32
        %add3A_880 = arith.addi %and3A_864, %add3A_879 : i32
        %get3A_881 = arith.index_cast %add3A_880 : i32 to index
        %get3A_882 = tpu.vector_load %arg7[%get3A_881] {strides = array<i32>} : memref<32000xf32, #tpu.memory_space<vmem>>, vector<16xf32>,
        %get3A_883 = vector.shape_cast %get3A_882 : vector<16xf32> to vector<16xf32>
        %add3A_884 = arith.addf %add3A_858, %get3A_883 : vector<16xf32>
        %mul3A_885 = arith.constant 4 : i32
        %mul3A_886 = arith.muli %scan3A_112, %mul3A_885 : i32
        %add3A_887 = arith.constant 0 : i32
        %add3A_888 = arith.addi %mul3A_886, %add3A_887 : i32
        %mul3A_889 = arith.mulf %add3A_868, %add3A_878 : vector<16xf32>
        %swap3A = arith.index_cast %add3A_888 : i32 to index
        %swap3A_890 = arith.constant 0 : index
        %swap3A_891 = tpu.vector_load %arg10[%swap3A, %swap3A_890] {strides = array<i32>} : memref<128x32xf32, #tpu.memory_space<vmem>>, vector<1x16xf32>,
        %swap3A_892 = vector.shape_cast %swap3A_891 : vector<1x16xf32> to vector<16xf32>
        %swap3A_893 = vector.shape_cast %mul3A_889 : vector<16xf32> to vector<1x16xf32>
        tpu.vector_store %arg10[%swap3A, %swap3A_890], %swap3A_893 {strides = array<i32>} : memref<128x32xf32, #tpu.memory_space<vmem>>, vector<1x16xf32>,
        %mul3A_894 = arith.mulf %add3A_874, %add3A_884 : vector<16xf32>
        %swap3A_895 = arith.index_cast %add3A_888 : i32 to index
        %swap3A_896 = arith.constant 16 : index
        %swap3A_897 = tpu.vector_load %arg10[%swap3A_895, %swap3A_896] {strides = array<i32>} : memref<128x32xf32, #tpu.memory_space<vmem>>, vector<1x16xf32>,
        %swap3A_898 = vector.shape_cast %swap3A_897 : vector<1x16xf32> to vector<16xf32>
        %swap3A_899 = vector.shape_cast %mul3A_894 : vector<16xf32> to vector<1x16xf32>
        tpu.vector_store %arg10[%swap3A_895, %swap3A_896], %swap3A_899 {strides = array<i32>} : memref<128x32xf32, #tpu.memory_space<vmem>>, vector<1x16xf32>,
        %broadcast_in_dim3A_900 = arith.constant 0.000000e+00 : f32
        %broadcast_in_dim3A_901 = vector.broadcast %broadcast_in_dim3A_900 : f32 to vector<16xf32>
        %broadcast_in_dim3A_902 = arith.constant 0.000000e+00 : f32
        %broadcast_in_dim3A_903 = vector.broadcast %broadcast_in_dim3A_902 : f32 to vector<16xf32>
        %broadcast_in_dim3A_904 = arith.constant 0.000000e+00 : f32
        %broadcast_in_dim3A_905 = vector.broadcast %broadcast_in_dim3A_904 : f32 to vector<16xf32>
        %broadcast_in_dim3A_906 = arith.constant 0.000000e+00 : f32
        %broadcast_in_dim3A_907 = vector.broadcast %broadcast_in_dim3A_906 : f32 to vector<16xf32>
        %slice3A_908 = vector.extract_strided_slice %add3A_213 {offsets = [4], sizes = [1], strides = [1]} : vector<16xi32> to vector<1xi32>
        %squeeze3A_909 = vector.extract %slice3A_908[0] : i32 from vector<1xi32>
        %shift_right_logical3A_910 = arith.constant 16 : i32
        %shift_right_logical3A_911 = arith.shrui %squeeze3A_909, %shift_right_logical3A_910 : i32
        %and3A_912 = arith.constant 65535 : i32
        %and3A_913 = arith.andi %squeeze3A_909, %and3A_912 : i32
        %get3A_914 = arith.index_cast %shift_right_logical3A_911 : i32 to index
        %get3A_915 = tpu.vector_load %arg6[%get3A_914] {strides = array<i32>} : memref<32000xf32, #tpu.memory_space<vmem>>, vector<16xf32>,
        %get3A_916 = vector.shape_cast %get3A_915 : vector<16xf32> to vector<16xf32>
        %add3A_917 = arith.addf %broadcast_in_dim3A_901, %get3A_916 : vector<16xf32>
        %add3A_918 = arith.constant 16 : i32
        %add3A_919 = arith.addi %shift_right_logical3A_911, %add3A_918 : i32
        %get3A_920 = arith.index_cast %add3A_919 : i32 to index
        %get3A_921 = tpu.vector_load %arg6[%get3A_920] {strides = array<i32>} : memref<32000xf32, #tpu.memory_space<vmem>>, vector<16xf32>,
        %get3A_922 = vector.shape_cast %get3A_921 : vector<16xf32> to vector<16xf32>
        %add3A_923 = arith.addf %broadcast_in_dim3A_903, %get3A_922 : vector<16xf32>
        %get3A_924 = arith.index_cast %and3A_913 : i32 to index
        %get3A_925 = tpu.vector_load %arg7[%get3A_924] {strides = array<i32>} : memref<32000xf32, #tpu.memory_space<vmem>>, vector<16xf32>,
        %get3A_926 = vector.shape_cast %get3A_925 : vector<16xf32> to vector<16xf32>
        %add3A_927 = arith.addf %broadcast_in_dim3A_905, %get3A_926 : vector<16xf32>
        %add3A_928 = arith.constant 16 : i32
        %add3A_929 = arith.addi %and3A_913, %add3A_928 : i32
        %get3A_930 = arith.index_cast %add3A_929 : i32 to index
        %get3A_931 = tpu.vector_load %arg7[%get3A_930] {strides = array<i32>} : memref<32000xf32, #tpu.memory_space<vmem>>, vector<16xf32>,
        %get3A_932 = vector.shape_cast %get3A_931 : vector<16xf32> to vector<16xf32>
        %add3A_933 = arith.addf %broadcast_in_dim3A_907, %get3A_932 : vector<16xf32>
        %slice3A_934 = vector.extract_strided_slice %add3A_213 {offsets = [5], sizes = [1], strides = [1]} : vector<16xi32> to vector<1xi32>
        %squeeze3A_935 = vector.extract %slice3A_934[0] : i32 from vector<1xi32>
        %shift_right_logical3A_936 = arith.constant 16 : i32
        %shift_right_logical3A_937 = arith.shrui %squeeze3A_935, %shift_right_logical3A_936 : i32
        %and3A_938 = arith.constant 65535 : i32
        %and3A_939 = arith.andi %squeeze3A_935, %and3A_938 : i32
        %get3A_940 = arith.index_cast %shift_right_logical3A_937 : i32 to index
        %get3A_941 = tpu.vector_load %arg6[%get3A_940] {strides = array<i32>} : memref<32000xf32, #tpu.memory_space<vmem>>, vector<16xf32>,
        %get3A_942 = vector.shape_cast %get3A_941 : vector<16xf32> to vector<16xf32>
        %add3A_943 = arith.addf %add3A_917, %get3A_942 : vector<16xf32>
        %add3A_944 = arith.constant 16 : i32
        %add3A_945 = arith.addi %shift_right_logical3A_937, %add3A_944 : i32
        %get3A_946 = arith.index_cast %add3A_945 : i32 to index
        %get3A_947 = tpu.vector_load %arg6[%get3A_946] {strides = array<i32>} : memref<32000xf32, #tpu.memory_space<vmem>>, vector<16xf32>,
        %get3A_948 = vector.shape_cast %get3A_947 : vector<16xf32> to vector<16xf32>
        %add3A_949 = arith.addf %add3A_923, %get3A_948 : vector<16xf32>
        %get3A_950 = arith.index_cast %and3A_939 : i32 to index
        %get3A_951 = tpu.vector_load %arg7[%get3A_950] {strides = array<i32>} : memref<32000xf32, #tpu.memory_space<vmem>>, vector<16xf32>,
        %get3A_952 = vector.shape_cast %get3A_951 : vector<16xf32> to vector<16xf32>
        %add3A_953 = arith.addf %add3A_927, %get3A_952 : vector<16xf32>
        %add3A_954 = arith.constant 16 : i32
        %add3A_955 = arith.addi %and3A_939, %add3A_954 : i32
        %get3A_956 = arith.index_cast %add3A_955 : i32 to index
        %get3A_957 = tpu.vector_load %arg7[%get3A_956] {strides = array<i32>} : memref<32000xf32, #tpu.memory_space<vmem>>, vector<16xf32>,
        %get3A_958 = vector.shape_cast %get3A_957 : vector<16xf32> to vector<16xf32>
        %add3A_959 = arith.addf %add3A_933, %get3A_958 : vector<16xf32>
        %slice3A_960 = vector.extract_strided_slice %add3A_213 {offsets = [6], sizes = [1], strides = [1]} : vector<16xi32> to vector<1xi32>
        %squeeze3A_961 = vector.extract %slice3A_960[0] : i32 from vector<1xi32>
        %shift_right_logical3A_962 = arith.constant 16 : i32
        %shift_right_logical3A_963 = arith.shrui %squeeze3A_961, %shift_right_logical3A_962 : i32
        %and3A_964 = arith.constant 65535 : i32
        %and3A_965 = arith.andi %squeeze3A_961, %and3A_964 : i32
        %get3A_966 = arith.index_cast %shift_right_logical3A_963 : i32 to index
        %get3A_967 = tpu.vector_load %arg6[%get3A_966] {strides = array<i32>} : memref<32000xf32, #tpu.memory_space<vmem>>, vector<16xf32>,
        %get3A_968 = vector.shape_cast %get3A_967 : vector<16xf32> to vector<16xf32>
        %add3A_969 = arith.addf %add3A_943, %get3A_968 : vector<16xf32>
        %add3A_970 = arith.constant 16 : i32
        %add3A_971 = arith.addi %shift_right_logical3A_963, %add3A_970 : i32
        %get3A_972 = arith.index_cast %add3A_971 : i32 to index
        %get3A_973 = tpu.vector_load %arg6[%get3A_972] {strides = array<i32>} : memref<32000xf32, #tpu.memory_space<vmem>>, vector<16xf32>,
        %get3A_974 = vector.shape_cast %get3A_973 : vector<16xf32> to vector<16xf32>
        %add3A_975 = arith.addf %add3A_949, %get3A_974 : vector<16xf32>
        %get3A_976 = arith.index_cast %and3A_965 : i32 to index
        %get3A_977 = tpu.vector_load %arg7[%get3A_976] {strides = array<i32>} : memref<32000xf32, #tpu.memory_space<vmem>>, vector<16xf32>,
        %get3A_978 = vector.shape_cast %get3A_977 : vector<16xf32> to vector<16xf32>
        %add3A_979 = arith.addf %add3A_953, %get3A_978 : vector<16xf32>
        %add3A_980 = arith.constant 16 : i32
        %add3A_981 = arith.addi %and3A_965, %add3A_980 : i32
        %get3A_982 = arith.index_cast %add3A_981 : i32 to index
        %get3A_983 = tpu.vector_load %arg7[%get3A_982] {strides = array<i32>} : memref<32000xf32, #tpu.memory_space<vmem>>, vector<16xf32>,
        %get3A_984 = vector.shape_cast %get3A_983 : vector<16xf32> to vector<16xf32>
        %add3A_985 = arith.addf %add3A_959, %get3A_984 : vector<16xf32>
        %slice3A_986 = vector.extract_strided_slice %add3A_213 {offsets = [7], sizes = [1], strides = [1]} : vector<16xi32> to vector<1xi32>
        %squeeze3A_987 = vector.extract %slice3A_986[0] : i32 from vector<1xi32>
        %shift_right_logical3A_988 = arith.constant 16 : i32
        %shift_right_logical3A_989 = arith.shrui %squeeze3A_987, %shift_right_logical3A_988 : i32
        %and3A_990 = arith.constant 65535 : i32
        %and3A_991 = arith.andi %squeeze3A_987, %and3A_990 : i32
        %get3A_992 = arith.index_cast %shift_right_logical3A_989 : i32 to index
        %get3A_993 = tpu.vector_load %arg6[%get3A_992] {strides = array<i32>} : memref<32000xf32, #tpu.memory_space<vmem>>, vector<16xf32>,
        %get3A_994 = vector.shape_cast %get3A_993 : vector<16xf32> to vector<16xf32>
        %add3A_995 = arith.addf %add3A_969, %get3A_994 : vector<16xf32>
        %add3A_996 = arith.constant 16 : i32
        %add3A_997 = arith.addi %shift_right_logical3A_989, %add3A_996 : i32
        %get3A_998 = arith.index_cast %add3A_997 : i32 to index
        %get3A_999 = tpu.vector_load %arg6[%get3A_998] {strides = array<i32>} : memref<32000xf32, #tpu.memory_space<vmem>>, vector<16xf32>,
        %get3A_1000 = vector.shape_cast %get3A_999 : vector<16xf32> to vector<16xf32>
        %add3A_1001 = arith.addf %add3A_975, %get3A_1000 : vector<16xf32>
        %get3A_1002 = arith.index_cast %and3A_991 : i32 to index
        %get3A_1003 = tpu.vector_load %arg7[%get3A_1002] {strides = array<i32>} : memref<32000xf32, #tpu.memory_space<vmem>>, vector<16xf32>,
        %get3A_1004 = vector.shape_cast %get3A_1003 : vector<16xf32> to vector<16xf32>
        %add3A_1005 = arith.addf %add3A_979, %get3A_1004 : vector<16xf32>
        %add3A_1006 = arith.constant 16 : i32
        %add3A_1007 = arith.addi %and3A_991, %add3A_1006 : i32
        %get3A_1008 = arith.index_cast %add3A_1007 : i32 to index
        %get3A_1009 = tpu.vector_load %arg7[%get3A_1008] {strides = array<i32>} : memref<32000xf32, #tpu.memory_space<vmem>>, vector<16xf32>,
        %get3A_1010 = vector.shape_cast %get3A_1009 : vector<16xf32> to vector<16xf32>
        %add3A_1011 = arith.addf %add3A_985, %get3A_1010 : vector<16xf32>
        %slice3A_1012 = vector.extract_strided_slice %add3A_213 {offsets = [8], sizes = [1], strides = [1]} : vector<16xi32> to vector<1xi32>
        %squeeze3A_1013 = vector.extract %slice3A_1012[0] : i32 from vector<1xi32>
        %shift_right_logical3A_1014 = arith.constant 16 : i32
        %shift_right_logical3A_1015 = arith.shrui %squeeze3A_1013, %shift_right_logical3A_1014 : i32
        %and3A_1016 = arith.constant 65535 : i32
        %and3A_1017 = arith.andi %squeeze3A_1013, %and3A_1016 : i32
        %get3A_1018 = arith.index_cast %shift_right_logical3A_1015 : i32 to index
        %get3A_1019 = tpu.vector_load %arg6[%get3A_1018] {strides = array<i32>} : memref<32000xf32, #tpu.memory_space<vmem>>, vector<16xf32>,
        %get3A_1020 = vector.shape_cast %get3A_1019 : vector<16xf32> to vector<16xf32>
        %add3A_1021 = arith.addf %add3A_995, %get3A_1020 : vector<16xf32>
        %add3A_1022 = arith.constant 16 : i32
        %add3A_1023 = arith.addi %shift_right_logical3A_1015, %add3A_1022 : i32
        %get3A_1024 = arith.index_cast %add3A_1023 : i32 to index
        %get3A_1025 = tpu.vector_load %arg6[%get3A_1024] {strides = array<i32>} : memref<32000xf32, #tpu.memory_space<vmem>>, vector<16xf32>,
        %get3A_1026 = vector.shape_cast %get3A_1025 : vector<16xf32> to vector<16xf32>
        %add3A_1027 = arith.addf %add3A_1001, %get3A_1026 : vector<16xf32>
        %get3A_1028 = arith.index_cast %and3A_1017 : i32 to index
        %get3A_1029 = tpu.vector_load %arg7[%get3A_1028] {strides = array<i32>} : memref<32000xf32, #tpu.memory_space<vmem>>, vector<16xf32>,
        %get3A_1030 = vector.shape_cast %get3A_1029 : vector<16xf32> to vector<16xf32>
        %add3A_1031 = arith.addf %add3A_1005, %get3A_1030 : vector<16xf32>
        %add3A_1032 = arith.constant 16 : i32
        %add3A_1033 = arith.addi %and3A_1017, %add3A_1032 : i32
        %get3A_1034 = arith.index_cast %add3A_1033 : i32 to index
        %get3A_1035 = tpu.vector_load %arg7[%get3A_1034] {strides = array<i32>} : memref<32000xf32, #tpu.memory_space<vmem>>, vector<16xf32>,
        %get3A_1036 = vector.shape_cast %get3A_1035 : vector<16xf32> to vector<16xf32>
        %add3A_1037 = arith.addf %add3A_1011, %get3A_1036 : vector<16xf32>
        %slice3A_1038 = vector.extract_strided_slice %add3A_213 {offsets = [9], sizes = [1], strides = [1]} : vector<16xi32> to vector<1xi32>
        %squeeze3A_1039 = vector.extract %slice3A_1038[0] : i32 from vector<1xi32>
        %shift_right_logical3A_1040 = arith.constant 16 : i32
        %shift_right_logical3A_1041 = arith.shrui %squeeze3A_1039, %shift_right_logical3A_1040 : i32
        %and3A_1042 = arith.constant 65535 : i32
        %and3A_1043 = arith.andi %squeeze3A_1039, %and3A_1042 : i32
        %get3A_1044 = arith.index_cast %shift_right_logical3A_1041 : i32 to index
        %get3A_1045 = tpu.vector_load %arg6[%get3A_1044] {strides = array<i32>} : memref<32000xf32, #tpu.memory_space<vmem>>, vector<16xf32>,
        %get3A_1046 = vector.shape_cast %get3A_1045 : vector<16xf32> to vector<16xf32>
        %add3A_1047 = arith.addf %add3A_1021, %get3A_1046 : vector<16xf32>
        %add3A_1048 = arith.constant 16 : i32
        %add3A_1049 = arith.addi %shift_right_logical3A_1041, %add3A_1048 : i32
        %get3A_1050 = arith.index_cast %add3A_1049 : i32 to index
        %get3A_1051 = tpu.vector_load %arg6[%get3A_1050] {strides = array<i32>} : memref<32000xf32, #tpu.memory_space<vmem>>, vector<16xf32>,
        %get3A_1052 = vector.shape_cast %get3A_1051 : vector<16xf32> to vector<16xf32>
        %add3A_1053 = arith.addf %add3A_1027, %get3A_1052 : vector<16xf32>
        %get3A_1054 = arith.index_cast %and3A_1043 : i32 to index
        %get3A_1055 = tpu.vector_load %arg7[%get3A_1054] {strides = array<i32>} : memref<32000xf32, #tpu.memory_space<vmem>>, vector<16xf32>,
        %get3A_1056 = vector.shape_cast %get3A_1055 : vector<16xf32> to vector<16xf32>
        %add3A_1057 = arith.addf %add3A_1031, %get3A_1056 : vector<16xf32>
        %add3A_1058 = arith.constant 16 : i32
        %add3A_1059 = arith.addi %and3A_1043, %add3A_1058 : i32
        %get3A_1060 = arith.index_cast %add3A_1059 : i32 to index
        %get3A_1061 = tpu.vector_load %arg7[%get3A_1060] {strides = array<i32>} : memref<32000xf32, #tpu.memory_space<vmem>>, vector<16xf32>,
        %get3A_1062 = vector.shape_cast %get3A_1061 : vector<16xf32> to vector<16xf32>
        %add3A_1063 = arith.addf %add3A_1037, %get3A_1062 : vector<16xf32>
        %slice3A_1064 = vector.extract_strided_slice %add3A_213 {offsets = [10], sizes = [1], strides = [1]} : vector<16xi32> to vector<1xi32>
        %squeeze3A_1065 = vector.extract %slice3A_1064[0] : i32 from vector<1xi32>
        %shift_right_logical3A_1066 = arith.constant 16 : i32
        %shift_right_logical3A_1067 = arith.shrui %squeeze3A_1065, %shift_right_logical3A_1066 : i32
        %and3A_1068 = arith.constant 65535 : i32
        %and3A_1069 = arith.andi %squeeze3A_1065, %and3A_1068 : i32
        %get3A_1070 = arith.index_cast %shift_right_logical3A_1067 : i32 to index
        %get3A_1071 = tpu.vector_load %arg6[%get3A_1070] {strides = array<i32>} : memref<32000xf32, #tpu.memory_space<vmem>>, vector<16xf32>,
        %get3A_1072 = vector.shape_cast %get3A_1071 : vector<16xf32> to vector<16xf32>
        %add3A_1073 = arith.addf %add3A_1047, %get3A_1072 : vector<16xf32>
        %add3A_1074 = arith.constant 16 : i32
        %add3A_1075 = arith.addi %shift_right_logical3A_1067, %add3A_1074 : i32
        %get3A_1076 = arith.index_cast %add3A_1075 : i32 to index
        %get3A_1077 = tpu.vector_load %arg6[%get3A_1076] {strides = array<i32>} : memref<32000xf32, #tpu.memory_space<vmem>>, vector<16xf32>,
        %get3A_1078 = vector.shape_cast %get3A_1077 : vector<16xf32> to vector<16xf32>
        %add3A_1079 = arith.addf %add3A_1053, %get3A_1078 : vector<16xf32>
        %get3A_1080 = arith.index_cast %and3A_1069 : i32 to index
        %get3A_1081 = tpu.vector_load %arg7[%get3A_1080] {strides = array<i32>} : memref<32000xf32, #tpu.memory_space<vmem>>, vector<16xf32>,
        %get3A_1082 = vector.shape_cast %get3A_1081 : vector<16xf32> to vector<16xf32>
        %add3A_1083 = arith.addf %add3A_1057, %get3A_1082 : vector<16xf32>
        %add3A_1084 = arith.constant 16 : i32
        %add3A_1085 = arith.addi %and3A_1069, %add3A_1084 : i32
        %get3A_1086 = arith.index_cast %add3A_1085 : i32 to index
        %get3A_1087 = tpu.vector_load %arg7[%get3A_1086] {strides = array<i32>} : memref<32000xf32, #tpu.memory_space<vmem>>, vector<16xf32>,
        %get3A_1088 = vector.shape_cast %get3A_1087 : vector<16xf32> to vector<16xf32>
        %add3A_1089 = arith.addf %add3A_1063, %get3A_1088 : vector<16xf32>
        %slice3A_1090 = vector.extract_strided_slice %add3A_213 {offsets = [11], sizes = [1], strides = [1]} : vector<16xi32> to vector<1xi32>
        %squeeze3A_1091 = vector.extract %slice3A_1090[0] : i32 from vector<1xi32>
        %shift_right_logical3A_1092 = arith.constant 16 : i32
        %shift_right_logical3A_1093 = arith.shrui %squeeze3A_1091, %shift_right_logical3A_1092 : i32
        %and3A_1094 = arith.constant 65535 : i32
        %and3A_1095 = arith.andi %squeeze3A_1091, %and3A_1094 : i32
        %get3A_1096 = arith.index_cast %shift_right_logical3A_1093 : i32 to index
        %get3A_1097 = tpu.vector_load %arg6[%get3A_1096] {strides = array<i32>} : memref<32000xf32, #tpu.memory_space<vmem>>, vector<16xf32>,
        %get3A_1098 = vector.shape_cast %get3A_1097 : vector<16xf32> to vector<16xf32>
        %add3A_1099 = arith.addf %add3A_1073, %get3A_1098 : vector<16xf32>
        %add3A_1100 = arith.constant 16 : i32
        %add3A_1101 = arith.addi %shift_right_logical3A_1093, %add3A_1100 : i32
        %get3A_1102 = arith.index_cast %add3A_1101 : i32 to index
        %get3A_1103 = tpu.vector_load %arg6[%get3A_1102] {strides = array<i32>} : memref<32000xf32, #tpu.memory_space<vmem>>, vector<16xf32>,
        %get3A_1104 = vector.shape_cast %get3A_1103 : vector<16xf32> to vector<16xf32>
        %add3A_1105 = arith.addf %add3A_1079, %get3A_1104 : vector<16xf32>
        %get3A_1106 = arith.index_cast %and3A_1095 : i32 to index
        %get3A_1107 = tpu.vector_load %arg7[%get3A_1106] {strides = array<i32>} : memref<32000xf32, #tpu.memory_space<vmem>>, vector<16xf32>,
        %get3A_1108 = vector.shape_cast %get3A_1107 : vector<16xf32> to vector<16xf32>
        %add3A_1109 = arith.addf %add3A_1083, %get3A_1108 : vector<16xf32>
        %add3A_1110 = arith.constant 16 : i32
        %add3A_1111 = arith.addi %and3A_1095, %add3A_1110 : i32
        %get3A_1112 = arith.index_cast %add3A_1111 : i32 to index
        %get3A_1113 = tpu.vector_load %arg7[%get3A_1112] {strides = array<i32>} : memref<32000xf32, #tpu.memory_space<vmem>>, vector<16xf32>,
        %get3A_1114 = vector.shape_cast %get3A_1113 : vector<16xf32> to vector<16xf32>
        %add3A_1115 = arith.addf %add3A_1089, %get3A_1114 : vector<16xf32>
        %slice3A_1116 = vector.extract_strided_slice %add3A_213 {offsets = [12], sizes = [1], strides = [1]} : vector<16xi32> to vector<1xi32>
        %squeeze3A_1117 = vector.extract %slice3A_1116[0] : i32 from vector<1xi32>
        %shift_right_logical3A_1118 = arith.constant 16 : i32
        %shift_right_logical3A_1119 = arith.shrui %squeeze3A_1117, %shift_right_logical3A_1118 : i32
        %and3A_1120 = arith.constant 65535 : i32
        %and3A_1121 = arith.andi %squeeze3A_1117, %and3A_1120 : i32
        %get3A_1122 = arith.index_cast %shift_right_logical3A_1119 : i32 to index
        %get3A_1123 = tpu.vector_load %arg6[%get3A_1122] {strides = array<i32>} : memref<32000xf32, #tpu.memory_space<vmem>>, vector<16xf32>,
        %get3A_1124 = vector.shape_cast %get3A_1123 : vector<16xf32> to vector<16xf32>
        %add3A_1125 = arith.addf %add3A_1099, %get3A_1124 : vector<16xf32>
        %add3A_1126 = arith.constant 16 : i32
        %add3A_1127 = arith.addi %shift_right_logical3A_1119, %add3A_1126 : i32
        %get3A_1128 = arith.index_cast %add3A_1127 : i32 to index
        %get3A_1129 = tpu.vector_load %arg6[%get3A_1128] {strides = array<i32>} : memref<32000xf32, #tpu.memory_space<vmem>>, vector<16xf32>,
        %get3A_1130 = vector.shape_cast %get3A_1129 : vector<16xf32> to vector<16xf32>
        %add3A_1131 = arith.addf %add3A_1105, %get3A_1130 : vector<16xf32>
        %get3A_1132 = arith.index_cast %and3A_1121 : i32 to index
        %get3A_1133 = tpu.vector_load %arg7[%get3A_1132] {strides = array<i32>} : memref<32000xf32, #tpu.memory_space<vmem>>, vector<16xf32>,
        %get3A_1134 = vector.shape_cast %get3A_1133 : vector<16xf32> to vector<16xf32>
        %add3A_1135 = arith.addf %add3A_1109, %get3A_1134 : vector<16xf32>
        %add3A_1136 = arith.constant 16 : i32
        %add3A_1137 = arith.addi %and3A_1121, %add3A_1136 : i32
        %get3A_1138 = arith.index_cast %add3A_1137 : i32 to index
        %get3A_1139 = tpu.vector_load %arg7[%get3A_1138] {strides = array<i32>} : memref<32000xf32, #tpu.memory_space<vmem>>, vector<16xf32>,
        %get3A_1140 = vector.shape_cast %get3A_1139 : vector<16xf32> to vector<16xf32>
        %add3A_1141 = arith.addf %add3A_1115, %get3A_1140 : vector<16xf32>
        %slice3A_1142 = vector.extract_strided_slice %add3A_213 {offsets = [13], sizes = [1], strides = [1]} : vector<16xi32> to vector<1xi32>
        %squeeze3A_1143 = vector.extract %slice3A_1142[0] : i32 from vector<1xi32>
        %shift_right_logical3A_1144 = arith.constant 16 : i32
        %shift_right_logical3A_1145 = arith.shrui %squeeze3A_1143, %shift_right_logical3A_1144 : i32
        %and3A_1146 = arith.constant 65535 : i32
        %and3A_1147 = arith.andi %squeeze3A_1143, %and3A_1146 : i32
        %get3A_1148 = arith.index_cast %shift_right_logical3A_1145 : i32 to index
        %get3A_1149 = tpu.vector_load %arg6[%get3A_1148] {strides = array<i32>} : memref<32000xf32, #tpu.memory_space<vmem>>, vector<16xf32>,
        %get3A_1150 = vector.shape_cast %get3A_1149 : vector<16xf32> to vector<16xf32>
        %add3A_1151 = arith.addf %add3A_1125, %get3A_1150 : vector<16xf32>
        %add3A_1152 = arith.constant 16 : i32
        %add3A_1153 = arith.addi %shift_right_logical3A_1145, %add3A_1152 : i32
        %get3A_1154 = arith.index_cast %add3A_1153 : i32 to index
        %get3A_1155 = tpu.vector_load %arg6[%get3A_1154] {strides = array<i32>} : memref<32000xf32, #tpu.memory_space<vmem>>, vector<16xf32>,
        %get3A_1156 = vector.shape_cast %get3A_1155 : vector<16xf32> to vector<16xf32>
        %add3A_1157 = arith.addf %add3A_1131, %get3A_1156 : vector<16xf32>
        %get3A_1158 = arith.index_cast %and3A_1147 : i32 to index
        %get3A_1159 = tpu.vector_load %arg7[%get3A_1158] {strides = array<i32>} : memref<32000xf32, #tpu.memory_space<vmem>>, vector<16xf32>,
        %get3A_1160 = vector.shape_cast %get3A_1159 : vector<16xf32> to vector<16xf32>
        %add3A_1161 = arith.addf %add3A_1135, %get3A_1160 : vector<16xf32>
        %add3A_1162 = arith.constant 16 : i32
        %add3A_1163 = arith.addi %and3A_1147, %add3A_1162 : i32
        %get3A_1164 = arith.index_cast %add3A_1163 : i32 to index
        %get3A_1165 = tpu.vector_load %arg7[%get3A_1164] {strides = array<i32>} : memref<32000xf32, #tpu.memory_space<vmem>>, vector<16xf32>,
        %get3A_1166 = vector.shape_cast %get3A_1165 : vector<16xf32> to vector<16xf32>
        %add3A_1167 = arith.addf %add3A_1141, %get3A_1166 : vector<16xf32>
        %slice3A_1168 = vector.extract_strided_slice %add3A_213 {offsets = [14], sizes = [1], strides = [1]} : vector<16xi32> to vector<1xi32>
        %squeeze3A_1169 = vector.extract %slice3A_1168[0] : i32 from vector<1xi32>
        %shift_right_logical3A_1170 = arith.constant 16 : i32
        %shift_right_logical3A_1171 = arith.shrui %squeeze3A_1169, %shift_right_logical3A_1170 : i32
        %and3A_1172 = arith.constant 65535 : i32
        %and3A_1173 = arith.andi %squeeze3A_1169, %and3A_1172 : i32
        %get3A_1174 = arith.index_cast %shift_right_logical3A_1171 : i32 to index
        %get3A_1175 = tpu.vector_load %arg6[%get3A_1174] {strides = array<i32>} : memref<32000xf32, #tpu.memory_space<vmem>>, vector<16xf32>,
        %get3A_1176 = vector.shape_cast %get3A_1175 : vector<16xf32> to vector<16xf32>
        %add3A_1177 = arith.addf %add3A_1151, %get3A_1176 : vector<16xf32>
        %add3A_1178 = arith.constant 16 : i32
        %add3A_1179 = arith.addi %shift_right_logical3A_1171, %add3A_1178 : i32
        %get3A_1180 = arith.index_cast %add3A_1179 : i32 to index
        %get3A_1181 = tpu.vector_load %arg6[%get3A_1180] {strides = array<i32>} : memref<32000xf32, #tpu.memory_space<vmem>>, vector<16xf32>,
        %get3A_1182 = vector.shape_cast %get3A_1181 : vector<16xf32> to vector<16xf32>
        %add3A_1183 = arith.addf %add3A_1157, %get3A_1182 : vector<16xf32>
        %get3A_1184 = arith.index_cast %and3A_1173 : i32 to index
        %get3A_1185 = tpu.vector_load %arg7[%get3A_1184] {strides = array<i32>} : memref<32000xf32, #tpu.memory_space<vmem>>, vector<16xf32>,
        %get3A_1186 = vector.shape_cast %get3A_1185 : vector<16xf32> to vector<16xf32>
        %add3A_1187 = arith.addf %add3A_1161, %get3A_1186 : vector<16xf32>
        %add3A_1188 = arith.constant 16 : i32
        %add3A_1189 = arith.addi %and3A_1173, %add3A_1188 : i32
        %get3A_1190 = arith.index_cast %add3A_1189 : i32 to index
        %get3A_1191 = tpu.vector_load %arg7[%get3A_1190] {strides = array<i32>} : memref<32000xf32, #tpu.memory_space<vmem>>, vector<16xf32>,
        %get3A_1192 = vector.shape_cast %get3A_1191 : vector<16xf32> to vector<16xf32>
        %add3A_1193 = arith.addf %add3A_1167, %get3A_1192 : vector<16xf32>
        %slice3A_1194 = vector.extract_strided_slice %add3A_213 {offsets = [15], sizes = [1], strides = [1]} : vector<16xi32> to vector<1xi32>
        %squeeze3A_1195 = vector.extract %slice3A_1194[0] : i32 from vector<1xi32>
        %shift_right_logical3A_1196 = arith.constant 16 : i32
        %shift_right_logical3A_1197 = arith.shrui %squeeze3A_1195, %shift_right_logical3A_1196 : i32
        %and3A_1198 = arith.constant 65535 : i32
        %and3A_1199 = arith.andi %squeeze3A_1195, %and3A_1198 : i32
        %get3A_1200 = arith.index_cast %shift_right_logical3A_1197 : i32 to index
        %get3A_1201 = tpu.vector_load %arg6[%get3A_1200] {strides = array<i32>} : memref<32000xf32, #tpu.memory_space<vmem>>, vector<16xf32>,
        %get3A_1202 = vector.shape_cast %get3A_1201 : vector<16xf32> to vector<16xf32>
        %add3A_1203 = arith.addf %add3A_1177, %get3A_1202 : vector<16xf32>
        %add3A_1204 = arith.constant 16 : i32
        %add3A_1205 = arith.addi %shift_right_logical3A_1197, %add3A_1204 : i32
        %get3A_1206 = arith.index_cast %add3A_1205 : i32 to index
        %get3A_1207 = tpu.vector_load %arg6[%get3A_1206] {strides = array<i32>} : memref<32000xf32, #tpu.memory_space<vmem>>, vector<16xf32>,
        %get3A_1208 = vector.shape_cast %get3A_1207 : vector<16xf32> to vector<16xf32>
        %add3A_1209 = arith.addf %add3A_1183, %get3A_1208 : vector<16xf32>
        %get3A_1210 = arith.index_cast %and3A_1199 : i32 to index
        %get3A_1211 = tpu.vector_load %arg7[%get3A_1210] {strides = array<i32>} : memref<32000xf32, #tpu.memory_space<vmem>>, vector<16xf32>,
        %get3A_1212 = vector.shape_cast %get3A_1211 : vector<16xf32> to vector<16xf32>
        %add3A_1213 = arith.addf %add3A_1187, %get3A_1212 : vector<16xf32>
        %add3A_1214 = arith.constant 16 : i32
        %add3A_1215 = arith.addi %and3A_1199, %add3A_1214 : i32
        %get3A_1216 = arith.index_cast %add3A_1215 : i32 to index
        %get3A_1217 = tpu.vector_load %arg7[%get3A_1216] {strides = array<i32>} : memref<32000xf32, #tpu.memory_space<vmem>>, vector<16xf32>,
        %get3A_1218 = vector.shape_cast %get3A_1217 : vector<16xf32> to vector<16xf32>
        %add3A_1219 = arith.addf %add3A_1193, %get3A_1218 : vector<16xf32>
        %slice3A_1220 = vector.extract_strided_slice %add3A_262 {offsets = [0], sizes = [1], strides = [1]} : vector<16xi32> to vector<1xi32>
        %squeeze3A_1221 = vector.extract %slice3A_1220[0] : i32 from vector<1xi32>
        %shift_right_logical3A_1222 = arith.constant 16 : i32
        %shift_right_logical3A_1223 = arith.shrui %squeeze3A_1221, %shift_right_logical3A_1222 : i32
        %and3A_1224 = arith.constant 65535 : i32
        %and3A_1225 = arith.andi %squeeze3A_1221, %and3A_1224 : i32
        %get3A_1226 = arith.index_cast %shift_right_logical3A_1223 : i32 to index
        %get3A_1227 = tpu.vector_load %arg6[%get3A_1226] {strides = array<i32>} : memref<32000xf32, #tpu.memory_space<vmem>>, vector<16xf32>,
        %get3A_1228 = vector.shape_cast %get3A_1227 : vector<16xf32> to vector<16xf32>
        %add3A_1229 = arith.addf %add3A_1203, %get3A_1228 : vector<16xf32>
        %add3A_1230 = arith.constant 16 : i32
        %add3A_1231 = arith.addi %shift_right_logical3A_1223, %add3A_1230 : i32
        %get3A_1232 = arith.index_cast %add3A_1231 : i32 to index
        %get3A_1233 = tpu.vector_load %arg6[%get3A_1232] {strides = array<i32>} : memref<32000xf32, #tpu.memory_space<vmem>>, vector<16xf32>,
        %get3A_1234 = vector.shape_cast %get3A_1233 : vector<16xf32> to vector<16xf32>
        %add3A_1235 = arith.addf %add3A_1209, %get3A_1234 : vector<16xf32>
        %get3A_1236 = arith.index_cast %and3A_1225 : i32 to index
        %get3A_1237 = tpu.vector_load %arg7[%get3A_1236] {strides = array<i32>} : memref<32000xf32, #tpu.memory_space<vmem>>, vector<16xf32>,
        %get3A_1238 = vector.shape_cast %get3A_1237 : vector<16xf32> to vector<16xf32>
        %add3A_1239 = arith.addf %add3A_1213, %get3A_1238 : vector<16xf32>
        %add3A_1240 = arith.constant 16 : i32
        %add3A_1241 = arith.addi %and3A_1225, %add3A_1240 : i32
        %get3A_1242 = arith.index_cast %add3A_1241 : i32 to index
        %get3A_1243 = tpu.vector_load %arg7[%get3A_1242] {strides = array<i32>} : memref<32000xf32, #tpu.memory_space<vmem>>, vector<16xf32>,
        %get3A_1244 = vector.shape_cast %get3A_1243 : vector<16xf32> to vector<16xf32>
        %add3A_1245 = arith.addf %add3A_1219, %get3A_1244 : vector<16xf32>
        %slice3A_1246 = vector.extract_strided_slice %add3A_262 {offsets = [1], sizes = [1], strides = [1]} : vector<16xi32> to vector<1xi32>
        %squeeze3A_1247 = vector.extract %slice3A_1246[0] : i32 from vector<1xi32>
        %shift_right_logical3A_1248 = arith.constant 16 : i32
        %shift_right_logical3A_1249 = arith.shrui %squeeze3A_1247, %shift_right_logical3A_1248 : i32
        %and3A_1250 = arith.constant 65535 : i32
        %and3A_1251 = arith.andi %squeeze3A_1247, %and3A_1250 : i32
        %get3A_1252 = arith.index_cast %shift_right_logical3A_1249 : i32 to index
        %get3A_1253 = tpu.vector_load %arg6[%get3A_1252] {strides = array<i32>} : memref<32000xf32, #tpu.memory_space<vmem>>, vector<16xf32>,
        %get3A_1254 = vector.shape_cast %get3A_1253 : vector<16xf32> to vector<16xf32>
        %add3A_1255 = arith.addf %add3A_1229, %get3A_1254 : vector<16xf32>
        %add3A_1256 = arith.constant 16 : i32
        %add3A_1257 = arith.addi %shift_right_logical3A_1249, %add3A_1256 : i32
        %get3A_1258 = arith.index_cast %add3A_1257 : i32 to index
        %get3A_1259 = tpu.vector_load %arg6[%get3A_1258] {strides = array<i32>} : memref<32000xf32, #tpu.memory_space<vmem>>, vector<16xf32>,
        %get3A_1260 = vector.shape_cast %get3A_1259 : vector<16xf32> to vector<16xf32>
        %add3A_1261 = arith.addf %add3A_1235, %get3A_1260 : vector<16xf32>
        %get3A_1262 = arith.index_cast %and3A_1251 : i32 to index
        %get3A_1263 = tpu.vector_load %arg7[%get3A_1262] {strides = array<i32>} : memref<32000xf32, #tpu.memory_space<vmem>>, vector<16xf32>,
        %get3A_1264 = vector.shape_cast %get3A_1263 : vector<16xf32> to vector<16xf32>
        %add3A_1265 = arith.addf %add3A_1239, %get3A_1264 : vector<16xf32>
        %add3A_1266 = arith.constant 16 : i32
        %add3A_1267 = arith.addi %and3A_1251, %add3A_1266 : i32
        %get3A_1268 = arith.index_cast %add3A_1267 : i32 to index
        %get3A_1269 = tpu.vector_load %arg7[%get3A_1268] {strides = array<i32>} : memref<32000xf32, #tpu.memory_space<vmem>>, vector<16xf32>,
        %get3A_1270 = vector.shape_cast %get3A_1269 : vector<16xf32> to vector<16xf32>
        %add3A_1271 = arith.addf %add3A_1245, %get3A_1270 : vector<16xf32>
        %slice3A_1272 = vector.extract_strided_slice %add3A_262 {offsets = [2], sizes = [1], strides = [1]} : vector<16xi32> to vector<1xi32>
        %squeeze3A_1273 = vector.extract %slice3A_1272[0] : i32 from vector<1xi32>
        %shift_right_logical3A_1274 = arith.constant 16 : i32
        %shift_right_logical3A_1275 = arith.shrui %squeeze3A_1273, %shift_right_logical3A_1274 : i32
        %and3A_1276 = arith.constant 65535 : i32
        %and3A_1277 = arith.andi %squeeze3A_1273, %and3A_1276 : i32
        %get3A_1278 = arith.index_cast %shift_right_logical3A_1275 : i32 to index
        %get3A_1279 = tpu.vector_load %arg6[%get3A_1278] {strides = array<i32>} : memref<32000xf32, #tpu.memory_space<vmem>>, vector<16xf32>,
        %get3A_1280 = vector.shape_cast %get3A_1279 : vector<16xf32> to vector<16xf32>
        %add3A_1281 = arith.addf %add3A_1255, %get3A_1280 : vector<16xf32>
        %add3A_1282 = arith.constant 16 : i32
        %add3A_1283 = arith.addi %shift_right_logical3A_1275, %add3A_1282 : i32
        %get3A_1284 = arith.index_cast %add3A_1283 : i32 to index
        %get3A_1285 = tpu.vector_load %arg6[%get3A_1284] {strides = array<i32>} : memref<32000xf32, #tpu.memory_space<vmem>>, vector<16xf32>,
        %get3A_1286 = vector.shape_cast %get3A_1285 : vector<16xf32> to vector<16xf32>
        %add3A_1287 = arith.addf %add3A_1261, %get3A_1286 : vector<16xf32>
        %get3A_1288 = arith.index_cast %and3A_1277 : i32 to index
        %get3A_1289 = tpu.vector_load %arg7[%get3A_1288] {strides = array<i32>} : memref<32000xf32, #tpu.memory_space<vmem>>, vector<16xf32>,
        %get3A_1290 = vector.shape_cast %get3A_1289 : vector<16xf32> to vector<16xf32>
        %add3A_1291 = arith.addf %add3A_1265, %get3A_1290 : vector<16xf32>
        %add3A_1292 = arith.constant 16 : i32
        %add3A_1293 = arith.addi %and3A_1277, %add3A_1292 : i32
        %get3A_1294 = arith.index_cast %add3A_1293 : i32 to index
        %get3A_1295 = tpu.vector_load %arg7[%get3A_1294] {strides = array<i32>} : memref<32000xf32, #tpu.memory_space<vmem>>, vector<16xf32>,
        %get3A_1296 = vector.shape_cast %get3A_1295 : vector<16xf32> to vector<16xf32>
        %add3A_1297 = arith.addf %add3A_1271, %get3A_1296 : vector<16xf32>
        %slice3A_1298 = vector.extract_strided_slice %add3A_262 {offsets = [3], sizes = [1], strides = [1]} : vector<16xi32> to vector<1xi32>
        %squeeze3A_1299 = vector.extract %slice3A_1298[0] : i32 from vector<1xi32>
        %shift_right_logical3A_1300 = arith.constant 16 : i32
        %shift_right_logical3A_1301 = arith.shrui %squeeze3A_1299, %shift_right_logical3A_1300 : i32
        %and3A_1302 = arith.constant 65535 : i32
        %and3A_1303 = arith.andi %squeeze3A_1299, %and3A_1302 : i32
        %get3A_1304 = arith.index_cast %shift_right_logical3A_1301 : i32 to index
        %get3A_1305 = tpu.vector_load %arg6[%get3A_1304] {strides = array<i32>} : memref<32000xf32, #tpu.memory_space<vmem>>, vector<16xf32>,
        %get3A_1306 = vector.shape_cast %get3A_1305 : vector<16xf32> to vector<16xf32>
        %add3A_1307 = arith.addf %add3A_1281, %get3A_1306 : vector<16xf32>
        %add3A_1308 = arith.constant 16 : i32
        %add3A_1309 = arith.addi %shift_right_logical3A_1301, %add3A_1308 : i32
        %get3A_1310 = arith.index_cast %add3A_1309 : i32 to index
        %get3A_1311 = tpu.vector_load %arg6[%get3A_1310] {strides = array<i32>} : memref<32000xf32, #tpu.memory_space<vmem>>, vector<16xf32>,
        %get3A_1312 = vector.shape_cast %get3A_1311 : vector<16xf32> to vector<16xf32>
        %add3A_1313 = arith.addf %add3A_1287, %get3A_1312 : vector<16xf32>
        %get3A_1314 = arith.index_cast %and3A_1303 : i32 to index
        %get3A_1315 = tpu.vector_load %arg7[%get3A_1314] {strides = array<i32>} : memref<32000xf32, #tpu.memory_space<vmem>>, vector<16xf32>,
        %get3A_1316 = vector.shape_cast %get3A_1315 : vector<16xf32> to vector<16xf32>
        %add3A_1317 = arith.addf %add3A_1291, %get3A_1316 : vector<16xf32>
        %add3A_1318 = arith.constant 16 : i32
        %add3A_1319 = arith.addi %and3A_1303, %add3A_1318 : i32
        %get3A_1320 = arith.index_cast %add3A_1319 : i32 to index
        %get3A_1321 = tpu.vector_load %arg7[%get3A_1320] {strides = array<i32>} : memref<32000xf32, #tpu.memory_space<vmem>>, vector<16xf32>,
        %get3A_1322 = vector.shape_cast %get3A_1321 : vector<16xf32> to vector<16xf32>
        %add3A_1323 = arith.addf %add3A_1297, %get3A_1322 : vector<16xf32>
        %slice3A_1324 = vector.extract_strided_slice %add3A_262 {offsets = [4], sizes = [1], strides = [1]} : vector<16xi32> to vector<1xi32>
        %squeeze3A_1325 = vector.extract %slice3A_1324[0] : i32 from vector<1xi32>
        %shift_right_logical3A_1326 = arith.constant 16 : i32
        %shift_right_logical3A_1327 = arith.shrui %squeeze3A_1325, %shift_right_logical3A_1326 : i32
        %and3A_1328 = arith.constant 65535 : i32
        %and3A_1329 = arith.andi %squeeze3A_1325, %and3A_1328 : i32
        %get3A_1330 = arith.index_cast %shift_right_logical3A_1327 : i32 to index
        %get3A_1331 = tpu.vector_load %arg6[%get3A_1330] {strides = array<i32>} : memref<32000xf32, #tpu.memory_space<vmem>>, vector<16xf32>,
        %get3A_1332 = vector.shape_cast %get3A_1331 : vector<16xf32> to vector<16xf32>
        %add3A_1333 = arith.addf %add3A_1307, %get3A_1332 : vector<16xf32>
        %add3A_1334 = arith.constant 16 : i32
        %add3A_1335 = arith.addi %shift_right_logical3A_1327, %add3A_1334 : i32
        %get3A_1336 = arith.index_cast %add3A_1335 : i32 to index
        %get3A_1337 = tpu.vector_load %arg6[%get3A_1336] {strides = array<i32>} : memref<32000xf32, #tpu.memory_space<vmem>>, vector<16xf32>,
        %get3A_1338 = vector.shape_cast %get3A_1337 : vector<16xf32> to vector<16xf32>
        %add3A_1339 = arith.addf %add3A_1313, %get3A_1338 : vector<16xf32>
        %get3A_1340 = arith.index_cast %and3A_1329 : i32 to index
        %get3A_1341 = tpu.vector_load %arg7[%get3A_1340] {strides = array<i32>} : memref<32000xf32, #tpu.memory_space<vmem>>, vector<16xf32>,
        %get3A_1342 = vector.shape_cast %get3A_1341 : vector<16xf32> to vector<16xf32>
        %add3A_1343 = arith.addf %add3A_1317, %get3A_1342 : vector<16xf32>
        %add3A_1344 = arith.constant 16 : i32
        %add3A_1345 = arith.addi %and3A_1329, %add3A_1344 : i32
        %get3A_1346 = arith.index_cast %add3A_1345 : i32 to index
        %get3A_1347 = tpu.vector_load %arg7[%get3A_1346] {strides = array<i32>} : memref<32000xf32, #tpu.memory_space<vmem>>, vector<16xf32>,
        %get3A_1348 = vector.shape_cast %get3A_1347 : vector<16xf32> to vector<16xf32>
        %add3A_1349 = arith.addf %add3A_1323, %get3A_1348 : vector<16xf32>
        %slice3A_1350 = vector.extract_strided_slice %add3A_262 {offsets = [5], sizes = [1], strides = [1]} : vector<16xi32> to vector<1xi32>
        %squeeze3A_1351 = vector.extract %slice3A_1350[0] : i32 from vector<1xi32>
        %shift_right_logical3A_1352 = arith.constant 16 : i32
        %shift_right_logical3A_1353 = arith.shrui %squeeze3A_1351, %shift_right_logical3A_1352 : i32
        %and3A_1354 = arith.constant 65535 : i32
        %and3A_1355 = arith.andi %squeeze3A_1351, %and3A_1354 : i32
        %get3A_1356 = arith.index_cast %shift_right_logical3A_1353 : i32 to index
        %get3A_1357 = tpu.vector_load %arg6[%get3A_1356] {strides = array<i32>} : memref<32000xf32, #tpu.memory_space<vmem>>, vector<16xf32>,
        %get3A_1358 = vector.shape_cast %get3A_1357 : vector<16xf32> to vector<16xf32>
        %add3A_1359 = arith.addf %add3A_1333, %get3A_1358 : vector<16xf32>
        %add3A_1360 = arith.constant 16 : i32
        %add3A_1361 = arith.addi %shift_right_logical3A_1353, %add3A_1360 : i32
        %get3A_1362 = arith.index_cast %add3A_1361 : i32 to index
        %get3A_1363 = tpu.vector_load %arg6[%get3A_1362] {strides = array<i32>} : memref<32000xf32, #tpu.memory_space<vmem>>, vector<16xf32>,
        %get3A_1364 = vector.shape_cast %get3A_1363 : vector<16xf32> to vector<16xf32>
        %add3A_1365 = arith.addf %add3A_1339, %get3A_1364 : vector<16xf32>
        %get3A_1366 = arith.index_cast %and3A_1355 : i32 to index
        %get3A_1367 = tpu.vector_load %arg7[%get3A_1366] {strides = array<i32>} : memref<32000xf32, #tpu.memory_space<vmem>>, vector<16xf32>,
        %get3A_1368 = vector.shape_cast %get3A_1367 : vector<16xf32> to vector<16xf32>
        %add3A_1369 = arith.addf %add3A_1343, %get3A_1368 : vector<16xf32>
        %add3A_1370 = arith.constant 16 : i32
        %add3A_1371 = arith.addi %and3A_1355, %add3A_1370 : i32
        %get3A_1372 = arith.index_cast %add3A_1371 : i32 to index
        %get3A_1373 = tpu.vector_load %arg7[%get3A_1372] {strides = array<i32>} : memref<32000xf32, #tpu.memory_space<vmem>>, vector<16xf32>,
        %get3A_1374 = vector.shape_cast %get3A_1373 : vector<16xf32> to vector<16xf32>
        %add3A_1375 = arith.addf %add3A_1349, %get3A_1374 : vector<16xf32>
        %slice3A_1376 = vector.extract_strided_slice %add3A_262 {offsets = [6], sizes = [1], strides = [1]} : vector<16xi32> to vector<1xi32>
        %squeeze3A_1377 = vector.extract %slice3A_1376[0] : i32 from vector<1xi32>
        %shift_right_logical3A_1378 = arith.constant 16 : i32
        %shift_right_logical3A_1379 = arith.shrui %squeeze3A_1377, %shift_right_logical3A_1378 : i32
        %and3A_1380 = arith.constant 65535 : i32
        %and3A_1381 = arith.andi %squeeze3A_1377, %and3A_1380 : i32
        %get3A_1382 = arith.index_cast %shift_right_logical3A_1379 : i32 to index
        %get3A_1383 = tpu.vector_load %arg6[%get3A_1382] {strides = array<i32>} : memref<32000xf32, #tpu.memory_space<vmem>>, vector<16xf32>,
        %get3A_1384 = vector.shape_cast %get3A_1383 : vector<16xf32> to vector<16xf32>
        %add3A_1385 = arith.addf %add3A_1359, %get3A_1384 : vector<16xf32>
        %add3A_1386 = arith.constant 16 : i32
        %add3A_1387 = arith.addi %shift_right_logical3A_1379, %add3A_1386 : i32
        %get3A_1388 = arith.index_cast %add3A_1387 : i32 to index
        %get3A_1389 = tpu.vector_load %arg6[%get3A_1388] {strides = array<i32>} : memref<32000xf32, #tpu.memory_space<vmem>>, vector<16xf32>,
        %get3A_1390 = vector.shape_cast %get3A_1389 : vector<16xf32> to vector<16xf32>
        %add3A_1391 = arith.addf %add3A_1365, %get3A_1390 : vector<16xf32>
        %get3A_1392 = arith.index_cast %and3A_1381 : i32 to index
        %get3A_1393 = tpu.vector_load %arg7[%get3A_1392] {strides = array<i32>} : memref<32000xf32, #tpu.memory_space<vmem>>, vector<16xf32>,
        %get3A_1394 = vector.shape_cast %get3A_1393 : vector<16xf32> to vector<16xf32>
        %add3A_1395 = arith.addf %add3A_1369, %get3A_1394 : vector<16xf32>
        %add3A_1396 = arith.constant 16 : i32
        %add3A_1397 = arith.addi %and3A_1381, %add3A_1396 : i32
        %get3A_1398 = arith.index_cast %add3A_1397 : i32 to index
        %get3A_1399 = tpu.vector_load %arg7[%get3A_1398] {strides = array<i32>} : memref<32000xf32, #tpu.memory_space<vmem>>, vector<16xf32>,
        %get3A_1400 = vector.shape_cast %get3A_1399 : vector<16xf32> to vector<16xf32>
        %add3A_1401 = arith.addf %add3A_1375, %get3A_1400 : vector<16xf32>
        %slice3A_1402 = vector.extract_strided_slice %add3A_262 {offsets = [7], sizes = [1], strides = [1]} : vector<16xi32> to vector<1xi32>
        %squeeze3A_1403 = vector.extract %slice3A_1402[0] : i32 from vector<1xi32>
        %shift_right_logical3A_1404 = arith.constant 16 : i32
        %shift_right_logical3A_1405 = arith.shrui %squeeze3A_1403, %shift_right_logical3A_1404 : i32
        %and3A_1406 = arith.constant 65535 : i32
        %and3A_1407 = arith.andi %squeeze3A_1403, %and3A_1406 : i32
        %get3A_1408 = arith.index_cast %shift_right_logical3A_1405 : i32 to index
        %get3A_1409 = tpu.vector_load %arg6[%get3A_1408] {strides = array<i32>} : memref<32000xf32, #tpu.memory_space<vmem>>, vector<16xf32>,
        %get3A_1410 = vector.shape_cast %get3A_1409 : vector<16xf32> to vector<16xf32>
        %add3A_1411 = arith.addf %add3A_1385, %get3A_1410 : vector<16xf32>
        %add3A_1412 = arith.constant 16 : i32
        %add3A_1413 = arith.addi %shift_right_logical3A_1405, %add3A_1412 : i32
        %get3A_1414 = arith.index_cast %add3A_1413 : i32 to index
        %get3A_1415 = tpu.vector_load %arg6[%get3A_1414] {strides = array<i32>} : memref<32000xf32, #tpu.memory_space<vmem>>, vector<16xf32>,
        %get3A_1416 = vector.shape_cast %get3A_1415 : vector<16xf32> to vector<16xf32>
        %add3A_1417 = arith.addf %add3A_1391, %get3A_1416 : vector<16xf32>
        %get3A_1418 = arith.index_cast %and3A_1407 : i32 to index
        %get3A_1419 = tpu.vector_load %arg7[%get3A_1418] {strides = array<i32>} : memref<32000xf32, #tpu.memory_space<vmem>>, vector<16xf32>,
        %get3A_1420 = vector.shape_cast %get3A_1419 : vector<16xf32> to vector<16xf32>
        %add3A_1421 = arith.addf %add3A_1395, %get3A_1420 : vector<16xf32>
        %add3A_1422 = arith.constant 16 : i32
        %add3A_1423 = arith.addi %and3A_1407, %add3A_1422 : i32
        %get3A_1424 = arith.index_cast %add3A_1423 : i32 to index
        %get3A_1425 = tpu.vector_load %arg7[%get3A_1424] {strides = array<i32>} : memref<32000xf32, #tpu.memory_space<vmem>>, vector<16xf32>,
        %get3A_1426 = vector.shape_cast %get3A_1425 : vector<16xf32> to vector<16xf32>
        %add3A_1427 = arith.addf %add3A_1401, %get3A_1426 : vector<16xf32>
        %mul3A_1428 = arith.constant 4 : i32
        %mul3A_1429 = arith.muli %scan3A_112, %mul3A_1428 : i32
        %add3A_1430 = arith.constant 1 : i32
        %add3A_1431 = arith.addi %mul3A_1429, %add3A_1430 : i32
        %mul3A_1432 = arith.mulf %add3A_1411, %add3A_1421 : vector<16xf32>
        %swap3A_1433 = arith.index_cast %add3A_1431 : i32 to index
        %swap3A_1434 = arith.constant 0 : index
        %swap3A_1435 = tpu.vector_load %arg10[%swap3A_1433, %swap3A_1434] {strides = array<i32>} : memref<128x32xf32, #tpu.memory_space<vmem>>, vector<1x16xf32>,
        %swap3A_1436 = vector.shape_cast %swap3A_1435 : vector<1x16xf32> to vector<16xf32>
        %swap3A_1437 = vector.shape_cast %mul3A_1432 : vector<16xf32> to vector<1x16xf32>
        tpu.vector_store %arg10[%swap3A_1433, %swap3A_1434], %swap3A_1437 {strides = array<i32>} : memref<128x32xf32, #tpu.memory_space<vmem>>, vector<1x16xf32>,
        %mul3A_1438 = arith.mulf %add3A_1417, %add3A_1427 : vector<16xf32>
        %swap3A_1439 = arith.index_cast %add3A_1431 : i32 to index
        %swap3A_1440 = arith.constant 16 : index
        %swap3A_1441 = tpu.vector_load %arg10[%swap3A_1439, %swap3A_1440] {strides = array<i32>} : memref<128x32xf32, #tpu.memory_space<vmem>>, vector<1x16xf32>,
        %swap3A_1442 = vector.shape_cast %swap3A_1441 : vector<1x16xf32> to vector<16xf32>
        %swap3A_1443 = vector.shape_cast %mul3A_1438 : vector<16xf32> to vector<1x16xf32>
        tpu.vector_store %arg10[%swap3A_1439, %swap3A_1440], %swap3A_1443 {strides = array<i32>} : memref<128x32xf32, #tpu.memory_space<vmem>>, vector<1x16xf32>,
        %broadcast_in_dim3A_1444 = arith.constant 0.000000e+00 : f32
        %broadcast_in_dim3A_1445 = vector.broadcast %broadcast_in_dim3A_1444 : f32 to vector<16xf32>
        %broadcast_in_dim3A_1446 = arith.constant 0.000000e+00 : f32
        %broadcast_in_dim3A_1447 = vector.broadcast %broadcast_in_dim3A_1446 : f32 to vector<16xf32>
        %broadcast_in_dim3A_1448 = arith.constant 0.000000e+00 : f32
        %broadcast_in_dim3A_1449 = vector.broadcast %broadcast_in_dim3A_1448 : f32 to vector<16xf32>
        %broadcast_in_dim3A_1450 = arith.constant 0.000000e+00 : f32
        %broadcast_in_dim3A_1451 = vector.broadcast %broadcast_in_dim3A_1450 : f32 to vector<16xf32>
        %slice3A_1452 = vector.extract_strided_slice %add3A_262 {offsets = [8], sizes = [1], strides = [1]} : vector<16xi32> to vector<1xi32>
        %squeeze3A_1453 = vector.extract %slice3A_1452[0] : i32 from vector<1xi32>
        %shift_right_logical3A_1454 = arith.constant 16 : i32
        %shift_right_logical3A_1455 = arith.shrui %squeeze3A_1453, %shift_right_logical3A_1454 : i32
        %and3A_1456 = arith.constant 65535 : i32
        %and3A_1457 = arith.andi %squeeze3A_1453, %and3A_1456 : i32
        %get3A_1458 = arith.index_cast %shift_right_logical3A_1455 : i32 to index
        %get3A_1459 = tpu.vector_load %arg6[%get3A_1458] {strides = array<i32>} : memref<32000xf32, #tpu.memory_space<vmem>>, vector<16xf32>,
        %get3A_1460 = vector.shape_cast %get3A_1459 : vector<16xf32> to vector<16xf32>
        %add3A_1461 = arith.addf %broadcast_in_dim3A_1445, %get3A_1460 : vector<16xf32>
        %add3A_1462 = arith.constant 16 : i32
        %add3A_1463 = arith.addi %shift_right_logical3A_1455, %add3A_1462 : i32
        %get3A_1464 = arith.index_cast %add3A_1463 : i32 to index
        %get3A_1465 = tpu.vector_load %arg6[%get3A_1464] {strides = array<i32>} : memref<32000xf32, #tpu.memory_space<vmem>>, vector<16xf32>,
        %get3A_1466 = vector.shape_cast %get3A_1465 : vector<16xf32> to vector<16xf32>
        %add3A_1467 = arith.addf %broadcast_in_dim3A_1447, %get3A_1466 : vector<16xf32>
        %get3A_1468 = arith.index_cast %and3A_1457 : i32 to index
        %get3A_1469 = tpu.vector_load %arg7[%get3A_1468] {strides = array<i32>} : memref<32000xf32, #tpu.memory_space<vmem>>, vector<16xf32>,
        %get3A_1470 = vector.shape_cast %get3A_1469 : vector<16xf32> to vector<16xf32>
        %add3A_1471 = arith.addf %broadcast_in_dim3A_1449, %get3A_1470 : vector<16xf32>
        %add3A_1472 = arith.constant 16 : i32
        %add3A_1473 = arith.addi %and3A_1457, %add3A_1472 : i32
        %get3A_1474 = arith.index_cast %add3A_1473 : i32 to index
        %get3A_1475 = tpu.vector_load %arg7[%get3A_1474] {strides = array<i32>} : memref<32000xf32, #tpu.memory_space<vmem>>, vector<16xf32>,
        %get3A_1476 = vector.shape_cast %get3A_1475 : vector<16xf32> to vector<16xf32>
        %add3A_1477 = arith.addf %broadcast_in_dim3A_1451, %get3A_1476 : vector<16xf32>
        %slice3A_1478 = vector.extract_strided_slice %add3A_262 {offsets = [9], sizes = [1], strides = [1]} : vector<16xi32> to vector<1xi32>
        %squeeze3A_1479 = vector.extract %slice3A_1478[0] : i32 from vector<1xi32>
        %shift_right_logical3A_1480 = arith.constant 16 : i32
        %shift_right_logical3A_1481 = arith.shrui %squeeze3A_1479, %shift_right_logical3A_1480 : i32
        %and3A_1482 = arith.constant 65535 : i32
        %and3A_1483 = arith.andi %squeeze3A_1479, %and3A_1482 : i32
        %get3A_1484 = arith.index_cast %shift_right_logical3A_1481 : i32 to index
        %get3A_1485 = tpu.vector_load %arg6[%get3A_1484] {strides = array<i32>} : memref<32000xf32, #tpu.memory_space<vmem>>, vector<16xf32>,
        %get3A_1486 = vector.shape_cast %get3A_1485 : vector<16xf32> to vector<16xf32>
        %add3A_1487 = arith.addf %add3A_1461, %get3A_1486 : vector<16xf32>
        %add3A_1488 = arith.constant 16 : i32
        %add3A_1489 = arith.addi %shift_right_logical3A_1481, %add3A_1488 : i32
        %get3A_1490 = arith.index_cast %add3A_1489 : i32 to index
        %get3A_1491 = tpu.vector_load %arg6[%get3A_1490] {strides = array<i32>} : memref<32000xf32, #tpu.memory_space<vmem>>, vector<16xf32>,
        %get3A_1492 = vector.shape_cast %get3A_1491 : vector<16xf32> to vector<16xf32>
        %add3A_1493 = arith.addf %add3A_1467, %get3A_1492 : vector<16xf32>
        %get3A_1494 = arith.index_cast %and3A_1483 : i32 to index
        %get3A_1495 = tpu.vector_load %arg7[%get3A_1494] {strides = array<i32>} : memref<32000xf32, #tpu.memory_space<vmem>>, vector<16xf32>,
        %get3A_1496 = vector.shape_cast %get3A_1495 : vector<16xf32> to vector<16xf32>
        %add3A_1497 = arith.addf %add3A_1471, %get3A_1496 : vector<16xf32>
        %add3A_1498 = arith.constant 16 : i32
        %add3A_1499 = arith.addi %and3A_1483, %add3A_1498 : i32
        %get3A_1500 = arith.index_cast %add3A_1499 : i32 to index
        %get3A_1501 = tpu.vector_load %arg7[%get3A_1500] {strides = array<i32>} : memref<32000xf32, #tpu.memory_space<vmem>>, vector<16xf32>,
        %get3A_1502 = vector.shape_cast %get3A_1501 : vector<16xf32> to vector<16xf32>
        %add3A_1503 = arith.addf %add3A_1477, %get3A_1502 : vector<16xf32>
        %slice3A_1504 = vector.extract_strided_slice %add3A_262 {offsets = [10], sizes = [1], strides = [1]} : vector<16xi32> to vector<1xi32>
        %squeeze3A_1505 = vector.extract %slice3A_1504[0] : i32 from vector<1xi32>
        %shift_right_logical3A_1506 = arith.constant 16 : i32
        %shift_right_logical3A_1507 = arith.shrui %squeeze3A_1505, %shift_right_logical3A_1506 : i32
        %and3A_1508 = arith.constant 65535 : i32
        %and3A_1509 = arith.andi %squeeze3A_1505, %and3A_1508 : i32
        %get3A_1510 = arith.index_cast %shift_right_logical3A_1507 : i32 to index
        %get3A_1511 = tpu.vector_load %arg6[%get3A_1510] {strides = array<i32>} : memref<32000xf32, #tpu.memory_space<vmem>>, vector<16xf32>,
        %get3A_1512 = vector.shape_cast %get3A_1511 : vector<16xf32> to vector<16xf32>
        %add3A_1513 = arith.addf %add3A_1487, %get3A_1512 : vector<16xf32>
        %add3A_1514 = arith.constant 16 : i32
        %add3A_1515 = arith.addi %shift_right_logical3A_1507, %add3A_1514 : i32
        %get3A_1516 = arith.index_cast %add3A_1515 : i32 to index
        %get3A_1517 = tpu.vector_load %arg6[%get3A_1516] {strides = array<i32>} : memref<32000xf32, #tpu.memory_space<vmem>>, vector<16xf32>,
        %get3A_1518 = vector.shape_cast %get3A_1517 : vector<16xf32> to vector<16xf32>
        %add3A_1519 = arith.addf %add3A_1493, %get3A_1518 : vector<16xf32>
        %get3A_1520 = arith.index_cast %and3A_1509 : i32 to index
        %get3A_1521 = tpu.vector_load %arg7[%get3A_1520] {strides = array<i32>} : memref<32000xf32, #tpu.memory_space<vmem>>, vector<16xf32>,
        %get3A_1522 = vector.shape_cast %get3A_1521 : vector<16xf32> to vector<16xf32>
        %add3A_1523 = arith.addf %add3A_1497, %get3A_1522 : vector<16xf32>
        %add3A_1524 = arith.constant 16 : i32
        %add3A_1525 = arith.addi %and3A_1509, %add3A_1524 : i32
        %get3A_1526 = arith.index_cast %add3A_1525 : i32 to index
        %get3A_1527 = tpu.vector_load %arg7[%get3A_1526] {strides = array<i32>} : memref<32000xf32, #tpu.memory_space<vmem>>, vector<16xf32>,
        %get3A_1528 = vector.shape_cast %get3A_1527 : vector<16xf32> to vector<16xf32>
        %add3A_1529 = arith.addf %add3A_1503, %get3A_1528 : vector<16xf32>
        %slice3A_1530 = vector.extract_strided_slice %add3A_262 {offsets = [11], sizes = [1], strides = [1]} : vector<16xi32> to vector<1xi32>
        %squeeze3A_1531 = vector.extract %slice3A_1530[0] : i32 from vector<1xi32>
        %shift_right_logical3A_1532 = arith.constant 16 : i32
        %shift_right_logical3A_1533 = arith.shrui %squeeze3A_1531, %shift_right_logical3A_1532 : i32
        %and3A_1534 = arith.constant 65535 : i32
        %and3A_1535 = arith.andi %squeeze3A_1531, %and3A_1534 : i32
        %get3A_1536 = arith.index_cast %shift_right_logical3A_1533 : i32 to index
        %get3A_1537 = tpu.vector_load %arg6[%get3A_1536] {strides = array<i32>} : memref<32000xf32, #tpu.memory_space<vmem>>, vector<16xf32>,
        %get3A_1538 = vector.shape_cast %get3A_1537 : vector<16xf32> to vector<16xf32>
        %add3A_1539 = arith.addf %add3A_1513, %get3A_1538 : vector<16xf32>
        %add3A_1540 = arith.constant 16 : i32
        %add3A_1541 = arith.addi %shift_right_logical3A_1533, %add3A_1540 : i32
        %get3A_1542 = arith.index_cast %add3A_1541 : i32 to index
        %get3A_1543 = tpu.vector_load %arg6[%get3A_1542] {strides = array<i32>} : memref<32000xf32, #tpu.memory_space<vmem>>, vector<16xf32>,
        %get3A_1544 = vector.shape_cast %get3A_1543 : vector<16xf32> to vector<16xf32>
        %add3A_1545 = arith.addf %add3A_1519, %get3A_1544 : vector<16xf32>
        %get3A_1546 = arith.index_cast %and3A_1535 : i32 to index
        %get3A_1547 = tpu.vector_load %arg7[%get3A_1546] {strides = array<i32>} : memref<32000xf32, #tpu.memory_space<vmem>>, vector<16xf32>,
        %get3A_1548 = vector.shape_cast %get3A_1547 : vector<16xf32> to vector<16xf32>
        %add3A_1549 = arith.addf %add3A_1523, %get3A_1548 : vector<16xf32>
        %add3A_1550 = arith.constant 16 : i32
        %add3A_1551 = arith.addi %and3A_1535, %add3A_1550 : i32
        %get3A_1552 = arith.index_cast %add3A_1551 : i32 to index
        %get3A_1553 = tpu.vector_load %arg7[%get3A_1552] {strides = array<i32>} : memref<32000xf32, #tpu.memory_space<vmem>>, vector<16xf32>,
        %get3A_1554 = vector.shape_cast %get3A_1553 : vector<16xf32> to vector<16xf32>
        %add3A_1555 = arith.addf %add3A_1529, %get3A_1554 : vector<16xf32>
        %slice3A_1556 = vector.extract_strided_slice %add3A_262 {offsets = [12], sizes = [1], strides = [1]} : vector<16xi32> to vector<1xi32>
        %squeeze3A_1557 = vector.extract %slice3A_1556[0] : i32 from vector<1xi32>
        %shift_right_logical3A_1558 = arith.constant 16 : i32
        %shift_right_logical3A_1559 = arith.shrui %squeeze3A_1557, %shift_right_logical3A_1558 : i32
        %and3A_1560 = arith.constant 65535 : i32
        %and3A_1561 = arith.andi %squeeze3A_1557, %and3A_1560 : i32
        %get3A_1562 = arith.index_cast %shift_right_logical3A_1559 : i32 to index
        %get3A_1563 = tpu.vector_load %arg6[%get3A_1562] {strides = array<i32>} : memref<32000xf32, #tpu.memory_space<vmem>>, vector<16xf32>,
        %get3A_1564 = vector.shape_cast %get3A_1563 : vector<16xf32> to vector<16xf32>
        %add3A_1565 = arith.addf %add3A_1539, %get3A_1564 : vector<16xf32>
        %add3A_1566 = arith.constant 16 : i32
        %add3A_1567 = arith.addi %shift_right_logical3A_1559, %add3A_1566 : i32
        %get3A_1568 = arith.index_cast %add3A_1567 : i32 to index
        %get3A_1569 = tpu.vector_load %arg6[%get3A_1568] {strides = array<i32>} : memref<32000xf32, #tpu.memory_space<vmem>>, vector<16xf32>,
        %get3A_1570 = vector.shape_cast %get3A_1569 : vector<16xf32> to vector<16xf32>
        %add3A_1571 = arith.addf %add3A_1545, %get3A_1570 : vector<16xf32>
        %get3A_1572 = arith.index_cast %and3A_1561 : i32 to index
        %get3A_1573 = tpu.vector_load %arg7[%get3A_1572] {strides = array<i32>} : memref<32000xf32, #tpu.memory_space<vmem>>, vector<16xf32>,
        %get3A_1574 = vector.shape_cast %get3A_1573 : vector<16xf32> to vector<16xf32>
        %add3A_1575 = arith.addf %add3A_1549, %get3A_1574 : vector<16xf32>
        %add3A_1576 = arith.constant 16 : i32
        %add3A_1577 = arith.addi %and3A_1561, %add3A_1576 : i32
        %get3A_1578 = arith.index_cast %add3A_1577 : i32 to index
        %get3A_1579 = tpu.vector_load %arg7[%get3A_1578] {strides = array<i32>} : memref<32000xf32, #tpu.memory_space<vmem>>, vector<16xf32>,
        %get3A_1580 = vector.shape_cast %get3A_1579 : vector<16xf32> to vector<16xf32>
        %add3A_1581 = arith.addf %add3A_1555, %get3A_1580 : vector<16xf32>
        %slice3A_1582 = vector.extract_strided_slice %add3A_262 {offsets = [13], sizes = [1], strides = [1]} : vector<16xi32> to vector<1xi32>
        %squeeze3A_1583 = vector.extract %slice3A_1582[0] : i32 from vector<1xi32>
        %shift_right_logical3A_1584 = arith.constant 16 : i32
        %shift_right_logical3A_1585 = arith.shrui %squeeze3A_1583, %shift_right_logical3A_1584 : i32
        %and3A_1586 = arith.constant 65535 : i32
        %and3A_1587 = arith.andi %squeeze3A_1583, %and3A_1586 : i32
        %get3A_1588 = arith.index_cast %shift_right_logical3A_1585 : i32 to index
        %get3A_1589 = tpu.vector_load %arg6[%get3A_1588] {strides = array<i32>} : memref<32000xf32, #tpu.memory_space<vmem>>, vector<16xf32>,
        %get3A_1590 = vector.shape_cast %get3A_1589 : vector<16xf32> to vector<16xf32>
        %add3A_1591 = arith.addf %add3A_1565, %get3A_1590 : vector<16xf32>
        %add3A_1592 = arith.constant 16 : i32
        %add3A_1593 = arith.addi %shift_right_logical3A_1585, %add3A_1592 : i32
        %get3A_1594 = arith.index_cast %add3A_1593 : i32 to index
        %get3A_1595 = tpu.vector_load %arg6[%get3A_1594] {strides = array<i32>} : memref<32000xf32, #tpu.memory_space<vmem>>, vector<16xf32>,
        %get3A_1596 = vector.shape_cast %get3A_1595 : vector<16xf32> to vector<16xf32>
        %add3A_1597 = arith.addf %add3A_1571, %get3A_1596 : vector<16xf32>
        %get3A_1598 = arith.index_cast %and3A_1587 : i32 to index
        %get3A_1599 = tpu.vector_load %arg7[%get3A_1598] {strides = array<i32>} : memref<32000xf32, #tpu.memory_space<vmem>>, vector<16xf32>,
        %get3A_1600 = vector.shape_cast %get3A_1599 : vector<16xf32> to vector<16xf32>
        %add3A_1601 = arith.addf %add3A_1575, %get3A_1600 : vector<16xf32>
        %add3A_1602 = arith.constant 16 : i32
        %add3A_1603 = arith.addi %and3A_1587, %add3A_1602 : i32
        %get3A_1604 = arith.index_cast %add3A_1603 : i32 to index
        %get3A_1605 = tpu.vector_load %arg7[%get3A_1604] {strides = array<i32>} : memref<32000xf32, #tpu.memory_space<vmem>>, vector<16xf32>,
        %get3A_1606 = vector.shape_cast %get3A_1605 : vector<16xf32> to vector<16xf32>
        %add3A_1607 = arith.addf %add3A_1581, %get3A_1606 : vector<16xf32>
        %slice3A_1608 = vector.extract_strided_slice %add3A_262 {offsets = [14], sizes = [1], strides = [1]} : vector<16xi32> to vector<1xi32>
        %squeeze3A_1609 = vector.extract %slice3A_1608[0] : i32 from vector<1xi32>
        %shift_right_logical3A_1610 = arith.constant 16 : i32
        %shift_right_logical3A_1611 = arith.shrui %squeeze3A_1609, %shift_right_logical3A_1610 : i32
        %and3A_1612 = arith.constant 65535 : i32
        %and3A_1613 = arith.andi %squeeze3A_1609, %and3A_1612 : i32
        %get3A_1614 = arith.index_cast %shift_right_logical3A_1611 : i32 to index
        %get3A_1615 = tpu.vector_load %arg6[%get3A_1614] {strides = array<i32>} : memref<32000xf32, #tpu.memory_space<vmem>>, vector<16xf32>,
        %get3A_1616 = vector.shape_cast %get3A_1615 : vector<16xf32> to vector<16xf32>
        %add3A_1617 = arith.addf %add3A_1591, %get3A_1616 : vector<16xf32>
        %add3A_1618 = arith.constant 16 : i32
        %add3A_1619 = arith.addi %shift_right_logical3A_1611, %add3A_1618 : i32
        %get3A_1620 = arith.index_cast %add3A_1619 : i32 to index
        %get3A_1621 = tpu.vector_load %arg6[%get3A_1620] {strides = array<i32>} : memref<32000xf32, #tpu.memory_space<vmem>>, vector<16xf32>,
        %get3A_1622 = vector.shape_cast %get3A_1621 : vector<16xf32> to vector<16xf32>
        %add3A_1623 = arith.addf %add3A_1597, %get3A_1622 : vector<16xf32>
        %get3A_1624 = arith.index_cast %and3A_1613 : i32 to index
        %get3A_1625 = tpu.vector_load %arg7[%get3A_1624] {strides = array<i32>} : memref<32000xf32, #tpu.memory_space<vmem>>, vector<16xf32>,
        %get3A_1626 = vector.shape_cast %get3A_1625 : vector<16xf32> to vector<16xf32>
        %add3A_1627 = arith.addf %add3A_1601, %get3A_1626 : vector<16xf32>
        %add3A_1628 = arith.constant 16 : i32
        %add3A_1629 = arith.addi %and3A_1613, %add3A_1628 : i32
        %get3A_1630 = arith.index_cast %add3A_1629 : i32 to index
        %get3A_1631 = tpu.vector_load %arg7[%get3A_1630] {strides = array<i32>} : memref<32000xf32, #tpu.memory_space<vmem>>, vector<16xf32>,
        %get3A_1632 = vector.shape_cast %get3A_1631 : vector<16xf32> to vector<16xf32>
        %add3A_1633 = arith.addf %add3A_1607, %get3A_1632 : vector<16xf32>
        %slice3A_1634 = vector.extract_strided_slice %add3A_262 {offsets = [15], sizes = [1], strides = [1]} : vector<16xi32> to vector<1xi32>
        %squeeze3A_1635 = vector.extract %slice3A_1634[0] : i32 from vector<1xi32>
        %shift_right_logical3A_1636 = arith.constant 16 : i32
        %shift_right_logical3A_1637 = arith.shrui %squeeze3A_1635, %shift_right_logical3A_1636 : i32
        %and3A_1638 = arith.constant 65535 : i32
        %and3A_1639 = arith.andi %squeeze3A_1635, %and3A_1638 : i32
        %get3A_1640 = arith.index_cast %shift_right_logical3A_1637 : i32 to index
        %get3A_1641 = tpu.vector_load %arg6[%get3A_1640] {strides = array<i32>} : memref<32000xf32, #tpu.memory_space<vmem>>, vector<16xf32>,
        %get3A_1642 = vector.shape_cast %get3A_1641 : vector<16xf32> to vector<16xf32>
        %add3A_1643 = arith.addf %add3A_1617, %get3A_1642 : vector<16xf32>
        %add3A_1644 = arith.constant 16 : i32
        %add3A_1645 = arith.addi %shift_right_logical3A_1637, %add3A_1644 : i32
        %get3A_1646 = arith.index_cast %add3A_1645 : i32 to index
        %get3A_1647 = tpu.vector_load %arg6[%get3A_1646] {strides = array<i32>} : memref<32000xf32, #tpu.memory_space<vmem>>, vector<16xf32>,
        %get3A_1648 = vector.shape_cast %get3A_1647 : vector<16xf32> to vector<16xf32>
        %add3A_1649 = arith.addf %add3A_1623, %get3A_1648 : vector<16xf32>
        %get3A_1650 = arith.index_cast %and3A_1639 : i32 to index
        %get3A_1651 = tpu.vector_load %arg7[%get3A_1650] {strides = array<i32>} : memref<32000xf32, #tpu.memory_space<vmem>>, vector<16xf32>,
        %get3A_1652 = vector.shape_cast %get3A_1651 : vector<16xf32> to vector<16xf32>
        %add3A_1653 = arith.addf %add3A_1627, %get3A_1652 : vector<16xf32>
        %add3A_1654 = arith.constant 16 : i32
        %add3A_1655 = arith.addi %and3A_1639, %add3A_1654 : i32
        %get3A_1656 = arith.index_cast %add3A_1655 : i32 to index
        %get3A_1657 = tpu.vector_load %arg7[%get3A_1656] {strides = array<i32>} : memref<32000xf32, #tpu.memory_space<vmem>>, vector<16xf32>,
        %get3A_1658 = vector.shape_cast %get3A_1657 : vector<16xf32> to vector<16xf32>
        %add3A_1659 = arith.addf %add3A_1633, %get3A_1658 : vector<16xf32>
        %slice3A_1660 = vector.extract_strided_slice %add3A_311 {offsets = [0], sizes = [1], strides = [1]} : vector<16xi32> to vector<1xi32>
        %squeeze3A_1661 = vector.extract %slice3A_1660[0] : i32 from vector<1xi32>
        %shift_right_logical3A_1662 = arith.constant 16 : i32
        %shift_right_logical3A_1663 = arith.shrui %squeeze3A_1661, %shift_right_logical3A_1662 : i32
        %and3A_1664 = arith.constant 65535 : i32
        %and3A_1665 = arith.andi %squeeze3A_1661, %and3A_1664 : i32
        %get3A_1666 = arith.index_cast %shift_right_logical3A_1663 : i32 to index
        %get3A_1667 = tpu.vector_load %arg6[%get3A_1666] {strides = array<i32>} : memref<32000xf32, #tpu.memory_space<vmem>>, vector<16xf32>,
        %get3A_1668 = vector.shape_cast %get3A_1667 : vector<16xf32> to vector<16xf32>
        %add3A_1669 = arith.addf %add3A_1643, %get3A_1668 : vector<16xf32>
        %add3A_1670 = arith.constant 16 : i32
        %add3A_1671 = arith.addi %shift_right_logical3A_1663, %add3A_1670 : i32
        %get3A_1672 = arith.index_cast %add3A_1671 : i32 to index
        %get3A_1673 = tpu.vector_load %arg6[%get3A_1672] {strides = array<i32>} : memref<32000xf32, #tpu.memory_space<vmem>>, vector<16xf32>,
        %get3A_1674 = vector.shape_cast %get3A_1673 : vector<16xf32> to vector<16xf32>
        %add3A_1675 = arith.addf %add3A_1649, %get3A_1674 : vector<16xf32>
        %get3A_1676 = arith.index_cast %and3A_1665 : i32 to index
        %get3A_1677 = tpu.vector_load %arg7[%get3A_1676] {strides = array<i32>} : memref<32000xf32, #tpu.memory_space<vmem>>, vector<16xf32>,
        %get3A_1678 = vector.shape_cast %get3A_1677 : vector<16xf32> to vector<16xf32>
        %add3A_1679 = arith.addf %add3A_1653, %get3A_1678 : vector<16xf32>
        %add3A_1680 = arith.constant 16 : i32
        %add3A_1681 = arith.addi %and3A_1665, %add3A_1680 : i32
        %get3A_1682 = arith.index_cast %add3A_1681 : i32 to index
        %get3A_1683 = tpu.vector_load %arg7[%get3A_1682] {strides = array<i32>} : memref<32000xf32, #tpu.memory_space<vmem>>, vector<16xf32>,
        %get3A_1684 = vector.shape_cast %get3A_1683 : vector<16xf32> to vector<16xf32>
        %add3A_1685 = arith.addf %add3A_1659, %get3A_1684 : vector<16xf32>
        %slice3A_1686 = vector.extract_strided_slice %add3A_311 {offsets = [1], sizes = [1], strides = [1]} : vector<16xi32> to vector<1xi32>
        %squeeze3A_1687 = vector.extract %slice3A_1686[0] : i32 from vector<1xi32>
        %shift_right_logical3A_1688 = arith.constant 16 : i32
        %shift_right_logical3A_1689 = arith.shrui %squeeze3A_1687, %shift_right_logical3A_1688 : i32
        %and3A_1690 = arith.constant 65535 : i32
        %and3A_1691 = arith.andi %squeeze3A_1687, %and3A_1690 : i32
        %get3A_1692 = arith.index_cast %shift_right_logical3A_1689 : i32 to index
        %get3A_1693 = tpu.vector_load %arg6[%get3A_1692] {strides = array<i32>} : memref<32000xf32, #tpu.memory_space<vmem>>, vector<16xf32>,
        %get3A_1694 = vector.shape_cast %get3A_1693 : vector<16xf32> to vector<16xf32>
        %add3A_1695 = arith.addf %add3A_1669, %get3A_1694 : vector<16xf32>
        %add3A_1696 = arith.constant 16 : i32
        %add3A_1697 = arith.addi %shift_right_logical3A_1689, %add3A_1696 : i32
        %get3A_1698 = arith.index_cast %add3A_1697 : i32 to index
        %get3A_1699 = tpu.vector_load %arg6[%get3A_1698] {strides = array<i32>} : memref<32000xf32, #tpu.memory_space<vmem>>, vector<16xf32>,
        %get3A_1700 = vector.shape_cast %get3A_1699 : vector<16xf32> to vector<16xf32>
        %add3A_1701 = arith.addf %add3A_1675, %get3A_1700 : vector<16xf32>
        %get3A_1702 = arith.index_cast %and3A_1691 : i32 to index
        %get3A_1703 = tpu.vector_load %arg7[%get3A_1702] {strides = array<i32>} : memref<32000xf32, #tpu.memory_space<vmem>>, vector<16xf32>,
        %get3A_1704 = vector.shape_cast %get3A_1703 : vector<16xf32> to vector<16xf32>
        %add3A_1705 = arith.addf %add3A_1679, %get3A_1704 : vector<16xf32>
        %add3A_1706 = arith.constant 16 : i32
        %add3A_1707 = arith.addi %and3A_1691, %add3A_1706 : i32
        %get3A_1708 = arith.index_cast %add3A_1707 : i32 to index
        %get3A_1709 = tpu.vector_load %arg7[%get3A_1708] {strides = array<i32>} : memref<32000xf32, #tpu.memory_space<vmem>>, vector<16xf32>,
        %get3A_1710 = vector.shape_cast %get3A_1709 : vector<16xf32> to vector<16xf32>
        %add3A_1711 = arith.addf %add3A_1685, %get3A_1710 : vector<16xf32>
        %slice3A_1712 = vector.extract_strided_slice %add3A_311 {offsets = [2], sizes = [1], strides = [1]} : vector<16xi32> to vector<1xi32>
        %squeeze3A_1713 = vector.extract %slice3A_1712[0] : i32 from vector<1xi32>
        %shift_right_logical3A_1714 = arith.constant 16 : i32
        %shift_right_logical3A_1715 = arith.shrui %squeeze3A_1713, %shift_right_logical3A_1714 : i32
        %and3A_1716 = arith.constant 65535 : i32
        %and3A_1717 = arith.andi %squeeze3A_1713, %and3A_1716 : i32
        %get3A_1718 = arith.index_cast %shift_right_logical3A_1715 : i32 to index
        %get3A_1719 = tpu.vector_load %arg6[%get3A_1718] {strides = array<i32>} : memref<32000xf32, #tpu.memory_space<vmem>>, vector<16xf32>,
        %get3A_1720 = vector.shape_cast %get3A_1719 : vector<16xf32> to vector<16xf32>
        %add3A_1721 = arith.addf %add3A_1695, %get3A_1720 : vector<16xf32>
        %add3A_1722 = arith.constant 16 : i32
        %add3A_1723 = arith.addi %shift_right_logical3A_1715, %add3A_1722 : i32
        %get3A_1724 = arith.index_cast %add3A_1723 : i32 to index
        %get3A_1725 = tpu.vector_load %arg6[%get3A_1724] {strides = array<i32>} : memref<32000xf32, #tpu.memory_space<vmem>>, vector<16xf32>,
        %get3A_1726 = vector.shape_cast %get3A_1725 : vector<16xf32> to vector<16xf32>
        %add3A_1727 = arith.addf %add3A_1701, %get3A_1726 : vector<16xf32>
        %get3A_1728 = arith.index_cast %and3A_1717 : i32 to index
        %get3A_1729 = tpu.vector_load %arg7[%get3A_1728] {strides = array<i32>} : memref<32000xf32, #tpu.memory_space<vmem>>, vector<16xf32>,
        %get3A_1730 = vector.shape_cast %get3A_1729 : vector<16xf32> to vector<16xf32>
        %add3A_1731 = arith.addf %add3A_1705, %get3A_1730 : vector<16xf32>
        %add3A_1732 = arith.constant 16 : i32
        %add3A_1733 = arith.addi %and3A_1717, %add3A_1732 : i32
        %get3A_1734 = arith.index_cast %add3A_1733 : i32 to index
        %get3A_1735 = tpu.vector_load %arg7[%get3A_1734] {strides = array<i32>} : memref<32000xf32, #tpu.memory_space<vmem>>, vector<16xf32>,
        %get3A_1736 = vector.shape_cast %get3A_1735 : vector<16xf32> to vector<16xf32>
        %add3A_1737 = arith.addf %add3A_1711, %get3A_1736 : vector<16xf32>
        %slice3A_1738 = vector.extract_strided_slice %add3A_311 {offsets = [3], sizes = [1], strides = [1]} : vector<16xi32> to vector<1xi32>
        %squeeze3A_1739 = vector.extract %slice3A_1738[0] : i32 from vector<1xi32>
        %shift_right_logical3A_1740 = arith.constant 16 : i32
        %shift_right_logical3A_1741 = arith.shrui %squeeze3A_1739, %shift_right_logical3A_1740 : i32
        %and3A_1742 = arith.constant 65535 : i32
        %and3A_1743 = arith.andi %squeeze3A_1739, %and3A_1742 : i32
        %get3A_1744 = arith.index_cast %shift_right_logical3A_1741 : i32 to index
        %get3A_1745 = tpu.vector_load %arg6[%get3A_1744] {strides = array<i32>} : memref<32000xf32, #tpu.memory_space<vmem>>, vector<16xf32>,
        %get3A_1746 = vector.shape_cast %get3A_1745 : vector<16xf32> to vector<16xf32>
        %add3A_1747 = arith.addf %add3A_1721, %get3A_1746 : vector<16xf32>
        %add3A_1748 = arith.constant 16 : i32
        %add3A_1749 = arith.addi %shift_right_logical3A_1741, %add3A_1748 : i32
        %get3A_1750 = arith.index_cast %add3A_1749 : i32 to index
        %get3A_1751 = tpu.vector_load %arg6[%get3A_1750] {strides = array<i32>} : memref<32000xf32, #tpu.memory_space<vmem>>, vector<16xf32>,
        %get3A_1752 = vector.shape_cast %get3A_1751 : vector<16xf32> to vector<16xf32>
        %add3A_1753 = arith.addf %add3A_1727, %get3A_1752 : vector<16xf32>
        %get3A_1754 = arith.index_cast %and3A_1743 : i32 to index
        %get3A_1755 = tpu.vector_load %arg7[%get3A_1754] {strides = array<i32>} : memref<32000xf32, #tpu.memory_space<vmem>>, vector<16xf32>,
        %get3A_1756 = vector.shape_cast %get3A_1755 : vector<16xf32> to vector<16xf32>
        %add3A_1757 = arith.addf %add3A_1731, %get3A_1756 : vector<16xf32>
        %add3A_1758 = arith.constant 16 : i32
        %add3A_1759 = arith.addi %and3A_1743, %add3A_1758 : i32
        %get3A_1760 = arith.index_cast %add3A_1759 : i32 to index
        %get3A_1761 = tpu.vector_load %arg7[%get3A_1760] {strides = array<i32>} : memref<32000xf32, #tpu.memory_space<vmem>>, vector<16xf32>,
        %get3A_1762 = vector.shape_cast %get3A_1761 : vector<16xf32> to vector<16xf32>
        %add3A_1763 = arith.addf %add3A_1737, %get3A_1762 : vector<16xf32>
        %slice3A_1764 = vector.extract_strided_slice %add3A_311 {offsets = [4], sizes = [1], strides = [1]} : vector<16xi32> to vector<1xi32>
        %squeeze3A_1765 = vector.extract %slice3A_1764[0] : i32 from vector<1xi32>
        %shift_right_logical3A_1766 = arith.constant 16 : i32
        %shift_right_logical3A_1767 = arith.shrui %squeeze3A_1765, %shift_right_logical3A_1766 : i32
        %and3A_1768 = arith.constant 65535 : i32
        %and3A_1769 = arith.andi %squeeze3A_1765, %and3A_1768 : i32
        %get3A_1770 = arith.index_cast %shift_right_logical3A_1767 : i32 to index
        %get3A_1771 = tpu.vector_load %arg6[%get3A_1770] {strides = array<i32>} : memref<32000xf32, #tpu.memory_space<vmem>>, vector<16xf32>,
        %get3A_1772 = vector.shape_cast %get3A_1771 : vector<16xf32> to vector<16xf32>
        %add3A_1773 = arith.addf %add3A_1747, %get3A_1772 : vector<16xf32>
        %add3A_1774 = arith.constant 16 : i32
        %add3A_1775 = arith.addi %shift_right_logical3A_1767, %add3A_1774 : i32
        %get3A_1776 = arith.index_cast %add3A_1775 : i32 to index
        %get3A_1777 = tpu.vector_load %arg6[%get3A_1776] {strides = array<i32>} : memref<32000xf32, #tpu.memory_space<vmem>>, vector<16xf32>,
        %get3A_1778 = vector.shape_cast %get3A_1777 : vector<16xf32> to vector<16xf32>
        %add3A_1779 = arith.addf %add3A_1753, %get3A_1778 : vector<16xf32>
        %get3A_1780 = arith.index_cast %and3A_1769 : i32 to index
        %get3A_1781 = tpu.vector_load %arg7[%get3A_1780] {strides = array<i32>} : memref<32000xf32, #tpu.memory_space<vmem>>, vector<16xf32>,
        %get3A_1782 = vector.shape_cast %get3A_1781 : vector<16xf32> to vector<16xf32>
        %add3A_1783 = arith.addf %add3A_1757, %get3A_1782 : vector<16xf32>
        %add3A_1784 = arith.constant 16 : i32
        %add3A_1785 = arith.addi %and3A_1769, %add3A_1784 : i32
        %get3A_1786 = arith.index_cast %add3A_1785 : i32 to index
        %get3A_1787 = tpu.vector_load %arg7[%get3A_1786] {strides = array<i32>} : memref<32000xf32, #tpu.memory_space<vmem>>, vector<16xf32>,
        %get3A_1788 = vector.shape_cast %get3A_1787 : vector<16xf32> to vector<16xf32>
        %add3A_1789 = arith.addf %add3A_1763, %get3A_1788 : vector<16xf32>
        %slice3A_1790 = vector.extract_strided_slice %add3A_311 {offsets = [5], sizes = [1], strides = [1]} : vector<16xi32> to vector<1xi32>
        %squeeze3A_1791 = vector.extract %slice3A_1790[0] : i32 from vector<1xi32>
        %shift_right_logical3A_1792 = arith.constant 16 : i32
        %shift_right_logical3A_1793 = arith.shrui %squeeze3A_1791, %shift_right_logical3A_1792 : i32
        %and3A_1794 = arith.constant 65535 : i32
        %and3A_1795 = arith.andi %squeeze3A_1791, %and3A_1794 : i32
        %get3A_1796 = arith.index_cast %shift_right_logical3A_1793 : i32 to index
        %get3A_1797 = tpu.vector_load %arg6[%get3A_1796] {strides = array<i32>} : memref<32000xf32, #tpu.memory_space<vmem>>, vector<16xf32>,
        %get3A_1798 = vector.shape_cast %get3A_1797 : vector<16xf32> to vector<16xf32>
        %add3A_1799 = arith.addf %add3A_1773, %get3A_1798 : vector<16xf32>
        %add3A_1800 = arith.constant 16 : i32
        %add3A_1801 = arith.addi %shift_right_logical3A_1793, %add3A_1800 : i32
        %get3A_1802 = arith.index_cast %add3A_1801 : i32 to index
        %get3A_1803 = tpu.vector_load %arg6[%get3A_1802] {strides = array<i32>} : memref<32000xf32, #tpu.memory_space<vmem>>, vector<16xf32>,
        %get3A_1804 = vector.shape_cast %get3A_1803 : vector<16xf32> to vector<16xf32>
        %add3A_1805 = arith.addf %add3A_1779, %get3A_1804 : vector<16xf32>
        %get3A_1806 = arith.index_cast %and3A_1795 : i32 to index
        %get3A_1807 = tpu.vector_load %arg7[%get3A_1806] {strides = array<i32>} : memref<32000xf32, #tpu.memory_space<vmem>>, vector<16xf32>,
        %get3A_1808 = vector.shape_cast %get3A_1807 : vector<16xf32> to vector<16xf32>
        %add3A_1809 = arith.addf %add3A_1783, %get3A_1808 : vector<16xf32>
        %add3A_1810 = arith.constant 16 : i32
        %add3A_1811 = arith.addi %and3A_1795, %add3A_1810 : i32
        %get3A_1812 = arith.index_cast %add3A_1811 : i32 to index
        %get3A_1813 = tpu.vector_load %arg7[%get3A_1812] {strides = array<i32>} : memref<32000xf32, #tpu.memory_space<vmem>>, vector<16xf32>,
        %get3A_1814 = vector.shape_cast %get3A_1813 : vector<16xf32> to vector<16xf32>
        %add3A_1815 = arith.addf %add3A_1789, %get3A_1814 : vector<16xf32>
        %slice3A_1816 = vector.extract_strided_slice %add3A_311 {offsets = [6], sizes = [1], strides = [1]} : vector<16xi32> to vector<1xi32>
        %squeeze3A_1817 = vector.extract %slice3A_1816[0] : i32 from vector<1xi32>
        %shift_right_logical3A_1818 = arith.constant 16 : i32
        %shift_right_logical3A_1819 = arith.shrui %squeeze3A_1817, %shift_right_logical3A_1818 : i32
        %and3A_1820 = arith.constant 65535 : i32
        %and3A_1821 = arith.andi %squeeze3A_1817, %and3A_1820 : i32
        %get3A_1822 = arith.index_cast %shift_right_logical3A_1819 : i32 to index
        %get3A_1823 = tpu.vector_load %arg6[%get3A_1822] {strides = array<i32>} : memref<32000xf32, #tpu.memory_space<vmem>>, vector<16xf32>,
        %get3A_1824 = vector.shape_cast %get3A_1823 : vector<16xf32> to vector<16xf32>
        %add3A_1825 = arith.addf %add3A_1799, %get3A_1824 : vector<16xf32>
        %add3A_1826 = arith.constant 16 : i32
        %add3A_1827 = arith.addi %shift_right_logical3A_1819, %add3A_1826 : i32
        %get3A_1828 = arith.index_cast %add3A_1827 : i32 to index
        %get3A_1829 = tpu.vector_load %arg6[%get3A_1828] {strides = array<i32>} : memref<32000xf32, #tpu.memory_space<vmem>>, vector<16xf32>,
        %get3A_1830 = vector.shape_cast %get3A_1829 : vector<16xf32> to vector<16xf32>
        %add3A_1831 = arith.addf %add3A_1805, %get3A_1830 : vector<16xf32>
        %get3A_1832 = arith.index_cast %and3A_1821 : i32 to index
        %get3A_1833 = tpu.vector_load %arg7[%get3A_1832] {strides = array<i32>} : memref<32000xf32, #tpu.memory_space<vmem>>, vector<16xf32>,
        %get3A_1834 = vector.shape_cast %get3A_1833 : vector<16xf32> to vector<16xf32>
        %add3A_1835 = arith.addf %add3A_1809, %get3A_1834 : vector<16xf32>
        %add3A_1836 = arith.constant 16 : i32
        %add3A_1837 = arith.addi %and3A_1821, %add3A_1836 : i32
        %get3A_1838 = arith.index_cast %add3A_1837 : i32 to index
        %get3A_1839 = tpu.vector_load %arg7[%get3A_1838] {strides = array<i32>} : memref<32000xf32, #tpu.memory_space<vmem>>, vector<16xf32>,
        %get3A_1840 = vector.shape_cast %get3A_1839 : vector<16xf32> to vector<16xf32>
        %add3A_1841 = arith.addf %add3A_1815, %get3A_1840 : vector<16xf32>
        %slice3A_1842 = vector.extract_strided_slice %add3A_311 {offsets = [7], sizes = [1], strides = [1]} : vector<16xi32> to vector<1xi32>
        %squeeze3A_1843 = vector.extract %slice3A_1842[0] : i32 from vector<1xi32>
        %shift_right_logical3A_1844 = arith.constant 16 : i32
        %shift_right_logical3A_1845 = arith.shrui %squeeze3A_1843, %shift_right_logical3A_1844 : i32
        %and3A_1846 = arith.constant 65535 : i32
        %and3A_1847 = arith.andi %squeeze3A_1843, %and3A_1846 : i32
        %get3A_1848 = arith.index_cast %shift_right_logical3A_1845 : i32 to index
        %get3A_1849 = tpu.vector_load %arg6[%get3A_1848] {strides = array<i32>} : memref<32000xf32, #tpu.memory_space<vmem>>, vector<16xf32>,
        %get3A_1850 = vector.shape_cast %get3A_1849 : vector<16xf32> to vector<16xf32>
        %add3A_1851 = arith.addf %add3A_1825, %get3A_1850 : vector<16xf32>
        %add3A_1852 = arith.constant 16 : i32
        %add3A_1853 = arith.addi %shift_right_logical3A_1845, %add3A_1852 : i32
        %get3A_1854 = arith.index_cast %add3A_1853 : i32 to index
        %get3A_1855 = tpu.vector_load %arg6[%get3A_1854] {strides = array<i32>} : memref<32000xf32, #tpu.memory_space<vmem>>, vector<16xf32>,
        %get3A_1856 = vector.shape_cast %get3A_1855 : vector<16xf32> to vector<16xf32>
        %add3A_1857 = arith.addf %add3A_1831, %get3A_1856 : vector<16xf32>
        %get3A_1858 = arith.index_cast %and3A_1847 : i32 to index
        %get3A_1859 = tpu.vector_load %arg7[%get3A_1858] {strides = array<i32>} : memref<32000xf32, #tpu.memory_space<vmem>>, vector<16xf32>,
        %get3A_1860 = vector.shape_cast %get3A_1859 : vector<16xf32> to vector<16xf32>
        %add3A_1861 = arith.addf %add3A_1835, %get3A_1860 : vector<16xf32>
        %add3A_1862 = arith.constant 16 : i32
        %add3A_1863 = arith.addi %and3A_1847, %add3A_1862 : i32
        %get3A_1864 = arith.index_cast %add3A_1863 : i32 to index
        %get3A_1865 = tpu.vector_load %arg7[%get3A_1864] {strides = array<i32>} : memref<32000xf32, #tpu.memory_space<vmem>>, vector<16xf32>,
        %get3A_1866 = vector.shape_cast %get3A_1865 : vector<16xf32> to vector<16xf32>
        %add3A_1867 = arith.addf %add3A_1841, %get3A_1866 : vector<16xf32>
        %slice3A_1868 = vector.extract_strided_slice %add3A_311 {offsets = [8], sizes = [1], strides = [1]} : vector<16xi32> to vector<1xi32>
        %squeeze3A_1869 = vector.extract %slice3A_1868[0] : i32 from vector<1xi32>
        %shift_right_logical3A_1870 = arith.constant 16 : i32
        %shift_right_logical3A_1871 = arith.shrui %squeeze3A_1869, %shift_right_logical3A_1870 : i32
        %and3A_1872 = arith.constant 65535 : i32
        %and3A_1873 = arith.andi %squeeze3A_1869, %and3A_1872 : i32
        %get3A_1874 = arith.index_cast %shift_right_logical3A_1871 : i32 to index
        %get3A_1875 = tpu.vector_load %arg6[%get3A_1874] {strides = array<i32>} : memref<32000xf32, #tpu.memory_space<vmem>>, vector<16xf32>,
        %get3A_1876 = vector.shape_cast %get3A_1875 : vector<16xf32> to vector<16xf32>
        %add3A_1877 = arith.addf %add3A_1851, %get3A_1876 : vector<16xf32>
        %add3A_1878 = arith.constant 16 : i32
        %add3A_1879 = arith.addi %shift_right_logical3A_1871, %add3A_1878 : i32
        %get3A_1880 = arith.index_cast %add3A_1879 : i32 to index
        %get3A_1881 = tpu.vector_load %arg6[%get3A_1880] {strides = array<i32>} : memref<32000xf32, #tpu.memory_space<vmem>>, vector<16xf32>,
        %get3A_1882 = vector.shape_cast %get3A_1881 : vector<16xf32> to vector<16xf32>
        %add3A_1883 = arith.addf %add3A_1857, %get3A_1882 : vector<16xf32>
        %get3A_1884 = arith.index_cast %and3A_1873 : i32 to index
        %get3A_1885 = tpu.vector_load %arg7[%get3A_1884] {strides = array<i32>} : memref<32000xf32, #tpu.memory_space<vmem>>, vector<16xf32>,
        %get3A_1886 = vector.shape_cast %get3A_1885 : vector<16xf32> to vector<16xf32>
        %add3A_1887 = arith.addf %add3A_1861, %get3A_1886 : vector<16xf32>
        %add3A_1888 = arith.constant 16 : i32
        %add3A_1889 = arith.addi %and3A_1873, %add3A_1888 : i32
        %get3A_1890 = arith.index_cast %add3A_1889 : i32 to index
        %get3A_1891 = tpu.vector_load %arg7[%get3A_1890] {strides = array<i32>} : memref<32000xf32, #tpu.memory_space<vmem>>, vector<16xf32>,
        %get3A_1892 = vector.shape_cast %get3A_1891 : vector<16xf32> to vector<16xf32>
        %add3A_1893 = arith.addf %add3A_1867, %get3A_1892 : vector<16xf32>
        %slice3A_1894 = vector.extract_strided_slice %add3A_311 {offsets = [9], sizes = [1], strides = [1]} : vector<16xi32> to vector<1xi32>
        %squeeze3A_1895 = vector.extract %slice3A_1894[0] : i32 from vector<1xi32>
        %shift_right_logical3A_1896 = arith.constant 16 : i32
        %shift_right_logical3A_1897 = arith.shrui %squeeze3A_1895, %shift_right_logical3A_1896 : i32
        %and3A_1898 = arith.constant 65535 : i32
        %and3A_1899 = arith.andi %squeeze3A_1895, %and3A_1898 : i32
        %get3A_1900 = arith.index_cast %shift_right_logical3A_1897 : i32 to index
        %get3A_1901 = tpu.vector_load %arg6[%get3A_1900] {strides = array<i32>} : memref<32000xf32, #tpu.memory_space<vmem>>, vector<16xf32>,
        %get3A_1902 = vector.shape_cast %get3A_1901 : vector<16xf32> to vector<16xf32>
        %add3A_1903 = arith.addf %add3A_1877, %get3A_1902 : vector<16xf32>
        %add3A_1904 = arith.constant 16 : i32
        %add3A_1905 = arith.addi %shift_right_logical3A_1897, %add3A_1904 : i32
        %get3A_1906 = arith.index_cast %add3A_1905 : i32 to index
        %get3A_1907 = tpu.vector_load %arg6[%get3A_1906] {strides = array<i32>} : memref<32000xf32, #tpu.memory_space<vmem>>, vector<16xf32>,
        %get3A_1908 = vector.shape_cast %get3A_1907 : vector<16xf32> to vector<16xf32>
        %add3A_1909 = arith.addf %add3A_1883, %get3A_1908 : vector<16xf32>
        %get3A_1910 = arith.index_cast %and3A_1899 : i32 to index
        %get3A_1911 = tpu.vector_load %arg7[%get3A_1910] {strides = array<i32>} : memref<32000xf32, #tpu.memory_space<vmem>>, vector<16xf32>,
        %get3A_1912 = vector.shape_cast %get3A_1911 : vector<16xf32> to vector<16xf32>
        %add3A_1913 = arith.addf %add3A_1887, %get3A_1912 : vector<16xf32>
        %add3A_1914 = arith.constant 16 : i32
        %add3A_1915 = arith.addi %and3A_1899, %add3A_1914 : i32
        %get3A_1916 = arith.index_cast %add3A_1915 : i32 to index
        %get3A_1917 = tpu.vector_load %arg7[%get3A_1916] {strides = array<i32>} : memref<32000xf32, #tpu.memory_space<vmem>>, vector<16xf32>,
        %get3A_1918 = vector.shape_cast %get3A_1917 : vector<16xf32> to vector<16xf32>
        %add3A_1919 = arith.addf %add3A_1893, %get3A_1918 : vector<16xf32>
        %slice3A_1920 = vector.extract_strided_slice %add3A_311 {offsets = [10], sizes = [1], strides = [1]} : vector<16xi32> to vector<1xi32>
        %squeeze3A_1921 = vector.extract %slice3A_1920[0] : i32 from vector<1xi32>
        %shift_right_logical3A_1922 = arith.constant 16 : i32
        %shift_right_logical3A_1923 = arith.shrui %squeeze3A_1921, %shift_right_logical3A_1922 : i32
        %and3A_1924 = arith.constant 65535 : i32
        %and3A_1925 = arith.andi %squeeze3A_1921, %and3A_1924 : i32
        %get3A_1926 = arith.index_cast %shift_right_logical3A_1923 : i32 to index
        %get3A_1927 = tpu.vector_load %arg6[%get3A_1926] {strides = array<i32>} : memref<32000xf32, #tpu.memory_space<vmem>>, vector<16xf32>,
        %get3A_1928 = vector.shape_cast %get3A_1927 : vector<16xf32> to vector<16xf32>
        %add3A_1929 = arith.addf %add3A_1903, %get3A_1928 : vector<16xf32>
        %add3A_1930 = arith.constant 16 : i32
        %add3A_1931 = arith.addi %shift_right_logical3A_1923, %add3A_1930 : i32
        %get3A_1932 = arith.index_cast %add3A_1931 : i32 to index
        %get3A_1933 = tpu.vector_load %arg6[%get3A_1932] {strides = array<i32>} : memref<32000xf32, #tpu.memory_space<vmem>>, vector<16xf32>,
        %get3A_1934 = vector.shape_cast %get3A_1933 : vector<16xf32> to vector<16xf32>
        %add3A_1935 = arith.addf %add3A_1909, %get3A_1934 : vector<16xf32>
        %get3A_1936 = arith.index_cast %and3A_1925 : i32 to index
        %get3A_1937 = tpu.vector_load %arg7[%get3A_1936] {strides = array<i32>} : memref<32000xf32, #tpu.memory_space<vmem>>, vector<16xf32>,
        %get3A_1938 = vector.shape_cast %get3A_1937 : vector<16xf32> to vector<16xf32>
        %add3A_1939 = arith.addf %add3A_1913, %get3A_1938 : vector<16xf32>
        %add3A_1940 = arith.constant 16 : i32
        %add3A_1941 = arith.addi %and3A_1925, %add3A_1940 : i32
        %get3A_1942 = arith.index_cast %add3A_1941 : i32 to index
        %get3A_1943 = tpu.vector_load %arg7[%get3A_1942] {strides = array<i32>} : memref<32000xf32, #tpu.memory_space<vmem>>, vector<16xf32>,
        %get3A_1944 = vector.shape_cast %get3A_1943 : vector<16xf32> to vector<16xf32>
        %add3A_1945 = arith.addf %add3A_1919, %get3A_1944 : vector<16xf32>
        %slice3A_1946 = vector.extract_strided_slice %add3A_311 {offsets = [11], sizes = [1], strides = [1]} : vector<16xi32> to vector<1xi32>
        %squeeze3A_1947 = vector.extract %slice3A_1946[0] : i32 from vector<1xi32>
        %shift_right_logical3A_1948 = arith.constant 16 : i32
        %shift_right_logical3A_1949 = arith.shrui %squeeze3A_1947, %shift_right_logical3A_1948 : i32
        %and3A_1950 = arith.constant 65535 : i32
        %and3A_1951 = arith.andi %squeeze3A_1947, %and3A_1950 : i32
        %get3A_1952 = arith.index_cast %shift_right_logical3A_1949 : i32 to index
        %get3A_1953 = tpu.vector_load %arg6[%get3A_1952] {strides = array<i32>} : memref<32000xf32, #tpu.memory_space<vmem>>, vector<16xf32>,
        %get3A_1954 = vector.shape_cast %get3A_1953 : vector<16xf32> to vector<16xf32>
        %add3A_1955 = arith.addf %add3A_1929, %get3A_1954 : vector<16xf32>
        %add3A_1956 = arith.constant 16 : i32
        %add3A_1957 = arith.addi %shift_right_logical3A_1949, %add3A_1956 : i32
        %get3A_1958 = arith.index_cast %add3A_1957 : i32 to index
        %get3A_1959 = tpu.vector_load %arg6[%get3A_1958] {strides = array<i32>} : memref<32000xf32, #tpu.memory_space<vmem>>, vector<16xf32>,
        %get3A_1960 = vector.shape_cast %get3A_1959 : vector<16xf32> to vector<16xf32>
        %add3A_1961 = arith.addf %add3A_1935, %get3A_1960 : vector<16xf32>
        %get3A_1962 = arith.index_cast %and3A_1951 : i32 to index
        %get3A_1963 = tpu.vector_load %arg7[%get3A_1962] {strides = array<i32>} : memref<32000xf32, #tpu.memory_space<vmem>>, vector<16xf32>,
        %get3A_1964 = vector.shape_cast %get3A_1963 : vector<16xf32> to vector<16xf32>
        %add3A_1965 = arith.addf %add3A_1939, %get3A_1964 : vector<16xf32>
        %add3A_1966 = arith.constant 16 : i32
        %add3A_1967 = arith.addi %and3A_1951, %add3A_1966 : i32
        %get3A_1968 = arith.index_cast %add3A_1967 : i32 to index
        %get3A_1969 = tpu.vector_load %arg7[%get3A_1968] {strides = array<i32>} : memref<32000xf32, #tpu.memory_space<vmem>>, vector<16xf32>,
        %get3A_1970 = vector.shape_cast %get3A_1969 : vector<16xf32> to vector<16xf32>
        %add3A_1971 = arith.addf %add3A_1945, %get3A_1970 : vector<16xf32>
        %mul3A_1972 = arith.constant 4 : i32
        %mul3A_1973 = arith.muli %scan3A_112, %mul3A_1972 : i32
        %add3A_1974 = arith.constant 2 : i32
        %add3A_1975 = arith.addi %mul3A_1973, %add3A_1974 : i32
        %mul3A_1976 = arith.mulf %add3A_1955, %add3A_1965 : vector<16xf32>
        %swap3A_1977 = arith.index_cast %add3A_1975 : i32 to index
        %swap3A_1978 = arith.constant 0 : index
        %swap3A_1979 = tpu.vector_load %arg10[%swap3A_1977, %swap3A_1978] {strides = array<i32>} : memref<128x32xf32, #tpu.memory_space<vmem>>, vector<1x16xf32>,
        %swap3A_1980 = vector.shape_cast %swap3A_1979 : vector<1x16xf32> to vector<16xf32>
        %swap3A_1981 = vector.shape_cast %mul3A_1976 : vector<16xf32> to vector<1x16xf32>
        tpu.vector_store %arg10[%swap3A_1977, %swap3A_1978], %swap3A_1981 {strides = array<i32>} : memref<128x32xf32, #tpu.memory_space<vmem>>, vector<1x16xf32>,
        %mul3A_1982 = arith.mulf %add3A_1961, %add3A_1971 : vector<16xf32>
        %swap3A_1983 = arith.index_cast %add3A_1975 : i32 to index
        %swap3A_1984 = arith.constant 16 : index
        %swap3A_1985 = tpu.vector_load %arg10[%swap3A_1983, %swap3A_1984] {strides = array<i32>} : memref<128x32xf32, #tpu.memory_space<vmem>>, vector<1x16xf32>,
        %swap3A_1986 = vector.shape_cast %swap3A_1985 : vector<1x16xf32> to vector<16xf32>
        %swap3A_1987 = vector.shape_cast %mul3A_1982 : vector<16xf32> to vector<1x16xf32>
        tpu.vector_store %arg10[%swap3A_1983, %swap3A_1984], %swap3A_1987 {strides = array<i32>} : memref<128x32xf32, #tpu.memory_space<vmem>>, vector<1x16xf32>,
        %broadcast_in_dim3A_1988 = arith.constant 0.000000e+00 : f32
        %broadcast_in_dim3A_1989 = vector.broadcast %broadcast_in_dim3A_1988 : f32 to vector<16xf32>
        %broadcast_in_dim3A_1990 = arith.constant 0.000000e+00 : f32
        %broadcast_in_dim3A_1991 = vector.broadcast %broadcast_in_dim3A_1990 : f32 to vector<16xf32>
        %broadcast_in_dim3A_1992 = arith.constant 0.000000e+00 : f32
        %broadcast_in_dim3A_1993 = vector.broadcast %broadcast_in_dim3A_1992 : f32 to vector<16xf32>
        %broadcast_in_dim3A_1994 = arith.constant 0.000000e+00 : f32
        %broadcast_in_dim3A_1995 = vector.broadcast %broadcast_in_dim3A_1994 : f32 to vector<16xf32>
        %slice3A_1996 = vector.extract_strided_slice %add3A_311 {offsets = [12], sizes = [1], strides = [1]} : vector<16xi32> to vector<1xi32>
        %squeeze3A_1997 = vector.extract %slice3A_1996[0] : i32 from vector<1xi32>
        %shift_right_logical3A_1998 = arith.constant 16 : i32
        %shift_right_logical3A_1999 = arith.shrui %squeeze3A_1997, %shift_right_logical3A_1998 : i32
        %and3A_2000 = arith.constant 65535 : i32
        %and3A_2001 = arith.andi %squeeze3A_1997, %and3A_2000 : i32
        %get3A_2002 = arith.index_cast %shift_right_logical3A_1999 : i32 to index
        %get3A_2003 = tpu.vector_load %arg6[%get3A_2002] {strides = array<i32>} : memref<32000xf32, #tpu.memory_space<vmem>>, vector<16xf32>,
        %get3A_2004 = vector.shape_cast %get3A_2003 : vector<16xf32> to vector<16xf32>
        %add3A_2005 = arith.addf %broadcast_in_dim3A_1989, %get3A_2004 : vector<16xf32>
        %add3A_2006 = arith.constant 16 : i32
        %add3A_2007 = arith.addi %shift_right_logical3A_1999, %add3A_2006 : i32
        %get3A_2008 = arith.index_cast %add3A_2007 : i32 to index
        %get3A_2009 = tpu.vector_load %arg6[%get3A_2008] {strides = array<i32>} : memref<32000xf32, #tpu.memory_space<vmem>>, vector<16xf32>,
        %get3A_2010 = vector.shape_cast %get3A_2009 : vector<16xf32> to vector<16xf32>
        %add3A_2011 = arith.addf %broadcast_in_dim3A_1991, %get3A_2010 : vector<16xf32>
        %get3A_2012 = arith.index_cast %and3A_2001 : i32 to index
        %get3A_2013 = tpu.vector_load %arg7[%get3A_2012] {strides = array<i32>} : memref<32000xf32, #tpu.memory_space<vmem>>, vector<16xf32>,
        %get3A_2014 = vector.shape_cast %get3A_2013 : vector<16xf32> to vector<16xf32>
        %add3A_2015 = arith.addf %broadcast_in_dim3A_1993, %get3A_2014 : vector<16xf32>
        %add3A_2016 = arith.constant 16 : i32
        %add3A_2017 = arith.addi %and3A_2001, %add3A_2016 : i32
        %get3A_2018 = arith.index_cast %add3A_2017 : i32 to index
        %get3A_2019 = tpu.vector_load %arg7[%get3A_2018] {strides = array<i32>} : memref<32000xf32, #tpu.memory_space<vmem>>, vector<16xf32>,
        %get3A_2020 = vector.shape_cast %get3A_2019 : vector<16xf32> to vector<16xf32>
        %add3A_2021 = arith.addf %broadcast_in_dim3A_1995, %get3A_2020 : vector<16xf32>
        %slice3A_2022 = vector.extract_strided_slice %add3A_311 {offsets = [13], sizes = [1], strides = [1]} : vector<16xi32> to vector<1xi32>
        %squeeze3A_2023 = vector.extract %slice3A_2022[0] : i32 from vector<1xi32>
        %shift_right_logical3A_2024 = arith.constant 16 : i32
        %shift_right_logical3A_2025 = arith.shrui %squeeze3A_2023, %shift_right_logical3A_2024 : i32
        %and3A_2026 = arith.constant 65535 : i32
        %and3A_2027 = arith.andi %squeeze3A_2023, %and3A_2026 : i32
        %get3A_2028 = arith.index_cast %shift_right_logical3A_2025 : i32 to index
        %get3A_2029 = tpu.vector_load %arg6[%get3A_2028] {strides = array<i32>} : memref<32000xf32, #tpu.memory_space<vmem>>, vector<16xf32>,
        %get3A_2030 = vector.shape_cast %get3A_2029 : vector<16xf32> to vector<16xf32>
        %add3A_2031 = arith.addf %add3A_2005, %get3A_2030 : vector<16xf32>
        %add3A_2032 = arith.constant 16 : i32
        %add3A_2033 = arith.addi %shift_right_logical3A_2025, %add3A_2032 : i32
        %get3A_2034 = arith.index_cast %add3A_2033 : i32 to index
        %get3A_2035 = tpu.vector_load %arg6[%get3A_2034] {strides = array<i32>} : memref<32000xf32, #tpu.memory_space<vmem>>, vector<16xf32>,
        %get3A_2036 = vector.shape_cast %get3A_2035 : vector<16xf32> to vector<16xf32>
        %add3A_2037 = arith.addf %add3A_2011, %get3A_2036 : vector<16xf32>
        %get3A_2038 = arith.index_cast %and3A_2027 : i32 to index
        %get3A_2039 = tpu.vector_load %arg7[%get3A_2038] {strides = array<i32>} : memref<32000xf32, #tpu.memory_space<vmem>>, vector<16xf32>,
        %get3A_2040 = vector.shape_cast %get3A_2039 : vector<16xf32> to vector<16xf32>
        %add3A_2041 = arith.addf %add3A_2015, %get3A_2040 : vector<16xf32>
        %add3A_2042 = arith.constant 16 : i32
        %add3A_2043 = arith.addi %and3A_2027, %add3A_2042 : i32
        %get3A_2044 = arith.index_cast %add3A_2043 : i32 to index
        %get3A_2045 = tpu.vector_load %arg7[%get3A_2044] {strides = array<i32>} : memref<32000xf32, #tpu.memory_space<vmem>>, vector<16xf32>,
        %get3A_2046 = vector.shape_cast %get3A_2045 : vector<16xf32> to vector<16xf32>
        %add3A_2047 = arith.addf %add3A_2021, %get3A_2046 : vector<16xf32>
        %slice3A_2048 = vector.extract_strided_slice %add3A_311 {offsets = [14], sizes = [1], strides = [1]} : vector<16xi32> to vector<1xi32>
        %squeeze3A_2049 = vector.extract %slice3A_2048[0] : i32 from vector<1xi32>
        %shift_right_logical3A_2050 = arith.constant 16 : i32
        %shift_right_logical3A_2051 = arith.shrui %squeeze3A_2049, %shift_right_logical3A_2050 : i32
        %and3A_2052 = arith.constant 65535 : i32
        %and3A_2053 = arith.andi %squeeze3A_2049, %and3A_2052 : i32
        %get3A_2054 = arith.index_cast %shift_right_logical3A_2051 : i32 to index
        %get3A_2055 = tpu.vector_load %arg6[%get3A_2054] {strides = array<i32>} : memref<32000xf32, #tpu.memory_space<vmem>>, vector<16xf32>,
        %get3A_2056 = vector.shape_cast %get3A_2055 : vector<16xf32> to vector<16xf32>
        %add3A_2057 = arith.addf %add3A_2031, %get3A_2056 : vector<16xf32>
        %add3A_2058 = arith.constant 16 : i32
        %add3A_2059 = arith.addi %shift_right_logical3A_2051, %add3A_2058 : i32
        %get3A_2060 = arith.index_cast %add3A_2059 : i32 to index
        %get3A_2061 = tpu.vector_load %arg6[%get3A_2060] {strides = array<i32>} : memref<32000xf32, #tpu.memory_space<vmem>>, vector<16xf32>,
        %get3A_2062 = vector.shape_cast %get3A_2061 : vector<16xf32> to vector<16xf32>
        %add3A_2063 = arith.addf %add3A_2037, %get3A_2062 : vector<16xf32>
        %get3A_2064 = arith.index_cast %and3A_2053 : i32 to index
        %get3A_2065 = tpu.vector_load %arg7[%get3A_2064] {strides = array<i32>} : memref<32000xf32, #tpu.memory_space<vmem>>, vector<16xf32>,
        %get3A_2066 = vector.shape_cast %get3A_2065 : vector<16xf32> to vector<16xf32>
        %add3A_2067 = arith.addf %add3A_2041, %get3A_2066 : vector<16xf32>
        %add3A_2068 = arith.constant 16 : i32
        %add3A_2069 = arith.addi %and3A_2053, %add3A_2068 : i32
        %get3A_2070 = arith.index_cast %add3A_2069 : i32 to index
        %get3A_2071 = tpu.vector_load %arg7[%get3A_2070] {strides = array<i32>} : memref<32000xf32, #tpu.memory_space<vmem>>, vector<16xf32>,
        %get3A_2072 = vector.shape_cast %get3A_2071 : vector<16xf32> to vector<16xf32>
        %add3A_2073 = arith.addf %add3A_2047, %get3A_2072 : vector<16xf32>
        %slice3A_2074 = vector.extract_strided_slice %add3A_311 {offsets = [15], sizes = [1], strides = [1]} : vector<16xi32> to vector<1xi32>
        %squeeze3A_2075 = vector.extract %slice3A_2074[0] : i32 from vector<1xi32>
        %shift_right_logical3A_2076 = arith.constant 16 : i32
        %shift_right_logical3A_2077 = arith.shrui %squeeze3A_2075, %shift_right_logical3A_2076 : i32
        %and3A_2078 = arith.constant 65535 : i32
        %and3A_2079 = arith.andi %squeeze3A_2075, %and3A_2078 : i32
        %get3A_2080 = arith.index_cast %shift_right_logical3A_2077 : i32 to index
        %get3A_2081 = tpu.vector_load %arg6[%get3A_2080] {strides = array<i32>} : memref<32000xf32, #tpu.memory_space<vmem>>, vector<16xf32>,
        %get3A_2082 = vector.shape_cast %get3A_2081 : vector<16xf32> to vector<16xf32>
        %add3A_2083 = arith.addf %add3A_2057, %get3A_2082 : vector<16xf32>
        %add3A_2084 = arith.constant 16 : i32
        %add3A_2085 = arith.addi %shift_right_logical3A_2077, %add3A_2084 : i32
        %get3A_2086 = arith.index_cast %add3A_2085 : i32 to index
        %get3A_2087 = tpu.vector_load %arg6[%get3A_2086] {strides = array<i32>} : memref<32000xf32, #tpu.memory_space<vmem>>, vector<16xf32>,
        %get3A_2088 = vector.shape_cast %get3A_2087 : vector<16xf32> to vector<16xf32>
        %add3A_2089 = arith.addf %add3A_2063, %get3A_2088 : vector<16xf32>
        %get3A_2090 = arith.index_cast %and3A_2079 : i32 to index
        %get3A_2091 = tpu.vector_load %arg7[%get3A_2090] {strides = array<i32>} : memref<32000xf32, #tpu.memory_space<vmem>>, vector<16xf32>,
        %get3A_2092 = vector.shape_cast %get3A_2091 : vector<16xf32> to vector<16xf32>
        %add3A_2093 = arith.addf %add3A_2067, %get3A_2092 : vector<16xf32>
        %add3A_2094 = arith.constant 16 : i32
        %add3A_2095 = arith.addi %and3A_2079, %add3A_2094 : i32
        %get3A_2096 = arith.index_cast %add3A_2095 : i32 to index
        %get3A_2097 = tpu.vector_load %arg7[%get3A_2096] {strides = array<i32>} : memref<32000xf32, #tpu.memory_space<vmem>>, vector<16xf32>,
        %get3A_2098 = vector.shape_cast %get3A_2097 : vector<16xf32> to vector<16xf32>
        %add3A_2099 = arith.addf %add3A_2073, %get3A_2098 : vector<16xf32>
        %slice3A_2100 = vector.extract_strided_slice %add3A_360 {offsets = [0], sizes = [1], strides = [1]} : vector<16xi32> to vector<1xi32>
        %squeeze3A_2101 = vector.extract %slice3A_2100[0] : i32 from vector<1xi32>
        %shift_right_logical3A_2102 = arith.constant 16 : i32
        %shift_right_logical3A_2103 = arith.shrui %squeeze3A_2101, %shift_right_logical3A_2102 : i32
        %and3A_2104 = arith.constant 65535 : i32
        %and3A_2105 = arith.andi %squeeze3A_2101, %and3A_2104 : i32
        %get3A_2106 = arith.index_cast %shift_right_logical3A_2103 : i32 to index
        %get3A_2107 = tpu.vector_load %arg6[%get3A_2106] {strides = array<i32>} : memref<32000xf32, #tpu.memory_space<vmem>>, vector<16xf32>,
        %get3A_2108 = vector.shape_cast %get3A_2107 : vector<16xf32> to vector<16xf32>
        %add3A_2109 = arith.addf %add3A_2083, %get3A_2108 : vector<16xf32>
        %add3A_2110 = arith.constant 16 : i32
        %add3A_2111 = arith.addi %shift_right_logical3A_2103, %add3A_2110 : i32
        %get3A_2112 = arith.index_cast %add3A_2111 : i32 to index
        %get3A_2113 = tpu.vector_load %arg6[%get3A_2112] {strides = array<i32>} : memref<32000xf32, #tpu.memory_space<vmem>>, vector<16xf32>,
        %get3A_2114 = vector.shape_cast %get3A_2113 : vector<16xf32> to vector<16xf32>
        %add3A_2115 = arith.addf %add3A_2089, %get3A_2114 : vector<16xf32>
        %get3A_2116 = arith.index_cast %and3A_2105 : i32 to index
        %get3A_2117 = tpu.vector_load %arg7[%get3A_2116] {strides = array<i32>} : memref<32000xf32, #tpu.memory_space<vmem>>, vector<16xf32>,
        %get3A_2118 = vector.shape_cast %get3A_2117 : vector<16xf32> to vector<16xf32>
        %add3A_2119 = arith.addf %add3A_2093, %get3A_2118 : vector<16xf32>
        %add3A_2120 = arith.constant 16 : i32
        %add3A_2121 = arith.addi %and3A_2105, %add3A_2120 : i32
        %get3A_2122 = arith.index_cast %add3A_2121 : i32 to index
        %get3A_2123 = tpu.vector_load %arg7[%get3A_2122] {strides = array<i32>} : memref<32000xf32, #tpu.memory_space<vmem>>, vector<16xf32>,
        %get3A_2124 = vector.shape_cast %get3A_2123 : vector<16xf32> to vector<16xf32>
        %add3A_2125 = arith.addf %add3A_2099, %get3A_2124 : vector<16xf32>
        %slice3A_2126 = vector.extract_strided_slice %add3A_360 {offsets = [1], sizes = [1], strides = [1]} : vector<16xi32> to vector<1xi32>
        %squeeze3A_2127 = vector.extract %slice3A_2126[0] : i32 from vector<1xi32>
        %shift_right_logical3A_2128 = arith.constant 16 : i32
        %shift_right_logical3A_2129 = arith.shrui %squeeze3A_2127, %shift_right_logical3A_2128 : i32
        %and3A_2130 = arith.constant 65535 : i32
        %and3A_2131 = arith.andi %squeeze3A_2127, %and3A_2130 : i32
        %get3A_2132 = arith.index_cast %shift_right_logical3A_2129 : i32 to index
        %get3A_2133 = tpu.vector_load %arg6[%get3A_2132] {strides = array<i32>} : memref<32000xf32, #tpu.memory_space<vmem>>, vector<16xf32>,
        %get3A_2134 = vector.shape_cast %get3A_2133 : vector<16xf32> to vector<16xf32>
        %add3A_2135 = arith.addf %add3A_2109, %get3A_2134 : vector<16xf32>
        %add3A_2136 = arith.constant 16 : i32
        %add3A_2137 = arith.addi %shift_right_logical3A_2129, %add3A_2136 : i32
        %get3A_2138 = arith.index_cast %add3A_2137 : i32 to index
        %get3A_2139 = tpu.vector_load %arg6[%get3A_2138] {strides = array<i32>} : memref<32000xf32, #tpu.memory_space<vmem>>, vector<16xf32>,
        %get3A_2140 = vector.shape_cast %get3A_2139 : vector<16xf32> to vector<16xf32>
        %add3A_2141 = arith.addf %add3A_2115, %get3A_2140 : vector<16xf32>
        %get3A_2142 = arith.index_cast %and3A_2131 : i32 to index
        %get3A_2143 = tpu.vector_load %arg7[%get3A_2142] {strides = array<i32>} : memref<32000xf32, #tpu.memory_space<vmem>>, vector<16xf32>,
        %get3A_2144 = vector.shape_cast %get3A_2143 : vector<16xf32> to vector<16xf32>
        %add3A_2145 = arith.addf %add3A_2119, %get3A_2144 : vector<16xf32>
        %add3A_2146 = arith.constant 16 : i32
        %add3A_2147 = arith.addi %and3A_2131, %add3A_2146 : i32
        %get3A_2148 = arith.index_cast %add3A_2147 : i32 to index
        %get3A_2149 = tpu.vector_load %arg7[%get3A_2148] {strides = array<i32>} : memref<32000xf32, #tpu.memory_space<vmem>>, vector<16xf32>,
        %get3A_2150 = vector.shape_cast %get3A_2149 : vector<16xf32> to vector<16xf32>
        %add3A_2151 = arith.addf %add3A_2125, %get3A_2150 : vector<16xf32>
        %slice3A_2152 = vector.extract_strided_slice %add3A_360 {offsets = [2], sizes = [1], strides = [1]} : vector<16xi32> to vector<1xi32>
        %squeeze3A_2153 = vector.extract %slice3A_2152[0] : i32 from vector<1xi32>
        %shift_right_logical3A_2154 = arith.constant 16 : i32
        %shift_right_logical3A_2155 = arith.shrui %squeeze3A_2153, %shift_right_logical3A_2154 : i32
        %and3A_2156 = arith.constant 65535 : i32
        %and3A_2157 = arith.andi %squeeze3A_2153, %and3A_2156 : i32
        %get3A_2158 = arith.index_cast %shift_right_logical3A_2155 : i32 to index
        %get3A_2159 = tpu.vector_load %arg6[%get3A_2158] {strides = array<i32>} : memref<32000xf32, #tpu.memory_space<vmem>>, vector<16xf32>,
        %get3A_2160 = vector.shape_cast %get3A_2159 : vector<16xf32> to vector<16xf32>
        %add3A_2161 = arith.addf %add3A_2135, %get3A_2160 : vector<16xf32>
        %add3A_2162 = arith.constant 16 : i32
        %add3A_2163 = arith.addi %shift_right_logical3A_2155, %add3A_2162 : i32
        %get3A_2164 = arith.index_cast %add3A_2163 : i32 to index
        %get3A_2165 = tpu.vector_load %arg6[%get3A_2164] {strides = array<i32>} : memref<32000xf32, #tpu.memory_space<vmem>>, vector<16xf32>,
        %get3A_2166 = vector.shape_cast %get3A_2165 : vector<16xf32> to vector<16xf32>
        %add3A_2167 = arith.addf %add3A_2141, %get3A_2166 : vector<16xf32>
        %get3A_2168 = arith.index_cast %and3A_2157 : i32 to index
        %get3A_2169 = tpu.vector_load %arg7[%get3A_2168] {strides = array<i32>} : memref<32000xf32, #tpu.memory_space<vmem>>, vector<16xf32>,
        %get3A_2170 = vector.shape_cast %get3A_2169 : vector<16xf32> to vector<16xf32>
        %add3A_2171 = arith.addf %add3A_2145, %get3A_2170 : vector<16xf32>
        %add3A_2172 = arith.constant 16 : i32
        %add3A_2173 = arith.addi %and3A_2157, %add3A_2172 : i32
        %get3A_2174 = arith.index_cast %add3A_2173 : i32 to index
        %get3A_2175 = tpu.vector_load %arg7[%get3A_2174] {strides = array<i32>} : memref<32000xf32, #tpu.memory_space<vmem>>, vector<16xf32>,
        %get3A_2176 = vector.shape_cast %get3A_2175 : vector<16xf32> to vector<16xf32>
        %add3A_2177 = arith.addf %add3A_2151, %get3A_2176 : vector<16xf32>
        %slice3A_2178 = vector.extract_strided_slice %add3A_360 {offsets = [3], sizes = [1], strides = [1]} : vector<16xi32> to vector<1xi32>
        %squeeze3A_2179 = vector.extract %slice3A_2178[0] : i32 from vector<1xi32>
        %shift_right_logical3A_2180 = arith.constant 16 : i32
        %shift_right_logical3A_2181 = arith.shrui %squeeze3A_2179, %shift_right_logical3A_2180 : i32
        %and3A_2182 = arith.constant 65535 : i32
        %and3A_2183 = arith.andi %squeeze3A_2179, %and3A_2182 : i32
        %get3A_2184 = arith.index_cast %shift_right_logical3A_2181 : i32 to index
        %get3A_2185 = tpu.vector_load %arg6[%get3A_2184] {strides = array<i32>} : memref<32000xf32, #tpu.memory_space<vmem>>, vector<16xf32>,
        %get3A_2186 = vector.shape_cast %get3A_2185 : vector<16xf32> to vector<16xf32>
        %add3A_2187 = arith.addf %add3A_2161, %get3A_2186 : vector<16xf32>
        %add3A_2188 = arith.constant 16 : i32
        %add3A_2189 = arith.addi %shift_right_logical3A_2181, %add3A_2188 : i32
        %get3A_2190 = arith.index_cast %add3A_2189 : i32 to index
        %get3A_2191 = tpu.vector_load %arg6[%get3A_2190] {strides = array<i32>} : memref<32000xf32, #tpu.memory_space<vmem>>, vector<16xf32>,
        %get3A_2192 = vector.shape_cast %get3A_2191 : vector<16xf32> to vector<16xf32>
        %add3A_2193 = arith.addf %add3A_2167, %get3A_2192 : vector<16xf32>
        %get3A_2194 = arith.index_cast %and3A_2183 : i32 to index
        %get3A_2195 = tpu.vector_load %arg7[%get3A_2194] {strides = array<i32>} : memref<32000xf32, #tpu.memory_space<vmem>>, vector<16xf32>,
        %get3A_2196 = vector.shape_cast %get3A_2195 : vector<16xf32> to vector<16xf32>
        %add3A_2197 = arith.addf %add3A_2171, %get3A_2196 : vector<16xf32>
        %add3A_2198 = arith.constant 16 : i32
        %add3A_2199 = arith.addi %and3A_2183, %add3A_2198 : i32
        %get3A_2200 = arith.index_cast %add3A_2199 : i32 to index
        %get3A_2201 = tpu.vector_load %arg7[%get3A_2200] {strides = array<i32>} : memref<32000xf32, #tpu.memory_space<vmem>>, vector<16xf32>,
        %get3A_2202 = vector.shape_cast %get3A_2201 : vector<16xf32> to vector<16xf32>
        %add3A_2203 = arith.addf %add3A_2177, %get3A_2202 : vector<16xf32>
        %slice3A_2204 = vector.extract_strided_slice %add3A_360 {offsets = [4], sizes = [1], strides = [1]} : vector<16xi32> to vector<1xi32>
        %squeeze3A_2205 = vector.extract %slice3A_2204[0] : i32 from vector<1xi32>
        %shift_right_logical3A_2206 = arith.constant 16 : i32
        %shift_right_logical3A_2207 = arith.shrui %squeeze3A_2205, %shift_right_logical3A_2206 : i32
        %and3A_2208 = arith.constant 65535 : i32
        %and3A_2209 = arith.andi %squeeze3A_2205, %and3A_2208 : i32
        %get3A_2210 = arith.index_cast %shift_right_logical3A_2207 : i32 to index
        %get3A_2211 = tpu.vector_load %arg6[%get3A_2210] {strides = array<i32>} : memref<32000xf32, #tpu.memory_space<vmem>>, vector<16xf32>,
        %get3A_2212 = vector.shape_cast %get3A_2211 : vector<16xf32> to vector<16xf32>
        %add3A_2213 = arith.addf %add3A_2187, %get3A_2212 : vector<16xf32>
        %add3A_2214 = arith.constant 16 : i32
        %add3A_2215 = arith.addi %shift_right_logical3A_2207, %add3A_2214 : i32
        %get3A_2216 = arith.index_cast %add3A_2215 : i32 to index
        %get3A_2217 = tpu.vector_load %arg6[%get3A_2216] {strides = array<i32>} : memref<32000xf32, #tpu.memory_space<vmem>>, vector<16xf32>,
        %get3A_2218 = vector.shape_cast %get3A_2217 : vector<16xf32> to vector<16xf32>
        %add3A_2219 = arith.addf %add3A_2193, %get3A_2218 : vector<16xf32>
        %get3A_2220 = arith.index_cast %and3A_2209 : i32 to index
        %get3A_2221 = tpu.vector_load %arg7[%get3A_2220] {strides = array<i32>} : memref<32000xf32, #tpu.memory_space<vmem>>, vector<16xf32>,
        %get3A_2222 = vector.shape_cast %get3A_2221 : vector<16xf32> to vector<16xf32>
        %add3A_2223 = arith.addf %add3A_2197, %get3A_2222 : vector<16xf32>
        %add3A_2224 = arith.constant 16 : i32
        %add3A_2225 = arith.addi %and3A_2209, %add3A_2224 : i32
        %get3A_2226 = arith.index_cast %add3A_2225 : i32 to index
        %get3A_2227 = tpu.vector_load %arg7[%get3A_2226] {strides = array<i32>} : memref<32000xf32, #tpu.memory_space<vmem>>, vector<16xf32>,
        %get3A_2228 = vector.shape_cast %get3A_2227 : vector<16xf32> to vector<16xf32>
        %add3A_2229 = arith.addf %add3A_2203, %get3A_2228 : vector<16xf32>
        %slice3A_2230 = vector.extract_strided_slice %add3A_360 {offsets = [5], sizes = [1], strides = [1]} : vector<16xi32> to vector<1xi32>
        %squeeze3A_2231 = vector.extract %slice3A_2230[0] : i32 from vector<1xi32>
        %shift_right_logical3A_2232 = arith.constant 16 : i32
        %shift_right_logical3A_2233 = arith.shrui %squeeze3A_2231, %shift_right_logical3A_2232 : i32
        %and3A_2234 = arith.constant 65535 : i32
        %and3A_2235 = arith.andi %squeeze3A_2231, %and3A_2234 : i32
        %get3A_2236 = arith.index_cast %shift_right_logical3A_2233 : i32 to index
        %get3A_2237 = tpu.vector_load %arg6[%get3A_2236] {strides = array<i32>} : memref<32000xf32, #tpu.memory_space<vmem>>, vector<16xf32>,
        %get3A_2238 = vector.shape_cast %get3A_2237 : vector<16xf32> to vector<16xf32>
        %add3A_2239 = arith.addf %add3A_2213, %get3A_2238 : vector<16xf32>
        %add3A_2240 = arith.constant 16 : i32
        %add3A_2241 = arith.addi %shift_right_logical3A_2233, %add3A_2240 : i32
        %get3A_2242 = arith.index_cast %add3A_2241 : i32 to index
        %get3A_2243 = tpu.vector_load %arg6[%get3A_2242] {strides = array<i32>} : memref<32000xf32, #tpu.memory_space<vmem>>, vector<16xf32>,
        %get3A_2244 = vector.shape_cast %get3A_2243 : vector<16xf32> to vector<16xf32>
        %add3A_2245 = arith.addf %add3A_2219, %get3A_2244 : vector<16xf32>
        %get3A_2246 = arith.index_cast %and3A_2235 : i32 to index
        %get3A_2247 = tpu.vector_load %arg7[%get3A_2246] {strides = array<i32>} : memref<32000xf32, #tpu.memory_space<vmem>>, vector<16xf32>,
        %get3A_2248 = vector.shape_cast %get3A_2247 : vector<16xf32> to vector<16xf32>
        %add3A_2249 = arith.addf %add3A_2223, %get3A_2248 : vector<16xf32>
        %add3A_2250 = arith.constant 16 : i32
        %add3A_2251 = arith.addi %and3A_2235, %add3A_2250 : i32
        %get3A_2252 = arith.index_cast %add3A_2251 : i32 to index
        %get3A_2253 = tpu.vector_load %arg7[%get3A_2252] {strides = array<i32>} : memref<32000xf32, #tpu.memory_space<vmem>>, vector<16xf32>,
        %get3A_2254 = vector.shape_cast %get3A_2253 : vector<16xf32> to vector<16xf32>
        %add3A_2255 = arith.addf %add3A_2229, %get3A_2254 : vector<16xf32>
        %slice3A_2256 = vector.extract_strided_slice %add3A_360 {offsets = [6], sizes = [1], strides = [1]} : vector<16xi32> to vector<1xi32>
        %squeeze3A_2257 = vector.extract %slice3A_2256[0] : i32 from vector<1xi32>
        %shift_right_logical3A_2258 = arith.constant 16 : i32
        %shift_right_logical3A_2259 = arith.shrui %squeeze3A_2257, %shift_right_logical3A_2258 : i32
        %and3A_2260 = arith.constant 65535 : i32
        %and3A_2261 = arith.andi %squeeze3A_2257, %and3A_2260 : i32
        %get3A_2262 = arith.index_cast %shift_right_logical3A_2259 : i32 to index
        %get3A_2263 = tpu.vector_load %arg6[%get3A_2262] {strides = array<i32>} : memref<32000xf32, #tpu.memory_space<vmem>>, vector<16xf32>,
        %get3A_2264 = vector.shape_cast %get3A_2263 : vector<16xf32> to vector<16xf32>
        %add3A_2265 = arith.addf %add3A_2239, %get3A_2264 : vector<16xf32>
        %add3A_2266 = arith.constant 16 : i32
        %add3A_2267 = arith.addi %shift_right_logical3A_2259, %add3A_2266 : i32
        %get3A_2268 = arith.index_cast %add3A_2267 : i32 to index
        %get3A_2269 = tpu.vector_load %arg6[%get3A_2268] {strides = array<i32>} : memref<32000xf32, #tpu.memory_space<vmem>>, vector<16xf32>,
        %get3A_2270 = vector.shape_cast %get3A_2269 : vector<16xf32> to vector<16xf32>
        %add3A_2271 = arith.addf %add3A_2245, %get3A_2270 : vector<16xf32>
        %get3A_2272 = arith.index_cast %and3A_2261 : i32 to index
        %get3A_2273 = tpu.vector_load %arg7[%get3A_2272] {strides = array<i32>} : memref<32000xf32, #tpu.memory_space<vmem>>, vector<16xf32>,
        %get3A_2274 = vector.shape_cast %get3A_2273 : vector<16xf32> to vector<16xf32>
        %add3A_2275 = arith.addf %add3A_2249, %get3A_2274 : vector<16xf32>
        %add3A_2276 = arith.constant 16 : i32
        %add3A_2277 = arith.addi %and3A_2261, %add3A_2276 : i32
        %get3A_2278 = arith.index_cast %add3A_2277 : i32 to index
        %get3A_2279 = tpu.vector_load %arg7[%get3A_2278] {strides = array<i32>} : memref<32000xf32, #tpu.memory_space<vmem>>, vector<16xf32>,
        %get3A_2280 = vector.shape_cast %get3A_2279 : vector<16xf32> to vector<16xf32>
        %add3A_2281 = arith.addf %add3A_2255, %get3A_2280 : vector<16xf32>
        %slice3A_2282 = vector.extract_strided_slice %add3A_360 {offsets = [7], sizes = [1], strides = [1]} : vector<16xi32> to vector<1xi32>
        %squeeze3A_2283 = vector.extract %slice3A_2282[0] : i32 from vector<1xi32>
        %shift_right_logical3A_2284 = arith.constant 16 : i32
        %shift_right_logical3A_2285 = arith.shrui %squeeze3A_2283, %shift_right_logical3A_2284 : i32
        %and3A_2286 = arith.constant 65535 : i32
        %and3A_2287 = arith.andi %squeeze3A_2283, %and3A_2286 : i32
        %get3A_2288 = arith.index_cast %shift_right_logical3A_2285 : i32 to index
        %get3A_2289 = tpu.vector_load %arg6[%get3A_2288] {strides = array<i32>} : memref<32000xf32, #tpu.memory_space<vmem>>, vector<16xf32>,
        %get3A_2290 = vector.shape_cast %get3A_2289 : vector<16xf32> to vector<16xf32>
        %add3A_2291 = arith.addf %add3A_2265, %get3A_2290 : vector<16xf32>
        %add3A_2292 = arith.constant 16 : i32
        %add3A_2293 = arith.addi %shift_right_logical3A_2285, %add3A_2292 : i32
        %get3A_2294 = arith.index_cast %add3A_2293 : i32 to index
        %get3A_2295 = tpu.vector_load %arg6[%get3A_2294] {strides = array<i32>} : memref<32000xf32, #tpu.memory_space<vmem>>, vector<16xf32>,
        %get3A_2296 = vector.shape_cast %get3A_2295 : vector<16xf32> to vector<16xf32>
        %add3A_2297 = arith.addf %add3A_2271, %get3A_2296 : vector<16xf32>
        %get3A_2298 = arith.index_cast %and3A_2287 : i32 to index
        %get3A_2299 = tpu.vector_load %arg7[%get3A_2298] {strides = array<i32>} : memref<32000xf32, #tpu.memory_space<vmem>>, vector<16xf32>,
        %get3A_2300 = vector.shape_cast %get3A_2299 : vector<16xf32> to vector<16xf32>
        %add3A_2301 = arith.addf %add3A_2275, %get3A_2300 : vector<16xf32>
        %add3A_2302 = arith.constant 16 : i32
        %add3A_2303 = arith.addi %and3A_2287, %add3A_2302 : i32
        %get3A_2304 = arith.index_cast %add3A_2303 : i32 to index
        %get3A_2305 = tpu.vector_load %arg7[%get3A_2304] {strides = array<i32>} : memref<32000xf32, #tpu.memory_space<vmem>>, vector<16xf32>,
        %get3A_2306 = vector.shape_cast %get3A_2305 : vector<16xf32> to vector<16xf32>
        %add3A_2307 = arith.addf %add3A_2281, %get3A_2306 : vector<16xf32>
        %slice3A_2308 = vector.extract_strided_slice %add3A_360 {offsets = [8], sizes = [1], strides = [1]} : vector<16xi32> to vector<1xi32>
        %squeeze3A_2309 = vector.extract %slice3A_2308[0] : i32 from vector<1xi32>
        %shift_right_logical3A_2310 = arith.constant 16 : i32
        %shift_right_logical3A_2311 = arith.shrui %squeeze3A_2309, %shift_right_logical3A_2310 : i32
        %and3A_2312 = arith.constant 65535 : i32
        %and3A_2313 = arith.andi %squeeze3A_2309, %and3A_2312 : i32
        %get3A_2314 = arith.index_cast %shift_right_logical3A_2311 : i32 to index
        %get3A_2315 = tpu.vector_load %arg6[%get3A_2314] {strides = array<i32>} : memref<32000xf32, #tpu.memory_space<vmem>>, vector<16xf32>,
        %get3A_2316 = vector.shape_cast %get3A_2315 : vector<16xf32> to vector<16xf32>
        %add3A_2317 = arith.addf %add3A_2291, %get3A_2316 : vector<16xf32>
        %add3A_2318 = arith.constant 16 : i32
        %add3A_2319 = arith.addi %shift_right_logical3A_2311, %add3A_2318 : i32
        %get3A_2320 = arith.index_cast %add3A_2319 : i32 to index
        %get3A_2321 = tpu.vector_load %arg6[%get3A_2320] {strides = array<i32>} : memref<32000xf32, #tpu.memory_space<vmem>>, vector<16xf32>,
        %get3A_2322 = vector.shape_cast %get3A_2321 : vector<16xf32> to vector<16xf32>
        %add3A_2323 = arith.addf %add3A_2297, %get3A_2322 : vector<16xf32>
        %get3A_2324 = arith.index_cast %and3A_2313 : i32 to index
        %get3A_2325 = tpu.vector_load %arg7[%get3A_2324] {strides = array<i32>} : memref<32000xf32, #tpu.memory_space<vmem>>, vector<16xf32>,
        %get3A_2326 = vector.shape_cast %get3A_2325 : vector<16xf32> to vector<16xf32>
        %add3A_2327 = arith.addf %add3A_2301, %get3A_2326 : vector<16xf32>
        %add3A_2328 = arith.constant 16 : i32
        %add3A_2329 = arith.addi %and3A_2313, %add3A_2328 : i32
        %get3A_2330 = arith.index_cast %add3A_2329 : i32 to index
        %get3A_2331 = tpu.vector_load %arg7[%get3A_2330] {strides = array<i32>} : memref<32000xf32, #tpu.memory_space<vmem>>, vector<16xf32>,
        %get3A_2332 = vector.shape_cast %get3A_2331 : vector<16xf32> to vector<16xf32>
        %add3A_2333 = arith.addf %add3A_2307, %get3A_2332 : vector<16xf32>
        %slice3A_2334 = vector.extract_strided_slice %add3A_360 {offsets = [9], sizes = [1], strides = [1]} : vector<16xi32> to vector<1xi32>
        %squeeze3A_2335 = vector.extract %slice3A_2334[0] : i32 from vector<1xi32>
        %shift_right_logical3A_2336 = arith.constant 16 : i32
        %shift_right_logical3A_2337 = arith.shrui %squeeze3A_2335, %shift_right_logical3A_2336 : i32
        %and3A_2338 = arith.constant 65535 : i32
        %and3A_2339 = arith.andi %squeeze3A_2335, %and3A_2338 : i32
        %get3A_2340 = arith.index_cast %shift_right_logical3A_2337 : i32 to index
        %get3A_2341 = tpu.vector_load %arg6[%get3A_2340] {strides = array<i32>} : memref<32000xf32, #tpu.memory_space<vmem>>, vector<16xf32>,
        %get3A_2342 = vector.shape_cast %get3A_2341 : vector<16xf32> to vector<16xf32>
        %add3A_2343 = arith.addf %add3A_2317, %get3A_2342 : vector<16xf32>
        %add3A_2344 = arith.constant 16 : i32
        %add3A_2345 = arith.addi %shift_right_logical3A_2337, %add3A_2344 : i32
        %get3A_2346 = arith.index_cast %add3A_2345 : i32 to index
        %get3A_2347 = tpu.vector_load %arg6[%get3A_2346] {strides = array<i32>} : memref<32000xf32, #tpu.memory_space<vmem>>, vector<16xf32>,
        %get3A_2348 = vector.shape_cast %get3A_2347 : vector<16xf32> to vector<16xf32>
        %add3A_2349 = arith.addf %add3A_2323, %get3A_2348 : vector<16xf32>
        %get3A_2350 = arith.index_cast %and3A_2339 : i32 to index
        %get3A_2351 = tpu.vector_load %arg7[%get3A_2350] {strides = array<i32>} : memref<32000xf32, #tpu.memory_space<vmem>>, vector<16xf32>,
        %get3A_2352 = vector.shape_cast %get3A_2351 : vector<16xf32> to vector<16xf32>
        %add3A_2353 = arith.addf %add3A_2327, %get3A_2352 : vector<16xf32>
        %add3A_2354 = arith.constant 16 : i32
        %add3A_2355 = arith.addi %and3A_2339, %add3A_2354 : i32
        %get3A_2356 = arith.index_cast %add3A_2355 : i32 to index
        %get3A_2357 = tpu.vector_load %arg7[%get3A_2356] {strides = array<i32>} : memref<32000xf32, #tpu.memory_space<vmem>>, vector<16xf32>,
        %get3A_2358 = vector.shape_cast %get3A_2357 : vector<16xf32> to vector<16xf32>
        %add3A_2359 = arith.addf %add3A_2333, %get3A_2358 : vector<16xf32>
        %slice3A_2360 = vector.extract_strided_slice %add3A_360 {offsets = [10], sizes = [1], strides = [1]} : vector<16xi32> to vector<1xi32>
        %squeeze3A_2361 = vector.extract %slice3A_2360[0] : i32 from vector<1xi32>
        %shift_right_logical3A_2362 = arith.constant 16 : i32
        %shift_right_logical3A_2363 = arith.shrui %squeeze3A_2361, %shift_right_logical3A_2362 : i32
        %and3A_2364 = arith.constant 65535 : i32
        %and3A_2365 = arith.andi %squeeze3A_2361, %and3A_2364 : i32
        %get3A_2366 = arith.index_cast %shift_right_logical3A_2363 : i32 to index
        %get3A_2367 = tpu.vector_load %arg6[%get3A_2366] {strides = array<i32>} : memref<32000xf32, #tpu.memory_space<vmem>>, vector<16xf32>,
        %get3A_2368 = vector.shape_cast %get3A_2367 : vector<16xf32> to vector<16xf32>
        %add3A_2369 = arith.addf %add3A_2343, %get3A_2368 : vector<16xf32>
        %add3A_2370 = arith.constant 16 : i32
        %add3A_2371 = arith.addi %shift_right_logical3A_2363, %add3A_2370 : i32
        %get3A_2372 = arith.index_cast %add3A_2371 : i32 to index
        %get3A_2373 = tpu.vector_load %arg6[%get3A_2372] {strides = array<i32>} : memref<32000xf32, #tpu.memory_space<vmem>>, vector<16xf32>,
        %get3A_2374 = vector.shape_cast %get3A_2373 : vector<16xf32> to vector<16xf32>
        %add3A_2375 = arith.addf %add3A_2349, %get3A_2374 : vector<16xf32>
        %get3A_2376 = arith.index_cast %and3A_2365 : i32 to index
        %get3A_2377 = tpu.vector_load %arg7[%get3A_2376] {strides = array<i32>} : memref<32000xf32, #tpu.memory_space<vmem>>, vector<16xf32>,
        %get3A_2378 = vector.shape_cast %get3A_2377 : vector<16xf32> to vector<16xf32>
        %add3A_2379 = arith.addf %add3A_2353, %get3A_2378 : vector<16xf32>
        %add3A_2380 = arith.constant 16 : i32
        %add3A_2381 = arith.addi %and3A_2365, %add3A_2380 : i32
        %get3A_2382 = arith.index_cast %add3A_2381 : i32 to index
        %get3A_2383 = tpu.vector_load %arg7[%get3A_2382] {strides = array<i32>} : memref<32000xf32, #tpu.memory_space<vmem>>, vector<16xf32>,
        %get3A_2384 = vector.shape_cast %get3A_2383 : vector<16xf32> to vector<16xf32>
        %add3A_2385 = arith.addf %add3A_2359, %get3A_2384 : vector<16xf32>
        %slice3A_2386 = vector.extract_strided_slice %add3A_360 {offsets = [11], sizes = [1], strides = [1]} : vector<16xi32> to vector<1xi32>
        %squeeze3A_2387 = vector.extract %slice3A_2386[0] : i32 from vector<1xi32>
        %shift_right_logical3A_2388 = arith.constant 16 : i32
        %shift_right_logical3A_2389 = arith.shrui %squeeze3A_2387, %shift_right_logical3A_2388 : i32
        %and3A_2390 = arith.constant 65535 : i32
        %and3A_2391 = arith.andi %squeeze3A_2387, %and3A_2390 : i32
        %get3A_2392 = arith.index_cast %shift_right_logical3A_2389 : i32 to index
        %get3A_2393 = tpu.vector_load %arg6[%get3A_2392] {strides = array<i32>} : memref<32000xf32, #tpu.memory_space<vmem>>, vector<16xf32>,
        %get3A_2394 = vector.shape_cast %get3A_2393 : vector<16xf32> to vector<16xf32>
        %add3A_2395 = arith.addf %add3A_2369, %get3A_2394 : vector<16xf32>
        %add3A_2396 = arith.constant 16 : i32
        %add3A_2397 = arith.addi %shift_right_logical3A_2389, %add3A_2396 : i32
        %get3A_2398 = arith.index_cast %add3A_2397 : i32 to index
        %get3A_2399 = tpu.vector_load %arg6[%get3A_2398] {strides = array<i32>} : memref<32000xf32, #tpu.memory_space<vmem>>, vector<16xf32>,
        %get3A_2400 = vector.shape_cast %get3A_2399 : vector<16xf32> to vector<16xf32>
        %add3A_2401 = arith.addf %add3A_2375, %get3A_2400 : vector<16xf32>
        %get3A_2402 = arith.index_cast %and3A_2391 : i32 to index
        %get3A_2403 = tpu.vector_load %arg7[%get3A_2402] {strides = array<i32>} : memref<32000xf32, #tpu.memory_space<vmem>>, vector<16xf32>,
        %get3A_2404 = vector.shape_cast %get3A_2403 : vector<16xf32> to vector<16xf32>
        %add3A_2405 = arith.addf %add3A_2379, %get3A_2404 : vector<16xf32>
        %add3A_2406 = arith.constant 16 : i32
        %add3A_2407 = arith.addi %and3A_2391, %add3A_2406 : i32
        %get3A_2408 = arith.index_cast %add3A_2407 : i32 to index
        %get3A_2409 = tpu.vector_load %arg7[%get3A_2408] {strides = array<i32>} : memref<32000xf32, #tpu.memory_space<vmem>>, vector<16xf32>,
        %get3A_2410 = vector.shape_cast %get3A_2409 : vector<16xf32> to vector<16xf32>
        %add3A_2411 = arith.addf %add3A_2385, %get3A_2410 : vector<16xf32>
        %slice3A_2412 = vector.extract_strided_slice %add3A_360 {offsets = [12], sizes = [1], strides = [1]} : vector<16xi32> to vector<1xi32>
        %squeeze3A_2413 = vector.extract %slice3A_2412[0] : i32 from vector<1xi32>
        %shift_right_logical3A_2414 = arith.constant 16 : i32
        %shift_right_logical3A_2415 = arith.shrui %squeeze3A_2413, %shift_right_logical3A_2414 : i32
        %and3A_2416 = arith.constant 65535 : i32
        %and3A_2417 = arith.andi %squeeze3A_2413, %and3A_2416 : i32
        %get3A_2418 = arith.index_cast %shift_right_logical3A_2415 : i32 to index
        %get3A_2419 = tpu.vector_load %arg6[%get3A_2418] {strides = array<i32>} : memref<32000xf32, #tpu.memory_space<vmem>>, vector<16xf32>,
        %get3A_2420 = vector.shape_cast %get3A_2419 : vector<16xf32> to vector<16xf32>
        %add3A_2421 = arith.addf %add3A_2395, %get3A_2420 : vector<16xf32>
        %add3A_2422 = arith.constant 16 : i32
        %add3A_2423 = arith.addi %shift_right_logical3A_2415, %add3A_2422 : i32
        %get3A_2424 = arith.index_cast %add3A_2423 : i32 to index
        %get3A_2425 = tpu.vector_load %arg6[%get3A_2424] {strides = array<i32>} : memref<32000xf32, #tpu.memory_space<vmem>>, vector<16xf32>,
        %get3A_2426 = vector.shape_cast %get3A_2425 : vector<16xf32> to vector<16xf32>
        %add3A_2427 = arith.addf %add3A_2401, %get3A_2426 : vector<16xf32>
        %get3A_2428 = arith.index_cast %and3A_2417 : i32 to index
        %get3A_2429 = tpu.vector_load %arg7[%get3A_2428] {strides = array<i32>} : memref<32000xf32, #tpu.memory_space<vmem>>, vector<16xf32>,
        %get3A_2430 = vector.shape_cast %get3A_2429 : vector<16xf32> to vector<16xf32>
        %add3A_2431 = arith.addf %add3A_2405, %get3A_2430 : vector<16xf32>
        %add3A_2432 = arith.constant 16 : i32
        %add3A_2433 = arith.addi %and3A_2417, %add3A_2432 : i32
        %get3A_2434 = arith.index_cast %add3A_2433 : i32 to index
        %get3A_2435 = tpu.vector_load %arg7[%get3A_2434] {strides = array<i32>} : memref<32000xf32, #tpu.memory_space<vmem>>, vector<16xf32>,
        %get3A_2436 = vector.shape_cast %get3A_2435 : vector<16xf32> to vector<16xf32>
        %add3A_2437 = arith.addf %add3A_2411, %get3A_2436 : vector<16xf32>
        %slice3A_2438 = vector.extract_strided_slice %add3A_360 {offsets = [13], sizes = [1], strides = [1]} : vector<16xi32> to vector<1xi32>
        %squeeze3A_2439 = vector.extract %slice3A_2438[0] : i32 from vector<1xi32>
        %shift_right_logical3A_2440 = arith.constant 16 : i32
        %shift_right_logical3A_2441 = arith.shrui %squeeze3A_2439, %shift_right_logical3A_2440 : i32
        %and3A_2442 = arith.constant 65535 : i32
        %and3A_2443 = arith.andi %squeeze3A_2439, %and3A_2442 : i32
        %get3A_2444 = arith.index_cast %shift_right_logical3A_2441 : i32 to index
        %get3A_2445 = tpu.vector_load %arg6[%get3A_2444] {strides = array<i32>} : memref<32000xf32, #tpu.memory_space<vmem>>, vector<16xf32>,
        %get3A_2446 = vector.shape_cast %get3A_2445 : vector<16xf32> to vector<16xf32>
        %add3A_2447 = arith.addf %add3A_2421, %get3A_2446 : vector<16xf32>
        %add3A_2448 = arith.constant 16 : i32
        %add3A_2449 = arith.addi %shift_right_logical3A_2441, %add3A_2448 : i32
        %get3A_2450 = arith.index_cast %add3A_2449 : i32 to index
        %get3A_2451 = tpu.vector_load %arg6[%get3A_2450] {strides = array<i32>} : memref<32000xf32, #tpu.memory_space<vmem>>, vector<16xf32>,
        %get3A_2452 = vector.shape_cast %get3A_2451 : vector<16xf32> to vector<16xf32>
        %add3A_2453 = arith.addf %add3A_2427, %get3A_2452 : vector<16xf32>
        %get3A_2454 = arith.index_cast %and3A_2443 : i32 to index
        %get3A_2455 = tpu.vector_load %arg7[%get3A_2454] {strides = array<i32>} : memref<32000xf32, #tpu.memory_space<vmem>>, vector<16xf32>,
        %get3A_2456 = vector.shape_cast %get3A_2455 : vector<16xf32> to vector<16xf32>
        %add3A_2457 = arith.addf %add3A_2431, %get3A_2456 : vector<16xf32>
        %add3A_2458 = arith.constant 16 : i32
        %add3A_2459 = arith.addi %and3A_2443, %add3A_2458 : i32
        %get3A_2460 = arith.index_cast %add3A_2459 : i32 to index
        %get3A_2461 = tpu.vector_load %arg7[%get3A_2460] {strides = array<i32>} : memref<32000xf32, #tpu.memory_space<vmem>>, vector<16xf32>,
        %get3A_2462 = vector.shape_cast %get3A_2461 : vector<16xf32> to vector<16xf32>
        %add3A_2463 = arith.addf %add3A_2437, %get3A_2462 : vector<16xf32>
        %slice3A_2464 = vector.extract_strided_slice %add3A_360 {offsets = [14], sizes = [1], strides = [1]} : vector<16xi32> to vector<1xi32>
        %squeeze3A_2465 = vector.extract %slice3A_2464[0] : i32 from vector<1xi32>
        %shift_right_logical3A_2466 = arith.constant 16 : i32
        %shift_right_logical3A_2467 = arith.shrui %squeeze3A_2465, %shift_right_logical3A_2466 : i32
        %and3A_2468 = arith.constant 65535 : i32
        %and3A_2469 = arith.andi %squeeze3A_2465, %and3A_2468 : i32
        %get3A_2470 = arith.index_cast %shift_right_logical3A_2467 : i32 to index
        %get3A_2471 = tpu.vector_load %arg6[%get3A_2470] {strides = array<i32>} : memref<32000xf32, #tpu.memory_space<vmem>>, vector<16xf32>,
        %get3A_2472 = vector.shape_cast %get3A_2471 : vector<16xf32> to vector<16xf32>
        %add3A_2473 = arith.addf %add3A_2447, %get3A_2472 : vector<16xf32>
        %add3A_2474 = arith.constant 16 : i32
        %add3A_2475 = arith.addi %shift_right_logical3A_2467, %add3A_2474 : i32
        %get3A_2476 = arith.index_cast %add3A_2475 : i32 to index
        %get3A_2477 = tpu.vector_load %arg6[%get3A_2476] {strides = array<i32>} : memref<32000xf32, #tpu.memory_space<vmem>>, vector<16xf32>,
        %get3A_2478 = vector.shape_cast %get3A_2477 : vector<16xf32> to vector<16xf32>
        %add3A_2479 = arith.addf %add3A_2453, %get3A_2478 : vector<16xf32>
        %get3A_2480 = arith.index_cast %and3A_2469 : i32 to index
        %get3A_2481 = tpu.vector_load %arg7[%get3A_2480] {strides = array<i32>} : memref<32000xf32, #tpu.memory_space<vmem>>, vector<16xf32>,
        %get3A_2482 = vector.shape_cast %get3A_2481 : vector<16xf32> to vector<16xf32>
        %add3A_2483 = arith.addf %add3A_2457, %get3A_2482 : vector<16xf32>
        %add3A_2484 = arith.constant 16 : i32
        %add3A_2485 = arith.addi %and3A_2469, %add3A_2484 : i32
        %get3A_2486 = arith.index_cast %add3A_2485 : i32 to index
        %get3A_2487 = tpu.vector_load %arg7[%get3A_2486] {strides = array<i32>} : memref<32000xf32, #tpu.memory_space<vmem>>, vector<16xf32>,
        %get3A_2488 = vector.shape_cast %get3A_2487 : vector<16xf32> to vector<16xf32>
        %add3A_2489 = arith.addf %add3A_2463, %get3A_2488 : vector<16xf32>
        %slice3A_2490 = vector.extract_strided_slice %add3A_360 {offsets = [15], sizes = [1], strides = [1]} : vector<16xi32> to vector<1xi32>
        %squeeze3A_2491 = vector.extract %slice3A_2490[0] : i32 from vector<1xi32>
        %shift_right_logical3A_2492 = arith.constant 16 : i32
        %shift_right_logical3A_2493 = arith.shrui %squeeze3A_2491, %shift_right_logical3A_2492 : i32
        %and3A_2494 = arith.constant 65535 : i32
        %and3A_2495 = arith.andi %squeeze3A_2491, %and3A_2494 : i32
        %get3A_2496 = arith.index_cast %shift_right_logical3A_2493 : i32 to index
        %get3A_2497 = tpu.vector_load %arg6[%get3A_2496] {strides = array<i32>} : memref<32000xf32, #tpu.memory_space<vmem>>, vector<16xf32>,
        %get3A_2498 = vector.shape_cast %get3A_2497 : vector<16xf32> to vector<16xf32>
        %add3A_2499 = arith.addf %add3A_2473, %get3A_2498 : vector<16xf32>
        %add3A_2500 = arith.constant 16 : i32
        %add3A_2501 = arith.addi %shift_right_logical3A_2493, %add3A_2500 : i32
        %get3A_2502 = arith.index_cast %add3A_2501 : i32 to index
        %get3A_2503 = tpu.vector_load %arg6[%get3A_2502] {strides = array<i32>} : memref<32000xf32, #tpu.memory_space<vmem>>, vector<16xf32>,
        %get3A_2504 = vector.shape_cast %get3A_2503 : vector<16xf32> to vector<16xf32>
        %add3A_2505 = arith.addf %add3A_2479, %get3A_2504 : vector<16xf32>
        %get3A_2506 = arith.index_cast %and3A_2495 : i32 to index
        %get3A_2507 = tpu.vector_load %arg7[%get3A_2506] {strides = array<i32>} : memref<32000xf32, #tpu.memory_space<vmem>>, vector<16xf32>,
        %get3A_2508 = vector.shape_cast %get3A_2507 : vector<16xf32> to vector<16xf32>
        %add3A_2509 = arith.addf %add3A_2483, %get3A_2508 : vector<16xf32>
        %add3A_2510 = arith.constant 16 : i32
        %add3A_2511 = arith.addi %and3A_2495, %add3A_2510 : i32
        %get3A_2512 = arith.index_cast %add3A_2511 : i32 to index
        %get3A_2513 = tpu.vector_load %arg7[%get3A_2512] {strides = array<i32>} : memref<32000xf32, #tpu.memory_space<vmem>>, vector<16xf32>,
        %get3A_2514 = vector.shape_cast %get3A_2513 : vector<16xf32> to vector<16xf32>
        %add3A_2515 = arith.addf %add3A_2489, %get3A_2514 : vector<16xf32>
        %mul3A_2516 = arith.constant 4 : i32
        %mul3A_2517 = arith.muli %scan3A_112, %mul3A_2516 : i32
        %add3A_2518 = arith.constant 3 : i32
        %add3A_2519 = arith.addi %mul3A_2517, %add3A_2518 : i32
        %mul3A_2520 = arith.mulf %add3A_2499, %add3A_2509 : vector<16xf32>
        %swap3A_2521 = arith.index_cast %add3A_2519 : i32 to index
        %swap3A_2522 = arith.constant 0 : index
        %swap3A_2523 = tpu.vector_load %arg10[%swap3A_2521, %swap3A_2522] {strides = array<i32>} : memref<128x32xf32, #tpu.memory_space<vmem>>, vector<1x16xf32>,
        %swap3A_2524 = vector.shape_cast %swap3A_2523 : vector<1x16xf32> to vector<16xf32>
        %swap3A_2525 = vector.shape_cast %mul3A_2520 : vector<16xf32> to vector<1x16xf32>
        tpu.vector_store %arg10[%swap3A_2521, %swap3A_2522], %swap3A_2525 {strides = array<i32>} : memref<128x32xf32, #tpu.memory_space<vmem>>, vector<1x16xf32>,
        %mul3A_2526 = arith.mulf %add3A_2505, %add3A_2515 : vector<16xf32>
        %swap3A_2527 = arith.index_cast %add3A_2519 : i32 to index
        %swap3A_2528 = arith.constant 16 : index
        %swap3A_2529 = tpu.vector_load %arg10[%swap3A_2527, %swap3A_2528] {strides = array<i32>} : memref<128x32xf32, #tpu.memory_space<vmem>>, vector<1x16xf32>,
        %swap3A_2530 = vector.shape_cast %swap3A_2529 : vector<1x16xf32> to vector<16xf32>
        %swap3A_2531 = vector.shape_cast %mul3A_2526 : vector<16xf32> to vector<1x16xf32>
        tpu.vector_store %arg10[%swap3A_2527, %swap3A_2528], %swap3A_2531 {strides = array<i32>} : memref<128x32xf32, #tpu.memory_space<vmem>>, vector<1x16xf32>,
      }
      %scan3A_104 = arith.constant 32 : i32
      %mul3A_105 = arith.constant 128 : i32
      %mul3A_106 = arith.muli %add3A_78, %mul3A_105 : i32
      %add3A_107 = arith.addi %mul3A_32, %mul3A_106 : i32
      %mul3A_108 = arith.constant 32 : i32
      %mul3A_109 = arith.muli %select_n3A_9, %mul3A_108 : i32
      %dma_start3A_110 = tpu.memref_slice %arg5[%add3A_107, %mul3A_109] : memref<16384x64xf32, #tpu.memory_space<hbm>> -> memref<128x32xf32, #tpu.memory_space<hbm>>
      %dma_start3A_111 = tpu.memref_slice %arg5[%add3A_107, %mul3A_109] : memref<16384x64xf32, #tpu.memory_space<hbm>> -> memref<128x32xf32, #tpu.memory_space<hbm>>
      tpu.enqueue_dma source(%arg10 : memref<128x32xf32, #tpu.memory_space<vmem>>) target(%dma_start3A_111 : memref<128x32xf32, #tpu.memory_space<hbm>>) target_semaphore(%arg12 : memref<!tpu.dma_semaphore, #tpu.memory_space<semaphore_mem>>)
    }
    %scan3A_59 = arith.constant 4 : i32
    %add3A_60 = arith.constant 768 : i32
    %add3A_61 = arith.addi %mul3A_32, %add3A_60 : i32
    %mul3A_62 = arith.constant 32 : i32
    %mul3A_63 = arith.muli %select_n3A_9, %mul3A_62 : i32
    %dma_wait3A_64 = tpu.memref_slice %arg5[%add3A_61, %mul3A_63] : memref<16384x64xf32, #tpu.memory_space<hbm>> -> memref<128x32xf32, #tpu.memory_space<hbm>>
    %dma_wait3A_65 = tpu.memref_slice %arg5[%add3A_61, %mul3A_63] : memref<16384x64xf32, #tpu.memory_space<hbm>> -> memref<128x32xf32, #tpu.memory_space<hbm>>
    tpu.wait_dma2 semaphore(%arg11 : memref<!tpu.dma_semaphore, #tpu.memory_space<semaphore_mem>>) src(%arg9 : memref<128x32xf32, #tpu.memory_space<vmem>>) dst(%dma_wait3A_65 : memref<128x32xf32, #tpu.memory_space<hbm>>)
    %add3A_66 = arith.constant 896 : i32
    %add3A_67 = arith.addi %mul3A_32, %add3A_66 : i32
    %mul3A_68 = arith.constant 32 : i32
    %mul3A_69 = arith.muli %select_n3A_9, %mul3A_68 : i32
    %dma_wait3A_70 = tpu.memref_slice %arg5[%add3A_67, %mul3A_69] : memref<16384x64xf32, #tpu.memory_space<hbm>> -> memref<128x32xf32, #tpu.memory_space<hbm>>
    %dma_wait3A_71 = tpu.memref_slice %arg5[%add3A_67, %mul3A_69] : memref<16384x64xf32, #tpu.memory_space<hbm>> -> memref<128x32xf32, #tpu.memory_space<hbm>>
    tpu.wait_dma2 semaphore(%arg12 : memref<!tpu.dma_semaphore, #tpu.memory_space<semaphore_mem>>) src(%arg10 : memref<128x32xf32, #tpu.memory_space<vmem>>) dst(%dma_wait3A_71 : memref<128x32xf32, #tpu.memory_space<hbm>>)
    return
  }
}

</mosaic_0001>

<sc_bundles>
// kernel: kernel.3.cloned.1.call-start
scs
__scs_entry_jumppad:
0x0: {  	(pc) =	sbr.rel $0x88, $3  }
0x1: {  	(tag) =	ssettag $0x0;
	lr =	simm.s32 $0x1  }
0x2: {  	[smem:$0x3F9E] =	sst lr;
	_ =	strace $0xD0000000  }
0x3: {  	_ = 	snop  }
0x4: {  	_ = 	snop  }
0x5: {  	_ = 	snop  }
0x6: {  	_ = 	snop  }
0x7: {  	_ = 	snop  }
__scs_overlays_trampoline_lowered:
0x8: {  	[smem:$0x3FAD] =	sst s0  }
0x9: {  	[smem:$0x3FAE] =	sst s1  }
0xa: {  	[smem:$0x3FAF] =	sst s2  }
0xb: {  	[smem:$0x3FB0] =	sst s3  }
0xc: {  	[smem:$0x3FB1] =	sst s4  }
0xd: {  	[smem:$0x3FB2] =	sst s5  }
0xe: {  	[smem:$0x3FB3] =	sst s6  }
0xf: {  	[smem:$0x3FB4] =	sst s7  }
0x10: {  	[smem:$0x3FB5] =	sst s8  }
0x11: {  	[smem:$0x3FB6] =	sst s9;
	s0 =	simm.s32 @!p0 $0x0  }
0x12: {  	s1 =	sld [smem:$0x3F9C];
	s0 =	simm.s32 @p0 $0x1  }
0x13: {  	[smem:$0x3FB7] =	sst s0;
	s0 =	simm.s32 @!p1 $0x0  }
0x14: {  	s2 =	sld [smem:$0x3F9B];
	s0 =	simm.s32 @p1 $0x1  }
0x15: {  	[smem:$0x3FB8] =	sst s0;
	s0 =	simm.s32 @!p2 $0x0  }
0x16: {  	s3 =	sld [smem:$0x3FDB];
	s0 =	simm.s32 @p2 $0x1  }
0x17: {  	s4 =	simm.s32 $0x1BF5;
	[smem:$0x3FBA] =	sst s0  }
0x18: {  	s0 =	sld [smem:$0x3F9D];
	_ =	swait.ge [sflag:s4], $0x0  }
0x19: {  	s7 =	sld [smem:$0x3F9E]  }
0x1a: {  	s8 =	sadd.s32 $0xFFFFE003, lr  }
0x1b: {  	s9 =	sadd.s32 $0xFFFFFEF7, lr;
	s5 =	simm.s32 $0xFFFFFFFF;
	p2 =	slt.u32 s8, $0xFFFFF086  }
0x1c: {  	p1 =	slt.u32 s9, $0xF7A;
	s5 =	simm.s32 @!p2 $0x0  }
0x1d: {  	s5 =	simm.s32 @p1 $0x1;
	p0 =	seq.s32 s7, s2  }
0x1e: {  	s7 =	smul.u32 @!p0 $0xF7A, s2;
	p2 =	seq.s32 @!p0 s5, $0x0  }
0x1f: {  	s9 =	smul.u32 $0xF7A, s1;
	s8 =	simm.s32 @!p0 $0x1BF5;
	p2 =	por !p2, p0  }
0x20: {  	[sflag:s8] =	ssyncset.s32 @!p0 $0xFFFFF086;
	s6 =	sadd.s32 @!p0 s3, s7;
	s7 =	simm.s32 @!p0 $0x108  }
0x21: {  	s3 =	sadd.s32 s3, s9;
	s6 =	sadd.s32 @!p0 $0x88, s6;
	s7 =	simm.s32 @p2 $0x1082  }
0x22: {  	[simem:s7], [sflag:s8] =	dma.local @!p0 [hbm:s6], $0xF7A  }
0x23: {  	s9 =	sor.u32 $0xD0000000, s2;
	s6 =	simm.s32 $0x108;
	_ =	swait.ge @!p0 [sflag:s8], $0x0  }
0x24: {  	s3 =	sadd.s32 $0x88, s3;
	s6 =	simm.s32 @!p1 $0x1082;
	[sflag:s4] =	ssyncset.s32 $0xFFFFF086  }
0x25: {  	[simem:s6], [sflag:s4] =	dma.local [hbm:s3], $0xF7A  }
0x26: {  	[smem:$0x3F9E] =	sst s1;
	(tag) =	ssettag s2;
	_ =	strace s9  }
0x27: {  	s1 =	sld [smem:$0x3FAE]  }
0x28: {  	s2 =	sld [smem:$0x3FAF]  }
0x29: {  	s4 =	sld [smem:$0x3FB1]  }
0x2a: {  	p0 =	seq.s32 s5, $0x0;
	s5 =	sld [smem:$0x3FB2]  }
0x2b: {  	s6 =	sld [smem:$0x3FB3]  }
0x2c: {  	s7 =	sld [smem:$0x3FB4]  }
0x2d: {  	s3 =	simm.s32 $0x108;
	s8 =	sld [smem:$0x3FB5]  }
0x2e: {  	s3 =	simm.s32 @!p0 $0x1082;
	s9 =	sld [smem:$0x3FB6]  }
0x2f: {  	lr =	sadd.s32 s0, s3;
	s0 =	sld [smem:$0x3FAD]  }
0x30: {  	s3 =	sld [smem:$0x3FB0]  }
0x31: {  	[smem:$0x3FB9] =	sst s10  }
0x32: {  	s10 =	sld [smem:$0x3FB7];
	_ =	sdelay $0x3  }
0x33: {  	p0 =	seq.s32 s10, $0x1;
	s10 =	sld [smem:$0x3FB9];
	_ =	sdelay $0x3  }
0x34: {  	[smem:$0x3FB9] =	sst s10  }
0x35: {  	s10 =	sld [smem:$0x3FB8];
	_ =	sdelay $0x3  }
0x36: {  	p1 =	seq.s32 s10, $0x1;
	s10 =	sld [smem:$0x3FB9];
	_ =	sdelay $0x3  }
0x37: {  	[smem:$0x3FB9] =	sst s10  }
0x38: {  	s10 =	sld [smem:$0x3FBA]  }
0x39: {  	_ = 	snop;
	(pc) =	sbr.ind lr, $3  }
0x3a: {  	_ = 	snop  }
0x3b: {  	_ = 	snop  }
0x3c: {  	p2 =	seq.s32 s10, $0x1;
	s10 =	sld [smem:$0x3FB9]  }
0x3d: {  	_ =	shalt  }
0x3e: {  	_ =	shalt  }
0x3f: {  	_ =	shalt  }
0x40: {  	_ =	shalt  }
0x41: {  	_ =	shalt  }
0x42: {  	_ =	shalt  }
0x43: {  	_ =	shalt  }
0x44: {  	_ =	shalt  }
0x45: {  	_ =	shalt  }
0x46: {  	_ =	shalt  }
0x47: {  	_ =	shalt  }
0x48: {  	_ =	shalt  }
0x49: {  	_ =	shalt  }
0x4a: {  	_ =	shalt  }
0x4b: {  	_ =	shalt  }
0x4c: {  	_ =	shalt  }
0x4d: {  	_ =	shalt  }
0x4e: {  	_ =	shalt  }
0x4f: {  	_ =	shalt  }
0x50: {  	_ =	shalt  }
0x51: {  	_ =	shalt  }
0x52: {  	_ =	shalt  }
0x53: {  	_ =	shalt  }
0x54: {  	_ =	shalt  }
0x55: {  	_ =	shalt  }
0x56: {  	_ =	shalt  }
0x57: {  	_ =	shalt  }
0x58: {  	_ =	shalt  }
0x59: {  	_ =	shalt  }
0x5a: {  	_ =	shalt  }
0x5b: {  	_ =	shalt  }
0x5c: {  	_ =	shalt  }
0x5d: {  	_ =	shalt  }
0x5e: {  	_ =	shalt  }
0x5f: {  	_ =	shalt  }
0x60: {  	_ =	shalt  }
0x61: {  	_ =	shalt  }
0x62: {  	_ =	shalt  }
0x63: {  	_ =	shalt  }
0x64: {  	_ =	shalt  }
0x65: {  	_ =	shalt  }
0x66: {  	_ =	shalt  }
0x67: {  	_ =	shalt  }
0x68: {  	_ =	shalt  }
0x69: {  	_ =	shalt  }
0x6a: {  	_ =	shalt  }
0x6b: {  	_ =	shalt  }
0x6c: {  	_ =	shalt  }
0x6d: {  	_ =	shalt  }
0x6e: {  	_ =	shalt  }
0x6f: {  	_ =	shalt  }
0x70: {  	_ =	shalt  }
0x71: {  	_ =	shalt  }
0x72: {  	_ =	shalt  }
0x73: {  	_ =	shalt  }
0x74: {  	_ =	shalt  }
0x75: {  	_ =	shalt  }
0x76: {  	_ =	shalt  }
0x77: {  	_ =	shalt  }
0x78: {  	_ =	shalt  }
0x79: {  	_ =	shalt  }
0x7a: {  	_ =	shalt  }
0x7b: {  	_ =	shalt  }
0x7c: {  	_ =	shalt  }
0x7d: {  	_ =	shalt  }
0x7e: {  	_ =	shalt  }
0x7f: {  	_ =	shalt  }
0x80: {  	_ =	shalt  }
0x81: {  	_ =	shalt  }
0x82: {  	_ =	shalt  }
0x83: {  	_ =	shalt  }
0x84: {  	_ =	shalt  }
0x85: {  	_ =	shalt  }
0x86: {  	_ =	shalt  }
0x87: {  	_ =	shalt  }
.Lfunc_end0:
.L_simem_size_0:
called_computation_lowered:
.L_overlay_start_0:
0x88: {  	s2 =	sld [smem:$0x3FD9]  }
0x89: {  	s3 =	sld [smem:$0x3FFE];
	_ =	sdelay $0x1  }
0x8a: {  	s1 =	srdreg.scid  }
0x8b: {  	s0 =	sand.u32 $0x1, s1  }
0x8c: {  	s17 =	sshll.u32 s0, $0xA;
	s2 =	sadd.s32 s3, s2  }
0x8d: {  	s2 =	sadd.s32 s2, s17  }
0x8e: {  	[smem:$0x3FC5] =	sst s2  }
0x8f: {  	_ = 	snop  }
0x90: {  	s2 =	sld [smem:$0x3FD0];
	(tm) =	ssettm $0x1  }
0x91: {  	s18 =	sld [smem:$0x3FFB];
	_ =	sdelay $0x3  }
0x92: {  	_ =	strace s18  }
0x93: {  	s3 =	sld [smem:$0x3FFC];
	_ =	sdelay $0x3  }
0x94: {  	_ =	strace s3  }
0x95: {  	s3 =	sld [smem:$0x3FFD];
	_ =	sdelay $0x3  }
0x96: {  	_ =	strace s3  }
0x97: {  	_ =	strace $0x8FFFFFFF  }
0x98: {  	s19 =	sld [smem:$0x3FDB];
	_ =	sdelay $0x1  }
0x99: {  	s4 =	simm.s32 $_scs_section_size  }
0x9a: {  	s5 =	simm.s32 $_size__tile_overlayer_lowered;
	s6 =	simm.s32 $_tile_overlayer_lowered  }
0x9b: {  	s22 =	simm.s32 $0x1BFF;
	s21 =	sshll.u32 s6, $0x1;
	s3 =	sadd.s32 s4, s19  }
0x9c: {  	s7 =	simm.s32 $0x0;
	s20 =	sshll.u32 s5, $0x1;
	s5 =	sadd.s32 s21, s3  }
0x9d: {  	[timem:s7], [sflag:s22] =	dma.local [hbm:s5], s20  }
0x9e: {  	_ =	swait.ge [sflag:s22], s20  }
0x9f: {  	s4 =	ssub.s32 $0x0, s20;
	[sflag:s22] =	ssyncset.done $0x0  }
0xa0: {  	[sflag:s22] =	ssyncadd.s32 s4;
	_ =	sdelay $0x1  }
0xa1: {  	s23 =	simm.s32 $0x1B8B  }
0xa2: {  	_ =	swait.ge [sflag:s23], $0x1  }
0xa3: {  	[sflag:s23] =	ssyncset.done $0x0  }
0xa4: {  	s25 =	simm.s32 $0x1B8E;
	s24 =	sld [smem:$0x3FFE];
	[sflag:s23] =	ssyncadd.s32 $0xFFFFFFFF  }
0xa5: {  	s26 =	simm.s32 $execute0_lowered;
	[smem:$0x3FD2] =	sst s25  }
0xa6: {  	s5 =	sshll.u32 s26, $0x1;
	_ =	strace $0x80000046;
	[dreg:$0x1] =	wrdreg $0xFFFFFFFF  }
0xa7: {  	s28 =	simm.s32 $_size_execute0_lowered;
	s3 =	sadd.s32 s3, s5;
	[dreg:$0x0] =	wrdreg $0x0  }
0xa8: {  	s5 =	sshll.u32 s28, $0x1;
	[dreg:$0x2] =	wrdreg s3  }
0xa9: {  	[dreg:$0x3] =	wrdreg s5  }
0xaa: {  	[dreg:$0x4] =	wrdreg $0xC0  }
0xab: {  	_ =	task [dreg:s7], $0x5FFFF  }
0xac: {  	[dreg:$0x1] =	wrdreg $0xFFFFFFFF  }
0xad: {  	[dreg:$0x0] =	wrdreg $0x60  }
0xae: {  	[dreg:$0x2] =	wrdreg s24  }
0xaf: {  	[dreg:$0x3] =	wrdreg s2  }
0xb0: {  	[dreg:$0x4] =	wrdreg $0x9  }
0xb1: {  	_ =	task.clear_ibuf [dreg:s7], $0x5FFFF;
	_ =	strace $0x90000046  }
0xb2: {  	s29 =	simm.s32 $0x9;
	_ =	strace $0x80000048  }
0xb3: {  	_ =	swait.ge [sflag:s29], $0x1  }
0xb4: {  	[sflag:s29] =	ssyncadd.s32 $0xFFFFFFFF  }
0xb5: {  	_ =	strace $0x90000048  }
0xb6: {  	_ =	sfence  }
0xb7: {  	s30 =	sld [smem:$0x0];
	_ =	sdelay $0x2  }
0xb8: {  	s31 =	sshll.u32 s1, $0xD;
	s1 =	sshrl.u32 s1, $0x2  }
0xb9: {  	s3 =	sand.u32 $0x4000, s31;
	s1 =	sadd.s32 s1, s30  }
0xba: {  	s0 =	sor.u32 s3, s0;
	s1 =	sshll.u32 s1, $0x11  }
0xbb: {  	s0 =	sor.u32 s1, s0  }
0xbc: {  	s0 =	sadd.s32 $0x8F2B, s0  }
0xbd: {  	[sflag:s0] =	ssyncadd.remote.s32 $0x1  }
0xbe: {  	_ =	sfence.sel $0xFFFF  }
0xbf: {  	[dreg:$0x0] =	wrdreg $0xFFFFFFFF;
	(pc) =	sbr.abs _section_cstart, $3  }
0xc0: {  	[dreg:$0x1] =	wrdreg $0xFFFFFFFF  }
0xc1: {  	_ =	task.clear_ibuf [dreg:s7], $0x2FFFF;
	_ =	strace $0x9FFFFFFF  }
0xc2: {  	(tm) =	ssettm $0x7FFFFFFF  }
0xc3: {  	_ =	shalt  }
tec
execute0_lowered:
.L_overlay_start_1:
0x0: {  	(tag) =	ssettag $0x1  }
0x1: {  	s1 =	srdreg.scid  }
0x2: {  	s0 =	stileid.u32;
	s5 =	rddreg [dreg:$0x0]  }
0x3: {  	s4 =	simm.s32 $0x1;
	s2 =	rddreg [dreg:$0x1];
	s3 =	simm.s32 $0x0  }
0x4: {  	s12 =	simm.s32 $0x3;
	s13 =	simm.s32 $0x20;
	s7 =	sand.u32 $0x1, s1  }
0x5: {  	s14 =	simm.s32 $0x40;
	s15 =	simm.s32 $0x14A00;
	s1 =	sor.u32 s7, s0  }
0x6: {  	s16 =	simm.s32 $0x15A00;
	p0 =	seq.s32 s7, $0x1;
	p1 =	seq.s32 s1, $0x0  }
0x7: {  	s17 =	simm.s32 $0x2;
	s18 =	simm.s32 $0x0;
	p0 =	por !p1, !p0  }
0x8: {  	[smem:$0x7FF] =	sst s3;
	s9 =	smul.u32 $0xFA0, s7;
	p0 =	por !p0, !p0  }
0x9: {  	s10 =	ssub.s32 $0x2, s7;
	s31 =	sshll.u32 s7, $0x5;
	s4 =	simm.s32 @!p0 $0x0  }
0xa: {  	s1 =	rddreg [dreg:$0x2];
	_ =	strace $0x80000047;
	s6 =	ssub.s32 s0, s4  }
0xb: {  	s11 =	sshrl.u32 s10, $0x1;
	s9 =	sadd.s32 s9, s5;
	s4 =	smul.u32 $0x5000, s6  }
0xc: {  	s10 =	ssub.s32 s10, s11;
	s11 =	simm.s32 $0x7D00;
	s7 =	sadd.s32 $0x2600, s9  }
0xd: {  	s30 =	sshll.u32 s6, $0x10;
	s6 =	sadd.s32 $0x600, s9;
	s8 =	sshrl.u32 s4, $0x3  }
0xe: {  	s9 =	smax.u32 s10, $0x1;
	s10 =	simm.s32 $0xFA00;
	s8 =	sadd.s32 s8, s5  }
0xf: {  	v0 =	vimm.s32 $0x0;
	s4 =	simm.s32 $0x1;
	s5 =	sadd.s32 $0x4600, s8;
	s8 =	sor.u32 s31, s30  }
.LBB2_1:
0x10: {  	[tilespmem:s10], [sflag:$0x3] =	stream.linear.gather [hbm4b:s5+s3], $0x5000, $0x38;
	[tilespmem:$0x16A00] =	vst v63  }
0x11: {  	_ = 	snop  }
0x12: {  	[tilespmem:s3], [sflag:$0x3] =	stream.linear.gather [hbm4b:s6+s3], $0x7D00, $0x38;
	[tilespmem:$0x16A00] =	vst v63  }
0x13: {  	_ = 	snop  }
0x14: {  	[tilespmem:s11], [sflag:$0x3] =	stream.linear.gather [hbm4b:s7+s3], $0x7D00, $0x38;
	[tilespmem:$0x16A00] =	vst v63  }
0x15: {  	_ =	swait.ge [sflag:s12], $0x5000  }
0x16: {  	[sflag:s12] =	ssyncset.done $0x0  }
0x17: {  	[sflag:s12] =	ssyncadd.s32 $0xFFFFB000  }
0x18: {  	_ =	swait.ge [sflag:s12], $0x7D00  }
0x19: {  	[sflag:s12] =	ssyncset.done $0x0  }
0x1a: {  	[sflag:s12] =	ssyncadd.s32 $0xFFFF8300  }
0x1b: {  	_ =	swait.ge [sflag:s12], $0x7D00  }
0x1c: {  	s19 =	simm.s32 $0xFA20;
	[sflag:s12] =	ssyncset.done $0x0  }
0x1d: {  	s20 =	simm.s32 $0x10400;
	s21 =	simm.s32 $0x0;
	[sflag:s12] =	ssyncadd.s32 $0xFFFF8300  }
.LBB2_2:
0x1e: {  	p0 =	seq.s32 s21, $0x0  }
0x1f: {  	v1 =	vmov s19;
	s23 =	simm.s32 @!p0 $0x1  }
0x20: {  	_ =	swait.ge @!p0 [sflag:s23], $0x1000  }
0x21: {  	s22 =	sshllo.u32 s21, $0x1;
	[sflag:s23] =	ssyncset.done @!p0 $0x0  }
0x22: {  	s24 =	simm.s32 $0x14A40;
	[sflag:s23] =	ssyncadd.s32 @!p0 $0xFFFFF000;
	s23 =	simm.s32 $0x0  }
.LBB2_3:
0x23: {  	s25 =	sshra.s32 s23, $0x2  }
0x24: {  	v2 =	vld.idx.msk [tilespmem:v1+s25+$0xFFFFFFE0 ss:$0x1], $0xffff;
	_ =	sdelay $0x4  }
0x25: {  	v3 =	vcvt.s32.f32 v2;
	_ =	sdelay $0x1  }
0x26: {  	v3 =	vmul.f32 $1.000000050e-03, v3;
	_ =	sdelay $0x1  }
0x27: {  	v3 =	vtrunc.f32 v3  }
0x28: {  	v3 =	vcvt.f32.s32 v3;
	_ =	sdelay $0x1  }
0x29: {  	v4 =	vmul.u32 $0xFFFFFC18, v3;
	_ =	sdelay $0x1  }
0x2a: {  	v2 =	vadd.s32 v2, v4  }
0x2b: {  	vm0 =	vlt.s32 v2, $0x0;
	v4 =	vadd.s32 $0x3E8, v2  }
0x2c: {  	v4 =	vsel vm0, v4, v2  }
0x2d: {  	v2 =	vshra.s32 v2, $0x1F;
	vm0 =	vgt.s32 v4, $0x3E7  }
0x2e: {  	v2 =	vadd.s32 v3, v2;
	v4 =	vshll.u32 v4, $0x5;
	v3 =	vsel vm0, $0x1, v0  }
0x2f: {  	v2 =	vadd.s32 v3, v2;
	v3 =	vadd.s32 $0xFFFF8300, v4  }
0x30: {  	v2 =	vshll.u32 v2, $0x15;
	v3 =	vsel vm0, v3, v4  }
0x31: {  	v2 =	vadd.s32 v3, v2  }
0x32: {  	(v2sf) =	vpush v2, $0x0;
	_ =	sdelay $0x3  }
0x33: {  	(v2sf) =	vpush v2, $0x1;
	_ =	sdelay $0x3  }
0x34: {  	(v2sf) =	vpush v2, $0x2;
	_ =	sdelay $0x2  }
0x35: {  	(v2sf) =	vpush v2, $0x3;
	_ =	sdelay $0x3  }
0x36: {  	s26 =	spop (v2sf)  }
0x37: {  	v34 =	vld.idx.msk [tilespmem:v1+s25+$0xFFFFFFF0 ss:$0x1], $0xffff;
	(v2sf) =	vpush v2, $0x4;
	s28 =	sshrl.u32 s26, $0x10  }
0x38: {  	s26 =	sand.u32 $0xFFE0, s26;
	s29 =	sadd.s32 $0x10, s28;
	v19 =	vld [tilespmem:s28+$0x0]  }
0x39: {  	s30 =	sand.u32 $0x7, s28;
	v3 =	vld [tilespmem:s26+$0x7D00];
	s29 =	sand.u32 $0x1FFF8, s29  }
0x3a: {  	v6 =	vld [tilespmem:s26+$0x7D10];
	s30 =	sor.u32 s30, s29;
	s29 =	spop (v2sf)  }
0x3b: {  	(v2sf) =	vpush v2, $0x5;
	v13 =	vld [tilespmem:s30+$0x0];
	s28 =	sshrl.u32 s29, $0x10  }
0x3c: {  	s29 =	sand.u32 $0xFFE0, s29;
	s30 =	sadd.s32 $0x10, s28;
	v59 =	vld [tilespmem:s28+$0x0]  }
0x3d: {  	s31 =	sand.u32 $0x7, s28;
	v7 =	vld [tilespmem:s29+$0x7D00];
	s30 =	sand.u32 $0x1FFF8, s30  }
0x3e: {  	s28 =	spop (v2sf);
	(v2sf) =	vpush v2, $0x6;
	v11 =	vld [tilespmem:s29+$0x7D10];
	s26 =	sor.u32 s31, s30  }
0x3f: {  	v14 =	vld [tilespmem:s26+$0x0];
	s26 =	sshrl.u32 s28, $0x10  }
0x40: {  	s28 =	sand.u32 $0xFFE0, s28;
	v8 =	vld [tilespmem:s26+$0x0]  }
0x41: {  	s29 =	spop (v2sf);
	s30 =	sadd.s32 $0x10, s26;
	v12 =	vld [tilespmem:s28+$0x7D00]  }
0x42: {  	(v2sf) =	vpush v2, $0x7;
	s31 =	sand.u32 $0x7, s26;
	s26 =	sshrl.u32 s29, $0x10;
	v9 =	vld [tilespmem:s28+$0x7D10];
	s30 =	sand.u32 $0x1FFF8, s30  }
0x43: {  	v15 =	vld [tilespmem:s26+$0x0];
	s30 =	sor.u32 s31, s30  }
0x44: {  	s29 =	sand.u32 $0xFFE0, s29;
	v5 =	vld [tilespmem:s30+$0x0];
	s30 =	sadd.s32 $0x10, s26  }
0x45: {  	v23 =	vld [tilespmem:s29+$0x7D00];
	s31 =	sand.u32 $0x7, s26;
	s30 =	sand.u32 $0x1FFF8, s30  }
0x46: {  	v17 =	vld [tilespmem:s29+$0x7D10];
	s30 =	sor.u32 s31, s30;
	s28 =	spop (v2sf)  }
0x47: {  	(v2sf) =	vpush v2, $0x8;
	v16 =	vld [tilespmem:s30+$0x0];
	s26 =	sshrl.u32 s28, $0x10  }
0x48: {  	s28 =	sand.u32 $0xFFE0, s28;
	s30 =	sadd.s32 $0x10, s26;
	v10 =	vld [tilespmem:s26+$0x0]  }
0x49: {  	s31 =	sand.u32 $0x7, s26;
	v21 =	vld [tilespmem:s28+$0x7D00];
	s30 =	sand.u32 $0x1FFF8, s30  }
0x4a: {  	v24 =	vld [tilespmem:s28+$0x7D10];
	s30 =	sor.u32 s31, s30;
	s29 =	spop (v2sf)  }
0x4b: {  	(v2sf) =	vpush v2, $0x9;
	v20 =	vld [tilespmem:s30+$0x0];
	s26 =	sshrl.u32 s29, $0x10  }
0x4c: {  	s29 =	sand.u32 $0xFFE0, s29;
	v22 =	vld [tilespmem:s26+$0x0]  }
0x4d: {  	s28 =	spop (v2sf);
	v26 =	vld [tilespmem:s29+$0x7D00]  }
0x4e: {  	s30 =	sadd.s32 $0x10, s26;
	s31 =	sand.u32 $0x7, s26;
	(v2sf) =	vpush v2, $0xA;
	v18 =	vld [tilespmem:s29+$0x7D10];
	s26 =	sshrl.u32 s28, $0x10  }
0x4f: {  	s30 =	sand.u32 $0x1FFF8, s30;
	s28 =	sand.u32 $0xFFE0, s28;
	v25 =	vld [tilespmem:s26+$0x0]  }
0x50: {  	s30 =	sor.u32 s31, s30;
	v30 =	vld [tilespmem:s28+$0x7D00]  }
0x51: {  	v31 =	vcvt.s32.f32 v34;
	s29 =	spop (v2sf);
	v28 =	vld [tilespmem:s30+$0x0];
	s30 =	sadd.s32 $0x10, s26  }
0x52: {  	(v2sf) =	vpush v2, $0xB;
	s31 =	sand.u32 $0x7, s26;
	v29 =	vld [tilespmem:s28+$0x7D10];
	s26 =	sshrl.u32 s29, $0x10;
	s30 =	sand.u32 $0x1FFF8, s30  }
0x53: {  	v31 =	vmul.f32 $1.000000050e-03, v31;
	v32 =	vld [tilespmem:s26+$0x0];
	s30 =	sor.u32 s31, s30  }
0x54: {  	s29 =	sand.u32 $0xFFE0, s29;
	v27 =	vld [tilespmem:s30+$0x0];
	s30 =	sadd.s32 $0x10, s26  }
0x55: {  	v35 =	vtrunc.f32 v31;
	v60 =	vld [tilespmem:s29+$0x7D00];
	s31 =	sand.u32 $0x7, s26;
	s30 =	sand.u32 $0x1FFF8, s30  }
0x56: {  	v35 =	vcvt.f32.s32 v35;
	v36 =	vld [tilespmem:s29+$0x7D10];
	s30 =	sor.u32 s31, s30;
	s28 =	spop (v2sf)  }
0x57: {  	v33 =	vld [tilespmem:s30+$0x0];
	(v2sf) =	vpush v2, $0xC;
	s26 =	sshrl.u32 s28, $0x10  }
0x58: {  	v38 =	vmul.u32 $0xFFFFFC18, v35;
	s28 =	sand.u32 $0xFFE0, s28;
	s30 =	sadd.s32 $0x10, s26;
	v37 =	vld [tilespmem:s26+$0x0]  }
0x59: {  	s31 =	sand.u32 $0x7, s26;
	v40 =	vld [tilespmem:s28+$0x7D00];
	s30 =	sand.u32 $0x1FFF8, s30  }
0x5a: {  	v34 =	vadd.s32 v34, v38;
	v61 =	vld [tilespmem:s28+$0x7D10];
	s30 =	sor.u32 s31, s30;
	s29 =	spop (v2sf)  }
0x5b: {  	vm12 =	vlt.s32 v34, $0x0;
	v41 =	vadd.s32 $0x3E8, v34;
	(v2sf) =	vpush v2, $0xD;
	v39 =	vld [tilespmem:s30+$0x0];
	s26 =	sshrl.u32 s29, $0x10  }
0x5c: {  	v41 =	vsel vm12, v41, v34;
	v34 =	vshra.s32 v34, $0x1F;
	s29 =	sand.u32 $0xFFE0, s29;
	v42 =	vld [tilespmem:s26+$0x0]  }
0x5d: {  	v34 =	vadd.s32 v35, v34;
	s28 =	spop (v2sf);
	v44 =	vld [tilespmem:s29+$0x7D00]  }
0x5e: {  	v63 =	vshll.u32 v41, $0x5;
	vm0 =	vgt.s32 v41, $0x3E7;
	s30 =	sadd.s32 $0x10, s26;
	s31 =	sand.u32 $0x7, s26;
	(v2sf) =	vpush v2, $0xE;
	v45 =	vld [tilespmem:s29+$0x7D10];
	s26 =	sshrl.u32 s28, $0x10  }
0x5f: {  	v46 =	vadd.s32 $0xFFFF8300, v63;
	v62 =	vsel vm0, $0x1, v0;
	v19 =	vadd.f32 $0.0e+00, v19;
	s30 =	sand.u32 $0x1FFF8, s30;
	s28 =	sand.u32 $0xFFE0, s28;
	v41 =	vld [tilespmem:s26+$0x0]  }
0x60: {  	v35 =	vsel vm0, v46, v63;
	v3 =	vadd.f32 $0.0e+00, v3;
	v13 =	vadd.f32 $0.0e+00, v13;
	s30 =	sor.u32 s31, s30;
	v46 =	vld [tilespmem:s28+$0x7D00]  }
0x61: {  	v34 =	vadd.s32 v62, v34;
	v6 =	vadd.f32 $0.0e+00, v6;
	v19 =	vadd.f32 v59, v19;
	s29 =	spop (v2sf);
	v43 =	vld [tilespmem:s30+$0x0];
	s30 =	sadd.s32 $0x10, s26  }
0x62: {  	v34 =	vshll.u32 v34, $0x15;
	v13 =	vadd.f32 v14, v13;
	(v2sf) =	vpush v2, $0xF;
	s31 =	sand.u32 $0x7, s26;
	v14 =	vld [tilespmem:s28+$0x7D10];
	s26 =	sshrl.u32 s29, $0x10;
	s30 =	sand.u32 $0x1FFF8, s30  }
0x63: {  	v4 =	vadd.s32 v35, v34;
	v3 =	vadd.f32 v7, v3;
	v6 =	vadd.f32 v11, v6;
	v34 =	vld [tilespmem:s26+$0x0];
	s30 =	sor.u32 s31, s30  }
0x64: {  	v8 =	vadd.f32 v8, v19;
	s29 =	sand.u32 $0xFFE0, s29;
	v2 =	vld [tilespmem:s30+$0x0];
	s30 =	sadd.s32 $0x10, s26  }
0x65: {  	v3 =	vadd.f32 v12, v3;
	v6 =	vadd.f32 v9, v6;
	v47 =	vld [tilespmem:s29+$0x7D00];
	s31 =	sand.u32 $0x7, s26;
	s30 =	sand.u32 $0x1FFF8, s30  }
0x66: {  	v8 =	vadd.f32 v15, v8;
	v5 =	vadd.f32 v5, v13;
	v48 =	vld [tilespmem:s29+$0x7D10];
	s30 =	sor.u32 s31, s30;
	s28 =	spop (v2sf)  }
0x67: {  	v3 =	vadd.f32 v23, v3;
	v35 =	vld [tilespmem:s30+$0x0];
	(v2sf) =	vpush v4, $0x0;
	s26 =	sshrl.u32 s28, $0x10  }
0x68: {  	v6 =	vadd.f32 v17, v6;
	v5 =	vadd.f32 v16, v5;
	s28 =	sand.u32 $0xFFE0, s28;
	s30 =	sadd.s32 $0x10, s26;
	v49 =	vld [tilespmem:s26+$0x0]  }
0x69: {  	v8 =	vadd.f32 v10, v8;
	v3 =	vadd.f32 v21, v3;
	s31 =	sand.u32 $0x7, s26;
	v51 =	vld [tilespmem:s28+$0x7D00];
	s30 =	sand.u32 $0x1FFF8, s30  }
0x6a: {  	v6 =	vadd.f32 v24, v6;
	v5 =	vadd.f32 v20, v5;
	v52 =	vld [tilespmem:s28+$0x7D10];
	s30 =	sor.u32 s31, s30;
	s29 =	spop (v2sf)  }
0x6b: {  	v8 =	vadd.f32 v22, v8;
	(v2sf) =	vpush v4, $0x1;
	v50 =	vld [tilespmem:s30+$0x0];
	s26 =	sshrl.u32 s29, $0x10  }
0x6c: {  	v3 =	vadd.f32 v26, v3;
	v6 =	vadd.f32 v18, v6;
	s29 =	sand.u32 $0xFFE0, s29;
	v53 =	vld [tilespmem:s26+$0x0]  }
0x6d: {  	v8 =	vadd.f32 v25, v8;
	v5 =	vadd.f32 v28, v5;
	s28 =	spop (v2sf);
	v55 =	vld [tilespmem:s29+$0x7D00]  }
0x6e: {  	v3 =	vadd.f32 v30, v3;
	s30 =	sadd.s32 $0x10, s26;
	s31 =	sand.u32 $0x7, s26;
	(v2sf) =	vpush v4, $0x2;
	v56 =	vld [tilespmem:s29+$0x7D10];
	s26 =	sshrl.u32 s28, $0x10  }
0x6f: {  	v6 =	vadd.f32 v29, v6;
	v5 =	vadd.f32 v27, v5;
	s30 =	sand.u32 $0x1FFF8, s30;
	s28 =	sand.u32 $0xFFE0, s28;
	v57 =	vld [tilespmem:s26+$0x0]  }
0x70: {  	v8 =	vadd.f32 v32, v8;
	v3 =	vadd.f32 v60, v3;
	s30 =	sor.u32 s31, s30;
	v59 =	vld [tilespmem:s28+$0x7D00]  }
0x71: {  	v6 =	vadd.f32 v36, v6;
	v5 =	vadd.f32 v33, v5;
	s29 =	spop (v2sf);
	v54 =	vld [tilespmem:s30+$0x0];
	s30 =	sadd.s32 $0x10, s26  }
0x72: {  	v8 =	vadd.f32 v37, v8;
	(v2sf) =	vpush v4, $0x3;
	s31 =	sand.u32 $0x7, s26;
	v60 =	vld [tilespmem:s28+$0x7D10];
	s26 =	sshrl.u32 s29, $0x10;
	s30 =	sand.u32 $0x1FFF8, s30  }
0x73: {  	v3 =	vadd.f32 v40, v3;
	v6 =	vadd.f32 v61, v6;
	v61 =	vld [tilespmem:s26+$0x0];
	s30 =	sor.u32 s31, s30  }
0x74: {  	v5 =	vadd.f32 v39, v5;
	s29 =	sand.u32 $0xFFE0, s29;
	v58 =	vld [tilespmem:s30+$0x0];
	s30 =	sadd.s32 $0x10, s26  }
0x75: {  	v8 =	vadd.f32 v42, v8;
	v3 =	vadd.f32 v44, v3;
	v63 =	vld [tilespmem:s29+$0x7D00];
	s31 =	sand.u32 $0x7, s26;
	s30 =	sand.u32 $0x1FFF8, s30  }
0x76: {  	v6 =	vadd.f32 v45, v6;
	v5 =	vadd.f32 v43, v5;
	v29 =	vld [tilespmem:s29+$0x7D10];
	s30 =	sor.u32 s31, s30;
	s28 =	spop (v2sf)  }
0x77: {  	v8 =	vadd.f32 v41, v8;
	v3 =	vadd.f32 v46, v3;
	v62 =	vld [tilespmem:s30+$0x0];
	s26 =	sshrl.u32 s28, $0x10  }
0x78: {  	v6 =	vadd.f32 v14, v6;
	v2 =	vadd.f32 v2, v5;
	s28 =	sand.u32 $0xFFE0, s28;
	s30 =	sadd.s32 $0x10, s26;
	v30 =	vld [tilespmem:s26+$0x0]  }
0x79: {  	v7 =	vadd.f32 v34, v8;
	v3 =	vadd.f32 v47, v3;
	s31 =	sand.u32 $0x7, s26;
	v32 =	vld [tilespmem:s28+$0x7D00];
	s30 =	sand.u32 $0x1FFF8, s30  }
0x7a: {  	v6 =	vadd.f32 v48, v6;
	v2 =	vadd.f32 v35, v2;
	v33 =	vld [tilespmem:s28+$0x7D10];
	s30 =	sor.u32 s31, s30;
	s29 =	spop (v2sf)  }
0x7b: {  	v7 =	vadd.f32 v49, v7;
	v3 =	vadd.f32 v51, v3;
	v31 =	vld [tilespmem:s30+$0x0];
	s26 =	sshrl.u32 s29, $0x10  }
0x7c: {  	v6 =	vadd.f32 v52, v6;
	v2 =	vadd.f32 v50, v2;
	s29 =	sand.u32 $0xFFE0, s29;
	v34 =	vld [tilespmem:s26+$0x0]  }
0x7d: {  	v7 =	vadd.f32 v53, v7;
	v3 =	vadd.f32 v55, v3;
	s28 =	spop (v2sf);
	v36 =	vld [tilespmem:s29+$0x7D00]  }
0x7e: {  	v6 =	vadd.f32 v56, v6;
	(v2sf) =	vpush v4, $0x4;
	s30 =	sadd.s32 $0x10, s26;
	s31 =	sand.u32 $0x7, s26;
	v37 =	vld [tilespmem:s29+$0x7D10];
	s26 =	sshrl.u32 s28, $0x10  }
0x7f: {  	v7 =	vadd.f32 v57, v7;
	v2 =	vadd.f32 v54, v2;
	s30 =	sand.u32 $0x1FFF8, s30;
	s28 =	sand.u32 $0xFFE0, s28;
	v38 =	vld [tilespmem:s26+$0x0]  }
0x80: {  	v3 =	vadd.f32 v59, v3;
	v6 =	vadd.f32 v60, v6;
	s30 =	sor.u32 s31, s30;
	v40 =	vld [tilespmem:s28+$0x7D00]  }
0x81: {  	v7 =	vadd.f32 v61, v7;
	v2 =	vadd.f32 v58, v2;
	s29 =	spop (v2sf);
	v35 =	vld [tilespmem:s30+$0x0];
	s30 =	sadd.s32 $0x10, s26  }
0x82: {  	v3 =	vadd.f32 v63, v3;
	v5 =	vadd.f32 v29, v6;
	s31 =	sand.u32 $0x7, s26;
	v41 =	vld [tilespmem:s28+$0x7D10];
	s26 =	sshrl.u32 s29, $0x10;
	s30 =	sand.u32 $0x1FFF8, s30  }
0x83: {  	(v2sf) =	vpush v4, $0x5;
	v2 =	vadd.f32 v62, v2;
	v42 =	vld [tilespmem:s26+$0x0];
	s30 =	sor.u32 s31, s30  }
0x84: {  	(v2sf) =	vpush v4, $0x6;
	v7 =	vadd.f32 v30, v7;
	s29 =	sand.u32 $0xFFE0, s29;
	v39 =	vld [tilespmem:s30+$0x0];
	s30 =	sadd.s32 $0x10, s26  }
0x85: {  	v3 =	vadd.f32 v32, v3;
	v5 =	vadd.f32 v33, v5;
	v44 =	vld [tilespmem:s29+$0x7D00];
	s31 =	sand.u32 $0x7, s26;
	s30 =	sand.u32 $0x1FFF8, s30  }
0x86: {  	(v2sf) =	vpush v4, $0x7;
	v2 =	vadd.f32 v31, v2;
	v45 =	vld [tilespmem:s29+$0x7D10];
	s31 =	sor.u32 s31, s30  }
0x87: {  	v7 =	vadd.f32 v34, v7;
	v3 =	vadd.f32 v36, v3;
	v43 =	vld [tilespmem:s31+$0x0]  }
0x88: {  	v5 =	vadd.f32 v37, v5;
	v2 =	vadd.f32 v35, v2  }
0x89: {  	v7 =	vadd.f32 v38, v7;
	v3 =	vadd.f32 v40, v3  }
0x8a: {  	v5 =	vadd.f32 v41, v5;
	v2 =	vadd.f32 v39, v2  }
0x8b: {  	v46 =	vadd.f32 v42, v7;
	v47 =	vadd.f32 v44, v3  }
0x8c: {  	v48 =	vld.idx.msk [tilespmem:v1+s25+$0x0 ss:$0x1], $0xffff;
	v5 =	vadd.f32 v45, v5;
	v8 =	vadd.f32 v43, v2  }
0x8d: {  	v3 =	vld.idx.msk [tilespmem:v1+s25+$0x10 ss:$0x1], $0xffff;
	s26 =	spop (v2sf);
	v6 =	vmul.f32 v47, v46  }
0x8e: {  	v2 =	vld.idx.msk [tilespmem:v1+s25+$0x20 ss:$0x1], $0xffff;
	s25 =	sshrl.u32 s26, $0x10;
	v5 =	vmul.f32 v5, v8  }
0x8f: {  	(v2sf) =	vpush v4, $0x8;
	[tilespmem:s24+$0xFFFFFFC0] =	vst v6;
	s30 =	sadd.s32 $0x10, s25  }
0x90: {  	s31 =	sand.u32 $0x7, s25;
	s28 =	sand.u32 $0x1FFF8, s30;
	[tilespmem:s24+$0xFFFFFFD0] =	vst v5  }
0x91: {  	s29 =	sor.u32 s31, s28;
	v49 =	vld [tilespmem:s25+$0x0]  }
0x92: {  	s26 =	sand.u32 $0xFFE0, s26;
	v50 =	vld [tilespmem:s29+$0x0]  }
0x93: {  	s28 =	spop (v2sf);
	v5 =	vld [tilespmem:s26+$0x7D00]  }
0x94: {  	(v2sf) =	vpush v4, $0x9;
	s25 =	sshrl.u32 s28, $0x10;
	v6 =	vld [tilespmem:s26+$0x7D10]  }
0x95: {  	s28 =	sand.u32 $0xFFE0, s28;
	v51 =	vld [tilespmem:s25+$0x0]  }
0x96: {  	s26 =	spop (v2sf);
	v11 =	vld [tilespmem:s28+$0x7D00]  }
0x97: {  	(v2sf) =	vpush v4, $0xA;
	s30 =	sadd.s32 $0x10, s25;
	s31 =	sand.u32 $0x7, s25;
	s25 =	sshrl.u32 s26, $0x10;
	v53 =	vld [tilespmem:s28+$0x7D10]  }
0x98: {  	s26 =	sand.u32 $0xFFE0, s26;
	v54 =	vld [tilespmem:s25+$0x0]  }
0x99: {  	s29 =	sand.u32 $0x1FFF8, s30;
	v16 =	vld [tilespmem:s26+$0x7D00]  }
0x9a: {  	s28 =	spop (v2sf);
	v13 =	vld [tilespmem:s26+$0x7D10];
	s29 =	sor.u32 s31, s29  }
0x9b: {  	(v2sf) =	vpush v4, $0xB;
	s30 =	sadd.s32 $0x10, s25;
	s31 =	sand.u32 $0x7, s25;
	s25 =	sshrl.u32 s28, $0x10;
	v52 =	vld [tilespmem:s29+$0x0]  }
0x9c: {  	v55 =	vcvt.s32.f32 v48;
	s28 =	sand.u32 $0xFFE0, s28;
	v56 =	vld [tilespmem:s25+$0x0]  }
0x9d: {  	s29 =	sand.u32 $0x1FFF8, s30;
	v21 =	vld [tilespmem:s28+$0x7D00]  }
0x9e: {  	v19 =	vmul.f32 $1.000000050e-03, v55;
	v20 =	vld [tilespmem:s28+$0x7D10];
	s29 =	sor.u32 s31, s29;
	s26 =	spop (v2sf)  }
0x9f: {  	s30 =	sadd.s32 $0x10, s25;
	s31 =	sand.u32 $0x7, s25;
	v10 =	vld [tilespmem:s29+$0x0];
	s25 =	sshrl.u32 s26, $0x10  }
0xa0: {  	v57 =	vtrunc.f32 v19;
	(v2sf) =	vpush v4, $0xC;
	s29 =	sand.u32 $0x1FFF8, s30;
	s26 =	sand.u32 $0xFFE0, s26;
	v19 =	vld [tilespmem:s25+$0x0]  }
0xa1: {  	v58 =	vcvt.f32.s32 v57;
	s29 =	sor.u32 s31, s29;
	s30 =	sadd.s32 $0x10, s25;
	v23 =	vld [tilespmem:s26+$0x7D00]  }
0xa2: {  	s31 =	sand.u32 $0x7, s25;
	v18 =	vld [tilespmem:s29+$0x0];
	s29 =	sand.u32 $0x1FFF8, s30  }
0xa3: {  	v59 =	vmul.u32 $0xFFFFFC18, v58;
	v60 =	vld [tilespmem:s26+$0x7D10];
	s29 =	sor.u32 s31, s29;
	s28 =	spop (v2sf)  }
0xa4: {  	v22 =	vld [tilespmem:s29+$0x0];
	(v2sf) =	vpush v4, $0xD;
	s25 =	sshrl.u32 s28, $0x10  }
0xa5: {  	v26 =	vadd.s32 v48, v59;
	s28 =	sand.u32 $0xFFE0, s28;
	v24 =	vld [tilespmem:s25+$0x0]  }
0xa6: {  	vm13 =	vlt.s32 v26, $0x0;
	v61 =	vadd.s32 $0x3E8, v26;
	s26 =	spop (v2sf);
	v30 =	vld [tilespmem:s28+$0x7D00]  }
0xa7: {  	v62 =	vshra.s32 v26, $0x1F;
	v26 =	vsel vm13, v61, v26;
	s30 =	sadd.s32 $0x10, s25;
	s31 =	sand.u32 $0x7, s25;
	(v2sf) =	vpush v4, $0xE;
	v29 =	vld [tilespmem:s28+$0x7D10];
	s25 =	sshrl.u32 s26, $0x10  }
0xa8: {  	vm0 =	vgt.s32 v26, $0x3E7;
	s26 =	sand.u32 $0xFFE0, s26;
	v63 =	vld [tilespmem:s25+$0x0]  }
0xa9: {  	v27 =	vadd.s32 v58, v62;
	v26 =	vshll.u32 v26, $0x5;
	v45 =	vsel vm0, $0x1, v0;
	s29 =	sand.u32 $0x1FFF8, s30;
	v32 =	vld [tilespmem:s26+$0x7D00]  }
0xaa: {  	v46 =	vadd.s32 v45, v27;
	v47 =	vadd.s32 $0xFFFF8300, v26;
	s28 =	spop (v2sf);
	s29 =	sor.u32 s31, s29;
	v27 =	vld [tilespmem:s26+$0x7D10]  }
0xab: {  	v26 =	vsel vm0, v47, v26;
	(v2sf) =	vpush v4, $0xF;
	v4 =	vshll.u32 v46, $0x15;
	s30 =	sadd.s32 $0x10, s25;
	s31 =	sand.u32 $0x7, s25;
	s25 =	sshrl.u32 s28, $0x10;
	v28 =	vld [tilespmem:s29+$0x0]  }
0xac: {  	v4 =	vadd.s32 v26, v4;
	s28 =	sand.u32 $0xFFE0, s28;
	s29 =	sand.u32 $0x1FFF8, s30;
	v26 =	vld [tilespmem:s25+$0x0]  }
0xad: {  	s30 =	sadd.s32 $0x10, s25;
	v35 =	vld [tilespmem:s28+$0x7D00];
	s29 =	sor.u32 s31, s29  }
0xae: {  	s31 =	sand.u32 $0x7, s25;
	v33 =	vld [tilespmem:s29+$0x0];
	s29 =	sand.u32 $0x1FFF8, s30  }
0xaf: {  	v36 =	vld [tilespmem:s28+$0x7D10];
	s26 =	spop (v2sf);
	s29 =	sor.u32 s31, s29  }
0xb0: {  	(v2sf) =	vpush v4, $0x0;
	s25 =	sshrl.u32 s26, $0x10;
	v34 =	vld [tilespmem:s29+$0x0]  }
0xb1: {  	s26 =	sand.u32 $0xFFE0, s26;
	s30 =	sadd.s32 $0x10, s25;
	v37 =	vld [tilespmem:s25+$0x0]  }
0xb2: {  	s31 =	sand.u32 $0x7, s25;
	v39 =	vld [tilespmem:s26+$0x7D00];
	s29 =	sand.u32 $0x1FFF8, s30  }
0xb3: {  	v40 =	vld [tilespmem:s26+$0x7D10];
	s29 =	sor.u32 s31, s29;
	s28 =	spop (v2sf)  }
0xb4: {  	v38 =	vld [tilespmem:s29+$0x0];
	(v2sf) =	vpush v4, $0x1;
	s25 =	sshrl.u32 s28, $0x10  }
0xb5: {  	s28 =	sand.u32 $0xFFE0, s28;
	v41 =	vld [tilespmem:s25+$0x0]  }
0xb6: {  	s26 =	spop (v2sf);
	v43 =	vld [tilespmem:s28+$0x7D00]  }
0xb7: {  	v8 =	vadd.f32 $0.0e+00, v49;
	s30 =	sadd.s32 $0x10, s25;
	s31 =	sand.u32 $0x7, s25;
	(v2sf) =	vpush v4, $0x2;
	v48 =	vld [tilespmem:s28+$0x7D10];
	s25 =	sshrl.u32 s26, $0x10  }
0xb8: {  	v9 =	vadd.f32 $0.0e+00, v50;
	v5 =	vadd.f32 $0.0e+00, v5;
	s26 =	sand.u32 $0xFFE0, s26;
	v49 =	vld [tilespmem:s25+$0x0]  }
0xb9: {  	v6 =	vadd.f32 $0.0e+00, v6;
	v7 =	vadd.f32 v51, v8;
	s29 =	sand.u32 $0x1FFF8, s30;
	v47 =	vld [tilespmem:s26+$0x7D00]  }
0xba: {  	v5 =	vadd.f32 v11, v5;
	v51 =	vadd.f32 v52, v9;
	s28 =	spop (v2sf);
	s29 =	sor.u32 s31, s29;
	v52 =	vld [tilespmem:s26+$0x7D10]  }
0xbb: {  	v6 =	vadd.f32 v53, v6;
	(v2sf) =	vpush v4, $0x3;
	s30 =	sadd.s32 $0x10, s25;
	s31 =	sand.u32 $0x7, s25;
	s25 =	sshrl.u32 s28, $0x10;
	v42 =	vld [tilespmem:s29+$0x0]  }
0xbc: {  	v7 =	vadd.f32 v54, v7;
	s28 =	sand.u32 $0xFFE0, s28;
	s29 =	sand.u32 $0x1FFF8, s30;
	v53 =	vld [tilespmem:s25+$0x0]  }
0xbd: {  	v5 =	vadd.f32 v16, v5;
	v6 =	vadd.f32 v13, v6;
	s30 =	sadd.s32 $0x10, s25;
	v55 =	vld [tilespmem:s28+$0x7D00];
	s29 =	sor.u32 s31, s29  }
0xbe: {  	v8 =	vadd.f32 v10, v51;
	v7 =	vadd.f32 v56, v7;
	s31 =	sand.u32 $0x7, s25;
	v50 =	vld [tilespmem:s29+$0x0];
	s29 =	sand.u32 $0x1FFF8, s30  }
0xbf: {  	v5 =	vadd.f32 v21, v5;
	v6 =	vadd.f32 v20, v6;
	v56 =	vld [tilespmem:s28+$0x7D10];
	s26 =	spop (v2sf);
	s29 =	sor.u32 s31, s29  }
0xc0: {  	v8 =	vadd.f32 v18, v8;
	(v2sf) =	vpush v4, $0x4;
	s25 =	sshrl.u32 s26, $0x10;
	v54 =	vld [tilespmem:s29+$0x0]  }
0xc1: {  	v7 =	vadd.f32 v19, v7;
	v5 =	vadd.f32 v23, v5;
	s26 =	sand.u32 $0xFFE0, s26;
	s30 =	sadd.s32 $0x10, s25;
	v57 =	vld [tilespmem:s25+$0x0]  }
0xc2: {  	v6 =	vadd.f32 v60, v6;
	v8 =	vadd.f32 v22, v8;
	s31 =	sand.u32 $0x7, s25;
	v59 =	vld [tilespmem:s26+$0x7D00];
	s29 =	sand.u32 $0x1FFF8, s30  }
0xc3: {  	v7 =	vadd.f32 v24, v7;
	v5 =	vadd.f32 v30, v5;
	v60 =	vld [tilespmem:s26+$0x7D10];
	s29 =	sor.u32 s31, s29;
	s28 =	spop (v2sf)  }
0xc4: {  	v6 =	vadd.f32 v29, v6;
	v58 =	vld [tilespmem:s29+$0x0];
	(v2sf) =	vpush v4, $0x5;
	s25 =	sshrl.u32 s28, $0x10  }
0xc5: {  	v7 =	vadd.f32 v63, v7;
	v8 =	vadd.f32 v28, v8;
	s28 =	sand.u32 $0xFFE0, s28;
	v61 =	vld [tilespmem:s25+$0x0]  }
0xc6: {  	v5 =	vadd.f32 v32, v5;
	v6 =	vadd.f32 v27, v6;
	s26 =	spop (v2sf);
	v63 =	vld [tilespmem:s28+$0x7D00]  }
0xc7: {  	v8 =	vadd.f32 v33, v8;
	s30 =	sadd.s32 $0x10, s25;
	s31 =	sand.u32 $0x7, s25;
	(v2sf) =	vpush v4, $0x6;
	v32 =	vld [tilespmem:s28+$0x7D10];
	s25 =	sshrl.u32 s26, $0x10  }
0xc8: {  	v7 =	vadd.f32 v26, v7;
	v5 =	vadd.f32 v35, v5;
	s26 =	sand.u32 $0xFFE0, s26;
	v33 =	vld [tilespmem:s25+$0x0]  }
0xc9: {  	v6 =	vadd.f32 v36, v6;
	v8 =	vadd.f32 v34, v8;
	s29 =	sand.u32 $0x1FFF8, s30;
	v36 =	vld [tilespmem:s26+$0x7D00]  }
0xca: {  	v7 =	vadd.f32 v37, v7;
	s28 =	spop (v2sf);
	(v2sf) =	vpush v4, $0x7;
	s29 =	sor.u32 s31, s29;
	v37 =	vld [tilespmem:s26+$0x7D10]  }
0xcb: {  	s30 =	sadd.s32 $0x10, s25;
	s31 =	sand.u32 $0x7, s25;
	s25 =	sshrl.u32 s28, $0x10;
	v62 =	vld [tilespmem:s29+$0x0]  }
0xcc: {  	v5 =	vadd.f32 v39, v5;
	v8 =	vadd.f32 v38, v8;
	s28 =	sand.u32 $0xFFE0, s28;
	s29 =	sand.u32 $0x1FFF8, s30;
	v38 =	vld [tilespmem:s25+$0x0]  }
0xcd: {  	v6 =	vadd.f32 v40, v6;
	s30 =	sadd.s32 $0x10, s25;
	v40 =	vld [tilespmem:s28+$0x7D00];
	s29 =	sor.u32 s31, s29  }
0xce: {  	v7 =	vadd.f32 v41, v7;
	v5 =	vadd.f32 v43, v5;
	s31 =	sand.u32 $0x7, s25;
	v34 =	vld [tilespmem:s29+$0x0];
	s29 =	sand.u32 $0x1FFF8, s30  }
0xcf: {  	v6 =	vadd.f32 v48, v6;
	v8 =	vadd.f32 v42, v8;
	v41 =	vld [tilespmem:s28+$0x7D10];
	s26 =	spop (v2sf);
	s29 =	sor.u32 s31, s29  }
0xd0: {  	v7 =	vadd.f32 v49, v7;
	v5 =	vadd.f32 v47, v5;
	s25 =	sshrl.u32 s26, $0x10;
	v39 =	vld [tilespmem:s29+$0x0]  }
0xd1: {  	v6 =	vadd.f32 v52, v6;
	v8 =	vadd.f32 v50, v8;
	s26 =	sand.u32 $0xFFE0, s26;
	s30 =	sadd.s32 $0x10, s25;
	v42 =	vld [tilespmem:s25+$0x0]  }
0xd2: {  	v7 =	vadd.f32 v53, v7;
	v5 =	vadd.f32 v55, v5;
	s31 =	sand.u32 $0x7, s25;
	v44 =	vld [tilespmem:s26+$0x7D00];
	s29 =	sand.u32 $0x1FFF8, s30  }
0xd3: {  	v6 =	vadd.f32 v56, v6;
	v8 =	vadd.f32 v54, v8;
	v45 =	vld [tilespmem:s26+$0x7D10];
	s29 =	sor.u32 s31, s29;
	s28 =	spop (v2sf)  }
0xd4: {  	v7 =	vadd.f32 v57, v7;
	v5 =	vadd.f32 v59, v5;
	v43 =	vld [tilespmem:s29+$0x0];
	s25 =	sshrl.u32 s28, $0x10  }
0xd5: {  	v6 =	vadd.f32 v60, v6;
	v8 =	vadd.f32 v58, v8;
	s28 =	sand.u32 $0xFFE0, s28;
	v46 =	vld [tilespmem:s25+$0x0]  }
0xd6: {  	v7 =	vadd.f32 v61, v7;
	v5 =	vadd.f32 v63, v5;
	s26 =	spop (v2sf);
	v48 =	vld [tilespmem:s28+$0x7D00]  }
0xd7: {  	(v2sf) =	vpush v4, $0x8;
	v6 =	vadd.f32 v32, v6;
	s30 =	sadd.s32 $0x10, s25;
	s31 =	sand.u32 $0x7, s25;
	v49 =	vld [tilespmem:s28+$0x7D10];
	s25 =	sshrl.u32 s26, $0x10  }
0xd8: {  	v7 =	vadd.f32 v33, v7;
	v8 =	vadd.f32 v62, v8;
	s29 =	sand.u32 $0x1FFF8, s30;
	s26 =	sand.u32 $0xFFE0, s26;
	v50 =	vld [tilespmem:s25+$0x0]  }
0xd9: {  	v5 =	vadd.f32 v36, v5;
	v6 =	vadd.f32 v37, v6;
	s28 =	spop (v2sf);
	s29 =	sor.u32 s31, s29;
	s30 =	sadd.s32 $0x10, s25;
	v52 =	vld [tilespmem:s26+$0x7D00]  }
0xda: {  	v7 =	vadd.f32 v38, v7;
	v8 =	vadd.f32 v34, v8;
	s31 =	sand.u32 $0x7, s25;
	s25 =	sshrl.u32 s28, $0x10;
	v47 =	vld [tilespmem:s29+$0x0];
	s29 =	sand.u32 $0x1FFF8, s30  }
0xdb: {  	v5 =	vadd.f32 v40, v5;
	v6 =	vadd.f32 v41, v6;
	v53 =	vld [tilespmem:s26+$0x7D10];
	s30 =	sadd.s32 $0x10, s25;
	s29 =	sor.u32 s31, s29  }
0xdc: {  	v8 =	vadd.f32 v39, v8;
	v7 =	vadd.f32 v42, v7;
	s31 =	sand.u32 $0x7, s25;
	v51 =	vld [tilespmem:s29+$0x0];
	s29 =	sand.u32 $0x1FFF8, s30  }
0xdd: {  	v5 =	vadd.f32 v44, v5;
	(v2sf) =	vpush v4, $0x9;
	v54 =	vld [tilespmem:s25+$0x0];
	s26 =	sor.u32 s31, s29  }
0xde: {  	v6 =	vadd.f32 v45, v6;
	(v2sf) =	vpush v4, $0xA;
	s29 =	sand.u32 $0xFFE0, s28;
	v55 =	vld [tilespmem:s26+$0x0]  }
0xdf: {  	v8 =	vadd.f32 v43, v8;
	(v2sf) =	vpush v4, $0xB;
	v56 =	vld [tilespmem:s29+$0x7D00]  }
0xe0: {  	v7 =	vadd.f32 v46, v7;
	v5 =	vadd.f32 v48, v5;
	v57 =	vld [tilespmem:s29+$0x7D10]  }
0xe1: {  	v6 =	vadd.f32 v49, v6;
	v8 =	vadd.f32 v47, v8  }
0xe2: {  	v7 =	vadd.f32 v50, v7;
	v5 =	vadd.f32 v52, v5  }
0xe3: {  	v6 =	vadd.f32 v53, v6;
	v8 =	vadd.f32 v51, v8  }
0xe4: {  	v7 =	vadd.f32 v54, v7;
	v5 =	vadd.f32 v56, v5  }
0xe5: {  	v58 =	vcvt.s32.f32 v3;
	v8 =	vadd.f32 v55, v8;
	v6 =	vadd.f32 v57, v6  }
0xe6: {  	s25 =	spop (v2sf);
	v5 =	vmul.f32 v5, v7  }
0xe7: {  	v59 =	vmul.f32 $1.000000050e-03, v58;
	s26 =	sshrl.u32 s25, $0x10;
	v6 =	vmul.f32 v6, v8  }
0xe8: {  	(v2sf) =	vpush v4, $0xC;
	s30 =	sadd.s32 $0x10, s26;
	[tilespmem:s24+$0xFFFFFFE0] =	vst v5  }
0xe9: {  	v60 =	vtrunc.f32 v59;
	s31 =	sand.u32 $0x7, s26;
	s28 =	sand.u32 $0x1FFF8, s30;
	[tilespmem:s24+$0xFFFFFFF0] =	vst v6  }
0xea: {  	v61 =	vcvt.f32.s32 v60;
	s29 =	sor.u32 s31, s28;
	v6 =	vld [tilespmem:s26+$0x0]  }
0xeb: {  	s25 =	sand.u32 $0xFFE0, s25;
	v7 =	vld [tilespmem:s29+$0x0]  }
0xec: {  	v62 =	vmul.u32 $0xFFFFFC18, v61;
	s28 =	spop (v2sf);
	v5 =	vld [tilespmem:s25+$0x7D00]  }
0xed: {  	(v2sf) =	vpush v4, $0xD;
	s26 =	sshrl.u32 s28, $0x10;
	v8 =	vld [tilespmem:s25+$0x7D10]  }
0xee: {  	v3 =	vadd.s32 v3, v62;
	s28 =	sand.u32 $0xFFE0, s28;
	s30 =	sadd.s32 $0x10, s26;
	v9 =	vld [tilespmem:s26+$0x0]  }
0xef: {  	vm14 =	vlt.s32 v3, $0x0;
	v43 =	vadd.s32 $0x3E8, v3;
	s31 =	sand.u32 $0x7, s26;
	v11 =	vld [tilespmem:s28+$0x7D00];
	s29 =	sand.u32 $0x1FFF8, s30  }
0xf0: {  	v44 =	vshra.s32 v3, $0x1F;
	v3 =	vsel vm14, v43, v3;
	s26 =	spop (v2sf);
	v13 =	vld [tilespmem:s28+$0x7D10];
	s25 =	sor.u32 s31, s29  }
0xf1: {  	vm0 =	vgt.s32 v3, $0x3E7;
	(v2sf) =	vpush v4, $0xE;
	v63 =	vld [tilespmem:s25+$0x0];
	s25 =	sshrl.u32 s26, $0x10  }
0xf2: {  	v12 =	vadd.s32 v61, v44;
	v3 =	vshll.u32 v3, $0x5;
	v45 =	vsel vm0, $0x1, v0;
	s26 =	sand.u32 $0xFFE0, s26;
	v14 =	vld [tilespmem:s25+$0x0]  }
0xf3: {  	v46 =	vadd.s32 v45, v12;
	v47 =	vadd.s32 $0xFFFF8300, v3;
	s28 =	spop (v2sf);
	v15 =	vld [tilespmem:s26+$0x7D00]  }
0xf4: {  	v3 =	vsel vm0, v47, v3;
	(v2sf) =	vpush v4, $0xF;
	v4 =	vshll.u32 v46, $0x15;
	s30 =	sadd.s32 $0x10, s25;
	s31 =	sand.u32 $0x7, s25;
	s25 =	sshrl.u32 s28, $0x10;
	v12 =	vld [tilespmem:s26+$0x7D10]  }
0xf5: {  	v3 =	vadd.s32 v3, v4;
	s28 =	sand.u32 $0xFFE0, s28;
	v4 =	vld [tilespmem:s25+$0x0]  }
0xf6: {  	s29 =	sand.u32 $0x1FFF8, s30;
	v18 =	vld [tilespmem:s28+$0x7D00]  }
0xf7: {  	s26 =	spop (v2sf);
	v19 =	vld [tilespmem:s28+$0x7D10];
	s29 =	sor.u32 s31, s29  }
0xf8: {  	(v2sf) =	vpush v3, $0x0;
	s30 =	sadd.s32 $0x10, s25;
	s31 =	sand.u32 $0x7, s25;
	s25 =	sshrl.u32 s26, $0x10;
	v16 =	vld [tilespmem:s29+$0x0]  }
0xf9: {  	s26 =	sand.u32 $0xFFE0, s26;
	s29 =	sand.u32 $0x1FFF8, s30;
	v20 =	vld [tilespmem:s25+$0x0]  }
0xfa: {  	s30 =	sadd.s32 $0x10, s25;
	v22 =	vld [tilespmem:s26+$0x7D00];
	s29 =	sor.u32 s31, s29  }
0xfb: {  	s31 =	sand.u32 $0x7, s25;
	v17 =	vld [tilespmem:s29+$0x0];
	s29 =	sand.u32 $0x1FFF8, s30  }
0xfc: {  	v49 =	vld [tilespmem:s26+$0x7D10];
	s29 =	sor.u32 s31, s29;
	s28 =	spop (v2sf)  }
0xfd: {  	(v2sf) =	vpush v3, $0x1;
	v48 =	vld [tilespmem:s29+$0x0];
	s25 =	sshrl.u32 s28, $0x10  }
0xfe: {  	s28 =	sand.u32 $0xFFE0, s28;
	s30 =	sadd.s32 $0x10, s25;
	v24 =	vld [tilespmem:s25+$0x0]  }
0xff: {  	s31 =	sand.u32 $0x7, s25;
	v51 =	vld [tilespmem:s28+$0x7D00];
	s29 =	sand.u32 $0x1FFF8, s30  }
0x100: {  	v27 =	vld [tilespmem:s28+$0x7D10];
	s29 =	sor.u32 s31, s29;
	s26 =	spop (v2sf)  }
0x101: {  	v50 =	vld [tilespmem:s29+$0x0];
	(v2sf) =	vpush v3, $0x2;
	s25 =	sshrl.u32 s26, $0x10  }
0x102: {  	s26 =	sand.u32 $0xFFE0, s26;
	v52 =	vld [tilespmem:s25+$0x0]  }
0x103: {  	s28 =	spop (v2sf);
	v53 =	vld [tilespmem:s26+$0x7D00]  }
0x104: {  	(v2sf) =	vpush v3, $0x3;
	s30 =	sadd.s32 $0x10, s25;
	s31 =	sand.u32 $0x7, s25;
	s25 =	sshrl.u32 s28, $0x10;
	v31 =	vld [tilespmem:s26+$0x7D10]  }
0x105: {  	s28 =	sand.u32 $0xFFE0, s28;
	v54 =	vld [tilespmem:s25+$0x0]  }
0x106: {  	s29 =	sand.u32 $0x1FFF8, s30;
	v34 =	vld [tilespmem:s28+$0x7D00]  }
0x107: {  	v56 =	vld [tilespmem:s28+$0x7D10];
	s29 =	sor.u32 s31, s29;
	s26 =	spop (v2sf)  }
0x108: {  	s30 =	sadd.s32 $0x10, s25;
	s31 =	sand.u32 $0x7, s25;
	(v2sf) =	vpush v3, $0x4;
	v29 =	vld [tilespmem:s29+$0x0];
	s25 =	sshrl.u32 s26, $0x10  }
0x109: {  	s29 =	sand.u32 $0x1FFF8, s30;
	s26 =	sand.u32 $0xFFE0, s26;
	v36 =	vld [tilespmem:s25+$0x0]  }
0x10a: {  	s29 =	sor.u32 s31, s29;
	s30 =	sadd.s32 $0x10, s25;
	v38 =	vld [tilespmem:s26+$0x7D00]  }
0x10b: {  	s31 =	sand.u32 $0x7, s25;
	v55 =	vld [tilespmem:s29+$0x0];
	s29 =	sand.u32 $0x1FFF8, s30  }
0x10c: {  	v58 =	vld [tilespmem:s26+$0x7D10];
	s29 =	sor.u32 s31, s29;
	s28 =	spop (v2sf)  }
0x10d: {  	v57 =	vld [tilespmem:s29+$0x0];
	(v2sf) =	vpush v3, $0x5;
	s25 =	sshrl.u32 s28, $0x10  }
0x10e: {  	s28 =	sand.u32 $0xFFE0, s28;
	s30 =	sadd.s32 $0x10, s25;
	v40 =	vld [tilespmem:s25+$0x0]  }
0x10f: {  	s31 =	sand.u32 $0x7, s25;
	v60 =	vld [tilespmem:s28+$0x7D00];
	s29 =	sand.u32 $0x1FFF8, s30  }
0x110: {  	v6 =	vadd.f32 $0.0e+00, v6;
	v5 =	vadd.f32 $0.0e+00, v5;
	v61 =	vld [tilespmem:s28+$0x7D10];
	s29 =	sor.u32 s31, s29;
	s26 =	spop (v2sf)  }
0x111: {  	v8 =	vadd.f32 $0.0e+00, v8;
	v59 =	vld [tilespmem:s29+$0x0];
	(v2sf) =	vpush v3, $0x6;
	s25 =	sshrl.u32 s26, $0x10  }
0x112: {  	v7 =	vadd.f32 $0.0e+00, v7;
	v6 =	vadd.f32 v9, v6;
	s26 =	sand.u32 $0xFFE0, s26;
	v44 =	vld [tilespmem:s25+$0x0]  }
0x113: {  	v5 =	vadd.f32 v11, v5;
	v8 =	vadd.f32 v13, v8;
	s28 =	spop (v2sf);
	v46 =	vld [tilespmem:s26+$0x7D00]  }
0x114: {  	v7 =	vadd.f32 v63, v7;
	(v2sf) =	vpush v3, $0x7;
	s30 =	sadd.s32 $0x10, s25;
	s31 =	sand.u32 $0x7, s25;
	s25 =	sshrl.u32 s28, $0x10;
	v63 =	vld [tilespmem:s26+$0x7D10]  }
0x115: {  	v6 =	vadd.f32 v14, v6;
	v5 =	vadd.f32 v15, v5;
	s28 =	sand.u32 $0xFFE0, s28;
	v10 =	vld [tilespmem:s25+$0x0]  }
0x116: {  	v8 =	vadd.f32 v12, v8;
	v7 =	vadd.f32 v16, v7;
	s29 =	sand.u32 $0x1FFF8, s30;
	v13 =	vld [tilespmem:s28+$0x7D00]  }
0x117: {  	v4 =	vadd.f32 v4, v6;
	v5 =	vadd.f32 v18, v5;
	v6 =	vld [tilespmem:s28+$0x7D10];
	s29 =	sor.u32 s31, s29;
	s26 =	spop (v2sf)  }
0x118: {  	v7 =	vadd.f32 v17, v7;
	s30 =	sadd.s32 $0x10, s25;
	s31 =	sand.u32 $0x7, s25;
	(v2sf) =	vpush v3, $0x8;
	v62 =	vld [tilespmem:s29+$0x0];
	s25 =	sshrl.u32 s26, $0x10  }
0x119: {  	v8 =	vadd.f32 v19, v8;
	v4 =	vadd.f32 v20, v4;
	s29 =	sand.u32 $0x1FFF8, s30;
	s26 =	sand.u32 $0xFFE0, s26;
	v12 =	vld [tilespmem:s25+$0x0]  }
0x11a: {  	v5 =	vadd.f32 v22, v5;
	v7 =	vadd.f32 v48, v7;
	s29 =	sor.u32 s31, s29;
	s30 =	sadd.s32 $0x10, s25;
	v48 =	vld [tilespmem:s26+$0x7D00]  }
0x11b: {  	v8 =	vadd.f32 v49, v8;
	s31 =	sand.u32 $0x7, s25;
	v11 =	vld [tilespmem:s29+$0x0];
	s29 =	sand.u32 $0x1FFF8, s30  }
0x11c: {  	v4 =	vadd.f32 v24, v4;
	v5 =	vadd.f32 v51, v5;
	v49 =	vld [tilespmem:s26+$0x7D10];
	s29 =	sor.u32 s31, s29;
	s28 =	spop (v2sf)  }
0x11d: {  	v7 =	vadd.f32 v50, v7;
	v47 =	vld [tilespmem:s29+$0x0];
	(v2sf) =	vpush v3, $0x9;
	s25 =	sshrl.u32 s28, $0x10  }
0x11e: {  	v8 =	vadd.f32 v27, v8;
	v4 =	vadd.f32 v52, v4;
	s28 =	sand.u32 $0xFFE0, s28;
	s30 =	sadd.s32 $0x10, s25;
	v50 =	vld [tilespmem:s25+$0x0]  }
0x11f: {  	v5 =	vadd.f32 v53, v5;
	v7 =	vadd.f32 v29, v7;
	s31 =	sand.u32 $0x7, s25;
	v52 =	vld [tilespmem:s28+$0x7D00];
	s29 =	sand.u32 $0x1FFF8, s30  }
0x120: {  	v8 =	vadd.f32 v31, v8;
	v4 =	vadd.f32 v54, v4;
	v53 =	vld [tilespmem:s28+$0x7D10];
	s29 =	sor.u32 s31, s29;
	s26 =	spop (v2sf)  }
0x121: {  	v7 =	vadd.f32 v55, v7;
	v51 =	vld [tilespmem:s29+$0x0];
	(v2sf) =	vpush v3, $0xA;
	s25 =	sshrl.u32 s26, $0x10  }
0x122: {  	v5 =	vadd.f32 v34, v5;
	v8 =	vadd.f32 v56, v8;
	s26 =	sand.u32 $0xFFE0, s26;
	v54 =	vld [tilespmem:s25+$0x0]  }
0x123: {  	v7 =	vadd.f32 v57, v7;
	s28 =	spop (v2sf);
	(v2sf) =	vpush v3, $0xB;
	v56 =	vld [tilespmem:s26+$0x7D00]  }
0x124: {  	v4 =	vadd.f32 v36, v4;
	v5 =	vadd.f32 v38, v5;
	s30 =	sadd.s32 $0x10, s25;
	s31 =	sand.u32 $0x7, s25;
	s25 =	sshrl.u32 s28, $0x10;
	v57 =	vld [tilespmem:s26+$0x7D10]  }
0x125: {  	v8 =	vadd.f32 v58, v8;
	v7 =	vadd.f32 v59, v7;
	s28 =	sand.u32 $0xFFE0, s28;
	v58 =	vld [tilespmem:s25+$0x0]  }
0x126: {  	v4 =	vadd.f32 v40, v4;
	v5 =	vadd.f32 v60, v5;
	s29 =	sand.u32 $0x1FFF8, s30;
	v60 =	vld [tilespmem:s28+$0x7D00]  }
0x127: {  	v8 =	vadd.f32 v61, v8;
	v7 =	vadd.f32 v62, v7;
	v62 =	vld [tilespmem:s28+$0x7D10];
	s29 =	sor.u32 s31, s29;
	s26 =	spop (v2sf)  }
0x128: {  	v4 =	vadd.f32 v44, v4;
	s30 =	sadd.s32 $0x10, s25;
	s31 =	sand.u32 $0x7, s25;
	v55 =	vld [tilespmem:s29+$0x0];
	s25 =	sshrl.u32 s26, $0x10  }
0x129: {  	v5 =	vadd.f32 v46, v5;
	v8 =	vadd.f32 v63, v8;
	s29 =	sand.u32 $0x1FFF8, s30;
	s26 =	sand.u32 $0xFFE0, s26;
	v63 =	vld [tilespmem:s25+$0x0]  }
0x12a: {  	v61 =	vcvt.s32.f32 v2;
	s29 =	sor.u32 s31, s29;
	s30 =	sadd.s32 $0x10, s25;
	v32 =	vld [tilespmem:s26+$0x7D00]  }
0x12b: {  	v4 =	vadd.f32 v10, v4;
	v5 =	vadd.f32 v13, v5;
	s31 =	sand.u32 $0x7, s25;
	v59 =	vld [tilespmem:s29+$0x0];
	s29 =	sand.u32 $0x1FFF8, s30  }
0x12c: {  	v28 =	vmul.f32 $1.000000050e-03, v61;
	v6 =	vadd.f32 v6, v8;
	v7 =	vadd.f32 v11, v7;
	v34 =	vld [tilespmem:s26+$0x7D10];
	s29 =	sor.u32 s31, s29;
	s28 =	spop (v2sf)  }
0x12d: {  	v4 =	vadd.f32 v12, v4;
	v5 =	vadd.f32 v48, v5;
	v31 =	vld [tilespmem:s29+$0x0];
	s25 =	sshrl.u32 s28, $0x10  }
0x12e: {  	v33 =	vtrunc.f32 v28;
	v6 =	vadd.f32 v49, v6;
	v7 =	vadd.f32 v47, v7;
	s28 =	sand.u32 $0xFFE0, s28;
	s30 =	sadd.s32 $0x10, s25;
	v35 =	vld [tilespmem:s25+$0x0]  }
0x12f: {  	v11 =	vcvt.f32.s32 v33;
	v4 =	vadd.f32 v50, v4;
	v5 =	vadd.f32 v52, v5;
	s31 =	sand.u32 $0x7, s25;
	v38 =	vld [tilespmem:s28+$0x7D00];
	s29 =	sand.u32 $0x1FFF8, s30  }
0x130: {  	v6 =	vadd.f32 v53, v6;
	(v2sf) =	vpush v3, $0xC;
	v39 =	vld [tilespmem:s28+$0x7D10];
	s29 =	sor.u32 s31, s29;
	s26 =	spop (v2sf)  }
0x131: {  	v37 =	vmul.u32 $0xFFFFFC18, v11;
	v4 =	vadd.f32 v54, v4;
	v5 =	vadd.f32 v56, v5;
	v36 =	vld [tilespmem:s29+$0x0];
	s25 =	sshrl.u32 s26, $0x10  }
0x132: {  	v7 =	vadd.f32 v51, v7;
	v6 =	vadd.f32 v57, v6;
	s28 =	spop (v2sf);
	s26 =	sand.u32 $0xFFE0, s26;
	s30 =	sadd.s32 $0x10, s25;
	v40 =	vld [tilespmem:s25+$0x0]  }
0x133: {  	v2 =	vadd.s32 v2, v37;
	v4 =	vadd.f32 v58, v4;
	v5 =	vadd.f32 v60, v5;
	s31 =	sand.u32 $0x7, s25;
	s25 =	sshrl.u32 s28, $0x10;
	v43 =	vld [tilespmem:s26+$0x7D00];
	s29 =	sand.u32 $0x1FFF8, s30  }
0x134: {  	vm15 =	vlt.s32 v2, $0x0;
	v6 =	vadd.f32 v62, v6;
	v7 =	vadd.f32 v55, v7;
	v44 =	vld [tilespmem:s26+$0x7D10];
	s30 =	sadd.s32 $0x10, s25;
	s29 =	sor.u32 s31, s29  }
0x135: {  	v42 =	vshra.s32 v2, $0x1F;
	(v2sf) =	vpush v3, $0xD;
	v4 =	vadd.f32 v63, v4;
	s31 =	sand.u32 $0x7, s25;
	v41 =	vld [tilespmem:s29+$0x0];
	s29 =	sand.u32 $0x1FFF8, s30  }
0x136: {  	v45 =	vadd.s32 $0x3E8, v2;
	v5 =	vadd.f32 v32, v5;
	v7 =	vadd.f32 v59, v7;
	v46 =	vld [tilespmem:s25+$0x0];
	s26 =	sor.u32 s31, s29  }
0x137: {  	v11 =	vadd.s32 v11, v42;
	v6 =	vadd.f32 v34, v6;
	(v2sf) =	vpush v3, $0xE;
	s29 =	sand.u32 $0xFFE0, s28;
	v47 =	vld [tilespmem:s26+$0x0]  }
0x138: {  	v2 =	vsel vm15, v45, v2;
	v7 =	vadd.f32 v31, v7;
	(v2sf) =	vpush v3, $0xF;
	v48 =	vld [tilespmem:s29+$0x7D00]  }
0x139: {  	vm0 =	vgt.s32 v2, $0x3E7;
	v4 =	vadd.f32 v35, v4;
	v5 =	vadd.f32 v38, v5;
	v50 =	vld [tilespmem:s29+$0x7D10]  }
0x13a: {  	v2 =	vshll.u32 v2, $0x5;
	v6 =	vadd.f32 v39, v6;
	v7 =	vadd.f32 v36, v7  }
0x13b: {  	v49 =	vsel vm0, $0x1, v0;
	v4 =	vadd.f32 v40, v4;
	v5 =	vadd.f32 v43, v5  }
0x13c: {  	v11 =	vadd.s32 v49, v11;
	v6 =	vadd.f32 v44, v6;
	v7 =	vadd.f32 v41, v7  }
0x13d: {  	v3 =	vadd.s32 $0xFFFF8300, v2;
	v4 =	vadd.f32 v46, v4;
	v5 =	vadd.f32 v48, v5  }
0x13e: {  	v2 =	vsel vm0, v3, v2;
	v3 =	vadd.f32 v47, v7;
	v6 =	vadd.f32 v50, v6  }
0x13f: {  	v11 =	vshll.u32 v11, $0x15;
	s25 =	spop (v2sf);
	v4 =	vmul.f32 v5, v4  }
0x140: {  	v2 =	vadd.s32 v2, v11;
	s26 =	sshrl.u32 s25, $0x10;
	v3 =	vmul.f32 v6, v3  }
0x141: {  	(v2sf) =	vpush v2, $0x0;
	s30 =	sadd.s32 $0x10, s26;
	[tilespmem:s24+$0x0] =	vst v4  }
0x142: {  	s31 =	sand.u32 $0x7, s26;
	s28 =	sand.u32 $0x1FFF8, s30;
	[tilespmem:s24+$0x10] =	vst v3  }
0x143: {  	s29 =	sor.u32 s31, s28;
	v3 =	vld [tilespmem:s26+$0x0]  }
0x144: {  	s25 =	sand.u32 $0xFFE0, s25;
	v4 =	vld [tilespmem:s29+$0x0]  }
0x145: {  	s28 =	spop (v2sf);
	(v2sf) =	vpush v2, $0x1;
	v5 =	vld [tilespmem:s25+$0x7D00]  }
0x146: {  	s26 =	sshrl.u32 s28, $0x10;
	v51 =	vld [tilespmem:s25+$0x7D10]  }
0x147: {  	s28 =	sand.u32 $0xFFE0, s28;
	s30 =	sadd.s32 $0x10, s26;
	v52 =	vld [tilespmem:s26+$0x0]  }
0x148: {  	s31 =	sand.u32 $0x7, s26;
	v53 =	vld [tilespmem:s28+$0x7D00];
	s29 =	sand.u32 $0x1FFF8, s30  }
0x149: {  	s26 =	spop (v2sf);
	v10 =	vld [tilespmem:s28+$0x7D10];
	s25 =	sor.u32 s31, s29  }
0x14a: {  	(v2sf) =	vpush v2, $0x2;
	v8 =	vld [tilespmem:s25+$0x0];
	s25 =	sshrl.u32 s26, $0x10  }
0x14b: {  	s26 =	sand.u32 $0xFFE0, s26;
	v54 =	vld [tilespmem:s25+$0x0]  }
0x14c: {  	s28 =	spop (v2sf);
	v55 =	vld [tilespmem:s26+$0x7D00]  }
0x14d: {  	(v2sf) =	vpush v2, $0x3;
	s30 =	sadd.s32 $0x10, s25;
	s31 =	sand.u32 $0x7, s25;
	s25 =	sshrl.u32 s28, $0x10;
	v56 =	vld [tilespmem:s26+$0x7D10]  }
0x14e: {  	s28 =	sand.u32 $0xFFE0, s28;
	v15 =	vld [tilespmem:s25+$0x0]  }
0x14f: {  	s29 =	sand.u32 $0x1FFF8, s30;
	v17 =	vld [tilespmem:s28+$0x7D00]  }
0x150: {  	s26 =	spop (v2sf);
	v58 =	vld [tilespmem:s28+$0x7D10];
	s29 =	sor.u32 s31, s29  }
0x151: {  	(v2sf) =	vpush v2, $0x4;
	s30 =	sadd.s32 $0x10, s25;
	s31 =	sand.u32 $0x7, s25;
	s25 =	sshrl.u32 s26, $0x10;
	v12 =	vld [tilespmem:s29+$0x0]  }
0x152: {  	s26 =	sand.u32 $0xFFE0, s26;
	v19 =	vld [tilespmem:s25+$0x0]  }
0x153: {  	s29 =	sand.u32 $0x1FFF8, s30;
	v60 =	vld [tilespmem:s26+$0x7D00]  }
0x154: {  	s28 =	spop (v2sf);
	v22 =	vld [tilespmem:s26+$0x7D10];
	s29 =	sor.u32 s31, s29  }
0x155: {  	s30 =	sadd.s32 $0x10, s25;
	s31 =	sand.u32 $0x7, s25;
	s25 =	sshrl.u32 s28, $0x10;
	v57 =	vld [tilespmem:s29+$0x0]  }
0x156: {  	(v2sf) =	vpush v2, $0x5;
	s28 =	sand.u32 $0xFFE0, s28;
	s29 =	sand.u32 $0x1FFF8, s30;
	v61 =	vld [tilespmem:s25+$0x0]  }
0x157: {  	s30 =	sadd.s32 $0x10, s25;
	v62 =	vld [tilespmem:s28+$0x7D00];
	s29 =	sor.u32 s31, s29  }
0x158: {  	s31 =	sand.u32 $0x7, s25;
	v59 =	vld [tilespmem:s29+$0x0];
	s29 =	sand.u32 $0x1FFF8, s30  }
0x159: {  	v26 =	vld [tilespmem:s28+$0x7D10];
	s29 =	sor.u32 s31, s29;
	s26 =	spop (v2sf)  }
0x15a: {  	v24 =	vld [tilespmem:s29+$0x0];
	(v2sf) =	vpush v2, $0x6;
	s25 =	sshrl.u32 s26, $0x10  }
0x15b: {  	s26 =	sand.u32 $0xFFE0, s26;
	v63 =	vld [tilespmem:s25+$0x0]  }
0x15c: {  	s28 =	spop (v2sf);
	v29 =	vld [tilespmem:s26+$0x7D00]  }
0x15d: {  	(v2sf) =	vpush v2, $0x7;
	s30 =	sadd.s32 $0x10, s25;
	s31 =	sand.u32 $0x7, s25;
	s25 =	sshrl.u32 s28, $0x10;
	v30 =	vld [tilespmem:s26+$0x7D10]  }
0x15e: {  	s28 =	sand.u32 $0xFFE0, s28;
	v31 =	vld [tilespmem:s25+$0x0]  }
0x15f: {  	s29 =	sand.u32 $0x1FFF8, s30;
	v33 =	vld [tilespmem:s28+$0x7D00]  }
0x160: {  	v34 =	vld [tilespmem:s28+$0x7D10];
	s29 =	sor.u32 s31, s29;
	s26 =	spop (v2sf)  }
0x161: {  	s30 =	sadd.s32 $0x10, s25;
	s31 =	sand.u32 $0x7, s25;
	(v2sf) =	vpush v2, $0x8;
	v28 =	vld [tilespmem:s29+$0x0];
	s25 =	sshrl.u32 s26, $0x10  }
0x162: {  	s29 =	sand.u32 $0x1FFF8, s30;
	s26 =	sand.u32 $0xFFE0, s26;
	v35 =	vld [tilespmem:s25+$0x0]  }
0x163: {  	s29 =	sor.u32 s31, s29;
	s30 =	sadd.s32 $0x10, s25;
	v37 =	vld [tilespmem:s26+$0x7D00]  }
0x164: {  	s31 =	sand.u32 $0x7, s25;
	v32 =	vld [tilespmem:s29+$0x0];
	s29 =	sand.u32 $0x1FFF8, s30  }
0x165: {  	v38 =	vld [tilespmem:s26+$0x7D10];
	s28 =	spop (v2sf);
	s29 =	sor.u32 s31, s29  }
0x166: {  	(v2sf) =	vpush v2, $0x9;
	s25 =	sshrl.u32 s28, $0x10;
	v36 =	vld [tilespmem:s29+$0x0]  }
0x167: {  	s28 =	sand.u32 $0xFFE0, s28;
	s30 =	sadd.s32 $0x10, s25;
	v39 =	vld [tilespmem:s25+$0x0]  }
0x168: {  	s31 =	sand.u32 $0x7, s25;
	v41 =	vld [tilespmem:s28+$0x7D00];
	s29 =	sand.u32 $0x1FFF8, s30  }
0x169: {  	v42 =	vld [tilespmem:s28+$0x7D10];
	s29 =	sor.u32 s31, s29;
	s26 =	spop (v2sf)  }
0x16a: {  	v40 =	vld [tilespmem:s29+$0x0];
	(v2sf) =	vpush v2, $0xA;
	s25 =	sshrl.u32 s26, $0x10  }
0x16b: {  	v3 =	vadd.f32 $0.0e+00, v3;
	s26 =	sand.u32 $0xFFE0, s26;
	v48 =	vld [tilespmem:s25+$0x0]  }
0x16c: {  	v4 =	vadd.f32 $0.0e+00, v4;
	v5 =	vadd.f32 $0.0e+00, v5;
	s28 =	spop (v2sf);
	v49 =	vld [tilespmem:s26+$0x7D00]  }
0x16d: {  	v6 =	vadd.f32 $0.0e+00, v51;
	(v2sf) =	vpush v2, $0xB;
	s30 =	sadd.s32 $0x10, s25;
	s31 =	sand.u32 $0x7, s25;
	s25 =	sshrl.u32 s28, $0x10;
	v50 =	vld [tilespmem:s26+$0x7D10]  }
0x16e: {  	v3 =	vadd.f32 v52, v3;
	v5 =	vadd.f32 v53, v5;
	s28 =	sand.u32 $0xFFE0, s28;
	v51 =	vld [tilespmem:s25+$0x0]  }
0x16f: {  	v6 =	vadd.f32 v10, v6;
	v4 =	vadd.f32 v8, v4;
	s29 =	sand.u32 $0x1FFF8, s30;
	v53 =	vld [tilespmem:s28+$0x7D00]  }
0x170: {  	v3 =	vadd.f32 v54, v3;
	v5 =	vadd.f32 v55, v5;
	v54 =	vld [tilespmem:s28+$0x7D10];
	s29 =	sor.u32 s31, s29;
	s26 =	spop (v2sf)  }
0x171: {  	v6 =	vadd.f32 v56, v6;
	v4 =	vadd.f32 v12, v4;
	s30 =	sadd.s32 $0x10, s25;
	s31 =	sand.u32 $0x7, s25;
	v44 =	vld [tilespmem:s29+$0x0];
	s25 =	sshrl.u32 s26, $0x10  }
0x172: {  	v3 =	vadd.f32 v15, v3;
	(v2sf) =	vpush v2, $0xC;
	s29 =	sand.u32 $0x1FFF8, s30;
	s26 =	sand.u32 $0xFFE0, s26;
	v55 =	vld [tilespmem:s25+$0x0]  }
0x173: {  	v5 =	vadd.f32 v17, v5;
	v4 =	vadd.f32 v57, v4;
	s29 =	sor.u32 s31, s29;
	s30 =	sadd.s32 $0x10, s25;
	v57 =	vld [tilespmem:s26+$0x7D00]  }
0x174: {  	v6 =	vadd.f32 v58, v6;
	s31 =	sand.u32 $0x7, s25;
	v52 =	vld [tilespmem:s29+$0x0];
	s29 =	sand.u32 $0x1FFF8, s30  }
0x175: {  	v3 =	vadd.f32 v19, v3;
	v5 =	vadd.f32 v60, v5;
	v58 =	vld [tilespmem:s26+$0x7D10];
	s28 =	spop (v2sf);
	s29 =	sor.u32 s31, s29  }
0x176: {  	v6 =	vadd.f32 v22, v6;
	(v2sf) =	vpush v2, $0xD;
	s25 =	sshrl.u32 s28, $0x10;
	v56 =	vld [tilespmem:s29+$0x0]  }
0x177: {  	v5 =	vadd.f32 v62, v5;
	v4 =	vadd.f32 v59, v4;
	s28 =	sand.u32 $0xFFE0, s28;
	s30 =	sadd.s32 $0x10, s25;
	v59 =	vld [tilespmem:s25+$0x0]  }
0x178: {  	v3 =	vadd.f32 v61, v3;
	v6 =	vadd.f32 v26, v6;
	s31 =	sand.u32 $0x7, s25;
	v61 =	vld [tilespmem:s28+$0x7D00];
	s29 =	sand.u32 $0x1FFF8, s30  }
0x179: {  	v5 =	vadd.f32 v29, v5;
	v62 =	vld [tilespmem:s28+$0x7D10];
	s29 =	sor.u32 s31, s29;
	s26 =	spop (v2sf)  }
0x17a: {  	v6 =	vadd.f32 v30, v6;
	v60 =	vld [tilespmem:s29+$0x0];
	(v2sf) =	vpush v2, $0xE;
	s25 =	sshrl.u32 s26, $0x10  }
0x17b: {  	v4 =	vadd.f32 v24, v4;
	v3 =	vadd.f32 v63, v3;
	s26 =	sand.u32 $0xFFE0, s26;
	v63 =	vld [tilespmem:s25+$0x0]  }
0x17c: {  	v5 =	vadd.f32 v33, v5;
	v6 =	vadd.f32 v34, v6;
	s28 =	spop (v2sf);
	v30 =	vld [tilespmem:s26+$0x7D00]  }
0x17d: {  	v4 =	vadd.f32 v28, v4;
	(v2sf) =	vpush v2, $0xF;
	s30 =	sadd.s32 $0x10, s25;
	s31 =	sand.u32 $0x7, s25;
	s25 =	sshrl.u32 s28, $0x10;
	v33 =	vld [tilespmem:s26+$0x7D10]  }
0x17e: {  	v3 =	vadd.f32 v31, v3;
	v5 =	vadd.f32 v37, v5;
	s28 =	sand.u32 $0xFFE0, s28;
	s29 =	sand.u32 $0x1FFF8, s30;
	v34 =	vld [tilespmem:s25+$0x0]  }
0x17f: {  	v6 =	vadd.f32 v38, v6;
	v4 =	vadd.f32 v32, v4;
	s30 =	sadd.s32 $0x10, s25;
	v38 =	vld [tilespmem:s28+$0x7D00];
	s29 =	sor.u32 s31, s29  }
0x180: {  	v3 =	vadd.f32 v35, v3;
	s31 =	sand.u32 $0x7, s25;
	v2 =	vld [tilespmem:s29+$0x0];
	s29 =	sand.u32 $0x1FFF8, s30  }
0x181: {  	v4 =	vadd.f32 v36, v4;
	v5 =	vadd.f32 v41, v5;
	v41 =	vld [tilespmem:s28+$0x7D10];
	s25 =	spop (v2sf);
	s26 =	sor.u32 s31, s29  }
0x182: {  	v3 =	vadd.f32 v39, v3;
	v37 =	vld [tilespmem:s26+$0x0];
	s26 =	sshrl.u32 s25, $0x10  }
0x183: {  	v6 =	vadd.f32 v42, v6;
	v4 =	vadd.f32 v40, v4;
	s25 =	sand.u32 $0xFFE0, s25;
	s30 =	sadd.s32 $0x10, s26;
	v42 =	vld [tilespmem:s26+$0x0]  }
0x184: {  	v3 =	vadd.f32 v48, v3;
	v5 =	vadd.f32 v49, v5;
	s31 =	sand.u32 $0x7, s26;
	v49 =	vld [tilespmem:s25+$0x7D00];
	s29 =	sand.u32 $0x1FFF8, s30  }
0x185: {  	v6 =	vadd.f32 v50, v6;
	v4 =	vadd.f32 v44, v4;
	s26 =	spop (v2sf);
	v50 =	vld [tilespmem:s25+$0x7D10];
	s28 =	sor.u32 s31, s29  }
0x186: {  	v3 =	vadd.f32 v51, v3;
	v5 =	vadd.f32 v53, v5;
	v48 =	vld [tilespmem:s28+$0x0];
	s28 =	sshrl.u32 s26, $0x10  }
0x187: {  	v6 =	vadd.f32 v54, v6;
	v4 =	vadd.f32 v52, v4;
	s26 =	sand.u32 $0xFFE0, s26;
	s30 =	sadd.s32 $0x10, s28;
	v51 =	vld [tilespmem:s28+$0x0]  }
0x188: {  	v3 =	vadd.f32 v55, v3;
	v5 =	vadd.f32 v57, v5;
	s31 =	sand.u32 $0x7, s28;
	v53 =	vld [tilespmem:s26+$0x7D00];
	s29 =	sand.u32 $0x1FFF8, s30  }
0x189: {  	v6 =	vadd.f32 v58, v6;
	v4 =	vadd.f32 v56, v4;
	v54 =	vld [tilespmem:s26+$0x7D10];
	s25 =	sor.u32 s31, s29;
	s28 =	spop (v2sf)  }
0x18a: {  	v3 =	vadd.f32 v59, v3;
	v5 =	vadd.f32 v61, v5;
	v52 =	vld [tilespmem:s25+$0x0];
	s25 =	sshrl.u32 s28, $0x10  }
0x18b: {  	v6 =	vadd.f32 v62, v6;
	v4 =	vadd.f32 v60, v4;
	s28 =	sand.u32 $0xFFE0, s28;
	v55 =	vld [tilespmem:s25+$0x0]  }
0x18c: {  	v3 =	vadd.f32 v63, v3;
	v5 =	vadd.f32 v30, v5;
	s26 =	spop (v2sf);
	v58 =	vld [tilespmem:s28+$0x7D00]  }
0x18d: {  	v57 =	vadd.f32 v33, v6;
	v2 =	vadd.f32 v2, v4;
	s30 =	sadd.s32 $0x10, s25;
	s31 =	sand.u32 $0x7, s25;
	s25 =	sshrl.u32 s26, $0x10;
	v59 =	vld [tilespmem:s28+$0x7D10]  }
0x18e: {  	v3 =	vadd.f32 v34, v3;
	v5 =	vadd.f32 v38, v5;
	s26 =	sand.u32 $0xFFE0, s26;
	s29 =	sand.u32 $0x1FFF8, s30;
	v60 =	vld [tilespmem:s25+$0x0]  }
0x18f: {  	v4 =	vadd.f32 v41, v57;
	v2 =	vadd.f32 v37, v2;
	v62 =	vld [tilespmem:s26+$0x7D00];
	s30 =	sor.u32 s31, s29;
	s31 =	sadd.s32 $0x10, s25  }
0x190: {  	v3 =	vadd.f32 v42, v3;
	v5 =	vadd.f32 v49, v5;
	v56 =	vld [tilespmem:s30+$0x0];
	s30 =	sand.u32 $0x7, s25;
	s29 =	sand.u32 $0x1FFF8, s31  }
0x191: {  	v4 =	vadd.f32 v50, v4;
	v2 =	vadd.f32 v48, v2;
	v63 =	vld [tilespmem:s26+$0x7D10];
	s31 =	sor.u32 s30, s29  }
0x192: {  	v3 =	vadd.f32 v51, v3;
	v5 =	vadd.f32 v53, v5;
	v61 =	vld [tilespmem:s31+$0x0]  }
0x193: {  	v4 =	vadd.f32 v54, v4;
	v2 =	vadd.f32 v52, v2  }
0x194: {  	v3 =	vadd.f32 v55, v3;
	v5 =	vadd.f32 v58, v5  }
0x195: {  	v4 =	vadd.f32 v59, v4;
	v2 =	vadd.f32 v56, v2  }
0x196: {  	p1 =	sne.s32 s23, $0x26C0;
	v3 =	vadd.f32 v60, v3;
	v5 =	vadd.f32 v62, v5  }
.Ltmp0:
0x197: {  	v4 =	vadd.f32 v63, v4;
	v2 =	vadd.f32 v61, v2;
	(pc) =	sbr.rel @p1 .LBB2_3-.Ltmp0, $4  }
0x198: {  	v3 =	vmul.f32 v5, v3  }
0x199: {  	v2 =	vmul.f32 v4, v2  }
0x19a: {  	[tilespmem:s24+$0x20] =	vst v3  }
0x19b: {  	s23 =	sadd.s32 $0x140, s23;
	[tilespmem:s24+$0x30] =	vst v2;
	s24 =	sadd.s32 $0x80, s24  }
0x19c: {  	s23 =	sshll.u32 s21, $0xE  }
0x19d: {  	s23 =	sadd.s32 s8, s23  }
0x19e: {  	s23 =	sshrl.u32 s23, $0x3  }
0x19f: {  	s23 =	sadd.s32 s2, s23  }
0x1a0: {  	[hbm4b:s23+s13] =	stream.strided.scatter [tilespmem:s15], [sflag:$0x1], $0x1000, s14, s13, $0x38;
	[tilespmem:$0x16A00] =	vst v63  }
0x1a1: {  	v1 =	vmov s20;
	s23 =	simm.s32 @!p0 $0x2  }
0x1a2: {  	_ =	swait.ge @!p0 [sflag:s23], $0x1000  }
0x1a3: {  	[sflag:s23] =	ssyncset.done @!p0 $0x0  }
0x1a4: {  	s24 =	simm.s32 $0x15A40;
	[sflag:s23] =	ssyncadd.s32 @!p0 $0xFFFFF000;
	s23 =	simm.s32 $0x0  }
.LBB2_5:
0x1a5: {  	s25 =	sshra.s32 s23, $0x2  }
0x1a6: {  	v2 =	vld.idx.msk [tilespmem:v1+s25+$0x0 ss:$0x1], $0xffff;
	_ =	sdelay $0x4  }
0x1a7: {  	v3 =	vcvt.s32.f32 v2;
	_ =	sdelay $0x1  }
0x1a8: {  	v3 =	vmul.f32 $1.000000050e-03, v3;
	_ =	sdelay $0x1  }
0x1a9: {  	v3 =	vtrunc.f32 v3  }
0x1aa: {  	v3 =	vcvt.f32.s32 v3;
	_ =	sdelay $0x1  }
0x1ab: {  	v4 =	vmul.u32 $0xFFFFFC18, v3;
	_ =	sdelay $0x1  }
0x1ac: {  	v2 =	vadd.s32 v2, v4  }
0x1ad: {  	vm0 =	vlt.s32 v2, $0x0;
	v4 =	vadd.s32 $0x3E8, v2  }
0x1ae: {  	v4 =	vsel vm0, v4, v2  }
0x1af: {  	v2 =	vshra.s32 v2, $0x1F;
	vm0 =	vgt.s32 v4, $0x3E7  }
0x1b0: {  	v2 =	vadd.s32 v3, v2;
	v4 =	vshll.u32 v4, $0x5;
	v3 =	vsel vm0, $0x1, v0  }
0x1b1: {  	v2 =	vadd.s32 v3, v2;
	v3 =	vadd.s32 $0xFFFF8300, v4  }
0x1b2: {  	v2 =	vshll.u32 v2, $0x15;
	v3 =	vsel vm0, v3, v4  }
0x1b3: {  	v2 =	vadd.s32 v3, v2  }
0x1b4: {  	(v2sf) =	vpush v2, $0x0;
	_ =	sdelay $0x3  }
0x1b5: {  	(v2sf) =	vpush v2, $0x1;
	_ =	sdelay $0x3  }
0x1b6: {  	(v2sf) =	vpush v2, $0x2;
	_ =	sdelay $0x2  }
0x1b7: {  	(v2sf) =	vpush v2, $0x3;
	_ =	sdelay $0x3  }
0x1b8: {  	s26 =	spop (v2sf)  }
0x1b9: {  	v34 =	vld.idx.msk [tilespmem:v1+s25+$0x10 ss:$0x1], $0xffff;
	(v2sf) =	vpush v2, $0x4;
	s28 =	sshrl.u32 s26, $0x10  }
0x1ba: {  	s26 =	sand.u32 $0xFFE0, s26;
	s29 =	sadd.s32 $0x10, s28;
	v19 =	vld [tilespmem:s28+$0x0]  }
0x1bb: {  	s30 =	sand.u32 $0x7, s28;
	v3 =	vld [tilespmem:s26+$0x7D00];
	s29 =	sand.u32 $0x1FFF8, s29  }
0x1bc: {  	v6 =	vld [tilespmem:s26+$0x7D10];
	s30 =	sor.u32 s30, s29;
	s29 =	spop (v2sf)  }
0x1bd: {  	(v2sf) =	vpush v2, $0x5;
	v13 =	vld [tilespmem:s30+$0x0];
	s28 =	sshrl.u32 s29, $0x10  }
0x1be: {  	s29 =	sand.u32 $0xFFE0, s29;
	s30 =	sadd.s32 $0x10, s28;
	v59 =	vld [tilespmem:s28+$0x0]  }
0x1bf: {  	s31 =	sand.u32 $0x7, s28;
	v7 =	vld [tilespmem:s29+$0x7D00];
	s30 =	sand.u32 $0x1FFF8, s30  }
0x1c0: {  	s28 =	spop (v2sf);
	(v2sf) =	vpush v2, $0x6;
	v11 =	vld [tilespmem:s29+$0x7D10];
	s26 =	sor.u32 s31, s30  }
0x1c1: {  	v14 =	vld [tilespmem:s26+$0x0];
	s26 =	sshrl.u32 s28, $0x10  }
0x1c2: {  	s28 =	sand.u32 $0xFFE0, s28;
	v8 =	vld [tilespmem:s26+$0x0]  }
0x1c3: {  	s29 =	spop (v2sf);
	s30 =	sadd.s32 $0x10, s26;
	v12 =	vld [tilespmem:s28+$0x7D00]  }
0x1c4: {  	(v2sf) =	vpush v2, $0x7;
	s31 =	sand.u32 $0x7, s26;
	s26 =	sshrl.u32 s29, $0x10;
	v9 =	vld [tilespmem:s28+$0x7D10];
	s30 =	sand.u32 $0x1FFF8, s30  }
0x1c5: {  	v15 =	vld [tilespmem:s26+$0x0];
	s30 =	sor.u32 s31, s30  }
0x1c6: {  	s29 =	sand.u32 $0xFFE0, s29;
	v5 =	vld [tilespmem:s30+$0x0];
	s30 =	sadd.s32 $0x10, s26  }
0x1c7: {  	v23 =	vld [tilespmem:s29+$0x7D00];
	s31 =	sand.u32 $0x7, s26;
	s30 =	sand.u32 $0x1FFF8, s30  }
0x1c8: {  	v17 =	vld [tilespmem:s29+$0x7D10];
	s30 =	sor.u32 s31, s30;
	s28 =	spop (v2sf)  }
0x1c9: {  	(v2sf) =	vpush v2, $0x8;
	v16 =	vld [tilespmem:s30+$0x0];
	s26 =	sshrl.u32 s28, $0x10  }
0x1ca: {  	s28 =	sand.u32 $0xFFE0, s28;
	s30 =	sadd.s32 $0x10, s26;
	v10 =	vld [tilespmem:s26+$0x0]  }
0x1cb: {  	s31 =	sand.u32 $0x7, s26;
	v21 =	vld [tilespmem:s28+$0x7D00];
	s30 =	sand.u32 $0x1FFF8, s30  }
0x1cc: {  	v24 =	vld [tilespmem:s28+$0x7D10];
	s30 =	sor.u32 s31, s30;
	s29 =	spop (v2sf)  }
0x1cd: {  	(v2sf) =	vpush v2, $0x9;
	v20 =	vld [tilespmem:s30+$0x0];
	s26 =	sshrl.u32 s29, $0x10  }
0x1ce: {  	s29 =	sand.u32 $0xFFE0, s29;
	v22 =	vld [tilespmem:s26+$0x0]  }
0x1cf: {  	s28 =	spop (v2sf);
	v26 =	vld [tilespmem:s29+$0x7D00]  }
0x1d0: {  	s30 =	sadd.s32 $0x10, s26;
	s31 =	sand.u32 $0x7, s26;
	(v2sf) =	vpush v2, $0xA;
	v18 =	vld [tilespmem:s29+$0x7D10];
	s26 =	sshrl.u32 s28, $0x10  }
0x1d1: {  	s30 =	sand.u32 $0x1FFF8, s30;
	s28 =	sand.u32 $0xFFE0, s28;
	v25 =	vld [tilespmem:s26+$0x0]  }
0x1d2: {  	s30 =	sor.u32 s31, s30;
	v30 =	vld [tilespmem:s28+$0x7D00]  }
0x1d3: {  	v31 =	vcvt.s32.f32 v34;
	s29 =	spop (v2sf);
	v28 =	vld [tilespmem:s30+$0x0];
	s30 =	sadd.s32 $0x10, s26  }
0x1d4: {  	(v2sf) =	vpush v2, $0xB;
	s31 =	sand.u32 $0x7, s26;
	v29 =	vld [tilespmem:s28+$0x7D10];
	s26 =	sshrl.u32 s29, $0x10;
	s30 =	sand.u32 $0x1FFF8, s30  }
0x1d5: {  	v31 =	vmul.f32 $1.000000050e-03, v31;
	v32 =	vld [tilespmem:s26+$0x0];
	s30 =	sor.u32 s31, s30  }
0x1d6: {  	s29 =	sand.u32 $0xFFE0, s29;
	v27 =	vld [tilespmem:s30+$0x0];
	s30 =	sadd.s32 $0x10, s26  }
0x1d7: {  	v35 =	vtrunc.f32 v31;
	v60 =	vld [tilespmem:s29+$0x7D00];
	s31 =	sand.u32 $0x7, s26;
	s30 =	sand.u32 $0x1FFF8, s30  }
0x1d8: {  	v35 =	vcvt.f32.s32 v35;
	v36 =	vld [tilespmem:s29+$0x7D10];
	s30 =	sor.u32 s31, s30;
	s28 =	spop (v2sf)  }
0x1d9: {  	v33 =	vld [tilespmem:s30+$0x0];
	(v2sf) =	vpush v2, $0xC;
	s26 =	sshrl.u32 s28, $0x10  }
0x1da: {  	v38 =	vmul.u32 $0xFFFFFC18, v35;
	s28 =	sand.u32 $0xFFE0, s28;
	s30 =	sadd.s32 $0x10, s26;
	v37 =	vld [tilespmem:s26+$0x0]  }
0x1db: {  	s31 =	sand.u32 $0x7, s26;
	v40 =	vld [tilespmem:s28+$0x7D00];
	s30 =	sand.u32 $0x1FFF8, s30  }
0x1dc: {  	v34 =	vadd.s32 v34, v38;
	v61 =	vld [tilespmem:s28+$0x7D10];
	s30 =	sor.u32 s31, s30;
	s29 =	spop (v2sf)  }
0x1dd: {  	vm12 =	vlt.s32 v34, $0x0;
	v41 =	vadd.s32 $0x3E8, v34;
	(v2sf) =	vpush v2, $0xD;
	v39 =	vld [tilespmem:s30+$0x0];
	s26 =	sshrl.u32 s29, $0x10  }
0x1de: {  	v41 =	vsel vm12, v41, v34;
	v34 =	vshra.s32 v34, $0x1F;
	s29 =	sand.u32 $0xFFE0, s29;
	v42 =	vld [tilespmem:s26+$0x0]  }
0x1df: {  	v34 =	vadd.s32 v35, v34;
	s28 =	spop (v2sf);
	v44 =	vld [tilespmem:s29+$0x7D00]  }
0x1e0: {  	v63 =	vshll.u32 v41, $0x5;
	vm0 =	vgt.s32 v41, $0x3E7;
	s30 =	sadd.s32 $0x10, s26;
	s31 =	sand.u32 $0x7, s26;
	(v2sf) =	vpush v2, $0xE;
	v45 =	vld [tilespmem:s29+$0x7D10];
	s26 =	sshrl.u32 s28, $0x10  }
0x1e1: {  	v46 =	vadd.s32 $0xFFFF8300, v63;
	v62 =	vsel vm0, $0x1, v0;
	v19 =	vadd.f32 $0.0e+00, v19;
	s30 =	sand.u32 $0x1FFF8, s30;
	s28 =	sand.u32 $0xFFE0, s28;
	v41 =	vld [tilespmem:s26+$0x0]  }
0x1e2: {  	v35 =	vsel vm0, v46, v63;
	v3 =	vadd.f32 $0.0e+00, v3;
	v13 =	vadd.f32 $0.0e+00, v13;
	s30 =	sor.u32 s31, s30;
	v46 =	vld [tilespmem:s28+$0x7D00]  }
0x1e3: {  	v34 =	vadd.s32 v62, v34;
	v6 =	vadd.f32 $0.0e+00, v6;
	v19 =	vadd.f32 v59, v19;
	s29 =	spop (v2sf);
	v43 =	vld [tilespmem:s30+$0x0];
	s30 =	sadd.s32 $0x10, s26  }
0x1e4: {  	v34 =	vshll.u32 v34, $0x15;
	v13 =	vadd.f32 v14, v13;
	(v2sf) =	vpush v2, $0xF;
	s31 =	sand.u32 $0x7, s26;
	v14 =	vld [tilespmem:s28+$0x7D10];
	s26 =	sshrl.u32 s29, $0x10;
	s30 =	sand.u32 $0x1FFF8, s30  }
0x1e5: {  	v4 =	vadd.s32 v35, v34;
	v3 =	vadd.f32 v7, v3;
	v6 =	vadd.f32 v11, v6;
	v34 =	vld [tilespmem:s26+$0x0];
	s30 =	sor.u32 s31, s30  }
0x1e6: {  	v8 =	vadd.f32 v8, v19;
	s29 =	sand.u32 $0xFFE0, s29;
	v2 =	vld [tilespmem:s30+$0x0];
	s30 =	sadd.s32 $0x10, s26  }
0x1e7: {  	v3 =	vadd.f32 v12, v3;
	v6 =	vadd.f32 v9, v6;
	v47 =	vld [tilespmem:s29+$0x7D00];
	s31 =	sand.u32 $0x7, s26;
	s30 =	sand.u32 $0x1FFF8, s30  }
0x1e8: {  	v8 =	vadd.f32 v15, v8;
	v5 =	vadd.f32 v5, v13;
	v48 =	vld [tilespmem:s29+$0x7D10];
	s30 =	sor.u32 s31, s30;
	s28 =	spop (v2sf)  }
0x1e9: {  	v3 =	vadd.f32 v23, v3;
	v35 =	vld [tilespmem:s30+$0x0];
	(v2sf) =	vpush v4, $0x0;
	s26 =	sshrl.u32 s28, $0x10  }
0x1ea: {  	v6 =	vadd.f32 v17, v6;
	v5 =	vadd.f32 v16, v5;
	s28 =	sand.u32 $0xFFE0, s28;
	s30 =	sadd.s32 $0x10, s26;
	v49 =	vld [tilespmem:s26+$0x0]  }
0x1eb: {  	v8 =	vadd.f32 v10, v8;
	v3 =	vadd.f32 v21, v3;
	s31 =	sand.u32 $0x7, s26;
	v51 =	vld [tilespmem:s28+$0x7D00];
	s30 =	sand.u32 $0x1FFF8, s30  }
0x1ec: {  	v6 =	vadd.f32 v24, v6;
	v5 =	vadd.f32 v20, v5;
	v52 =	vld [tilespmem:s28+$0x7D10];
	s30 =	sor.u32 s31, s30;
	s29 =	spop (v2sf)  }
0x1ed: {  	v8 =	vadd.f32 v22, v8;
	(v2sf) =	vpush v4, $0x1;
	v50 =	vld [tilespmem:s30+$0x0];
	s26 =	sshrl.u32 s29, $0x10  }
0x1ee: {  	v3 =	vadd.f32 v26, v3;
	v6 =	vadd.f32 v18, v6;
	s29 =	sand.u32 $0xFFE0, s29;
	v53 =	vld [tilespmem:s26+$0x0]  }
0x1ef: {  	v8 =	vadd.f32 v25, v8;
	v5 =	vadd.f32 v28, v5;
	s28 =	spop (v2sf);
	v55 =	vld [tilespmem:s29+$0x7D00]  }
0x1f0: {  	v3 =	vadd.f32 v30, v3;
	s30 =	sadd.s32 $0x10, s26;
	s31 =	sand.u32 $0x7, s26;
	(v2sf) =	vpush v4, $0x2;
	v56 =	vld [tilespmem:s29+$0x7D10];
	s26 =	sshrl.u32 s28, $0x10  }
0x1f1: {  	v6 =	vadd.f32 v29, v6;
	v5 =	vadd.f32 v27, v5;
	s30 =	sand.u32 $0x1FFF8, s30;
	s28 =	sand.u32 $0xFFE0, s28;
	v57 =	vld [tilespmem:s26+$0x0]  }
0x1f2: {  	v8 =	vadd.f32 v32, v8;
	v3 =	vadd.f32 v60, v3;
	s30 =	sor.u32 s31, s30;
	v59 =	vld [tilespmem:s28+$0x7D00]  }
0x1f3: {  	v6 =	vadd.f32 v36, v6;
	v5 =	vadd.f32 v33, v5;
	s29 =	spop (v2sf);
	v54 =	vld [tilespmem:s30+$0x0];
	s30 =	sadd.s32 $0x10, s26  }
0x1f4: {  	v8 =	vadd.f32 v37, v8;
	(v2sf) =	vpush v4, $0x3;
	s31 =	sand.u32 $0x7, s26;
	v60 =	vld [tilespmem:s28+$0x7D10];
	s26 =	sshrl.u32 s29, $0x10;
	s30 =	sand.u32 $0x1FFF8, s30  }
0x1f5: {  	v3 =	vadd.f32 v40, v3;
	v6 =	vadd.f32 v61, v6;
	v61 =	vld [tilespmem:s26+$0x0];
	s30 =	sor.u32 s31, s30  }
0x1f6: {  	v5 =	vadd.f32 v39, v5;
	s29 =	sand.u32 $0xFFE0, s29;
	v58 =	vld [tilespmem:s30+$0x0];
	s30 =	sadd.s32 $0x10, s26  }
0x1f7: {  	v8 =	vadd.f32 v42, v8;
	v3 =	vadd.f32 v44, v3;
	v63 =	vld [tilespmem:s29+$0x7D00];
	s31 =	sand.u32 $0x7, s26;
	s30 =	sand.u32 $0x1FFF8, s30  }
0x1f8: {  	v6 =	vadd.f32 v45, v6;
	v5 =	vadd.f32 v43, v5;
	v29 =	vld [tilespmem:s29+$0x7D10];
	s30 =	sor.u32 s31, s30;
	s28 =	spop (v2sf)  }
0x1f9: {  	v8 =	vadd.f32 v41, v8;
	v3 =	vadd.f32 v46, v3;
	v62 =	vld [tilespmem:s30+$0x0];
	s26 =	sshrl.u32 s28, $0x10  }
0x1fa: {  	v6 =	vadd.f32 v14, v6;
	v2 =	vadd.f32 v2, v5;
	s28 =	sand.u32 $0xFFE0, s28;
	s30 =	sadd.s32 $0x10, s26;
	v30 =	vld [tilespmem:s26+$0x0]  }
0x1fb: {  	v7 =	vadd.f32 v34, v8;
	v3 =	vadd.f32 v47, v3;
	s31 =	sand.u32 $0x7, s26;
	v32 =	vld [tilespmem:s28+$0x7D00];
	s30 =	sand.u32 $0x1FFF8, s30  }
0x1fc: {  	v6 =	vadd.f32 v48, v6;
	v2 =	vadd.f32 v35, v2;
	v33 =	vld [tilespmem:s28+$0x7D10];
	s30 =	sor.u32 s31, s30;
	s29 =	spop (v2sf)  }
0x1fd: {  	v7 =	vadd.f32 v49, v7;
	v3 =	vadd.f32 v51, v3;
	v31 =	vld [tilespmem:s30+$0x0];
	s26 =	sshrl.u32 s29, $0x10  }
0x1fe: {  	v6 =	vadd.f32 v52, v6;
	v2 =	vadd.f32 v50, v2;
	s29 =	sand.u32 $0xFFE0, s29;
	v34 =	vld [tilespmem:s26+$0x0]  }
0x1ff: {  	v7 =	vadd.f32 v53, v7;
	v3 =	vadd.f32 v55, v3;
	s28 =	spop (v2sf);
	v36 =	vld [tilespmem:s29+$0x7D00]  }
0x200: {  	v6 =	vadd.f32 v56, v6;
	(v2sf) =	vpush v4, $0x4;
	s30 =	sadd.s32 $0x10, s26;
	s31 =	sand.u32 $0x7, s26;
	v37 =	vld [tilespmem:s29+$0x7D10];
	s26 =	sshrl.u32 s28, $0x10  }
0x201: {  	v7 =	vadd.f32 v57, v7;
	v2 =	vadd.f32 v54, v2;
	s30 =	sand.u32 $0x1FFF8, s30;
	s28 =	sand.u32 $0xFFE0, s28;
	v38 =	vld [tilespmem:s26+$0x0]  }
0x202: {  	v3 =	vadd.f32 v59, v3;
	v6 =	vadd.f32 v60, v6;
	s30 =	sor.u32 s31, s30;
	v40 =	vld [tilespmem:s28+$0x7D00]  }
0x203: {  	v7 =	vadd.f32 v61, v7;
	v2 =	vadd.f32 v58, v2;
	s29 =	spop (v2sf);
	v35 =	vld [tilespmem:s30+$0x0];
	s30 =	sadd.s32 $0x10, s26  }
0x204: {  	v3 =	vadd.f32 v63, v3;
	v5 =	vadd.f32 v29, v6;
	s31 =	sand.u32 $0x7, s26;
	v41 =	vld [tilespmem:s28+$0x7D10];
	s26 =	sshrl.u32 s29, $0x10;
	s30 =	sand.u32 $0x1FFF8, s30  }
0x205: {  	(v2sf) =	vpush v4, $0x5;
	v2 =	vadd.f32 v62, v2;
	v42 =	vld [tilespmem:s26+$0x0];
	s30 =	sor.u32 s31, s30  }
0x206: {  	(v2sf) =	vpush v4, $0x6;
	v7 =	vadd.f32 v30, v7;
	s29 =	sand.u32 $0xFFE0, s29;
	v39 =	vld [tilespmem:s30+$0x0];
	s30 =	sadd.s32 $0x10, s26  }
0x207: {  	v3 =	vadd.f32 v32, v3;
	v5 =	vadd.f32 v33, v5;
	v44 =	vld [tilespmem:s29+$0x7D00];
	s31 =	sand.u32 $0x7, s26;
	s30 =	sand.u32 $0x1FFF8, s30  }
0x208: {  	(v2sf) =	vpush v4, $0x7;
	v2 =	vadd.f32 v31, v2;
	v45 =	vld [tilespmem:s29+$0x7D10];
	s31 =	sor.u32 s31, s30  }
0x209: {  	v7 =	vadd.f32 v34, v7;
	v3 =	vadd.f32 v36, v3;
	v43 =	vld [tilespmem:s31+$0x0]  }
0x20a: {  	v5 =	vadd.f32 v37, v5;
	v2 =	vadd.f32 v35, v2  }
0x20b: {  	v7 =	vadd.f32 v38, v7;
	v3 =	vadd.f32 v40, v3  }
0x20c: {  	v5 =	vadd.f32 v41, v5;
	v2 =	vadd.f32 v39, v2  }
0x20d: {  	v46 =	vadd.f32 v42, v7;
	v47 =	vadd.f32 v44, v3  }
0x20e: {  	v48 =	vld.idx.msk [tilespmem:v1+s25+$0x20 ss:$0x1], $0xffff;
	v5 =	vadd.f32 v45, v5;
	v8 =	vadd.f32 v43, v2  }
0x20f: {  	v3 =	vld.idx.msk [tilespmem:v1+s25+$0x30 ss:$0x1], $0xffff;
	s26 =	spop (v2sf);
	v6 =	vmul.f32 v47, v46  }
0x210: {  	v2 =	vld.idx.msk [tilespmem:v1+s25+$0x40 ss:$0x1], $0xffff;
	s25 =	sshrl.u32 s26, $0x10;
	v5 =	vmul.f32 v5, v8  }
0x211: {  	(v2sf) =	vpush v4, $0x8;
	[tilespmem:s24+$0xFFFFFFC0] =	vst v6;
	s30 =	sadd.s32 $0x10, s25  }
0x212: {  	s31 =	sand.u32 $0x7, s25;
	s28 =	sand.u32 $0x1FFF8, s30;
	[tilespmem:s24+$0xFFFFFFD0] =	vst v5  }
0x213: {  	s29 =	sor.u32 s31, s28;
	v49 =	vld [tilespmem:s25+$0x0]  }
0x214: {  	s26 =	sand.u32 $0xFFE0, s26;
	v50 =	vld [tilespmem:s29+$0x0]  }
0x215: {  	s28 =	spop (v2sf);
	v5 =	vld [tilespmem:s26+$0x7D00]  }
0x216: {  	(v2sf) =	vpush v4, $0x9;
	s25 =	sshrl.u32 s28, $0x10;
	v6 =	vld [tilespmem:s26+$0x7D10]  }
0x217: {  	s28 =	sand.u32 $0xFFE0, s28;
	v51 =	vld [tilespmem:s25+$0x0]  }
0x218: {  	s26 =	spop (v2sf);
	v11 =	vld [tilespmem:s28+$0x7D00]  }
0x219: {  	(v2sf) =	vpush v4, $0xA;
	s30 =	sadd.s32 $0x10, s25;
	s31 =	sand.u32 $0x7, s25;
	s25 =	sshrl.u32 s26, $0x10;
	v53 =	vld [tilespmem:s28+$0x7D10]  }
0x21a: {  	s26 =	sand.u32 $0xFFE0, s26;
	v54 =	vld [tilespmem:s25+$0x0]  }
0x21b: {  	s29 =	sand.u32 $0x1FFF8, s30;
	v16 =	vld [tilespmem:s26+$0x7D00]  }
0x21c: {  	s28 =	spop (v2sf);
	v13 =	vld [tilespmem:s26+$0x7D10];
	s29 =	sor.u32 s31, s29  }
0x21d: {  	(v2sf) =	vpush v4, $0xB;
	s30 =	sadd.s32 $0x10, s25;
	s31 =	sand.u32 $0x7, s25;
	s25 =	sshrl.u32 s28, $0x10;
	v52 =	vld [tilespmem:s29+$0x0]  }
0x21e: {  	v55 =	vcvt.s32.f32 v48;
	s28 =	sand.u32 $0xFFE0, s28;
	v56 =	vld [tilespmem:s25+$0x0]  }
0x21f: {  	s29 =	sand.u32 $0x1FFF8, s30;
	v21 =	vld [tilespmem:s28+$0x7D00]  }
0x220: {  	v19 =	vmul.f32 $1.000000050e-03, v55;
	v20 =	vld [tilespmem:s28+$0x7D10];
	s29 =	sor.u32 s31, s29;
	s26 =	spop (v2sf)  }
0x221: {  	s30 =	sadd.s32 $0x10, s25;
	s31 =	sand.u32 $0x7, s25;
	v10 =	vld [tilespmem:s29+$0x0];
	s25 =	sshrl.u32 s26, $0x10  }
0x222: {  	v57 =	vtrunc.f32 v19;
	(v2sf) =	vpush v4, $0xC;
	s29 =	sand.u32 $0x1FFF8, s30;
	s26 =	sand.u32 $0xFFE0, s26;
	v19 =	vld [tilespmem:s25+$0x0]  }
0x223: {  	v58 =	vcvt.f32.s32 v57;
	s29 =	sor.u32 s31, s29;
	s30 =	sadd.s32 $0x10, s25;
	v23 =	vld [tilespmem:s26+$0x7D00]  }
0x224: {  	s31 =	sand.u32 $0x7, s25;
	v18 =	vld [tilespmem:s29+$0x0];
	s29 =	sand.u32 $0x1FFF8, s30  }
0x225: {  	v59 =	vmul.u32 $0xFFFFFC18, v58;
	v60 =	vld [tilespmem:s26+$0x7D10];
	s29 =	sor.u32 s31, s29;
	s28 =	spop (v2sf)  }
0x226: {  	v22 =	vld [tilespmem:s29+$0x0];
	(v2sf) =	vpush v4, $0xD;
	s25 =	sshrl.u32 s28, $0x10  }
0x227: {  	v26 =	vadd.s32 v48, v59;
	s28 =	sand.u32 $0xFFE0, s28;
	v24 =	vld [tilespmem:s25+$0x0]  }
0x228: {  	vm13 =	vlt.s32 v26, $0x0;
	v61 =	vadd.s32 $0x3E8, v26;
	s26 =	spop (v2sf);
	v30 =	vld [tilespmem:s28+$0x7D00]  }
0x229: {  	v62 =	vshra.s32 v26, $0x1F;
	v26 =	vsel vm13, v61, v26;
	s30 =	sadd.s32 $0x10, s25;
	s31 =	sand.u32 $0x7, s25;
	(v2sf) =	vpush v4, $0xE;
	v29 =	vld [tilespmem:s28+$0x7D10];
	s25 =	sshrl.u32 s26, $0x10  }
0x22a: {  	vm0 =	vgt.s32 v26, $0x3E7;
	s26 =	sand.u32 $0xFFE0, s26;
	v63 =	vld [tilespmem:s25+$0x0]  }
0x22b: {  	v27 =	vadd.s32 v58, v62;
	v26 =	vshll.u32 v26, $0x5;
	v45 =	vsel vm0, $0x1, v0;
	s29 =	sand.u32 $0x1FFF8, s30;
	v32 =	vld [tilespmem:s26+$0x7D00]  }
0x22c: {  	v46 =	vadd.s32 v45, v27;
	v47 =	vadd.s32 $0xFFFF8300, v26;
	s28 =	spop (v2sf);
	s29 =	sor.u32 s31, s29;
	v27 =	vld [tilespmem:s26+$0x7D10]  }
0x22d: {  	v26 =	vsel vm0, v47, v26;
	(v2sf) =	vpush v4, $0xF;
	v4 =	vshll.u32 v46, $0x15;
	s30 =	sadd.s32 $0x10, s25;
	s31 =	sand.u32 $0x7, s25;
	s25 =	sshrl.u32 s28, $0x10;
	v28 =	vld [tilespmem:s29+$0x0]  }
0x22e: {  	v4 =	vadd.s32 v26, v4;
	s28 =	sand.u32 $0xFFE0, s28;
	s29 =	sand.u32 $0x1FFF8, s30;
	v26 =	vld [tilespmem:s25+$0x0]  }
0x22f: {  	s30 =	sadd.s32 $0x10, s25;
	v35 =	vld [tilespmem:s28+$0x7D00];
	s29 =	sor.u32 s31, s29  }
0x230: {  	s31 =	sand.u32 $0x7, s25;
	v33 =	vld [tilespmem:s29+$0x0];
	s29 =	sand.u32 $0x1FFF8, s30  }
0x231: {  	v36 =	vld [tilespmem:s28+$0x7D10];
	s26 =	spop (v2sf);
	s29 =	sor.u32 s31, s29  }
0x232: {  	(v2sf) =	vpush v4, $0x0;
	s25 =	sshrl.u32 s26, $0x10;
	v34 =	vld [tilespmem:s29+$0x0]  }
0x233: {  	s26 =	sand.u32 $0xFFE0, s26;
	s30 =	sadd.s32 $0x10, s25;
	v37 =	vld [tilespmem:s25+$0x0]  }
0x234: {  	s31 =	sand.u32 $0x7, s25;
	v39 =	vld [tilespmem:s26+$0x7D00];
	s29 =	sand.u32 $0x1FFF8, s30  }
0x235: {  	v40 =	vld [tilespmem:s26+$0x7D10];
	s29 =	sor.u32 s31, s29;
	s28 =	spop (v2sf)  }
0x236: {  	v38 =	vld [tilespmem:s29+$0x0];
	(v2sf) =	vpush v4, $0x1;
	s25 =	sshrl.u32 s28, $0x10  }
0x237: {  	s28 =	sand.u32 $0xFFE0, s28;
	v41 =	vld [tilespmem:s25+$0x0]  }
0x238: {  	s26 =	spop (v2sf);
	v43 =	vld [tilespmem:s28+$0x7D00]  }
0x239: {  	v8 =	vadd.f32 $0.0e+00, v49;
	s30 =	sadd.s32 $0x10, s25;
	s31 =	sand.u32 $0x7, s25;
	(v2sf) =	vpush v4, $0x2;
	v48 =	vld [tilespmem:s28+$0x7D10];
	s25 =	sshrl.u32 s26, $0x10  }
0x23a: {  	v9 =	vadd.f32 $0.0e+00, v50;
	v5 =	vadd.f32 $0.0e+00, v5;
	s26 =	sand.u32 $0xFFE0, s26;
	v49 =	vld [tilespmem:s25+$0x0]  }
0x23b: {  	v6 =	vadd.f32 $0.0e+00, v6;
	v7 =	vadd.f32 v51, v8;
	s29 =	sand.u32 $0x1FFF8, s30;
	v47 =	vld [tilespmem:s26+$0x7D00]  }
0x23c: {  	v5 =	vadd.f32 v11, v5;
	v51 =	vadd.f32 v52, v9;
	s28 =	spop (v2sf);
	s29 =	sor.u32 s31, s29;
	v52 =	vld [tilespmem:s26+$0x7D10]  }
0x23d: {  	v6 =	vadd.f32 v53, v6;
	(v2sf) =	vpush v4, $0x3;
	s30 =	sadd.s32 $0x10, s25;
	s31 =	sand.u32 $0x7, s25;
	s25 =	sshrl.u32 s28, $0x10;
	v42 =	vld [tilespmem:s29+$0x0]  }
0x23e: {  	v7 =	vadd.f32 v54, v7;
	s28 =	sand.u32 $0xFFE0, s28;
	s29 =	sand.u32 $0x1FFF8, s30;
	v53 =	vld [tilespmem:s25+$0x0]  }
0x23f: {  	v5 =	vadd.f32 v16, v5;
	v6 =	vadd.f32 v13, v6;
	s30 =	sadd.s32 $0x10, s25;
	v55 =	vld [tilespmem:s28+$0x7D00];
	s29 =	sor.u32 s31, s29  }
0x240: {  	v8 =	vadd.f32 v10, v51;
	v7 =	vadd.f32 v56, v7;
	s31 =	sand.u32 $0x7, s25;
	v50 =	vld [tilespmem:s29+$0x0];
	s29 =	sand.u32 $0x1FFF8, s30  }
0x241: {  	v5 =	vadd.f32 v21, v5;
	v6 =	vadd.f32 v20, v6;
	v56 =	vld [tilespmem:s28+$0x7D10];
	s26 =	spop (v2sf);
	s29 =	sor.u32 s31, s29  }
0x242: {  	v8 =	vadd.f32 v18, v8;
	(v2sf) =	vpush v4, $0x4;
	s25 =	sshrl.u32 s26, $0x10;
	v54 =	vld [tilespmem:s29+$0x0]  }
0x243: {  	v7 =	vadd.f32 v19, v7;
	v5 =	vadd.f32 v23, v5;
	s26 =	sand.u32 $0xFFE0, s26;
	s30 =	sadd.s32 $0x10, s25;
	v57 =	vld [tilespmem:s25+$0x0]  }
0x244: {  	v6 =	vadd.f32 v60, v6;
	v8 =	vadd.f32 v22, v8;
	s31 =	sand.u32 $0x7, s25;
	v59 =	vld [tilespmem:s26+$0x7D00];
	s29 =	sand.u32 $0x1FFF8, s30  }
0x245: {  	v7 =	vadd.f32 v24, v7;
	v5 =	vadd.f32 v30, v5;
	v60 =	vld [tilespmem:s26+$0x7D10];
	s29 =	sor.u32 s31, s29;
	s28 =	spop (v2sf)  }
0x246: {  	v6 =	vadd.f32 v29, v6;
	v58 =	vld [tilespmem:s29+$0x0];
	(v2sf) =	vpush v4, $0x5;
	s25 =	sshrl.u32 s28, $0x10  }
0x247: {  	v7 =	vadd.f32 v63, v7;
	v8 =	vadd.f32 v28, v8;
	s28 =	sand.u32 $0xFFE0, s28;
	v61 =	vld [tilespmem:s25+$0x0]  }
0x248: {  	v5 =	vadd.f32 v32, v5;
	v6 =	vadd.f32 v27, v6;
	s26 =	spop (v2sf);
	v63 =	vld [tilespmem:s28+$0x7D00]  }
0x249: {  	v8 =	vadd.f32 v33, v8;
	s30 =	sadd.s32 $0x10, s25;
	s31 =	sand.u32 $0x7, s25;
	(v2sf) =	vpush v4, $0x6;
	v32 =	vld [tilespmem:s28+$0x7D10];
	s25 =	sshrl.u32 s26, $0x10  }
0x24a: {  	v7 =	vadd.f32 v26, v7;
	v5 =	vadd.f32 v35, v5;
	s26 =	sand.u32 $0xFFE0, s26;
	v33 =	vld [tilespmem:s25+$0x0]  }
0x24b: {  	v6 =	vadd.f32 v36, v6;
	v8 =	vadd.f32 v34, v8;
	s29 =	sand.u32 $0x1FFF8, s30;
	v36 =	vld [tilespmem:s26+$0x7D00]  }
0x24c: {  	v7 =	vadd.f32 v37, v7;
	s28 =	spop (v2sf);
	(v2sf) =	vpush v4, $0x7;
	s29 =	sor.u32 s31, s29;
	v37 =	vld [tilespmem:s26+$0x7D10]  }
0x24d: {  	s30 =	sadd.s32 $0x10, s25;
	s31 =	sand.u32 $0x7, s25;
	s25 =	sshrl.u32 s28, $0x10;
	v62 =	vld [tilespmem:s29+$0x0]  }
0x24e: {  	v5 =	vadd.f32 v39, v5;
	v8 =	vadd.f32 v38, v8;
	s28 =	sand.u32 $0xFFE0, s28;
	s29 =	sand.u32 $0x1FFF8, s30;
	v38 =	vld [tilespmem:s25+$0x0]  }
0x24f: {  	v6 =	vadd.f32 v40, v6;
	s30 =	sadd.s32 $0x10, s25;
	v40 =	vld [tilespmem:s28+$0x7D00];
	s29 =	sor.u32 s31, s29  }
0x250: {  	v7 =	vadd.f32 v41, v7;
	v5 =	vadd.f32 v43, v5;
	s31 =	sand.u32 $0x7, s25;
	v34 =	vld [tilespmem:s29+$0x0];
	s29 =	sand.u32 $0x1FFF8, s30  }
0x251: {  	v6 =	vadd.f32 v48, v6;
	v8 =	vadd.f32 v42, v8;
	v41 =	vld [tilespmem:s28+$0x7D10];
	s26 =	spop (v2sf);
	s29 =	sor.u32 s31, s29  }
0x252: {  	v7 =	vadd.f32 v49, v7;
	v5 =	vadd.f32 v47, v5;
	s25 =	sshrl.u32 s26, $0x10;
	v39 =	vld [tilespmem:s29+$0x0]  }
0x253: {  	v6 =	vadd.f32 v52, v6;
	v8 =	vadd.f32 v50, v8;
	s26 =	sand.u32 $0xFFE0, s26;
	s30 =	sadd.s32 $0x10, s25;
	v42 =	vld [tilespmem:s25+$0x0]  }
0x254: {  	v7 =	vadd.f32 v53, v7;
	v5 =	vadd.f32 v55, v5;
	s31 =	sand.u32 $0x7, s25;
	v44 =	vld [tilespmem:s26+$0x7D00];
	s29 =	sand.u32 $0x1FFF8, s30  }
0x255: {  	v6 =	vadd.f32 v56, v6;
	v8 =	vadd.f32 v54, v8;
	v45 =	vld [tilespmem:s26+$0x7D10];
	s29 =	sor.u32 s31, s29;
	s28 =	spop (v2sf)  }
0x256: {  	v7 =	vadd.f32 v57, v7;
	v5 =	vadd.f32 v59, v5;
	v43 =	vld [tilespmem:s29+$0x0];
	s25 =	sshrl.u32 s28, $0x10  }
0x257: {  	v6 =	vadd.f32 v60, v6;
	v8 =	vadd.f32 v58, v8;
	s28 =	sand.u32 $0xFFE0, s28;
	v46 =	vld [tilespmem:s25+$0x0]  }
0x258: {  	v7 =	vadd.f32 v61, v7;
	v5 =	vadd.f32 v63, v5;
	s26 =	spop (v2sf);
	v48 =	vld [tilespmem:s28+$0x7D00]  }
0x259: {  	(v2sf) =	vpush v4, $0x8;
	v6 =	vadd.f32 v32, v6;
	s30 =	sadd.s32 $0x10, s25;
	s31 =	sand.u32 $0x7, s25;
	v49 =	vld [tilespmem:s28+$0x7D10];
	s25 =	sshrl.u32 s26, $0x10  }
0x25a: {  	v7 =	vadd.f32 v33, v7;
	v8 =	vadd.f32 v62, v8;
	s29 =	sand.u32 $0x1FFF8, s30;
	s26 =	sand.u32 $0xFFE0, s26;
	v50 =	vld [tilespmem:s25+$0x0]  }
0x25b: {  	v5 =	vadd.f32 v36, v5;
	v6 =	vadd.f32 v37, v6;
	s28 =	spop (v2sf);
	s29 =	sor.u32 s31, s29;
	s30 =	sadd.s32 $0x10, s25;
	v52 =	vld [tilespmem:s26+$0x7D00]  }
0x25c: {  	v7 =	vadd.f32 v38, v7;
	v8 =	vadd.f32 v34, v8;
	s31 =	sand.u32 $0x7, s25;
	s25 =	sshrl.u32 s28, $0x10;
	v47 =	vld [tilespmem:s29+$0x0];
	s29 =	sand.u32 $0x1FFF8, s30  }
0x25d: {  	v5 =	vadd.f32 v40, v5;
	v6 =	vadd.f32 v41, v6;
	v53 =	vld [tilespmem:s26+$0x7D10];
	s30 =	sadd.s32 $0x10, s25;
	s29 =	sor.u32 s31, s29  }
0x25e: {  	v8 =	vadd.f32 v39, v8;
	v7 =	vadd.f32 v42, v7;
	s31 =	sand.u32 $0x7, s25;
	v51 =	vld [tilespmem:s29+$0x0];
	s29 =	sand.u32 $0x1FFF8, s30  }
0x25f: {  	v5 =	vadd.f32 v44, v5;
	(v2sf) =	vpush v4, $0x9;
	v54 =	vld [tilespmem:s25+$0x0];
	s26 =	sor.u32 s31, s29  }
0x260: {  	v6 =	vadd.f32 v45, v6;
	(v2sf) =	vpush v4, $0xA;
	s29 =	sand.u32 $0xFFE0, s28;
	v55 =	vld [tilespmem:s26+$0x0]  }
0x261: {  	v8 =	vadd.f32 v43, v8;
	(v2sf) =	vpush v4, $0xB;
	v56 =	vld [tilespmem:s29+$0x7D00]  }
0x262: {  	v7 =	vadd.f32 v46, v7;
	v5 =	vadd.f32 v48, v5;
	v57 =	vld [tilespmem:s29+$0x7D10]  }
0x263: {  	v6 =	vadd.f32 v49, v6;
	v8 =	vadd.f32 v47, v8  }
0x264: {  	v7 =	vadd.f32 v50, v7;
	v5 =	vadd.f32 v52, v5  }
0x265: {  	v6 =	vadd.f32 v53, v6;
	v8 =	vadd.f32 v51, v8  }
0x266: {  	v7 =	vadd.f32 v54, v7;
	v5 =	vadd.f32 v56, v5  }
0x267: {  	v58 =	vcvt.s32.f32 v3;
	v8 =	vadd.f32 v55, v8;
	v6 =	vadd.f32 v57, v6  }
0x268: {  	s25 =	spop (v2sf);
	v5 =	vmul.f32 v5, v7  }
0x269: {  	v59 =	vmul.f32 $1.000000050e-03, v58;
	s26 =	sshrl.u32 s25, $0x10;
	v6 =	vmul.f32 v6, v8  }
0x26a: {  	(v2sf) =	vpush v4, $0xC;
	s30 =	sadd.s32 $0x10, s26;
	[tilespmem:s24+$0xFFFFFFE0] =	vst v5  }
0x26b: {  	v60 =	vtrunc.f32 v59;
	s31 =	sand.u32 $0x7, s26;
	s28 =	sand.u32 $0x1FFF8, s30;
	[tilespmem:s24+$0xFFFFFFF0] =	vst v6  }
0x26c: {  	v61 =	vcvt.f32.s32 v60;
	s29 =	sor.u32 s31, s28;
	v6 =	vld [tilespmem:s26+$0x0]  }
0x26d: {  	s25 =	sand.u32 $0xFFE0, s25;
	v7 =	vld [tilespmem:s29+$0x0]  }
0x26e: {  	v62 =	vmul.u32 $0xFFFFFC18, v61;
	s28 =	spop (v2sf);
	v5 =	vld [tilespmem:s25+$0x7D00]  }
0x26f: {  	(v2sf) =	vpush v4, $0xD;
	s26 =	sshrl.u32 s28, $0x10;
	v8 =	vld [tilespmem:s25+$0x7D10]  }
0x270: {  	v3 =	vadd.s32 v3, v62;
	s28 =	sand.u32 $0xFFE0, s28;
	s30 =	sadd.s32 $0x10, s26;
	v9 =	vld [tilespmem:s26+$0x0]  }
0x271: {  	vm14 =	vlt.s32 v3, $0x0;
	v43 =	vadd.s32 $0x3E8, v3;
	s31 =	sand.u32 $0x7, s26;
	v11 =	vld [tilespmem:s28+$0x7D00];
	s29 =	sand.u32 $0x1FFF8, s30  }
0x272: {  	v44 =	vshra.s32 v3, $0x1F;
	v3 =	vsel vm14, v43, v3;
	s26 =	spop (v2sf);
	v13 =	vld [tilespmem:s28+$0x7D10];
	s25 =	sor.u32 s31, s29  }
0x273: {  	vm0 =	vgt.s32 v3, $0x3E7;
	(v2sf) =	vpush v4, $0xE;
	v63 =	vld [tilespmem:s25+$0x0];
	s25 =	sshrl.u32 s26, $0x10  }
0x274: {  	v12 =	vadd.s32 v61, v44;
	v3 =	vshll.u32 v3, $0x5;
	v45 =	vsel vm0, $0x1, v0;
	s26 =	sand.u32 $0xFFE0, s26;
	v14 =	vld [tilespmem:s25+$0x0]  }
0x275: {  	v46 =	vadd.s32 v45, v12;
	v47 =	vadd.s32 $0xFFFF8300, v3;
	s28 =	spop (v2sf);
	v15 =	vld [tilespmem:s26+$0x7D00]  }
0x276: {  	v3 =	vsel vm0, v47, v3;
	(v2sf) =	vpush v4, $0xF;
	v4 =	vshll.u32 v46, $0x15;
	s30 =	sadd.s32 $0x10, s25;
	s31 =	sand.u32 $0x7, s25;
	s25 =	sshrl.u32 s28, $0x10;
	v12 =	vld [tilespmem:s26+$0x7D10]  }
0x277: {  	v3 =	vadd.s32 v3, v4;
	s28 =	sand.u32 $0xFFE0, s28;
	v4 =	vld [tilespmem:s25+$0x0]  }
0x278: {  	s29 =	sand.u32 $0x1FFF8, s30;
	v18 =	vld [tilespmem:s28+$0x7D00]  }
0x279: {  	s26 =	spop (v2sf);
	v19 =	vld [tilespmem:s28+$0x7D10];
	s29 =	sor.u32 s31, s29  }
0x27a: {  	(v2sf) =	vpush v3, $0x0;
	s30 =	sadd.s32 $0x10, s25;
	s31 =	sand.u32 $0x7, s25;
	s25 =	sshrl.u32 s26, $0x10;
	v16 =	vld [tilespmem:s29+$0x0]  }
0x27b: {  	s26 =	sand.u32 $0xFFE0, s26;
	s29 =	sand.u32 $0x1FFF8, s30;
	v20 =	vld [tilespmem:s25+$0x0]  }
0x27c: {  	s30 =	sadd.s32 $0x10, s25;
	v22 =	vld [tilespmem:s26+$0x7D00];
	s29 =	sor.u32 s31, s29  }
0x27d: {  	s31 =	sand.u32 $0x7, s25;
	v17 =	vld [tilespmem:s29+$0x0];
	s29 =	sand.u32 $0x1FFF8, s30  }
0x27e: {  	v49 =	vld [tilespmem:s26+$0x7D10];
	s29 =	sor.u32 s31, s29;
	s28 =	spop (v2sf)  }
0x27f: {  	(v2sf) =	vpush v3, $0x1;
	v48 =	vld [tilespmem:s29+$0x0];
	s25 =	sshrl.u32 s28, $0x10  }
0x280: {  	s28 =	sand.u32 $0xFFE0, s28;
	s30 =	sadd.s32 $0x10, s25;
	v24 =	vld [tilespmem:s25+$0x0]  }
0x281: {  	s31 =	sand.u32 $0x7, s25;
	v51 =	vld [tilespmem:s28+$0x7D00];
	s29 =	sand.u32 $0x1FFF8, s30  }
0x282: {  	v27 =	vld [tilespmem:s28+$0x7D10];
	s29 =	sor.u32 s31, s29;
	s26 =	spop (v2sf)  }
0x283: {  	v50 =	vld [tilespmem:s29+$0x0];
	(v2sf) =	vpush v3, $0x2;
	s25 =	sshrl.u32 s26, $0x10  }
0x284: {  	s26 =	sand.u32 $0xFFE0, s26;
	v52 =	vld [tilespmem:s25+$0x0]  }
0x285: {  	s28 =	spop (v2sf);
	v53 =	vld [tilespmem:s26+$0x7D00]  }
0x286: {  	(v2sf) =	vpush v3, $0x3;
	s30 =	sadd.s32 $0x10, s25;
	s31 =	sand.u32 $0x7, s25;
	s25 =	sshrl.u32 s28, $0x10;
	v31 =	vld [tilespmem:s26+$0x7D10]  }
0x287: {  	s28 =	sand.u32 $0xFFE0, s28;
	v54 =	vld [tilespmem:s25+$0x0]  }
0x288: {  	s29 =	sand.u32 $0x1FFF8, s30;
	v34 =	vld [tilespmem:s28+$0x7D00]  }
0x289: {  	v56 =	vld [tilespmem:s28+$0x7D10];
	s29 =	sor.u32 s31, s29;
	s26 =	spop (v2sf)  }
0x28a: {  	s30 =	sadd.s32 $0x10, s25;
	s31 =	sand.u32 $0x7, s25;
	(v2sf) =	vpush v3, $0x4;
	v29 =	vld [tilespmem:s29+$0x0];
	s25 =	sshrl.u32 s26, $0x10  }
0x28b: {  	s29 =	sand.u32 $0x1FFF8, s30;
	s26 =	sand.u32 $0xFFE0, s26;
	v36 =	vld [tilespmem:s25+$0x0]  }
0x28c: {  	s29 =	sor.u32 s31, s29;
	s30 =	sadd.s32 $0x10, s25;
	v38 =	vld [tilespmem:s26+$0x7D00]  }
0x28d: {  	s31 =	sand.u32 $0x7, s25;
	v55 =	vld [tilespmem:s29+$0x0];
	s29 =	sand.u32 $0x1FFF8, s30  }
0x28e: {  	v58 =	vld [tilespmem:s26+$0x7D10];
	s29 =	sor.u32 s31, s29;
	s28 =	spop (v2sf)  }
0x28f: {  	v57 =	vld [tilespmem:s29+$0x0];
	(v2sf) =	vpush v3, $0x5;
	s25 =	sshrl.u32 s28, $0x10  }
0x290: {  	s28 =	sand.u32 $0xFFE0, s28;
	s30 =	sadd.s32 $0x10, s25;
	v40 =	vld [tilespmem:s25+$0x0]  }
0x291: {  	s31 =	sand.u32 $0x7, s25;
	v60 =	vld [tilespmem:s28+$0x7D00];
	s29 =	sand.u32 $0x1FFF8, s30  }
0x292: {  	v6 =	vadd.f32 $0.0e+00, v6;
	v5 =	vadd.f32 $0.0e+00, v5;
	v61 =	vld [tilespmem:s28+$0x7D10];
	s29 =	sor.u32 s31, s29;
	s26 =	spop (v2sf)  }
0x293: {  	v8 =	vadd.f32 $0.0e+00, v8;
	v59 =	vld [tilespmem:s29+$0x0];
	(v2sf) =	vpush v3, $0x6;
	s25 =	sshrl.u32 s26, $0x10  }
0x294: {  	v7 =	vadd.f32 $0.0e+00, v7;
	v6 =	vadd.f32 v9, v6;
	s26 =	sand.u32 $0xFFE0, s26;
	v44 =	vld [tilespmem:s25+$0x0]  }
0x295: {  	v5 =	vadd.f32 v11, v5;
	v8 =	vadd.f32 v13, v8;
	s28 =	spop (v2sf);
	v46 =	vld [tilespmem:s26+$0x7D00]  }
0x296: {  	v7 =	vadd.f32 v63, v7;
	(v2sf) =	vpush v3, $0x7;
	s30 =	sadd.s32 $0x10, s25;
	s31 =	sand.u32 $0x7, s25;
	s25 =	sshrl.u32 s28, $0x10;
	v63 =	vld [tilespmem:s26+$0x7D10]  }
0x297: {  	v6 =	vadd.f32 v14, v6;
	v5 =	vadd.f32 v15, v5;
	s28 =	sand.u32 $0xFFE0, s28;
	v10 =	vld [tilespmem:s25+$0x0]  }
0x298: {  	v8 =	vadd.f32 v12, v8;
	v7 =	vadd.f32 v16, v7;
	s29 =	sand.u32 $0x1FFF8, s30;
	v13 =	vld [tilespmem:s28+$0x7D00]  }
0x299: {  	v4 =	vadd.f32 v4, v6;
	v5 =	vadd.f32 v18, v5;
	v6 =	vld [tilespmem:s28+$0x7D10];
	s29 =	sor.u32 s31, s29;
	s26 =	spop (v2sf)  }
0x29a: {  	v7 =	vadd.f32 v17, v7;
	s30 =	sadd.s32 $0x10, s25;
	s31 =	sand.u32 $0x7, s25;
	(v2sf) =	vpush v3, $0x8;
	v62 =	vld [tilespmem:s29+$0x0];
	s25 =	sshrl.u32 s26, $0x10  }
0x29b: {  	v8 =	vadd.f32 v19, v8;
	v4 =	vadd.f32 v20, v4;
	s29 =	sand.u32 $0x1FFF8, s30;
	s26 =	sand.u32 $0xFFE0, s26;
	v12 =	vld [tilespmem:s25+$0x0]  }
0x29c: {  	v5 =	vadd.f32 v22, v5;
	v7 =	vadd.f32 v48, v7;
	s29 =	sor.u32 s31, s29;
	s30 =	sadd.s32 $0x10, s25;
	v48 =	vld [tilespmem:s26+$0x7D00]  }
0x29d: {  	v8 =	vadd.f32 v49, v8;
	s31 =	sand.u32 $0x7, s25;
	v11 =	vld [tilespmem:s29+$0x0];
	s29 =	sand.u32 $0x1FFF8, s30  }
0x29e: {  	v4 =	vadd.f32 v24, v4;
	v5 =	vadd.f32 v51, v5;
	v49 =	vld [tilespmem:s26+$0x7D10];
	s29 =	sor.u32 s31, s29;
	s28 =	spop (v2sf)  }
0x29f: {  	v7 =	vadd.f32 v50, v7;
	v47 =	vld [tilespmem:s29+$0x0];
	(v2sf) =	vpush v3, $0x9;
	s25 =	sshrl.u32 s28, $0x10  }
0x2a0: {  	v8 =	vadd.f32 v27, v8;
	v4 =	vadd.f32 v52, v4;
	s28 =	sand.u32 $0xFFE0, s28;
	s30 =	sadd.s32 $0x10, s25;
	v50 =	vld [tilespmem:s25+$0x0]  }
0x2a1: {  	v5 =	vadd.f32 v53, v5;
	v7 =	vadd.f32 v29, v7;
	s31 =	sand.u32 $0x7, s25;
	v52 =	vld [tilespmem:s28+$0x7D00];
	s29 =	sand.u32 $0x1FFF8, s30  }
0x2a2: {  	v8 =	vadd.f32 v31, v8;
	v4 =	vadd.f32 v54, v4;
	v53 =	vld [tilespmem:s28+$0x7D10];
	s29 =	sor.u32 s31, s29;
	s26 =	spop (v2sf)  }
0x2a3: {  	v7 =	vadd.f32 v55, v7;
	v51 =	vld [tilespmem:s29+$0x0];
	(v2sf) =	vpush v3, $0xA;
	s25 =	sshrl.u32 s26, $0x10  }
0x2a4: {  	v5 =	vadd.f32 v34, v5;
	v8 =	vadd.f32 v56, v8;
	s26 =	sand.u32 $0xFFE0, s26;
	v54 =	vld [tilespmem:s25+$0x0]  }
0x2a5: {  	v7 =	vadd.f32 v57, v7;
	s28 =	spop (v2sf);
	(v2sf) =	vpush v3, $0xB;
	v56 =	vld [tilespmem:s26+$0x7D00]  }
0x2a6: {  	v4 =	vadd.f32 v36, v4;
	v5 =	vadd.f32 v38, v5;
	s30 =	sadd.s32 $0x10, s25;
	s31 =	sand.u32 $0x7, s25;
	s25 =	sshrl.u32 s28, $0x10;
	v57 =	vld [tilespmem:s26+$0x7D10]  }
0x2a7: {  	v8 =	vadd.f32 v58, v8;
	v7 =	vadd.f32 v59, v7;
	s28 =	sand.u32 $0xFFE0, s28;
	v58 =	vld [tilespmem:s25+$0x0]  }
0x2a8: {  	v4 =	vadd.f32 v40, v4;
	v5 =	vadd.f32 v60, v5;
	s29 =	sand.u32 $0x1FFF8, s30;
	v60 =	vld [tilespmem:s28+$0x7D00]  }
0x2a9: {  	v8 =	vadd.f32 v61, v8;
	v7 =	vadd.f32 v62, v7;
	v62 =	vld [tilespmem:s28+$0x7D10];
	s29 =	sor.u32 s31, s29;
	s26 =	spop (v2sf)  }
0x2aa: {  	v4 =	vadd.f32 v44, v4;
	s30 =	sadd.s32 $0x10, s25;
	s31 =	sand.u32 $0x7, s25;
	v55 =	vld [tilespmem:s29+$0x0];
	s25 =	sshrl.u32 s26, $0x10  }
0x2ab: {  	v5 =	vadd.f32 v46, v5;
	v8 =	vadd.f32 v63, v8;
	s29 =	sand.u32 $0x1FFF8, s30;
	s26 =	sand.u32 $0xFFE0, s26;
	v63 =	vld [tilespmem:s25+$0x0]  }
0x2ac: {  	v61 =	vcvt.s32.f32 v2;
	s29 =	sor.u32 s31, s29;
	s30 =	sadd.s32 $0x10, s25;
	v32 =	vld [tilespmem:s26+$0x7D00]  }
0x2ad: {  	v4 =	vadd.f32 v10, v4;
	v5 =	vadd.f32 v13, v5;
	s31 =	sand.u32 $0x7, s25;
	v59 =	vld [tilespmem:s29+$0x0];
	s29 =	sand.u32 $0x1FFF8, s30  }
0x2ae: {  	v28 =	vmul.f32 $1.000000050e-03, v61;
	v6 =	vadd.f32 v6, v8;
	v7 =	vadd.f32 v11, v7;
	v34 =	vld [tilespmem:s26+$0x7D10];
	s29 =	sor.u32 s31, s29;
	s28 =	spop (v2sf)  }
0x2af: {  	v4 =	vadd.f32 v12, v4;
	v5 =	vadd.f32 v48, v5;
	v31 =	vld [tilespmem:s29+$0x0];
	s25 =	sshrl.u32 s28, $0x10  }
0x2b0: {  	v33 =	vtrunc.f32 v28;
	v6 =	vadd.f32 v49, v6;
	v7 =	vadd.f32 v47, v7;
	s28 =	sand.u32 $0xFFE0, s28;
	s30 =	sadd.s32 $0x10, s25;
	v35 =	vld [tilespmem:s25+$0x0]  }
0x2b1: {  	v11 =	vcvt.f32.s32 v33;
	v4 =	vadd.f32 v50, v4;
	v5 =	vadd.f32 v52, v5;
	s31 =	sand.u32 $0x7, s25;
	v38 =	vld [tilespmem:s28+$0x7D00];
	s29 =	sand.u32 $0x1FFF8, s30  }
0x2b2: {  	v6 =	vadd.f32 v53, v6;
	(v2sf) =	vpush v3, $0xC;
	v39 =	vld [tilespmem:s28+$0x7D10];
	s29 =	sor.u32 s31, s29;
	s26 =	spop (v2sf)  }
0x2b3: {  	v37 =	vmul.u32 $0xFFFFFC18, v11;
	v4 =	vadd.f32 v54, v4;
	v5 =	vadd.f32 v56, v5;
	v36 =	vld [tilespmem:s29+$0x0];
	s25 =	sshrl.u32 s26, $0x10  }
0x2b4: {  	v7 =	vadd.f32 v51, v7;
	v6 =	vadd.f32 v57, v6;
	s28 =	spop (v2sf);
	s26 =	sand.u32 $0xFFE0, s26;
	s30 =	sadd.s32 $0x10, s25;
	v40 =	vld [tilespmem:s25+$0x0]  }
0x2b5: {  	v2 =	vadd.s32 v2, v37;
	v4 =	vadd.f32 v58, v4;
	v5 =	vadd.f32 v60, v5;
	s31 =	sand.u32 $0x7, s25;
	s25 =	sshrl.u32 s28, $0x10;
	v43 =	vld [tilespmem:s26+$0x7D00];
	s29 =	sand.u32 $0x1FFF8, s30  }
0x2b6: {  	vm15 =	vlt.s32 v2, $0x0;
	v6 =	vadd.f32 v62, v6;
	v7 =	vadd.f32 v55, v7;
	v44 =	vld [tilespmem:s26+$0x7D10];
	s30 =	sadd.s32 $0x10, s25;
	s29 =	sor.u32 s31, s29  }
0x2b7: {  	v42 =	vshra.s32 v2, $0x1F;
	(v2sf) =	vpush v3, $0xD;
	v4 =	vadd.f32 v63, v4;
	s31 =	sand.u32 $0x7, s25;
	v41 =	vld [tilespmem:s29+$0x0];
	s29 =	sand.u32 $0x1FFF8, s30  }
0x2b8: {  	v45 =	vadd.s32 $0x3E8, v2;
	v5 =	vadd.f32 v32, v5;
	v7 =	vadd.f32 v59, v7;
	v46 =	vld [tilespmem:s25+$0x0];
	s26 =	sor.u32 s31, s29  }
0x2b9: {  	v11 =	vadd.s32 v11, v42;
	v6 =	vadd.f32 v34, v6;
	(v2sf) =	vpush v3, $0xE;
	s29 =	sand.u32 $0xFFE0, s28;
	v47 =	vld [tilespmem:s26+$0x0]  }
0x2ba: {  	v2 =	vsel vm15, v45, v2;
	v7 =	vadd.f32 v31, v7;
	(v2sf) =	vpush v3, $0xF;
	v48 =	vld [tilespmem:s29+$0x7D00]  }
0x2bb: {  	vm0 =	vgt.s32 v2, $0x3E7;
	v4 =	vadd.f32 v35, v4;
	v5 =	vadd.f32 v38, v5;
	v50 =	vld [tilespmem:s29+$0x7D10]  }
0x2bc: {  	v2 =	vshll.u32 v2, $0x5;
	v6 =	vadd.f32 v39, v6;
	v7 =	vadd.f32 v36, v7  }
0x2bd: {  	v49 =	vsel vm0, $0x1, v0;
	v4 =	vadd.f32 v40, v4;
	v5 =	vadd.f32 v43, v5  }
0x2be: {  	v11 =	vadd.s32 v49, v11;
	v6 =	vadd.f32 v44, v6;
	v7 =	vadd.f32 v41, v7  }
0x2bf: {  	v3 =	vadd.s32 $0xFFFF8300, v2;
	v4 =	vadd.f32 v46, v4;
	v5 =	vadd.f32 v48, v5  }
0x2c0: {  	v2 =	vsel vm0, v3, v2;
	v3 =	vadd.f32 v47, v7;
	v6 =	vadd.f32 v50, v6  }
0x2c1: {  	v11 =	vshll.u32 v11, $0x15;
	s25 =	spop (v2sf);
	v4 =	vmul.f32 v5, v4  }
0x2c2: {  	v2 =	vadd.s32 v2, v11;
	s26 =	sshrl.u32 s25, $0x10;
	v3 =	vmul.f32 v6, v3  }
0x2c3: {  	(v2sf) =	vpush v2, $0x0;
	s30 =	sadd.s32 $0x10, s26;
	[tilespmem:s24+$0x0] =	vst v4  }
0x2c4: {  	s31 =	sand.u32 $0x7, s26;
	s28 =	sand.u32 $0x1FFF8, s30;
	[tilespmem:s24+$0x10] =	vst v3  }
0x2c5: {  	s29 =	sor.u32 s31, s28;
	v3 =	vld [tilespmem:s26+$0x0]  }
0x2c6: {  	s25 =	sand.u32 $0xFFE0, s25;
	v4 =	vld [tilespmem:s29+$0x0]  }
0x2c7: {  	s28 =	spop (v2sf);
	(v2sf) =	vpush v2, $0x1;
	v5 =	vld [tilespmem:s25+$0x7D00]  }
0x2c8: {  	s26 =	sshrl.u32 s28, $0x10;
	v51 =	vld [tilespmem:s25+$0x7D10]  }
0x2c9: {  	s28 =	sand.u32 $0xFFE0, s28;
	s30 =	sadd.s32 $0x10, s26;
	v52 =	vld [tilespmem:s26+$0x0]  }
0x2ca: {  	s31 =	sand.u32 $0x7, s26;
	v53 =	vld [tilespmem:s28+$0x7D00];
	s29 =	sand.u32 $0x1FFF8, s30  }
0x2cb: {  	s26 =	spop (v2sf);
	v10 =	vld [tilespmem:s28+$0x7D10];
	s25 =	sor.u32 s31, s29  }
0x2cc: {  	(v2sf) =	vpush v2, $0x2;
	v8 =	vld [tilespmem:s25+$0x0];
	s25 =	sshrl.u32 s26, $0x10  }
0x2cd: {  	s26 =	sand.u32 $0xFFE0, s26;
	v54 =	vld [tilespmem:s25+$0x0]  }
0x2ce: {  	s28 =	spop (v2sf);
	v55 =	vld [tilespmem:s26+$0x7D00]  }
0x2cf: {  	(v2sf) =	vpush v2, $0x3;
	s30 =	sadd.s32 $0x10, s25;
	s31 =	sand.u32 $0x7, s25;
	s25 =	sshrl.u32 s28, $0x10;
	v56 =	vld [tilespmem:s26+$0x7D10]  }
0x2d0: {  	s28 =	sand.u32 $0xFFE0, s28;
	v15 =	vld [tilespmem:s25+$0x0]  }
0x2d1: {  	s29 =	sand.u32 $0x1FFF8, s30;
	v17 =	vld [tilespmem:s28+$0x7D00]  }
0x2d2: {  	s26 =	spop (v2sf);
	v58 =	vld [tilespmem:s28+$0x7D10];
	s29 =	sor.u32 s31, s29  }
0x2d3: {  	(v2sf) =	vpush v2, $0x4;
	s30 =	sadd.s32 $0x10, s25;
	s31 =	sand.u32 $0x7, s25;
	s25 =	sshrl.u32 s26, $0x10;
	v12 =	vld [tilespmem:s29+$0x0]  }
0x2d4: {  	s26 =	sand.u32 $0xFFE0, s26;
	v19 =	vld [tilespmem:s25+$0x0]  }
0x2d5: {  	s29 =	sand.u32 $0x1FFF8, s30;
	v60 =	vld [tilespmem:s26+$0x7D00]  }
0x2d6: {  	s28 =	spop (v2sf);
	v22 =	vld [tilespmem:s26+$0x7D10];
	s29 =	sor.u32 s31, s29  }
0x2d7: {  	s30 =	sadd.s32 $0x10, s25;
	s31 =	sand.u32 $0x7, s25;
	s25 =	sshrl.u32 s28, $0x10;
	v57 =	vld [tilespmem:s29+$0x0]  }
0x2d8: {  	(v2sf) =	vpush v2, $0x5;
	s28 =	sand.u32 $0xFFE0, s28;
	s29 =	sand.u32 $0x1FFF8, s30;
	v61 =	vld [tilespmem:s25+$0x0]  }
0x2d9: {  	s30 =	sadd.s32 $0x10, s25;
	v62 =	vld [tilespmem:s28+$0x7D00];
	s29 =	sor.u32 s31, s29  }
0x2da: {  	s31 =	sand.u32 $0x7, s25;
	v59 =	vld [tilespmem:s29+$0x0];
	s29 =	sand.u32 $0x1FFF8, s30  }
0x2db: {  	v26 =	vld [tilespmem:s28+$0x7D10];
	s29 =	sor.u32 s31, s29;
	s26 =	spop (v2sf)  }
0x2dc: {  	v24 =	vld [tilespmem:s29+$0x0];
	(v2sf) =	vpush v2, $0x6;
	s25 =	sshrl.u32 s26, $0x10  }
0x2dd: {  	s26 =	sand.u32 $0xFFE0, s26;
	v63 =	vld [tilespmem:s25+$0x0]  }
0x2de: {  	s28 =	spop (v2sf);
	v29 =	vld [tilespmem:s26+$0x7D00]  }
0x2df: {  	(v2sf) =	vpush v2, $0x7;
	s30 =	sadd.s32 $0x10, s25;
	s31 =	sand.u32 $0x7, s25;
	s25 =	sshrl.u32 s28, $0x10;
	v30 =	vld [tilespmem:s26+$0x7D10]  }
0x2e0: {  	s28 =	sand.u32 $0xFFE0, s28;
	v31 =	vld [tilespmem:s25+$0x0]  }
0x2e1: {  	s29 =	sand.u32 $0x1FFF8, s30;
	v33 =	vld [tilespmem:s28+$0x7D00]  }
0x2e2: {  	v34 =	vld [tilespmem:s28+$0x7D10];
	s29 =	sor.u32 s31, s29;
	s26 =	spop (v2sf)  }
0x2e3: {  	s30 =	sadd.s32 $0x10, s25;
	s31 =	sand.u32 $0x7, s25;
	(v2sf) =	vpush v2, $0x8;
	v28 =	vld [tilespmem:s29+$0x0];
	s25 =	sshrl.u32 s26, $0x10  }
0x2e4: {  	s29 =	sand.u32 $0x1FFF8, s30;
	s26 =	sand.u32 $0xFFE0, s26;
	v35 =	vld [tilespmem:s25+$0x0]  }
0x2e5: {  	s29 =	sor.u32 s31, s29;
	s30 =	sadd.s32 $0x10, s25;
	v37 =	vld [tilespmem:s26+$0x7D00]  }
0x2e6: {  	s31 =	sand.u32 $0x7, s25;
	v32 =	vld [tilespmem:s29+$0x0];
	s29 =	sand.u32 $0x1FFF8, s30  }
0x2e7: {  	v38 =	vld [tilespmem:s26+$0x7D10];
	s28 =	spop (v2sf);
	s29 =	sor.u32 s31, s29  }
0x2e8: {  	(v2sf) =	vpush v2, $0x9;
	s25 =	sshrl.u32 s28, $0x10;
	v36 =	vld [tilespmem:s29+$0x0]  }
0x2e9: {  	s28 =	sand.u32 $0xFFE0, s28;
	s30 =	sadd.s32 $0x10, s25;
	v39 =	vld [tilespmem:s25+$0x0]  }
0x2ea: {  	s31 =	sand.u32 $0x7, s25;
	v41 =	vld [tilespmem:s28+$0x7D00];
	s29 =	sand.u32 $0x1FFF8, s30  }
0x2eb: {  	v42 =	vld [tilespmem:s28+$0x7D10];
	s29 =	sor.u32 s31, s29;
	s26 =	spop (v2sf)  }
0x2ec: {  	v40 =	vld [tilespmem:s29+$0x0];
	(v2sf) =	vpush v2, $0xA;
	s25 =	sshrl.u32 s26, $0x10  }
0x2ed: {  	v3 =	vadd.f32 $0.0e+00, v3;
	s26 =	sand.u32 $0xFFE0, s26;
	v48 =	vld [tilespmem:s25+$0x0]  }
0x2ee: {  	v4 =	vadd.f32 $0.0e+00, v4;
	v5 =	vadd.f32 $0.0e+00, v5;
	s28 =	spop (v2sf);
	v49 =	vld [tilespmem:s26+$0x7D00]  }
0x2ef: {  	v6 =	vadd.f32 $0.0e+00, v51;
	(v2sf) =	vpush v2, $0xB;
	s30 =	sadd.s32 $0x10, s25;
	s31 =	sand.u32 $0x7, s25;
	s25 =	sshrl.u32 s28, $0x10;
	v50 =	vld [tilespmem:s26+$0x7D10]  }
0x2f0: {  	v3 =	vadd.f32 v52, v3;
	v5 =	vadd.f32 v53, v5;
	s28 =	sand.u32 $0xFFE0, s28;
	v51 =	vld [tilespmem:s25+$0x0]  }
0x2f1: {  	v6 =	vadd.f32 v10, v6;
	v4 =	vadd.f32 v8, v4;
	s29 =	sand.u32 $0x1FFF8, s30;
	v53 =	vld [tilespmem:s28+$0x7D00]  }
0x2f2: {  	v3 =	vadd.f32 v54, v3;
	v5 =	vadd.f32 v55, v5;
	v54 =	vld [tilespmem:s28+$0x7D10];
	s29 =	sor.u32 s31, s29;
	s26 =	spop (v2sf)  }
0x2f3: {  	v6 =	vadd.f32 v56, v6;
	v4 =	vadd.f32 v12, v4;
	s30 =	sadd.s32 $0x10, s25;
	s31 =	sand.u32 $0x7, s25;
	v44 =	vld [tilespmem:s29+$0x0];
	s25 =	sshrl.u32 s26, $0x10  }
0x2f4: {  	v3 =	vadd.f32 v15, v3;
	(v2sf) =	vpush v2, $0xC;
	s29 =	sand.u32 $0x1FFF8, s30;
	s26 =	sand.u32 $0xFFE0, s26;
	v55 =	vld [tilespmem:s25+$0x0]  }
0x2f5: {  	v5 =	vadd.f32 v17, v5;
	v4 =	vadd.f32 v57, v4;
	s29 =	sor.u32 s31, s29;
	s30 =	sadd.s32 $0x10, s25;
	v57 =	vld [tilespmem:s26+$0x7D00]  }
0x2f6: {  	v6 =	vadd.f32 v58, v6;
	s31 =	sand.u32 $0x7, s25;
	v52 =	vld [tilespmem:s29+$0x0];
	s29 =	sand.u32 $0x1FFF8, s30  }
0x2f7: {  	v3 =	vadd.f32 v19, v3;
	v5 =	vadd.f32 v60, v5;
	v58 =	vld [tilespmem:s26+$0x7D10];
	s28 =	spop (v2sf);
	s29 =	sor.u32 s31, s29  }
0x2f8: {  	v6 =	vadd.f32 v22, v6;
	(v2sf) =	vpush v2, $0xD;
	s25 =	sshrl.u32 s28, $0x10;
	v56 =	vld [tilespmem:s29+$0x0]  }
0x2f9: {  	v5 =	vadd.f32 v62, v5;
	v4 =	vadd.f32 v59, v4;
	s28 =	sand.u32 $0xFFE0, s28;
	s30 =	sadd.s32 $0x10, s25;
	v59 =	vld [tilespmem:s25+$0x0]  }
0x2fa: {  	v3 =	vadd.f32 v61, v3;
	v6 =	vadd.f32 v26, v6;
	s31 =	sand.u32 $0x7, s25;
	v61 =	vld [tilespmem:s28+$0x7D00];
	s29 =	sand.u32 $0x1FFF8, s30  }
0x2fb: {  	v5 =	vadd.f32 v29, v5;
	v62 =	vld [tilespmem:s28+$0x7D10];
	s29 =	sor.u32 s31, s29;
	s26 =	spop (v2sf)  }
0x2fc: {  	v6 =	vadd.f32 v30, v6;
	v60 =	vld [tilespmem:s29+$0x0];
	(v2sf) =	vpush v2, $0xE;
	s25 =	sshrl.u32 s26, $0x10  }
0x2fd: {  	v4 =	vadd.f32 v24, v4;
	v3 =	vadd.f32 v63, v3;
	s26 =	sand.u32 $0xFFE0, s26;
	v63 =	vld [tilespmem:s25+$0x0]  }
0x2fe: {  	v5 =	vadd.f32 v33, v5;
	v6 =	vadd.f32 v34, v6;
	s28 =	spop (v2sf);
	v30 =	vld [tilespmem:s26+$0x7D00]  }
0x2ff: {  	v4 =	vadd.f32 v28, v4;
	(v2sf) =	vpush v2, $0xF;
	s30 =	sadd.s32 $0x10, s25;
	s31 =	sand.u32 $0x7, s25;
	s25 =	sshrl.u32 s28, $0x10;
	v33 =	vld [tilespmem:s26+$0x7D10]  }
0x300: {  	v3 =	vadd.f32 v31, v3;
	v5 =	vadd.f32 v37, v5;
	s28 =	sand.u32 $0xFFE0, s28;
	s29 =	sand.u32 $0x1FFF8, s30;
	v34 =	vld [tilespmem:s25+$0x0]  }
0x301: {  	v6 =	vadd.f32 v38, v6;
	v4 =	vadd.f32 v32, v4;
	s30 =	sadd.s32 $0x10, s25;
	v38 =	vld [tilespmem:s28+$0x7D00];
	s29 =	sor.u32 s31, s29  }
0x302: {  	v3 =	vadd.f32 v35, v3;
	s31 =	sand.u32 $0x7, s25;
	v2 =	vld [tilespmem:s29+$0x0];
	s29 =	sand.u32 $0x1FFF8, s30  }
0x303: {  	v4 =	vadd.f32 v36, v4;
	v5 =	vadd.f32 v41, v5;
	v41 =	vld [tilespmem:s28+$0x7D10];
	s25 =	spop (v2sf);
	s26 =	sor.u32 s31, s29  }
0x304: {  	v3 =	vadd.f32 v39, v3;
	v37 =	vld [tilespmem:s26+$0x0];
	s26 =	sshrl.u32 s25, $0x10  }
0x305: {  	v6 =	vadd.f32 v42, v6;
	v4 =	vadd.f32 v40, v4;
	s25 =	sand.u32 $0xFFE0, s25;
	s30 =	sadd.s32 $0x10, s26;
	v42 =	vld [tilespmem:s26+$0x0]  }
0x306: {  	v3 =	vadd.f32 v48, v3;
	v5 =	vadd.f32 v49, v5;
	s31 =	sand.u32 $0x7, s26;
	v49 =	vld [tilespmem:s25+$0x7D00];
	s29 =	sand.u32 $0x1FFF8, s30  }
0x307: {  	v6 =	vadd.f32 v50, v6;
	v4 =	vadd.f32 v44, v4;
	s26 =	spop (v2sf);
	v50 =	vld [tilespmem:s25+$0x7D10];
	s28 =	sor.u32 s31, s29  }
0x308: {  	v3 =	vadd.f32 v51, v3;
	v5 =	vadd.f32 v53, v5;
	v48 =	vld [tilespmem:s28+$0x0];
	s28 =	sshrl.u32 s26, $0x10  }
0x309: {  	v6 =	vadd.f32 v54, v6;
	v4 =	vadd.f32 v52, v4;
	s26 =	sand.u32 $0xFFE0, s26;
	s30 =	sadd.s32 $0x10, s28;
	v51 =	vld [tilespmem:s28+$0x0]  }
0x30a: {  	v3 =	vadd.f32 v55, v3;
	v5 =	vadd.f32 v57, v5;
	s31 =	sand.u32 $0x7, s28;
	v53 =	vld [tilespmem:s26+$0x7D00];
	s29 =	sand.u32 $0x1FFF8, s30  }
0x30b: {  	v6 =	vadd.f32 v58, v6;
	v4 =	vadd.f32 v56, v4;
	v54 =	vld [tilespmem:s26+$0x7D10];
	s25 =	sor.u32 s31, s29;
	s28 =	spop (v2sf)  }
0x30c: {  	v3 =	vadd.f32 v59, v3;
	v5 =	vadd.f32 v61, v5;
	v52 =	vld [tilespmem:s25+$0x0];
	s25 =	sshrl.u32 s28, $0x10  }
0x30d: {  	v6 =	vadd.f32 v62, v6;
	v4 =	vadd.f32 v60, v4;
	s28 =	sand.u32 $0xFFE0, s28;
	v55 =	vld [tilespmem:s25+$0x0]  }
0x30e: {  	v3 =	vadd.f32 v63, v3;
	v5 =	vadd.f32 v30, v5;
	s26 =	spop (v2sf);
	v58 =	vld [tilespmem:s28+$0x7D00]  }
0x30f: {  	v57 =	vadd.f32 v33, v6;
	v2 =	vadd.f32 v2, v4;
	s30 =	sadd.s32 $0x10, s25;
	s31 =	sand.u32 $0x7, s25;
	s25 =	sshrl.u32 s26, $0x10;
	v59 =	vld [tilespmem:s28+$0x7D10]  }
0x310: {  	v3 =	vadd.f32 v34, v3;
	v5 =	vadd.f32 v38, v5;
	s26 =	sand.u32 $0xFFE0, s26;
	s29 =	sand.u32 $0x1FFF8, s30;
	v60 =	vld [tilespmem:s25+$0x0]  }
0x311: {  	v4 =	vadd.f32 v41, v57;
	v2 =	vadd.f32 v37, v2;
	v62 =	vld [tilespmem:s26+$0x7D00];
	s30 =	sor.u32 s31, s29;
	s31 =	sadd.s32 $0x10, s25  }
0x312: {  	v3 =	vadd.f32 v42, v3;
	v5 =	vadd.f32 v49, v5;
	v56 =	vld [tilespmem:s30+$0x0];
	s30 =	sand.u32 $0x7, s25;
	s29 =	sand.u32 $0x1FFF8, s31  }
0x313: {  	v4 =	vadd.f32 v50, v4;
	v2 =	vadd.f32 v48, v2;
	v63 =	vld [tilespmem:s26+$0x7D10];
	s31 =	sor.u32 s30, s29  }
0x314: {  	v3 =	vadd.f32 v51, v3;
	v5 =	vadd.f32 v53, v5;
	v61 =	vld [tilespmem:s31+$0x0]  }
0x315: {  	v4 =	vadd.f32 v54, v4;
	v2 =	vadd.f32 v52, v2  }
0x316: {  	v3 =	vadd.f32 v55, v3;
	v5 =	vadd.f32 v58, v5  }
0x317: {  	v4 =	vadd.f32 v59, v4;
	v2 =	vadd.f32 v56, v2  }
0x318: {  	p0 =	sne.s32 s23, $0x26C0;
	v3 =	vadd.f32 v60, v3;
	v5 =	vadd.f32 v62, v5  }
.Ltmp1:
0x319: {  	v4 =	vadd.f32 v63, v4;
	v2 =	vadd.f32 v61, v2;
	(pc) =	sbr.rel @p0 .LBB2_5-.Ltmp1, $4  }
0x31a: {  	v3 =	vmul.f32 v5, v3  }
0x31b: {  	v2 =	vmul.f32 v4, v2  }
0x31c: {  	[tilespmem:s24+$0x20] =	vst v3  }
0x31d: {  	s23 =	sadd.s32 $0x140, s23;
	[tilespmem:s24+$0x30] =	vst v2;
	s24 =	sadd.s32 $0x80, s24  }
0x31e: {  	s21 =	sadd.s32 $0x1, s21  }
0x31f: {  	p0 =	sne.s32 s21, $0x4  }
.Ltmp2:
0x320: {  	s22 =	sshll.u32 s22, $0xD;
	(pc) =	sbr.rel @p0 .LBB2_2-.Ltmp2, $4  }
0x321: {  	s22 =	sadd.s32 s8, s22  }
0x322: {  	s22 =	sshrl.u32 s22, $0x3  }
0x323: {  	s19 =	sadd.s32 $0x1400, s19;
	s20 =	sadd.s32 $0x1400, s20;
	s22 =	sadd.s32 s2, s22  }
0x324: {  	[hbm4b:s22+s13] =	stream.strided.scatter [tilespmem:s16], [sflag:$0x2], $0x1000, s14, s13, $0x38;
	[tilespmem:$0x16A00] =	vst v63  }
0x325: {  	s18 =	sadd.s32 $0x1, s18  }
0x326: {  	_ =	swait.ge [sflag:s4], $0x1000;
	p0 =	sne.s32 s18, s9  }
.Ltmp3:
0x327: {  	[sflag:s4] =	ssyncset.done $0x0;
	(pc) =	sbr.rel @p0 .LBB2_1-.Ltmp3, $4  }
0x328: {  	[sflag:s4] =	ssyncadd.s32 $0xFFFFF000  }
0x329: {  	_ =	swait.ge [sflag:s17], $0x1000  }
0x32a: {  	[sflag:s17] =	ssyncset.done $0x0  }
0x32b: {  	[sflag:s17] =	ssyncadd.s32 $0xFFFFF000  }
0x32c: {  	_ =	sfence.sel $0x180000  }
0x32d: {  	[bflag:$0x0] =	sbarrier.arrive $0xFFFF  }
0x32e: {  	p0 =	sne.s32 s0, $0x0;
	_ =	strace $0x90000047  }
0x32f: {  	s0 =	sadd.s32 @!p0 $0x100000, s1;
	[bflag:$0x2] =	sbarrier.arrive $0xFFFF  }
0x330: {  	[sflag:s0] =	ssyncadd.tile.s32 @!p0 $0x1;
	_ =	shalt  }
.Lfunc_end2:
_tile_overlayer_lowered:
.L_overlay_start_2:
0x331: {  	(tag) =	ssettag $0x2  }
0x332: {  	s0 =	rddreg [dreg:$0x0];
	s2 =	stileid.u32  }
0x333: {  	s1 =	rddreg [dreg:$0x1];
	p0 =	sne.s32 s2, $0x0  }
0x334: {  	s3 =	rddreg [dreg:$0x2];
	[bflag:$0x3] =	sbarrier.arrive $0xFFFF;
	s2 =	simm.s32 @!p0 $0x1C04  }
0x335: {  	[timem:s3], [sflag:s2] =	dma.local @!p0 [hbm:s0], s1  }
0x336: {  	s0 =	simm.s32 @!p0 $0x4  }
0x337: {  	_ =	swait.ge @!p0 [sflag:s0], s1  }
0x338: {  	s1 =	ssub.s32 @!p0 $0x0, s1;
	[sflag:s0] =	ssyncset.done @!p0 $0x0  }
0x339: {  	[sflag:s0] =	ssyncadd.s32 @!p0 s1  }
0x33a: {  	[bflag:$0x3] =	sbarrier.arrive $0xFFFF  }
0x33b: {  	_ =	shalt  }

</sc_bundles>
